<compile_context>
chip_gen: v7x
topology: tpu7x:2x2x1
jax: 0.10.2.dev20260603
libtpu: 0.0.44.dev20260713+nightly
codegen_flags: <defaults>
</compile_context>

<pallas_src>
import functools

import jax
import jax.numpy as jnp
from jax import lax
from jax.experimental import pallas as pl
from jax.experimental.pallas import tpu as pltpu
from jax.experimental.pallas import tpu_sc as plsc

N_NODES = 10000
N_EDGES = 320000
D = 128

NC = 2
NS = 16
NW = NC * NS
NPASS = 2
NPT = 160
NPAD = NW * NPT * NPASS

CHUNK = 2000
NCHUNKS = N_EDGES // CHUNK
GB = 64

BM = 2560


def _seg_max_body(y_hbm, row_hbm, col_hbm, out_hbm,
                  rowbuf, colbuf, rowbuf2, colbuf2, mrow, mcol, gbuf, acc,
                  yshared, sem, sem2, gsem):
    cid = lax.axis_index("c")
    sid = lax.axis_index("s")
    wid = sid * NC + cid

    ystripe = NPAD // NS
    for k in range(ystripe // GB):
        r = sid * ystripe + k * GB
        pltpu.sync_copy(y_hbm.at[pl.ds(r, GB)], gbuf)
        pltpu.sync_copy(gbuf, yshared.at[pl.ds(r, GB)])

    plsc.subcore_barrier()

    neg = jnp.full((16,), -jnp.inf, dtype=jnp.float32)
    zeros16 = jnp.zeros((16,), dtype=jnp.int32)

    for p in range(NPASS):
        base = p * (NW * NPT) + wid * NPT

        def init_row(i, carry):
            for d in range(D // 16):
                acc[i, pl.ds(d * 16, 16)] = neg
            return carry

        lax.fori_loop(0, NPT, init_row, 0)

        def issue(ci, rb, cb, s):
            off = ci * CHUNK
            pltpu.async_copy(row_hbm.at[pl.ds(off, CHUNK)], rb, s)
            pltpu.async_copy(col_hbm.at[pl.ds(off, CHUNK)], cb, s)

        def drain(rb, cb, s):
            pltpu.make_async_copy(row_hbm.at[pl.ds(0, CHUNK)], rb, s).wait()
            pltpu.make_async_copy(col_hbm.at[pl.ds(0, CHUNK)], cb, s).wait()

        def process(rbuf, cbuf):
            def filt(i, cntv):
                cv = cbuf[pl.ds(i * 16, 16)]
                rv = rbuf[pl.ds(i * 16, 16)]
                msk = (cv >= base) & (cv < base + NPT)
                mi = lax.select(msk, jnp.ones((16,), jnp.int32),
                                jnp.zeros((16,), jnp.int32))
                cum = plsc.cumsum(mi)
                pos = cntv + cum - 1
                plsc.store_scatter(mcol, [pos], cv - base, mask=msk)
                plsc.store_scatter(mrow, [pos], rv, mask=msk)
                return cntv + plsc.all_reduce_population_count(msk)

            nv = lax.fori_loop(0, CHUNK // 16, filt,
                               jnp.zeros((16,), jnp.int32))
            n = nv[0]

            for j in range(GB // 16):
                mrow[pl.ds(n + j * 16, 16)] = zeros16

            nb = (n + GB - 1) // GB

            def batch(b, carry2):
                pltpu.async_copy(
                    yshared.at[mrow.at[pl.ds(b * GB, GB)]], gbuf, gsem
                ).wait()
                ecount = jnp.minimum(jnp.int32(GB), n - b * GB)
                c0 = mcol[pl.ds(b * GB, 16)][0]

                def edge(i, c):
                    cn = mcol[pl.ds(b * GB + i + 1, 16)][0]
                    for d in range(D // 16):
                        sl = pl.ds(d * 16, 16)
                        acc[c, sl] = jnp.maximum(acc[c, sl], gbuf[i, sl])
                    return cn

                lax.fori_loop(0, ecount, edge, c0)
                return carry2

            lax.fori_loop(0, nb, batch, 0)

        issue(0, rowbuf, colbuf, sem2)
        issue(1, rowbuf2, colbuf2, sem)

        def pair(j, carry):
            drain(rowbuf, colbuf, sem2)
            process(rowbuf, colbuf)

            @pl.when(2 * j + 2 < NCHUNKS)
            def _():
                issue(2 * j + 2, rowbuf, colbuf, sem2)

            drain(rowbuf2, colbuf2, sem)
            process(rowbuf2, colbuf2)

            @pl.when(2 * j + 3 < NCHUNKS)
            def _():
                issue(2 * j + 3, rowbuf2, colbuf2, sem)

            return carry

        lax.fori_loop(0, NCHUNKS // 2, pair, jnp.int32(0))

        pltpu.sync_copy(acc, out_hbm.at[pl.ds(base, NPT)])


_seg_max = functools.partial(
    pl.kernel,
    out_type=jax.ShapeDtypeStruct((NPAD, D), jnp.float32),
    mesh=plsc.VectorSubcoreMesh(
        core_axis_name="c", subcore_axis_name="s", num_cores=NC, num_subcores=NS
    ),
    scratch_types=[
        pltpu.VMEM((CHUNK,), jnp.int32),
        pltpu.VMEM((CHUNK,), jnp.int32),
        pltpu.VMEM((CHUNK,), jnp.int32),
        pltpu.VMEM((CHUNK,), jnp.int32),
        pltpu.VMEM((CHUNK + GB,), jnp.int32),
        pltpu.VMEM((CHUNK + 16,), jnp.int32),
        pltpu.VMEM((GB, D), jnp.float32),
        pltpu.VMEM((NPT, D), jnp.float32),
        pltpu.VMEM_SHARED((NPAD, D), jnp.float32),
        pltpu.SemaphoreType.DMA,
        pltpu.SemaphoreType.DMA,
        pltpu.SemaphoreType.DMA,
    ],
    compiler_params=pltpu.CompilerParams(needs_layout_passes=False),
)(_seg_max_body)


def _mm_theta_body(x_ref, w_ref, o_ref):
    o_ref[...] = lax.dot_general(
        x_ref[...], w_ref[...], (((1,), (0,)), ((), ())),
        preferred_element_type=jnp.float32,
    )


def _final_body(m_ref, y_ref, w_ref, o_ref):
    m = m_ref[...]
    md = jnp.where(jnp.isfinite(m), m - y_ref[...], 0.0)
    o_ref[...] = jnp.maximum(
        lax.dot_general(md, w_ref[...], (((1,), (0,)), ((), ())),
                        preferred_element_type=jnp.float32),
        0.0,
    )


def kernel(x, edges, W_theta, W_phi):
    xp = jnp.pad(x, ((0, NPAD - N_NODES), (0, 0)))
    row = edges[0]
    col = edges[1]

    y = pl.pallas_call(
        _mm_theta_body,
        grid=(NPAD // BM,),
        in_specs=[
            pl.BlockSpec((BM, D), lambda i: (i, 0)),
            pl.BlockSpec((D, D), lambda i: (0, 0)),
        ],
        out_specs=pl.BlockSpec((BM, D), lambda i: (i, 0)),
        out_shape=jax.ShapeDtypeStruct((NPAD, D), jnp.float32),
    )(xp, W_theta.T)

    m = _seg_max(y, row, col)

    out = pl.pallas_call(
        _final_body,
        grid=(NPAD // BM,),
        in_specs=[
            pl.BlockSpec((BM, D), lambda i: (i, 0)),
            pl.BlockSpec((BM, D), lambda i: (i, 0)),
            pl.BlockSpec((D, D), lambda i: (0, 0)),
        ],
        out_specs=pl.BlockSpec((BM, D), lambda i: (i, 0)),
        out_shape=jax.ShapeDtypeStruct((NPAD, D), jnp.float32),
    )(m, y, W_phi.T)

    return out[:N_NODES]

# --- scband reference (transcript-rebuilt; emitter-appended) ---
"""Pipeline reference for scband-dev-conv-3100966388297 (READ-ONLY COPY).

The authoritative reference and input builder live on the scoring server;
editing this copy changes nothing except your own understanding.
"""

import jax
import jax.numpy as jnp
import numpy as np

N_NODES = 10000
N_EDGES = 320000
D_IN = 128
D_OUT = 128


def setup_inputs(seed: int = 0) -> dict:
    key = jax.random.key(seed)
    k1, k2, k3, k4 = jax.random.split(key, 4)
    x = jax.random.normal(k1, (N_NODES, D_IN), dtype=jnp.float32)
    edges = jax.random.randint(k2, (2, N_EDGES), 0, N_NODES, dtype=jnp.int32)
    # nn.Linear(in, out, bias=False) weight has shape [out, in]
    W_theta = jax.random.normal(k3, (D_OUT, D_IN), dtype=jnp.float32) / np.sqrt(D_IN)
    W_phi = jax.random.normal(k4, (D_OUT, D_OUT), dtype=jnp.float32) / np.sqrt(D_OUT)
    return {"x": x, "edges": edges, "W_theta": W_theta, "W_phi": W_phi}


def reference(x, edges, W_theta, W_phi):
    row = edges[0]
    col = edges[1]
    x_i = jnp.take(x, row, axis=0)          # gather src features [E, D_IN]
    x_j = jnp.take(x, col, axis=0)          # gather dst features [E, D_IN]
    diff = x_i - x_j
    weighted_diff = diff @ W_theta.T        # [E, D_OUT]
    # scatter_max over destination nodes (dim_size = N_NODES)
    max_diff = jax.ops.segment_max(weighted_diff, col, num_segments=N_NODES)
    # torch_scatter scatter_max fills empty segments with 0; segment_max gives -inf
    max_diff = jnp.where(jnp.isfinite(max_diff), max_diff, 0.0)
    out = max_diff @ W_phi.T                # [N, D_OUT]
    out = jax.nn.relu(out)
    return out

if __name__ == "__main__":
    import jax
    _d = setup_inputs()
    print(jax.jit(kernel)(*tuple(_d.values())))

</pallas_src>

<mosaic_0001>
#map = affine_map<(d0, d1) -> (0, 0)>
#map1 = affine_map<(d0, d1) -> (0)>
module attributes {stable_mosaic.version = 14 : i64} {
  func.func @_seg_max_body(%arg0: i32, %arg1: i32, %arg2: memref<10240x128xf32, #tpu.memory_space<hbm>>, %arg3: memref<320000xi32, #tpu.memory_space<hbm>>, %arg4: memref<320000xi32, #tpu.memory_space<hbm>>, %arg5: memref<10240x128xf32, #tpu.memory_space<hbm>>, %arg6: memref<2000xi32, #tpu.memory_space<vmem>>, %arg7: memref<2000xi32, #tpu.memory_space<vmem>>, %arg8: memref<2000xi32, #tpu.memory_space<vmem>>, %arg9: memref<2000xi32, #tpu.memory_space<vmem>>, %arg10: memref<2064xi32, #tpu.memory_space<vmem>>, %arg11: memref<2016xi32, #tpu.memory_space<vmem>>, %arg12: memref<64x128xf32, #tpu.memory_space<vmem>>, %arg13: memref<160x128xf32, #tpu.memory_space<vmem>>, %arg14: memref<10240x128xf32, #tpu.memory_space<vmem_shared>>, %arg15: memref<!tpu.dma_semaphore, #tpu.memory_space<semaphore_mem>>, %arg16: memref<!tpu.dma_semaphore, #tpu.memory_space<semaphore_mem>>, %arg17: memref<!tpu.dma_semaphore, #tpu.memory_space<semaphore_mem>>) attributes {dimension_semantics = [#tpu.dimension_semantics<core_parallel>, #tpu.dimension_semantics<subcore_parallel>], iteration_bounds = array<i64: 2, 16>, scalar_prefetch = 0 : i64, scratch_operands = 12 : i64, tpu.core_type = #tpu.core_type<sc_vector_subcore>, window_params = [{transform_indices = #map}, {transform_indices = #map1}, {transform_indices = #map1}, {transform_indices = #map}]} {
    %mul3A = arith.constant 2 : i32
    %mul3A_0 = arith.muli %arg1, %mul3A : i32
    %add3A = arith.addi %mul3A_0, %arg0 : i32
    %mul3A_1 = arith.constant 640 : i32
    %mul3A_2 = arith.muli %arg1, %mul3A_1 : i32
    %add3A_3 = arith.constant 0 : i32
    %add3A_4 = arith.addi %mul3A_2, %add3A_3 : i32
    "tpu.region"() ({
      %run_scoped3A = tpu.sem_alloc : memref<!tpu.dma_semaphore, #tpu.memory_space<semaphore_mem>>
      %dma_start3A_106 = arith.constant 0 : i32
      %dma_start3A_107 = tpu.memref_slice %arg2[%add3A_4, %dma_start3A_106] : memref<10240x128xf32, #tpu.memory_space<hbm>> -> memref<64x128xf32, #tpu.memory_space<hbm>>
      %dma_start3A_108 = arith.constant 0 : i32
      %dma_start3A_109 = tpu.memref_slice %arg2[%add3A_4, %dma_start3A_108] : memref<10240x128xf32, #tpu.memory_space<hbm>> -> memref<64x128xf32, #tpu.memory_space<hbm>>
      tpu.enqueue_dma source(%dma_start3A_109 : memref<64x128xf32, #tpu.memory_space<hbm>>) target(%arg12 : memref<64x128xf32, #tpu.memory_space<vmem>>) target_semaphore(%run_scoped3A : memref<!tpu.dma_semaphore, #tpu.memory_space<semaphore_mem>>)
      %dma_wait3A = arith.constant 0 : i32
      %dma_wait3A_110 = tpu.memref_slice %arg2[%add3A_4, %dma_wait3A] : memref<10240x128xf32, #tpu.memory_space<hbm>> -> memref<64x128xf32, #tpu.memory_space<hbm>>
      %dma_wait3A_111 = arith.constant 0 : i32
      %dma_wait3A_112 = tpu.memref_slice %arg2[%add3A_4, %dma_wait3A_111] : memref<10240x128xf32, #tpu.memory_space<hbm>> -> memref<64x128xf32, #tpu.memory_space<hbm>>
      tpu.wait_dma2 semaphore(%run_scoped3A : memref<!tpu.dma_semaphore, #tpu.memory_space<semaphore_mem>>) src(%dma_wait3A_112 : memref<64x128xf32, #tpu.memory_space<hbm>>) dst(%arg12 : memref<64x128xf32, #tpu.memory_space<vmem>>)
      tpu.yield
    }) : () -> ()
    "tpu.region"() ({
      %run_scoped3A = tpu.sem_alloc : memref<!tpu.dma_semaphore, #tpu.memory_space<semaphore_mem>>
      %dma_start3A_106 = arith.constant 0 : i32
      %dma_start3A_107 = tpu.memref_slice %arg14[%add3A_4, %dma_start3A_106] : memref<10240x128xf32, #tpu.memory_space<vmem_shared>> -> memref<64x128xf32, #tpu.memory_space<vmem_shared>>
      %dma_start3A_108 = arith.constant 0 : i32
      %dma_start3A_109 = tpu.memref_slice %arg14[%add3A_4, %dma_start3A_108] : memref<10240x128xf32, #tpu.memory_space<vmem_shared>> -> memref<64x128xf32, #tpu.memory_space<vmem_shared>>
      tpu.enqueue_dma source(%arg12 : memref<64x128xf32, #tpu.memory_space<vmem>>) target(%dma_start3A_109 : memref<64x128xf32, #tpu.memory_space<vmem_shared>>) target_semaphore(%run_scoped3A : memref<!tpu.dma_semaphore, #tpu.memory_space<semaphore_mem>>)
      %dma_wait3A = arith.constant 0 : i32
      %dma_wait3A_110 = tpu.memref_slice %arg14[%add3A_4, %dma_wait3A] : memref<10240x128xf32, #tpu.memory_space<vmem_shared>> -> memref<64x128xf32, #tpu.memory_space<vmem_shared>>
      %dma_wait3A_111 = arith.constant 0 : i32
      %dma_wait3A_112 = tpu.memref_slice %arg14[%add3A_4, %dma_wait3A_111] : memref<10240x128xf32, #tpu.memory_space<vmem_shared>> -> memref<64x128xf32, #tpu.memory_space<vmem_shared>>
      tpu.wait_dma2 semaphore(%run_scoped3A : memref<!tpu.dma_semaphore, #tpu.memory_space<semaphore_mem>>) src(%arg12 : memref<64x128xf32, #tpu.memory_space<vmem>>) dst(%dma_wait3A_112 : memref<64x128xf32, #tpu.memory_space<vmem_shared>>)
      tpu.yield
    }) : () -> ()
    %mul3A_5 = arith.constant 640 : i32
    %mul3A_6 = arith.muli %arg1, %mul3A_5 : i32
    %add3A_7 = arith.constant 64 : i32
    %add3A_8 = arith.addi %mul3A_6, %add3A_7 : i32
    "tpu.region"() ({
      %run_scoped3A = tpu.sem_alloc : memref<!tpu.dma_semaphore, #tpu.memory_space<semaphore_mem>>
      %dma_start3A_106 = arith.constant 0 : i32
      %dma_start3A_107 = tpu.memref_slice %arg2[%add3A_8, %dma_start3A_106] : memref<10240x128xf32, #tpu.memory_space<hbm>> -> memref<64x128xf32, #tpu.memory_space<hbm>>
      %dma_start3A_108 = arith.constant 0 : i32
      %dma_start3A_109 = tpu.memref_slice %arg2[%add3A_8, %dma_start3A_108] : memref<10240x128xf32, #tpu.memory_space<hbm>> -> memref<64x128xf32, #tpu.memory_space<hbm>>
      tpu.enqueue_dma source(%dma_start3A_109 : memref<64x128xf32, #tpu.memory_space<hbm>>) target(%arg12 : memref<64x128xf32, #tpu.memory_space<vmem>>) target_semaphore(%run_scoped3A : memref<!tpu.dma_semaphore, #tpu.memory_space<semaphore_mem>>)
      %dma_wait3A = arith.constant 0 : i32
      %dma_wait3A_110 = tpu.memref_slice %arg2[%add3A_8, %dma_wait3A] : memref<10240x128xf32, #tpu.memory_space<hbm>> -> memref<64x128xf32, #tpu.memory_space<hbm>>
      %dma_wait3A_111 = arith.constant 0 : i32
      %dma_wait3A_112 = tpu.memref_slice %arg2[%add3A_8, %dma_wait3A_111] : memref<10240x128xf32, #tpu.memory_space<hbm>> -> memref<64x128xf32, #tpu.memory_space<hbm>>
      tpu.wait_dma2 semaphore(%run_scoped3A : memref<!tpu.dma_semaphore, #tpu.memory_space<semaphore_mem>>) src(%dma_wait3A_112 : memref<64x128xf32, #tpu.memory_space<hbm>>) dst(%arg12 : memref<64x128xf32, #tpu.memory_space<vmem>>)
      tpu.yield
    }) : () -> ()
    "tpu.region"() ({
      %run_scoped3A = tpu.sem_alloc : memref<!tpu.dma_semaphore, #tpu.memory_space<semaphore_mem>>
      %dma_start3A_106 = arith.constant 0 : i32
      %dma_start3A_107 = tpu.memref_slice %arg14[%add3A_8, %dma_start3A_106] : memref<10240x128xf32, #tpu.memory_space<vmem_shared>> -> memref<64x128xf32, #tpu.memory_space<vmem_shared>>
      %dma_start3A_108 = arith.constant 0 : i32
      %dma_start3A_109 = tpu.memref_slice %arg14[%add3A_8, %dma_start3A_108] : memref<10240x128xf32, #tpu.memory_space<vmem_shared>> -> memref<64x128xf32, #tpu.memory_space<vmem_shared>>
      tpu.enqueue_dma source(%arg12 : memref<64x128xf32, #tpu.memory_space<vmem>>) target(%dma_start3A_109 : memref<64x128xf32, #tpu.memory_space<vmem_shared>>) target_semaphore(%run_scoped3A : memref<!tpu.dma_semaphore, #tpu.memory_space<semaphore_mem>>)
      %dma_wait3A = arith.constant 0 : i32
      %dma_wait3A_110 = tpu.memref_slice %arg14[%add3A_8, %dma_wait3A] : memref<10240x128xf32, #tpu.memory_space<vmem_shared>> -> memref<64x128xf32, #tpu.memory_space<vmem_shared>>
      %dma_wait3A_111 = arith.constant 0 : i32
      %dma_wait3A_112 = tpu.memref_slice %arg14[%add3A_8, %dma_wait3A_111] : memref<10240x128xf32, #tpu.memory_space<vmem_shared>> -> memref<64x128xf32, #tpu.memory_space<vmem_shared>>
      tpu.wait_dma2 semaphore(%run_scoped3A : memref<!tpu.dma_semaphore, #tpu.memory_space<semaphore_mem>>) src(%arg12 : memref<64x128xf32, #tpu.memory_space<vmem>>) dst(%dma_wait3A_112 : memref<64x128xf32, #tpu.memory_space<vmem_shared>>)
      tpu.yield
    }) : () -> ()
    %mul3A_9 = arith.constant 640 : i32
    %mul3A_10 = arith.muli %arg1, %mul3A_9 : i32
    %add3A_11 = arith.constant 128 : i32
    %add3A_12 = arith.addi %mul3A_10, %add3A_11 : i32
    "tpu.region"() ({
      %run_scoped3A = tpu.sem_alloc : memref<!tpu.dma_semaphore, #tpu.memory_space<semaphore_mem>>
      %dma_start3A_106 = arith.constant 0 : i32
      %dma_start3A_107 = tpu.memref_slice %arg2[%add3A_12, %dma_start3A_106] : memref<10240x128xf32, #tpu.memory_space<hbm>> -> memref<64x128xf32, #tpu.memory_space<hbm>>
      %dma_start3A_108 = arith.constant 0 : i32
      %dma_start3A_109 = tpu.memref_slice %arg2[%add3A_12, %dma_start3A_108] : memref<10240x128xf32, #tpu.memory_space<hbm>> -> memref<64x128xf32, #tpu.memory_space<hbm>>
      tpu.enqueue_dma source(%dma_start3A_109 : memref<64x128xf32, #tpu.memory_space<hbm>>) target(%arg12 : memref<64x128xf32, #tpu.memory_space<vmem>>) target_semaphore(%run_scoped3A : memref<!tpu.dma_semaphore, #tpu.memory_space<semaphore_mem>>)
      %dma_wait3A = arith.constant 0 : i32
      %dma_wait3A_110 = tpu.memref_slice %arg2[%add3A_12, %dma_wait3A] : memref<10240x128xf32, #tpu.memory_space<hbm>> -> memref<64x128xf32, #tpu.memory_space<hbm>>
      %dma_wait3A_111 = arith.constant 0 : i32
      %dma_wait3A_112 = tpu.memref_slice %arg2[%add3A_12, %dma_wait3A_111] : memref<10240x128xf32, #tpu.memory_space<hbm>> -> memref<64x128xf32, #tpu.memory_space<hbm>>
      tpu.wait_dma2 semaphore(%run_scoped3A : memref<!tpu.dma_semaphore, #tpu.memory_space<semaphore_mem>>) src(%dma_wait3A_112 : memref<64x128xf32, #tpu.memory_space<hbm>>) dst(%arg12 : memref<64x128xf32, #tpu.memory_space<vmem>>)
      tpu.yield
    }) : () -> ()
    "tpu.region"() ({
      %run_scoped3A = tpu.sem_alloc : memref<!tpu.dma_semaphore, #tpu.memory_space<semaphore_mem>>
      %dma_start3A_106 = arith.constant 0 : i32
      %dma_start3A_107 = tpu.memref_slice %arg14[%add3A_12, %dma_start3A_106] : memref<10240x128xf32, #tpu.memory_space<vmem_shared>> -> memref<64x128xf32, #tpu.memory_space<vmem_shared>>
      %dma_start3A_108 = arith.constant 0 : i32
      %dma_start3A_109 = tpu.memref_slice %arg14[%add3A_12, %dma_start3A_108] : memref<10240x128xf32, #tpu.memory_space<vmem_shared>> -> memref<64x128xf32, #tpu.memory_space<vmem_shared>>
      tpu.enqueue_dma source(%arg12 : memref<64x128xf32, #tpu.memory_space<vmem>>) target(%dma_start3A_109 : memref<64x128xf32, #tpu.memory_space<vmem_shared>>) target_semaphore(%run_scoped3A : memref<!tpu.dma_semaphore, #tpu.memory_space<semaphore_mem>>)
      %dma_wait3A = arith.constant 0 : i32
      %dma_wait3A_110 = tpu.memref_slice %arg14[%add3A_12, %dma_wait3A] : memref<10240x128xf32, #tpu.memory_space<vmem_shared>> -> memref<64x128xf32, #tpu.memory_space<vmem_shared>>
      %dma_wait3A_111 = arith.constant 0 : i32
      %dma_wait3A_112 = tpu.memref_slice %arg14[%add3A_12, %dma_wait3A_111] : memref<10240x128xf32, #tpu.memory_space<vmem_shared>> -> memref<64x128xf32, #tpu.memory_space<vmem_shared>>
      tpu.wait_dma2 semaphore(%run_scoped3A : memref<!tpu.dma_semaphore, #tpu.memory_space<semaphore_mem>>) src(%arg12 : memref<64x128xf32, #tpu.memory_space<vmem>>) dst(%dma_wait3A_112 : memref<64x128xf32, #tpu.memory_space<vmem_shared>>)
      tpu.yield
    }) : () -> ()
    %mul3A_13 = arith.constant 640 : i32
    %mul3A_14 = arith.muli %arg1, %mul3A_13 : i32
    %add3A_15 = arith.constant 192 : i32
    %add3A_16 = arith.addi %mul3A_14, %add3A_15 : i32
    "tpu.region"() ({
      %run_scoped3A = tpu.sem_alloc : memref<!tpu.dma_semaphore, #tpu.memory_space<semaphore_mem>>
      %dma_start3A_106 = arith.constant 0 : i32
      %dma_start3A_107 = tpu.memref_slice %arg2[%add3A_16, %dma_start3A_106] : memref<10240x128xf32, #tpu.memory_space<hbm>> -> memref<64x128xf32, #tpu.memory_space<hbm>>
      %dma_start3A_108 = arith.constant 0 : i32
      %dma_start3A_109 = tpu.memref_slice %arg2[%add3A_16, %dma_start3A_108] : memref<10240x128xf32, #tpu.memory_space<hbm>> -> memref<64x128xf32, #tpu.memory_space<hbm>>
      tpu.enqueue_dma source(%dma_start3A_109 : memref<64x128xf32, #tpu.memory_space<hbm>>) target(%arg12 : memref<64x128xf32, #tpu.memory_space<vmem>>) target_semaphore(%run_scoped3A : memref<!tpu.dma_semaphore, #tpu.memory_space<semaphore_mem>>)
      %dma_wait3A = arith.constant 0 : i32
      %dma_wait3A_110 = tpu.memref_slice %arg2[%add3A_16, %dma_wait3A] : memref<10240x128xf32, #tpu.memory_space<hbm>> -> memref<64x128xf32, #tpu.memory_space<hbm>>
      %dma_wait3A_111 = arith.constant 0 : i32
      %dma_wait3A_112 = tpu.memref_slice %arg2[%add3A_16, %dma_wait3A_111] : memref<10240x128xf32, #tpu.memory_space<hbm>> -> memref<64x128xf32, #tpu.memory_space<hbm>>
      tpu.wait_dma2 semaphore(%run_scoped3A : memref<!tpu.dma_semaphore, #tpu.memory_space<semaphore_mem>>) src(%dma_wait3A_112 : memref<64x128xf32, #tpu.memory_space<hbm>>) dst(%arg12 : memref<64x128xf32, #tpu.memory_space<vmem>>)
      tpu.yield
    }) : () -> ()
    "tpu.region"() ({
      %run_scoped3A = tpu.sem_alloc : memref<!tpu.dma_semaphore, #tpu.memory_space<semaphore_mem>>
      %dma_start3A_106 = arith.constant 0 : i32
      %dma_start3A_107 = tpu.memref_slice %arg14[%add3A_16, %dma_start3A_106] : memref<10240x128xf32, #tpu.memory_space<vmem_shared>> -> memref<64x128xf32, #tpu.memory_space<vmem_shared>>
      %dma_start3A_108 = arith.constant 0 : i32
      %dma_start3A_109 = tpu.memref_slice %arg14[%add3A_16, %dma_start3A_108] : memref<10240x128xf32, #tpu.memory_space<vmem_shared>> -> memref<64x128xf32, #tpu.memory_space<vmem_shared>>
      tpu.enqueue_dma source(%arg12 : memref<64x128xf32, #tpu.memory_space<vmem>>) target(%dma_start3A_109 : memref<64x128xf32, #tpu.memory_space<vmem_shared>>) target_semaphore(%run_scoped3A : memref<!tpu.dma_semaphore, #tpu.memory_space<semaphore_mem>>)
      %dma_wait3A = arith.constant 0 : i32
      %dma_wait3A_110 = tpu.memref_slice %arg14[%add3A_16, %dma_wait3A] : memref<10240x128xf32, #tpu.memory_space<vmem_shared>> -> memref<64x128xf32, #tpu.memory_space<vmem_shared>>
      %dma_wait3A_111 = arith.constant 0 : i32
      %dma_wait3A_112 = tpu.memref_slice %arg14[%add3A_16, %dma_wait3A_111] : memref<10240x128xf32, #tpu.memory_space<vmem_shared>> -> memref<64x128xf32, #tpu.memory_space<vmem_shared>>
      tpu.wait_dma2 semaphore(%run_scoped3A : memref<!tpu.dma_semaphore, #tpu.memory_space<semaphore_mem>>) src(%arg12 : memref<64x128xf32, #tpu.memory_space<vmem>>) dst(%dma_wait3A_112 : memref<64x128xf32, #tpu.memory_space<vmem_shared>>)
      tpu.yield
    }) : () -> ()
    %mul3A_17 = arith.constant 640 : i32
    %mul3A_18 = arith.muli %arg1, %mul3A_17 : i32
    %add3A_19 = arith.constant 256 : i32
    %add3A_20 = arith.addi %mul3A_18, %add3A_19 : i32
    "tpu.region"() ({
      %run_scoped3A = tpu.sem_alloc : memref<!tpu.dma_semaphore, #tpu.memory_space<semaphore_mem>>
      %dma_start3A_106 = arith.constant 0 : i32
      %dma_start3A_107 = tpu.memref_slice %arg2[%add3A_20, %dma_start3A_106] : memref<10240x128xf32, #tpu.memory_space<hbm>> -> memref<64x128xf32, #tpu.memory_space<hbm>>
      %dma_start3A_108 = arith.constant 0 : i32
      %dma_start3A_109 = tpu.memref_slice %arg2[%add3A_20, %dma_start3A_108] : memref<10240x128xf32, #tpu.memory_space<hbm>> -> memref<64x128xf32, #tpu.memory_space<hbm>>
      tpu.enqueue_dma source(%dma_start3A_109 : memref<64x128xf32, #tpu.memory_space<hbm>>) target(%arg12 : memref<64x128xf32, #tpu.memory_space<vmem>>) target_semaphore(%run_scoped3A : memref<!tpu.dma_semaphore, #tpu.memory_space<semaphore_mem>>)
      %dma_wait3A = arith.constant 0 : i32
      %dma_wait3A_110 = tpu.memref_slice %arg2[%add3A_20, %dma_wait3A] : memref<10240x128xf32, #tpu.memory_space<hbm>> -> memref<64x128xf32, #tpu.memory_space<hbm>>
      %dma_wait3A_111 = arith.constant 0 : i32
      %dma_wait3A_112 = tpu.memref_slice %arg2[%add3A_20, %dma_wait3A_111] : memref<10240x128xf32, #tpu.memory_space<hbm>> -> memref<64x128xf32, #tpu.memory_space<hbm>>
      tpu.wait_dma2 semaphore(%run_scoped3A : memref<!tpu.dma_semaphore, #tpu.memory_space<semaphore_mem>>) src(%dma_wait3A_112 : memref<64x128xf32, #tpu.memory_space<hbm>>) dst(%arg12 : memref<64x128xf32, #tpu.memory_space<vmem>>)
      tpu.yield
    }) : () -> ()
    "tpu.region"() ({
      %run_scoped3A = tpu.sem_alloc : memref<!tpu.dma_semaphore, #tpu.memory_space<semaphore_mem>>
      %dma_start3A_106 = arith.constant 0 : i32
      %dma_start3A_107 = tpu.memref_slice %arg14[%add3A_20, %dma_start3A_106] : memref<10240x128xf32, #tpu.memory_space<vmem_shared>> -> memref<64x128xf32, #tpu.memory_space<vmem_shared>>
      %dma_start3A_108 = arith.constant 0 : i32
      %dma_start3A_109 = tpu.memref_slice %arg14[%add3A_20, %dma_start3A_108] : memref<10240x128xf32, #tpu.memory_space<vmem_shared>> -> memref<64x128xf32, #tpu.memory_space<vmem_shared>>
      tpu.enqueue_dma source(%arg12 : memref<64x128xf32, #tpu.memory_space<vmem>>) target(%dma_start3A_109 : memref<64x128xf32, #tpu.memory_space<vmem_shared>>) target_semaphore(%run_scoped3A : memref<!tpu.dma_semaphore, #tpu.memory_space<semaphore_mem>>)
      %dma_wait3A = arith.constant 0 : i32
      %dma_wait3A_110 = tpu.memref_slice %arg14[%add3A_20, %dma_wait3A] : memref<10240x128xf32, #tpu.memory_space<vmem_shared>> -> memref<64x128xf32, #tpu.memory_space<vmem_shared>>
      %dma_wait3A_111 = arith.constant 0 : i32
      %dma_wait3A_112 = tpu.memref_slice %arg14[%add3A_20, %dma_wait3A_111] : memref<10240x128xf32, #tpu.memory_space<vmem_shared>> -> memref<64x128xf32, #tpu.memory_space<vmem_shared>>
      tpu.wait_dma2 semaphore(%run_scoped3A : memref<!tpu.dma_semaphore, #tpu.memory_space<semaphore_mem>>) src(%arg12 : memref<64x128xf32, #tpu.memory_space<vmem>>) dst(%dma_wait3A_112 : memref<64x128xf32, #tpu.memory_space<vmem_shared>>)
      tpu.yield
    }) : () -> ()
    %mul3A_21 = arith.constant 640 : i32
    %mul3A_22 = arith.muli %arg1, %mul3A_21 : i32
    %add3A_23 = arith.constant 320 : i32
    %add3A_24 = arith.addi %mul3A_22, %add3A_23 : i32
    "tpu.region"() ({
      %run_scoped3A = tpu.sem_alloc : memref<!tpu.dma_semaphore, #tpu.memory_space<semaphore_mem>>
      %dma_start3A_106 = arith.constant 0 : i32
      %dma_start3A_107 = tpu.memref_slice %arg2[%add3A_24, %dma_start3A_106] : memref<10240x128xf32, #tpu.memory_space<hbm>> -> memref<64x128xf32, #tpu.memory_space<hbm>>
      %dma_start3A_108 = arith.constant 0 : i32
      %dma_start3A_109 = tpu.memref_slice %arg2[%add3A_24, %dma_start3A_108] : memref<10240x128xf32, #tpu.memory_space<hbm>> -> memref<64x128xf32, #tpu.memory_space<hbm>>
      tpu.enqueue_dma source(%dma_start3A_109 : memref<64x128xf32, #tpu.memory_space<hbm>>) target(%arg12 : memref<64x128xf32, #tpu.memory_space<vmem>>) target_semaphore(%run_scoped3A : memref<!tpu.dma_semaphore, #tpu.memory_space<semaphore_mem>>)
      %dma_wait3A = arith.constant 0 : i32
      %dma_wait3A_110 = tpu.memref_slice %arg2[%add3A_24, %dma_wait3A] : memref<10240x128xf32, #tpu.memory_space<hbm>> -> memref<64x128xf32, #tpu.memory_space<hbm>>
      %dma_wait3A_111 = arith.constant 0 : i32
      %dma_wait3A_112 = tpu.memref_slice %arg2[%add3A_24, %dma_wait3A_111] : memref<10240x128xf32, #tpu.memory_space<hbm>> -> memref<64x128xf32, #tpu.memory_space<hbm>>
      tpu.wait_dma2 semaphore(%run_scoped3A : memref<!tpu.dma_semaphore, #tpu.memory_space<semaphore_mem>>) src(%dma_wait3A_112 : memref<64x128xf32, #tpu.memory_space<hbm>>) dst(%arg12 : memref<64x128xf32, #tpu.memory_space<vmem>>)
      tpu.yield
    }) : () -> ()
    "tpu.region"() ({
      %run_scoped3A = tpu.sem_alloc : memref<!tpu.dma_semaphore, #tpu.memory_space<semaphore_mem>>
      %dma_start3A_106 = arith.constant 0 : i32
      %dma_start3A_107 = tpu.memref_slice %arg14[%add3A_24, %dma_start3A_106] : memref<10240x128xf32, #tpu.memory_space<vmem_shared>> -> memref<64x128xf32, #tpu.memory_space<vmem_shared>>
      %dma_start3A_108 = arith.constant 0 : i32
      %dma_start3A_109 = tpu.memref_slice %arg14[%add3A_24, %dma_start3A_108] : memref<10240x128xf32, #tpu.memory_space<vmem_shared>> -> memref<64x128xf32, #tpu.memory_space<vmem_shared>>
      tpu.enqueue_dma source(%arg12 : memref<64x128xf32, #tpu.memory_space<vmem>>) target(%dma_start3A_109 : memref<64x128xf32, #tpu.memory_space<vmem_shared>>) target_semaphore(%run_scoped3A : memref<!tpu.dma_semaphore, #tpu.memory_space<semaphore_mem>>)
      %dma_wait3A = arith.constant 0 : i32
      %dma_wait3A_110 = tpu.memref_slice %arg14[%add3A_24, %dma_wait3A] : memref<10240x128xf32, #tpu.memory_space<vmem_shared>> -> memref<64x128xf32, #tpu.memory_space<vmem_shared>>
      %dma_wait3A_111 = arith.constant 0 : i32
      %dma_wait3A_112 = tpu.memref_slice %arg14[%add3A_24, %dma_wait3A_111] : memref<10240x128xf32, #tpu.memory_space<vmem_shared>> -> memref<64x128xf32, #tpu.memory_space<vmem_shared>>
      tpu.wait_dma2 semaphore(%run_scoped3A : memref<!tpu.dma_semaphore, #tpu.memory_space<semaphore_mem>>) src(%arg12 : memref<64x128xf32, #tpu.memory_space<vmem>>) dst(%dma_wait3A_112 : memref<64x128xf32, #tpu.memory_space<vmem_shared>>)
      tpu.yield
    }) : () -> ()
    %mul3A_25 = arith.constant 640 : i32
    %mul3A_26 = arith.muli %arg1, %mul3A_25 : i32
    %add3A_27 = arith.constant 384 : i32
    %add3A_28 = arith.addi %mul3A_26, %add3A_27 : i32
    "tpu.region"() ({
      %run_scoped3A = tpu.sem_alloc : memref<!tpu.dma_semaphore, #tpu.memory_space<semaphore_mem>>
      %dma_start3A_106 = arith.constant 0 : i32
      %dma_start3A_107 = tpu.memref_slice %arg2[%add3A_28, %dma_start3A_106] : memref<10240x128xf32, #tpu.memory_space<hbm>> -> memref<64x128xf32, #tpu.memory_space<hbm>>
      %dma_start3A_108 = arith.constant 0 : i32
      %dma_start3A_109 = tpu.memref_slice %arg2[%add3A_28, %dma_start3A_108] : memref<10240x128xf32, #tpu.memory_space<hbm>> -> memref<64x128xf32, #tpu.memory_space<hbm>>
      tpu.enqueue_dma source(%dma_start3A_109 : memref<64x128xf32, #tpu.memory_space<hbm>>) target(%arg12 : memref<64x128xf32, #tpu.memory_space<vmem>>) target_semaphore(%run_scoped3A : memref<!tpu.dma_semaphore, #tpu.memory_space<semaphore_mem>>)
      %dma_wait3A = arith.constant 0 : i32
      %dma_wait3A_110 = tpu.memref_slice %arg2[%add3A_28, %dma_wait3A] : memref<10240x128xf32, #tpu.memory_space<hbm>> -> memref<64x128xf32, #tpu.memory_space<hbm>>
      %dma_wait3A_111 = arith.constant 0 : i32
      %dma_wait3A_112 = tpu.memref_slice %arg2[%add3A_28, %dma_wait3A_111] : memref<10240x128xf32, #tpu.memory_space<hbm>> -> memref<64x128xf32, #tpu.memory_space<hbm>>
      tpu.wait_dma2 semaphore(%run_scoped3A : memref<!tpu.dma_semaphore, #tpu.memory_space<semaphore_mem>>) src(%dma_wait3A_112 : memref<64x128xf32, #tpu.memory_space<hbm>>) dst(%arg12 : memref<64x128xf32, #tpu.memory_space<vmem>>)
      tpu.yield
    }) : () -> ()
    "tpu.region"() ({
      %run_scoped3A = tpu.sem_alloc : memref<!tpu.dma_semaphore, #tpu.memory_space<semaphore_mem>>
      %dma_start3A_106 = arith.constant 0 : i32
      %dma_start3A_107 = tpu.memref_slice %arg14[%add3A_28, %dma_start3A_106] : memref<10240x128xf32, #tpu.memory_space<vmem_shared>> -> memref<64x128xf32, #tpu.memory_space<vmem_shared>>
      %dma_start3A_108 = arith.constant 0 : i32
      %dma_start3A_109 = tpu.memref_slice %arg14[%add3A_28, %dma_start3A_108] : memref<10240x128xf32, #tpu.memory_space<vmem_shared>> -> memref<64x128xf32, #tpu.memory_space<vmem_shared>>
      tpu.enqueue_dma source(%arg12 : memref<64x128xf32, #tpu.memory_space<vmem>>) target(%dma_start3A_109 : memref<64x128xf32, #tpu.memory_space<vmem_shared>>) target_semaphore(%run_scoped3A : memref<!tpu.dma_semaphore, #tpu.memory_space<semaphore_mem>>)
      %dma_wait3A = arith.constant 0 : i32
      %dma_wait3A_110 = tpu.memref_slice %arg14[%add3A_28, %dma_wait3A] : memref<10240x128xf32, #tpu.memory_space<vmem_shared>> -> memref<64x128xf32, #tpu.memory_space<vmem_shared>>
      %dma_wait3A_111 = arith.constant 0 : i32
      %dma_wait3A_112 = tpu.memref_slice %arg14[%add3A_28, %dma_wait3A_111] : memref<10240x128xf32, #tpu.memory_space<vmem_shared>> -> memref<64x128xf32, #tpu.memory_space<vmem_shared>>
      tpu.wait_dma2 semaphore(%run_scoped3A : memref<!tpu.dma_semaphore, #tpu.memory_space<semaphore_mem>>) src(%arg12 : memref<64x128xf32, #tpu.memory_space<vmem>>) dst(%dma_wait3A_112 : memref<64x128xf32, #tpu.memory_space<vmem_shared>>)
      tpu.yield
    }) : () -> ()
    %mul3A_29 = arith.constant 640 : i32
    %mul3A_30 = arith.muli %arg1, %mul3A_29 : i32
    %add3A_31 = arith.constant 448 : i32
    %add3A_32 = arith.addi %mul3A_30, %add3A_31 : i32
    "tpu.region"() ({
      %run_scoped3A = tpu.sem_alloc : memref<!tpu.dma_semaphore, #tpu.memory_space<semaphore_mem>>
      %dma_start3A_106 = arith.constant 0 : i32
      %dma_start3A_107 = tpu.memref_slice %arg2[%add3A_32, %dma_start3A_106] : memref<10240x128xf32, #tpu.memory_space<hbm>> -> memref<64x128xf32, #tpu.memory_space<hbm>>
      %dma_start3A_108 = arith.constant 0 : i32
      %dma_start3A_109 = tpu.memref_slice %arg2[%add3A_32, %dma_start3A_108] : memref<10240x128xf32, #tpu.memory_space<hbm>> -> memref<64x128xf32, #tpu.memory_space<hbm>>
      tpu.enqueue_dma source(%dma_start3A_109 : memref<64x128xf32, #tpu.memory_space<hbm>>) target(%arg12 : memref<64x128xf32, #tpu.memory_space<vmem>>) target_semaphore(%run_scoped3A : memref<!tpu.dma_semaphore, #tpu.memory_space<semaphore_mem>>)
      %dma_wait3A = arith.constant 0 : i32
      %dma_wait3A_110 = tpu.memref_slice %arg2[%add3A_32, %dma_wait3A] : memref<10240x128xf32, #tpu.memory_space<hbm>> -> memref<64x128xf32, #tpu.memory_space<hbm>>
      %dma_wait3A_111 = arith.constant 0 : i32
      %dma_wait3A_112 = tpu.memref_slice %arg2[%add3A_32, %dma_wait3A_111] : memref<10240x128xf32, #tpu.memory_space<hbm>> -> memref<64x128xf32, #tpu.memory_space<hbm>>
      tpu.wait_dma2 semaphore(%run_scoped3A : memref<!tpu.dma_semaphore, #tpu.memory_space<semaphore_mem>>) src(%dma_wait3A_112 : memref<64x128xf32, #tpu.memory_space<hbm>>) dst(%arg12 : memref<64x128xf32, #tpu.memory_space<vmem>>)
      tpu.yield
    }) : () -> ()
    "tpu.region"() ({
      %run_scoped3A = tpu.sem_alloc : memref<!tpu.dma_semaphore, #tpu.memory_space<semaphore_mem>>
      %dma_start3A_106 = arith.constant 0 : i32
      %dma_start3A_107 = tpu.memref_slice %arg14[%add3A_32, %dma_start3A_106] : memref<10240x128xf32, #tpu.memory_space<vmem_shared>> -> memref<64x128xf32, #tpu.memory_space<vmem_shared>>
      %dma_start3A_108 = arith.constant 0 : i32
      %dma_start3A_109 = tpu.memref_slice %arg14[%add3A_32, %dma_start3A_108] : memref<10240x128xf32, #tpu.memory_space<vmem_shared>> -> memref<64x128xf32, #tpu.memory_space<vmem_shared>>
      tpu.enqueue_dma source(%arg12 : memref<64x128xf32, #tpu.memory_space<vmem>>) target(%dma_start3A_109 : memref<64x128xf32, #tpu.memory_space<vmem_shared>>) target_semaphore(%run_scoped3A : memref<!tpu.dma_semaphore, #tpu.memory_space<semaphore_mem>>)
      %dma_wait3A = arith.constant 0 : i32
      %dma_wait3A_110 = tpu.memref_slice %arg14[%add3A_32, %dma_wait3A] : memref<10240x128xf32, #tpu.memory_space<vmem_shared>> -> memref<64x128xf32, #tpu.memory_space<vmem_shared>>
      %dma_wait3A_111 = arith.constant 0 : i32
      %dma_wait3A_112 = tpu.memref_slice %arg14[%add3A_32, %dma_wait3A_111] : memref<10240x128xf32, #tpu.memory_space<vmem_shared>> -> memref<64x128xf32, #tpu.memory_space<vmem_shared>>
      tpu.wait_dma2 semaphore(%run_scoped3A : memref<!tpu.dma_semaphore, #tpu.memory_space<semaphore_mem>>) src(%arg12 : memref<64x128xf32, #tpu.memory_space<vmem>>) dst(%dma_wait3A_112 : memref<64x128xf32, #tpu.memory_space<vmem_shared>>)
      tpu.yield
    }) : () -> ()
    %mul3A_33 = arith.constant 640 : i32
    %mul3A_34 = arith.muli %arg1, %mul3A_33 : i32
    %add3A_35 = arith.constant 512 : i32
    %add3A_36 = arith.addi %mul3A_34, %add3A_35 : i32
    "tpu.region"() ({
      %run_scoped3A = tpu.sem_alloc : memref<!tpu.dma_semaphore, #tpu.memory_space<semaphore_mem>>
      %dma_start3A_106 = arith.constant 0 : i32
      %dma_start3A_107 = tpu.memref_slice %arg2[%add3A_36, %dma_start3A_106] : memref<10240x128xf32, #tpu.memory_space<hbm>> -> memref<64x128xf32, #tpu.memory_space<hbm>>
      %dma_start3A_108 = arith.constant 0 : i32
      %dma_start3A_109 = tpu.memref_slice %arg2[%add3A_36, %dma_start3A_108] : memref<10240x128xf32, #tpu.memory_space<hbm>> -> memref<64x128xf32, #tpu.memory_space<hbm>>
      tpu.enqueue_dma source(%dma_start3A_109 : memref<64x128xf32, #tpu.memory_space<hbm>>) target(%arg12 : memref<64x128xf32, #tpu.memory_space<vmem>>) target_semaphore(%run_scoped3A : memref<!tpu.dma_semaphore, #tpu.memory_space<semaphore_mem>>)
      %dma_wait3A = arith.constant 0 : i32
      %dma_wait3A_110 = tpu.memref_slice %arg2[%add3A_36, %dma_wait3A] : memref<10240x128xf32, #tpu.memory_space<hbm>> -> memref<64x128xf32, #tpu.memory_space<hbm>>
      %dma_wait3A_111 = arith.constant 0 : i32
      %dma_wait3A_112 = tpu.memref_slice %arg2[%add3A_36, %dma_wait3A_111] : memref<10240x128xf32, #tpu.memory_space<hbm>> -> memref<64x128xf32, #tpu.memory_space<hbm>>
      tpu.wait_dma2 semaphore(%run_scoped3A : memref<!tpu.dma_semaphore, #tpu.memory_space<semaphore_mem>>) src(%dma_wait3A_112 : memref<64x128xf32, #tpu.memory_space<hbm>>) dst(%arg12 : memref<64x128xf32, #tpu.memory_space<vmem>>)
      tpu.yield
    }) : () -> ()
    "tpu.region"() ({
      %run_scoped3A = tpu.sem_alloc : memref<!tpu.dma_semaphore, #tpu.memory_space<semaphore_mem>>
      %dma_start3A_106 = arith.constant 0 : i32
      %dma_start3A_107 = tpu.memref_slice %arg14[%add3A_36, %dma_start3A_106] : memref<10240x128xf32, #tpu.memory_space<vmem_shared>> -> memref<64x128xf32, #tpu.memory_space<vmem_shared>>
      %dma_start3A_108 = arith.constant 0 : i32
      %dma_start3A_109 = tpu.memref_slice %arg14[%add3A_36, %dma_start3A_108] : memref<10240x128xf32, #tpu.memory_space<vmem_shared>> -> memref<64x128xf32, #tpu.memory_space<vmem_shared>>
      tpu.enqueue_dma source(%arg12 : memref<64x128xf32, #tpu.memory_space<vmem>>) target(%dma_start3A_109 : memref<64x128xf32, #tpu.memory_space<vmem_shared>>) target_semaphore(%run_scoped3A : memref<!tpu.dma_semaphore, #tpu.memory_space<semaphore_mem>>)
      %dma_wait3A = arith.constant 0 : i32
      %dma_wait3A_110 = tpu.memref_slice %arg14[%add3A_36, %dma_wait3A] : memref<10240x128xf32, #tpu.memory_space<vmem_shared>> -> memref<64x128xf32, #tpu.memory_space<vmem_shared>>
      %dma_wait3A_111 = arith.constant 0 : i32
      %dma_wait3A_112 = tpu.memref_slice %arg14[%add3A_36, %dma_wait3A_111] : memref<10240x128xf32, #tpu.memory_space<vmem_shared>> -> memref<64x128xf32, #tpu.memory_space<vmem_shared>>
      tpu.wait_dma2 semaphore(%run_scoped3A : memref<!tpu.dma_semaphore, #tpu.memory_space<semaphore_mem>>) src(%arg12 : memref<64x128xf32, #tpu.memory_space<vmem>>) dst(%dma_wait3A_112 : memref<64x128xf32, #tpu.memory_space<vmem_shared>>)
      tpu.yield
    }) : () -> ()
    %mul3A_37 = arith.constant 640 : i32
    %mul3A_38 = arith.muli %arg1, %mul3A_37 : i32
    %add3A_39 = arith.constant 576 : i32
    %add3A_40 = arith.addi %mul3A_38, %add3A_39 : i32
    "tpu.region"() ({
      %run_scoped3A = tpu.sem_alloc : memref<!tpu.dma_semaphore, #tpu.memory_space<semaphore_mem>>
      %dma_start3A_106 = arith.constant 0 : i32
      %dma_start3A_107 = tpu.memref_slice %arg2[%add3A_40, %dma_start3A_106] : memref<10240x128xf32, #tpu.memory_space<hbm>> -> memref<64x128xf32, #tpu.memory_space<hbm>>
      %dma_start3A_108 = arith.constant 0 : i32
      %dma_start3A_109 = tpu.memref_slice %arg2[%add3A_40, %dma_start3A_108] : memref<10240x128xf32, #tpu.memory_space<hbm>> -> memref<64x128xf32, #tpu.memory_space<hbm>>
      tpu.enqueue_dma source(%dma_start3A_109 : memref<64x128xf32, #tpu.memory_space<hbm>>) target(%arg12 : memref<64x128xf32, #tpu.memory_space<vmem>>) target_semaphore(%run_scoped3A : memref<!tpu.dma_semaphore, #tpu.memory_space<semaphore_mem>>)
      %dma_wait3A = arith.constant 0 : i32
      %dma_wait3A_110 = tpu.memref_slice %arg2[%add3A_40, %dma_wait3A] : memref<10240x128xf32, #tpu.memory_space<hbm>> -> memref<64x128xf32, #tpu.memory_space<hbm>>
      %dma_wait3A_111 = arith.constant 0 : i32
      %dma_wait3A_112 = tpu.memref_slice %arg2[%add3A_40, %dma_wait3A_111] : memref<10240x128xf32, #tpu.memory_space<hbm>> -> memref<64x128xf32, #tpu.memory_space<hbm>>
      tpu.wait_dma2 semaphore(%run_scoped3A : memref<!tpu.dma_semaphore, #tpu.memory_space<semaphore_mem>>) src(%dma_wait3A_112 : memref<64x128xf32, #tpu.memory_space<hbm>>) dst(%arg12 : memref<64x128xf32, #tpu.memory_space<vmem>>)
      tpu.yield
    }) : () -> ()
    "tpu.region"() ({
      %run_scoped3A = tpu.sem_alloc : memref<!tpu.dma_semaphore, #tpu.memory_space<semaphore_mem>>
      %dma_start3A_106 = arith.constant 0 : i32
      %dma_start3A_107 = tpu.memref_slice %arg14[%add3A_40, %dma_start3A_106] : memref<10240x128xf32, #tpu.memory_space<vmem_shared>> -> memref<64x128xf32, #tpu.memory_space<vmem_shared>>
      %dma_start3A_108 = arith.constant 0 : i32
      %dma_start3A_109 = tpu.memref_slice %arg14[%add3A_40, %dma_start3A_108] : memref<10240x128xf32, #tpu.memory_space<vmem_shared>> -> memref<64x128xf32, #tpu.memory_space<vmem_shared>>
      tpu.enqueue_dma source(%arg12 : memref<64x128xf32, #tpu.memory_space<vmem>>) target(%dma_start3A_109 : memref<64x128xf32, #tpu.memory_space<vmem_shared>>) target_semaphore(%run_scoped3A : memref<!tpu.dma_semaphore, #tpu.memory_space<semaphore_mem>>)
      %dma_wait3A = arith.constant 0 : i32
      %dma_wait3A_110 = tpu.memref_slice %arg14[%add3A_40, %dma_wait3A] : memref<10240x128xf32, #tpu.memory_space<vmem_shared>> -> memref<64x128xf32, #tpu.memory_space<vmem_shared>>
      %dma_wait3A_111 = arith.constant 0 : i32
      %dma_wait3A_112 = tpu.memref_slice %arg14[%add3A_40, %dma_wait3A_111] : memref<10240x128xf32, #tpu.memory_space<vmem_shared>> -> memref<64x128xf32, #tpu.memory_space<vmem_shared>>
      tpu.wait_dma2 semaphore(%run_scoped3A : memref<!tpu.dma_semaphore, #tpu.memory_space<semaphore_mem>>) src(%arg12 : memref<64x128xf32, #tpu.memory_space<vmem>>) dst(%dma_wait3A_112 : memref<64x128xf32, #tpu.memory_space<vmem_shared>>)
      tpu.yield
    }) : () -> ()
    %barrier3A = arith.constant 0 : index
    tpu.barrier barrier_id(%barrier3A)
    %broadcast_in_dim3A = arith.constant 0xFF800000 : f32
    %broadcast_in_dim3A_41 = vector.broadcast %broadcast_in_dim3A : f32 to vector<16xf32>
    %broadcast_in_dim3A_42 = arith.constant 0 : i32
    %broadcast_in_dim3A_43 = vector.broadcast %broadcast_in_dim3A_42 : i32 to vector<16xi32>
    %mul3A_44 = arith.constant 160 : i32
    %mul3A_45 = arith.muli %add3A, %mul3A_44 : i32
    %add3A_46 = arith.constant 0 : i32
    %add3A_47 = arith.addi %add3A_46, %mul3A_45 : i32
    %scan3A = arith.constant 0 : i32
    %scan3A_48 = arith.constant 0 : i32
    %scan3A_49 = arith.constant 160 : i32
    %scan3A_50 = arith.addi %scan3A_48, %scan3A_49 : i32
    %scan3A_51 = arith.constant 1 : i32
    scf.for %scan3A_106 = %scan3A_48 to %scan3A_50 step %scan3A_51  : i32 {
      %swap3A = arith.index_cast %scan3A_106 : i32 to index
      %swap3A_107 = arith.constant 0 : index
      %swap3A_108 = tpu.vector_load %arg13[%swap3A, %swap3A_107] {strides = array<i32>} : memref<160x128xf32, #tpu.memory_space<vmem>>, vector<16xf32>,
      tpu.vector_store %arg13[%swap3A, %swap3A_107], %broadcast_in_dim3A_41 {strides = array<i32>} : memref<160x128xf32, #tpu.memory_space<vmem>>, vector<16xf32>,
      %swap3A_109 = arith.index_cast %scan3A_106 : i32 to index
      %swap3A_110 = arith.constant 16 : index
      %swap3A_111 = tpu.vector_load %arg13[%swap3A_109, %swap3A_110] {strides = array<i32>} : memref<160x128xf32, #tpu.memory_space<vmem>>, vector<16xf32>,
      tpu.vector_store %arg13[%swap3A_109, %swap3A_110], %broadcast_in_dim3A_41 {strides = array<i32>} : memref<160x128xf32, #tpu.memory_space<vmem>>, vector<16xf32>,
      %swap3A_112 = arith.index_cast %scan3A_106 : i32 to index
      %swap3A_113 = arith.constant 32 : index
      %swap3A_114 = tpu.vector_load %arg13[%swap3A_112, %swap3A_113] {strides = array<i32>} : memref<160x128xf32, #tpu.memory_space<vmem>>, vector<16xf32>,
      tpu.vector_store %arg13[%swap3A_112, %swap3A_113], %broadcast_in_dim3A_41 {strides = array<i32>} : memref<160x128xf32, #tpu.memory_space<vmem>>, vector<16xf32>,
      %swap3A_115 = arith.index_cast %scan3A_106 : i32 to index
      %swap3A_116 = arith.constant 48 : index
      %swap3A_117 = tpu.vector_load %arg13[%swap3A_115, %swap3A_116] {strides = array<i32>} : memref<160x128xf32, #tpu.memory_space<vmem>>, vector<16xf32>,
      tpu.vector_store %arg13[%swap3A_115, %swap3A_116], %broadcast_in_dim3A_41 {strides = array<i32>} : memref<160x128xf32, #tpu.memory_space<vmem>>, vector<16xf32>,
      %swap3A_118 = arith.index_cast %scan3A_106 : i32 to index
      %swap3A_119 = arith.constant 64 : index
      %swap3A_120 = tpu.vector_load %arg13[%swap3A_118, %swap3A_119] {strides = array<i32>} : memref<160x128xf32, #tpu.memory_space<vmem>>, vector<16xf32>,
      tpu.vector_store %arg13[%swap3A_118, %swap3A_119], %broadcast_in_dim3A_41 {strides = array<i32>} : memref<160x128xf32, #tpu.memory_space<vmem>>, vector<16xf32>,
      %swap3A_121 = arith.index_cast %scan3A_106 : i32 to index
      %swap3A_122 = arith.constant 80 : index
      %swap3A_123 = tpu.vector_load %arg13[%swap3A_121, %swap3A_122] {strides = array<i32>} : memref<160x128xf32, #tpu.memory_space<vmem>>, vector<16xf32>,
      tpu.vector_store %arg13[%swap3A_121, %swap3A_122], %broadcast_in_dim3A_41 {strides = array<i32>} : memref<160x128xf32, #tpu.memory_space<vmem>>, vector<16xf32>,
      %swap3A_124 = arith.index_cast %scan3A_106 : i32 to index
      %swap3A_125 = arith.constant 96 : index
      %swap3A_126 = tpu.vector_load %arg13[%swap3A_124, %swap3A_125] {strides = array<i32>} : memref<160x128xf32, #tpu.memory_space<vmem>>, vector<16xf32>,
      tpu.vector_store %arg13[%swap3A_124, %swap3A_125], %broadcast_in_dim3A_41 {strides = array<i32>} : memref<160x128xf32, #tpu.memory_space<vmem>>, vector<16xf32>,
      %swap3A_127 = arith.index_cast %scan3A_106 : i32 to index
      %swap3A_128 = arith.constant 112 : index
      %swap3A_129 = tpu.vector_load %arg13[%swap3A_127, %swap3A_128] {strides = array<i32>} : memref<160x128xf32, #tpu.memory_space<vmem>>, vector<16xf32>,
      tpu.vector_store %arg13[%swap3A_127, %swap3A_128], %broadcast_in_dim3A_41 {strides = array<i32>} : memref<160x128xf32, #tpu.memory_space<vmem>>, vector<16xf32>,
    }
    %scan3A_52 = arith.constant 160 : i32
    %dma_start3A = arith.constant 0 : i32
    %dma_start3A_53 = tpu.memref_slice %arg3[%dma_start3A] : memref<320000xi32, #tpu.memory_space<hbm>> -> memref<2000xi32, #tpu.memory_space<hbm>>
    %dma_start3A_54 = arith.constant 0 : i32
    %dma_start3A_55 = tpu.memref_slice %arg3[%dma_start3A_54] : memref<320000xi32, #tpu.memory_space<hbm>> -> memref<2000xi32, #tpu.memory_space<hbm>>
    tpu.enqueue_dma source(%dma_start3A_55 : memref<2000xi32, #tpu.memory_space<hbm>>) target(%arg6 : memref<2000xi32, #tpu.memory_space<vmem>>) target_semaphore(%arg16 : memref<!tpu.dma_semaphore, #tpu.memory_space<semaphore_mem>>)
    %dma_start3A_56 = arith.constant 0 : i32
    %dma_start3A_57 = tpu.memref_slice %arg4[%dma_start3A_56] : memref<320000xi32, #tpu.memory_space<hbm>> -> memref<2000xi32, #tpu.memory_space<hbm>>
    %dma_start3A_58 = arith.constant 0 : i32
    %dma_start3A_59 = tpu.memref_slice %arg4[%dma_start3A_58] : memref<320000xi32, #tpu.memory_space<hbm>> -> memref<2000xi32, #tpu.memory_space<hbm>>
    tpu.enqueue_dma source(%dma_start3A_59 : memref<2000xi32, #tpu.memory_space<hbm>>) target(%arg7 : memref<2000xi32, #tpu.memory_space<vmem>>) target_semaphore(%arg16 : memref<!tpu.dma_semaphore, #tpu.memory_space<semaphore_mem>>)
    %dma_start3A_60 = arith.constant 2000 : i32
    %dma_start3A_61 = tpu.memref_slice %arg3[%dma_start3A_60] : memref<320000xi32, #tpu.memory_space<hbm>> -> memref<2000xi32, #tpu.memory_space<hbm>>
    %dma_start3A_62 = arith.constant 2000 : i32
    %dma_start3A_63 = tpu.memref_slice %arg3[%dma_start3A_62] : memref<320000xi32, #tpu.memory_space<hbm>> -> memref<2000xi32, #tpu.memory_space<hbm>>
    tpu.enqueue_dma source(%dma_start3A_63 : memref<2000xi32, #tpu.memory_space<hbm>>) target(%arg8 : memref<2000xi32, #tpu.memory_space<vmem>>) target_semaphore(%arg15 : memref<!tpu.dma_semaphore, #tpu.memory_space<semaphore_mem>>)
    %dma_start3A_64 = arith.constant 2000 : i32
    %dma_start3A_65 = tpu.memref_slice %arg4[%dma_start3A_64] : memref<320000xi32, #tpu.memory_space<hbm>> -> memref<2000xi32, #tpu.memory_space<hbm>>
    %dma_start3A_66 = arith.constant 2000 : i32
    %dma_start3A_67 = tpu.memref_slice %arg4[%dma_start3A_66] : memref<320000xi32, #tpu.memory_space<hbm>> -> memref<2000xi32, #tpu.memory_space<hbm>>
    tpu.enqueue_dma source(%dma_start3A_67 : memref<2000xi32, #tpu.memory_space<hbm>>) target(%arg9 : memref<2000xi32, #tpu.memory_space<vmem>>) target_semaphore(%arg15 : memref<!tpu.dma_semaphore, #tpu.memory_space<semaphore_mem>>)
    %scan3A_68 = arith.constant 0 : i32
    %scan3A_69 = arith.constant 0 : i32
    %scan3A_70 = arith.constant 80 : i32
    %scan3A_71 = arith.addi %scan3A_69, %scan3A_70 : i32
    %scan3A_72 = arith.constant 1 : i32
    scf.for %scan3A_106 = %scan3A_69 to %scan3A_71 step %scan3A_72  : i32 {
      %dma_wait3A = arith.constant 0 : i32
      %dma_wait3A_107 = tpu.memref_slice %arg3[%dma_wait3A] : memref<320000xi32, #tpu.memory_space<hbm>> -> memref<2000xi32, #tpu.memory_space<hbm>>
      %dma_wait3A_108 = arith.constant 0 : i32
      %dma_wait3A_109 = tpu.memref_slice %arg3[%dma_wait3A_108] : memref<320000xi32, #tpu.memory_space<hbm>> -> memref<2000xi32, #tpu.memory_space<hbm>>
      tpu.wait_dma2 semaphore(%arg16 : memref<!tpu.dma_semaphore, #tpu.memory_space<semaphore_mem>>) src(%dma_wait3A_109 : memref<2000xi32, #tpu.memory_space<hbm>>) dst(%arg6 : memref<2000xi32, #tpu.memory_space<vmem>>)
      %dma_wait3A_110 = arith.constant 0 : i32
      %dma_wait3A_111 = tpu.memref_slice %arg4[%dma_wait3A_110] : memref<320000xi32, #tpu.memory_space<hbm>> -> memref<2000xi32, #tpu.memory_space<hbm>>
      %dma_wait3A_112 = arith.constant 0 : i32
      %dma_wait3A_113 = tpu.memref_slice %arg4[%dma_wait3A_112] : memref<320000xi32, #tpu.memory_space<hbm>> -> memref<2000xi32, #tpu.memory_space<hbm>>
      tpu.wait_dma2 semaphore(%arg16 : memref<!tpu.dma_semaphore, #tpu.memory_space<semaphore_mem>>) src(%dma_wait3A_113 : memref<2000xi32, #tpu.memory_space<hbm>>) dst(%arg7 : memref<2000xi32, #tpu.memory_space<vmem>>)
      %broadcast_in_dim3A_114 = arith.constant 0 : i32
      %broadcast_in_dim3A_115 = vector.broadcast %broadcast_in_dim3A_114 : i32 to vector<16xi32>
      %scan3A_116 = arith.constant 0 : i32
      %scan3A_117 = arith.constant 125 : i32
      %scan3A_118 = arith.addi %scan3A_116, %scan3A_117 : i32
      %scan3A_119 = arith.constant 1 : i32
      %scan3A_120 = scf.for %scan3A_253 = %scan3A_116 to %scan3A_118 step %scan3A_119 iter_args(%scan3A_254 = %broadcast_in_dim3A_115) -> (vector<16xi32>)  : i32 {
        %mul3A_255 = arith.constant 16 : i32
        %mul3A_256 = arith.muli %scan3A_253, %mul3A_255 : i32
        %get3A = arith.index_cast %mul3A_256 : i32 to index
        %get3A_257 = tpu.vector_load %arg7[%get3A] {strides = array<i32>} : memref<2000xi32, #tpu.memory_space<vmem>>, vector<16xi32>,
        %mul3A_258 = arith.constant 16 : i32
        %mul3A_259 = arith.muli %scan3A_253, %mul3A_258 : i32
        %get3A_260 = arith.index_cast %mul3A_259 : i32 to index
        %get3A_261 = tpu.vector_load %arg6[%get3A_260] {strides = array<i32>} : memref<2000xi32, #tpu.memory_space<vmem>>, vector<16xi32>,
        %ge3A = vector.broadcast %add3A_47 : i32 to vector<16xi32>
        %ge3A_262 = arith.cmpi sge, %get3A_257, %ge3A : vector<16xi32>
        %add3A_263 = arith.constant 160 : i32
        %add3A_264 = arith.addi %add3A_47, %add3A_263 : i32
        %lt3A_265 = vector.broadcast %add3A_264 : i32 to vector<16xi32>
        %lt3A_266 = arith.cmpi slt, %get3A_257, %lt3A_265 : vector<16xi32>
        %and3A_267 = arith.andi %ge3A_262, %lt3A_266 : vector<16xi1>
        %broadcast_in_dim3A_268 = arith.constant 1 : i32
        %broadcast_in_dim3A_269 = vector.broadcast %broadcast_in_dim3A_268 : i32 to vector<16xi32>
        %broadcast_in_dim3A_270 = arith.constant 0 : i32
        %broadcast_in_dim3A_271 = vector.broadcast %broadcast_in_dim3A_270 : i32 to vector<16xi32>
        %select_n3A_272 = arith.select %and3A_267, %broadcast_in_dim3A_269, %broadcast_in_dim3A_271 : vector<16xi1>, vector<16xi32>
        %broadcast_in_dim3A_273 = arith.constant true
        %broadcast_in_dim3A_274 = vector.broadcast %broadcast_in_dim3A_273 : i1 to vector<16xi1>
        %masked_cumsum3A = tpu.scan <sum>, %select_n3A_272 masked %broadcast_in_dim3A_274 : vector<16xi32>, vector<16xi1> -> vector<16xi32>
        %add3A_275 = arith.addi %scan3A_254, %masked_cumsum3A : vector<16xi32>
        %sub3A_276 = arith.constant 1 : i32
        %sub3A_277 = vector.broadcast %sub3A_276 : i32 to vector<16xi32>
        %sub3A_278 = arith.subi %add3A_275, %sub3A_277 : vector<16xi32>
        %sub3A_279 = vector.broadcast %add3A_47 : i32 to vector<16xi32>
        %sub3A_280 = arith.subi %get3A_257, %sub3A_279 : vector<16xi32>
        tpu.vector_store_idx %arg11[%sub3A_278], %sub3A_280 masked %and3A_267 : memref<2016xi32, #tpu.memory_space<vmem>>[vector<16xi32>], vector<16xi32>, vector<16xi1>
        tpu.vector_store_idx %arg10[%sub3A_278], %get3A_261 masked %and3A_267 : memref<2064xi32, #tpu.memory_space<vmem>>[vector<16xi32>], vector<16xi32>, vector<16xi1>
        %all_reduce_population_count3A = tpu.all_reduce %and3A_267 {dim = 0 : i64, kind = #tpu.reduction_kind<sum>} : vector<16xi1> -> vector<16xi32>
        %add3A_281 = arith.addi %scan3A_254, %all_reduce_population_count3A : vector<16xi32>
        scf.yield %add3A_281 : vector<16xi32>
      }
      %scan3A_121 = arith.constant 125 : i32
      %slice3A = vector.extract_strided_slice %scan3A_120 {offsets = [0], sizes = [1], strides = [1]} : vector<16xi32> to vector<1xi32>
      %squeeze3A = vector.extract %slice3A[0] : i32 from vector<1xi32>
      %add3A_122 = arith.constant 0 : i32
      %add3A_123 = arith.addi %squeeze3A, %add3A_122 : i32
      %swap3A = arith.index_cast %add3A_123 : i32 to index
      %swap3A_124 = tpu.vector_load %arg10[%swap3A] {strides = array<i32>} : memref<2064xi32, #tpu.memory_space<vmem>>, vector<16xi32>,
      tpu.vector_store %arg10[%swap3A], %broadcast_in_dim3A_43 {strides = array<i32>} : memref<2064xi32, #tpu.memory_space<vmem>>, vector<16xi32>,
      %add3A_125 = arith.constant 16 : i32
      %add3A_126 = arith.addi %squeeze3A, %add3A_125 : i32
      %swap3A_127 = arith.index_cast %add3A_126 : i32 to index
      %swap3A_128 = tpu.vector_load %arg10[%swap3A_127] {strides = array<i32>} : memref<2064xi32, #tpu.memory_space<vmem>>, vector<16xi32>,
      tpu.vector_store %arg10[%swap3A_127], %broadcast_in_dim3A_43 {strides = array<i32>} : memref<2064xi32, #tpu.memory_space<vmem>>, vector<16xi32>,
      %add3A_129 = arith.constant 32 : i32
      %add3A_130 = arith.addi %squeeze3A, %add3A_129 : i32
      %swap3A_131 = arith.index_cast %add3A_130 : i32 to index
      %swap3A_132 = tpu.vector_load %arg10[%swap3A_131] {strides = array<i32>} : memref<2064xi32, #tpu.memory_space<vmem>>, vector<16xi32>,
      tpu.vector_store %arg10[%swap3A_131], %broadcast_in_dim3A_43 {strides = array<i32>} : memref<2064xi32, #tpu.memory_space<vmem>>, vector<16xi32>,
      %add3A_133 = arith.constant 48 : i32
      %add3A_134 = arith.addi %squeeze3A, %add3A_133 : i32
      %swap3A_135 = arith.index_cast %add3A_134 : i32 to index
      %swap3A_136 = tpu.vector_load %arg10[%swap3A_135] {strides = array<i32>} : memref<2064xi32, #tpu.memory_space<vmem>>, vector<16xi32>,
      tpu.vector_store %arg10[%swap3A_135], %broadcast_in_dim3A_43 {strides = array<i32>} : memref<2064xi32, #tpu.memory_space<vmem>>, vector<16xi32>,
      %add3A_137 = arith.constant 64 : i32
      %add3A_138 = arith.addi %squeeze3A, %add3A_137 : i32
      %sub3A = arith.constant 1 : i32
      %sub3A_139 = arith.subi %add3A_138, %sub3A : i32
      %jit3A = arith.constant 64 : i32
      %div3A = arith.divsi %sub3A_139, %jit3A : i32
      %sign3A = arith.constant 0 : i32
      %sign3A_140 = arith.cmpi sgt, %sub3A_139, %sign3A : i32
      %sign3A_141 = arith.extui %sign3A_140 : i1 to i32
      %sign3A_142 = arith.constant 0 : i32
      %sign3A_143 = arith.cmpi slt, %sub3A_139, %sign3A_142 : i32
      %sign3A_144 = arith.extui %sign3A_143 : i1 to i32
      %sign3A_145 = arith.subi %sign3A_141, %sign3A_144 : i32
      %sign3A_146 = arith.constant 0 : i32
      %sign3A_147 = arith.cmpi sgt, %jit3A, %sign3A_146 : i32
      %sign3A_148 = arith.extui %sign3A_147 : i1 to i32
      %sign3A_149 = arith.constant 0 : i32
      %sign3A_150 = arith.cmpi slt, %jit3A, %sign3A_149 : i32
      %sign3A_151 = arith.extui %sign3A_150 : i1 to i32
      %sign3A_152 = arith.subi %sign3A_148, %sign3A_151 : i32
      %ne3A = arith.cmpi ne, %sign3A_145, %sign3A_152 : i32
      %rem3A = arith.remsi %sub3A_139, %jit3A : i32
      %ne3A_153 = arith.constant 0 : i32
      %ne3A_154 = arith.cmpi ne, %rem3A, %ne3A_153 : i32
      %and3A = arith.andi %ne3A, %ne3A_154 : i1
      %sub3A_155 = arith.constant 1 : i32
      %sub3A_156 = arith.subi %div3A, %sub3A_155 : i32
      %select_n3A = arith.select %and3A, %sub3A_156, %div3A : i32
      %while3A = arith.constant 0 : i32
      %while3A_157 = arith.constant 0 : i32
      %while3A_158 = arith.subi %select_n3A, %while3A_157 : i32
      %while3A_159 = arith.addi %while3A_157, %while3A_158 : i32
      %while3A_160 = arith.constant 1 : i32
      %while3A_161 = arith.divsi %while3A_158, %while3A_160 : i32
      %while3A_162 = arith.muli %while3A_161, %while3A_160 : i32
      %while3A_163 = arith.addi %while3A_157, %while3A_162 : i32
      %while3A_164 = arith.constant 1 : i32
      scf.for %while3A_253 = %while3A_157 to %while3A_163 step %while3A_164  : i32 {
        %mul3A_254 = arith.constant 64 : i32
        %mul3A_255 = arith.muli %while3A_253, %mul3A_254 : i32
        %dma_start3A_256 = tpu.memref_slice %arg10[%mul3A_255] : memref<2064xi32, #tpu.memory_space<vmem>> -> memref<64xi32, #tpu.memory_space<vmem>>
        %dma_start3A_257 = arith.constant 0 : i32
        %dma_start3A_258 = arith.constant 0 : i32
        %dma_start3A_259 = tpu.memref_slice %arg14[%dma_start3A_257, %dma_start3A_258] : memref<10240x128xf32, #tpu.memory_space<vmem_shared>> -> memref<10240x128xf32, #tpu.memory_space<vmem_shared>>
        tpu.enqueue_indirect_dma source(%dma_start3A_259 : memref<10240x128xf32, #tpu.memory_space<vmem_shared>>) target(%arg12 : memref<64x128xf32, #tpu.memory_space<vmem>>) offsets(%dma_start3A_256 : memref<64xi32, #tpu.memory_space<vmem>>) semaphore(%arg17 : memref<!tpu.dma_semaphore, #tpu.memory_space<semaphore_mem>>)
        %dma_wait3A_260 = tpu.memref_slice %arg10[%mul3A_255] : memref<2064xi32, #tpu.memory_space<vmem>> -> memref<64xi32, #tpu.memory_space<vmem>>
        %dma_wait3A_261 = arith.constant 0 : i32
        %dma_wait3A_262 = arith.constant 0 : i32
        %dma_wait3A_263 = tpu.memref_slice %arg14[%dma_wait3A_261, %dma_wait3A_262] : memref<10240x128xf32, #tpu.memory_space<vmem_shared>> -> memref<10240x128xf32, #tpu.memory_space<vmem_shared>>
        tpu.wait_indirect_dma semaphore(%arg17 : memref<!tpu.dma_semaphore, #tpu.memory_space<semaphore_mem>>) src(%dma_wait3A_263 : memref<10240x128xf32, #tpu.memory_space<vmem_shared>>) dst(%arg12 : memref<64x128xf32, #tpu.memory_space<vmem>>)
        %mul3A_264 = arith.constant 64 : i32
        %mul3A_265 = arith.muli %while3A_253, %mul3A_264 : i32
        %sub3A_266 = arith.subi %squeeze3A, %mul3A_265 : i32
        %min3A = arith.constant 64 : i32
        %min3A_267 = arith.minsi %min3A, %sub3A_266 : i32
        %mul3A_268 = arith.constant 64 : i32
        %mul3A_269 = arith.muli %while3A_253, %mul3A_268 : i32
        %get3A = arith.index_cast %mul3A_269 : i32 to index
        %get3A_270 = tpu.vector_load %arg11[%get3A] {strides = array<i32>} : memref<2016xi32, #tpu.memory_space<vmem>>, vector<16xi32>,
        %slice3A_271 = vector.extract_strided_slice %get3A_270 {offsets = [0], sizes = [1], strides = [1]} : vector<16xi32> to vector<1xi32>
        %squeeze3A_272 = vector.extract %slice3A_271[0] : i32 from vector<1xi32>
        %while3A_273 = arith.constant 0 : i32
        %while3A_274 = arith.subi %min3A_267, %while3A_273 : i32
        %while3A_275 = arith.addi %while3A_273, %while3A_274 : i32
        %while3A_276 = arith.constant 1 : i32
        %while3A_277 = arith.divsi %while3A_274, %while3A_276 : i32
        %while3A_278 = arith.muli %while3A_277, %while3A_276 : i32
        %while3A_279 = arith.addi %while3A_273, %while3A_278 : i32
        %while3A_280 = arith.constant 1 : i32
        %while3A_281 = scf.for %while3A_284 = %while3A_273 to %while3A_279 step %while3A_280 iter_args(%while3A_285 = %squeeze3A_272) -> (i32)  : i32 {
          %mul3A_286 = arith.constant 64 : i32
          %mul3A_287 = arith.muli %while3A_253, %mul3A_286 : i32
          %add3A_288 = arith.addi %mul3A_287, %while3A_284 : i32
          %add3A_289 = arith.constant 1 : i32
          %add3A_290 = arith.addi %add3A_288, %add3A_289 : i32
          %get3A_291 = arith.index_cast %add3A_290 : i32 to index
          %get3A_292 = tpu.vector_load %arg11[%get3A_291] {strides = array<i32>} : memref<2016xi32, #tpu.memory_space<vmem>>, vector<16xi32>,
          %slice3A_293 = vector.extract_strided_slice %get3A_292 {offsets = [0], sizes = [1], strides = [1]} : vector<16xi32> to vector<1xi32>
          %squeeze3A_294 = vector.extract %slice3A_293[0] : i32 from vector<1xi32>
          %get3A_295 = arith.index_cast %while3A_285 : i32 to index
          %get3A_296 = arith.constant 0 : index
          %get3A_297 = tpu.vector_load %arg13[%get3A_295, %get3A_296] {strides = array<i32>} : memref<160x128xf32, #tpu.memory_space<vmem>>, vector<16xf32>,
          %get3A_298 = arith.index_cast %while3A_284 : i32 to index
          %get3A_299 = arith.constant 0 : index
          %get3A_300 = tpu.vector_load %arg12[%get3A_298, %get3A_299] {strides = array<i32>} : memref<64x128xf32, #tpu.memory_space<vmem>>, vector<16xf32>,
          %max3A = arith.maximumf %get3A_297, %get3A_300 : vector<16xf32>
          %swap3A_301 = arith.index_cast %while3A_285 : i32 to index
          %swap3A_302 = arith.constant 0 : index
          %swap3A_303 = tpu.vector_load %arg13[%swap3A_301, %swap3A_302] {strides = array<i32>} : memref<160x128xf32, #tpu.memory_space<vmem>>, vector<16xf32>,
          tpu.vector_store %arg13[%swap3A_301, %swap3A_302], %max3A {strides = array<i32>} : memref<160x128xf32, #tpu.memory_space<vmem>>, vector<16xf32>,
          %get3A_304 = arith.index_cast %while3A_285 : i32 to index
          %get3A_305 = arith.constant 16 : index
          %get3A_306 = tpu.vector_load %arg13[%get3A_304, %get3A_305] {strides = array<i32>} : memref<160x128xf32, #tpu.memory_space<vmem>>, vector<16xf32>,
          %get3A_307 = arith.index_cast %while3A_284 : i32 to index
          %get3A_308 = arith.constant 16 : index
          %get3A_309 = tpu.vector_load %arg12[%get3A_307, %get3A_308] {strides = array<i32>} : memref<64x128xf32, #tpu.memory_space<vmem>>, vector<16xf32>,
          %max3A_310 = arith.maximumf %get3A_306, %get3A_309 : vector<16xf32>
          %swap3A_311 = arith.index_cast %while3A_285 : i32 to index
          %swap3A_312 = arith.constant 16 : index
          %swap3A_313 = tpu.vector_load %arg13[%swap3A_311, %swap3A_312] {strides = array<i32>} : memref<160x128xf32, #tpu.memory_space<vmem>>, vector<16xf32>,
          tpu.vector_store %arg13[%swap3A_311, %swap3A_312], %max3A_310 {strides = array<i32>} : memref<160x128xf32, #tpu.memory_space<vmem>>, vector<16xf32>,
          %get3A_314 = arith.index_cast %while3A_285 : i32 to index
          %get3A_315 = arith.constant 32 : index
          %get3A_316 = tpu.vector_load %arg13[%get3A_314, %get3A_315] {strides = array<i32>} : memref<160x128xf32, #tpu.memory_space<vmem>>, vector<16xf32>,
          %get3A_317 = arith.index_cast %while3A_284 : i32 to index
          %get3A_318 = arith.constant 32 : index
          %get3A_319 = tpu.vector_load %arg12[%get3A_317, %get3A_318] {strides = array<i32>} : memref<64x128xf32, #tpu.memory_space<vmem>>, vector<16xf32>,
          %max3A_320 = arith.maximumf %get3A_316, %get3A_319 : vector<16xf32>
          %swap3A_321 = arith.index_cast %while3A_285 : i32 to index
          %swap3A_322 = arith.constant 32 : index
          %swap3A_323 = tpu.vector_load %arg13[%swap3A_321, %swap3A_322] {strides = array<i32>} : memref<160x128xf32, #tpu.memory_space<vmem>>, vector<16xf32>,
          tpu.vector_store %arg13[%swap3A_321, %swap3A_322], %max3A_320 {strides = array<i32>} : memref<160x128xf32, #tpu.memory_space<vmem>>, vector<16xf32>,
          %get3A_324 = arith.index_cast %while3A_285 : i32 to index
          %get3A_325 = arith.constant 48 : index
          %get3A_326 = tpu.vector_load %arg13[%get3A_324, %get3A_325] {strides = array<i32>} : memref<160x128xf32, #tpu.memory_space<vmem>>, vector<16xf32>,
          %get3A_327 = arith.index_cast %while3A_284 : i32 to index
          %get3A_328 = arith.constant 48 : index
          %get3A_329 = tpu.vector_load %arg12[%get3A_327, %get3A_328] {strides = array<i32>} : memref<64x128xf32, #tpu.memory_space<vmem>>, vector<16xf32>,
          %max3A_330 = arith.maximumf %get3A_326, %get3A_329 : vector<16xf32>
          %swap3A_331 = arith.index_cast %while3A_285 : i32 to index
          %swap3A_332 = arith.constant 48 : index
          %swap3A_333 = tpu.vector_load %arg13[%swap3A_331, %swap3A_332] {strides = array<i32>} : memref<160x128xf32, #tpu.memory_space<vmem>>, vector<16xf32>,
          tpu.vector_store %arg13[%swap3A_331, %swap3A_332], %max3A_330 {strides = array<i32>} : memref<160x128xf32, #tpu.memory_space<vmem>>, vector<16xf32>,
          %get3A_334 = arith.index_cast %while3A_285 : i32 to index
          %get3A_335 = arith.constant 64 : index
          %get3A_336 = tpu.vector_load %arg13[%get3A_334, %get3A_335] {strides = array<i32>} : memref<160x128xf32, #tpu.memory_space<vmem>>, vector<16xf32>,
          %get3A_337 = arith.index_cast %while3A_284 : i32 to index
          %get3A_338 = arith.constant 64 : index
          %get3A_339 = tpu.vector_load %arg12[%get3A_337, %get3A_338] {strides = array<i32>} : memref<64x128xf32, #tpu.memory_space<vmem>>, vector<16xf32>,
          %max3A_340 = arith.maximumf %get3A_336, %get3A_339 : vector<16xf32>
          %swap3A_341 = arith.index_cast %while3A_285 : i32 to index
          %swap3A_342 = arith.constant 64 : index
          %swap3A_343 = tpu.vector_load %arg13[%swap3A_341, %swap3A_342] {strides = array<i32>} : memref<160x128xf32, #tpu.memory_space<vmem>>, vector<16xf32>,
          tpu.vector_store %arg13[%swap3A_341, %swap3A_342], %max3A_340 {strides = array<i32>} : memref<160x128xf32, #tpu.memory_space<vmem>>, vector<16xf32>,
          %get3A_344 = arith.index_cast %while3A_285 : i32 to index
          %get3A_345 = arith.constant 80 : index
          %get3A_346 = tpu.vector_load %arg13[%get3A_344, %get3A_345] {strides = array<i32>} : memref<160x128xf32, #tpu.memory_space<vmem>>, vector<16xf32>,
          %get3A_347 = arith.index_cast %while3A_284 : i32 to index
          %get3A_348 = arith.constant 80 : index
          %get3A_349 = tpu.vector_load %arg12[%get3A_347, %get3A_348] {strides = array<i32>} : memref<64x128xf32, #tpu.memory_space<vmem>>, vector<16xf32>,
          %max3A_350 = arith.maximumf %get3A_346, %get3A_349 : vector<16xf32>
          %swap3A_351 = arith.index_cast %while3A_285 : i32 to index
          %swap3A_352 = arith.constant 80 : index
          %swap3A_353 = tpu.vector_load %arg13[%swap3A_351, %swap3A_352] {strides = array<i32>} : memref<160x128xf32, #tpu.memory_space<vmem>>, vector<16xf32>,
          tpu.vector_store %arg13[%swap3A_351, %swap3A_352], %max3A_350 {strides = array<i32>} : memref<160x128xf32, #tpu.memory_space<vmem>>, vector<16xf32>,
          %get3A_354 = arith.index_cast %while3A_285 : i32 to index
          %get3A_355 = arith.constant 96 : index
          %get3A_356 = tpu.vector_load %arg13[%get3A_354, %get3A_355] {strides = array<i32>} : memref<160x128xf32, #tpu.memory_space<vmem>>, vector<16xf32>,
          %get3A_357 = arith.index_cast %while3A_284 : i32 to index
          %get3A_358 = arith.constant 96 : index
          %get3A_359 = tpu.vector_load %arg12[%get3A_357, %get3A_358] {strides = array<i32>} : memref<64x128xf32, #tpu.memory_space<vmem>>, vector<16xf32>,
          %max3A_360 = arith.maximumf %get3A_356, %get3A_359 : vector<16xf32>
          %swap3A_361 = arith.index_cast %while3A_285 : i32 to index
          %swap3A_362 = arith.constant 96 : index
          %swap3A_363 = tpu.vector_load %arg13[%swap3A_361, %swap3A_362] {strides = array<i32>} : memref<160x128xf32, #tpu.memory_space<vmem>>, vector<16xf32>,
          tpu.vector_store %arg13[%swap3A_361, %swap3A_362], %max3A_360 {strides = array<i32>} : memref<160x128xf32, #tpu.memory_space<vmem>>, vector<16xf32>,
          %get3A_364 = arith.index_cast %while3A_285 : i32 to index
          %get3A_365 = arith.constant 112 : index
          %get3A_366 = tpu.vector_load %arg13[%get3A_364, %get3A_365] {strides = array<i32>} : memref<160x128xf32, #tpu.memory_space<vmem>>, vector<16xf32>,
          %get3A_367 = arith.index_cast %while3A_284 : i32 to index
          %get3A_368 = arith.constant 112 : index
          %get3A_369 = tpu.vector_load %arg12[%get3A_367, %get3A_368] {strides = array<i32>} : memref<64x128xf32, #tpu.memory_space<vmem>>, vector<16xf32>,
          %max3A_370 = arith.maximumf %get3A_366, %get3A_369 : vector<16xf32>
          %swap3A_371 = arith.index_cast %while3A_285 : i32 to index
          %swap3A_372 = arith.constant 112 : index
          %swap3A_373 = tpu.vector_load %arg13[%swap3A_371, %swap3A_372] {strides = array<i32>} : memref<160x128xf32, #tpu.memory_space<vmem>>, vector<16xf32>,
          tpu.vector_store %arg13[%swap3A_371, %swap3A_372], %max3A_370 {strides = array<i32>} : memref<160x128xf32, #tpu.memory_space<vmem>>, vector<16xf32>,
          scf.yield %squeeze3A_294 : i32
        }
        %while3A_282 = arith.constant 1 : i32
        %while3A_283 = scf.for %while3A_284 = %while3A_279 to %while3A_275 step %while3A_282 iter_args(%while3A_285 = %while3A_281) -> (i32)  : i32 {
          %mul3A_286 = arith.constant 64 : i32
          %mul3A_287 = arith.muli %while3A_253, %mul3A_286 : i32
          %add3A_288 = arith.addi %mul3A_287, %while3A_284 : i32
          %add3A_289 = arith.constant 1 : i32
          %add3A_290 = arith.addi %add3A_288, %add3A_289 : i32
          %get3A_291 = arith.index_cast %add3A_290 : i32 to index
          %get3A_292 = tpu.vector_load %arg11[%get3A_291] {strides = array<i32>} : memref<2016xi32, #tpu.memory_space<vmem>>, vector<16xi32>,
          %slice3A_293 = vector.extract_strided_slice %get3A_292 {offsets = [0], sizes = [1], strides = [1]} : vector<16xi32> to vector<1xi32>
          %squeeze3A_294 = vector.extract %slice3A_293[0] : i32 from vector<1xi32>
          %get3A_295 = arith.index_cast %while3A_285 : i32 to index
          %get3A_296 = arith.constant 0 : index
          %get3A_297 = tpu.vector_load %arg13[%get3A_295, %get3A_296] {strides = array<i32>} : memref<160x128xf32, #tpu.memory_space<vmem>>, vector<16xf32>,
          %get3A_298 = arith.index_cast %while3A_284 : i32 to index
          %get3A_299 = arith.constant 0 : index
          %get3A_300 = tpu.vector_load %arg12[%get3A_298, %get3A_299] {strides = array<i32>} : memref<64x128xf32, #tpu.memory_space<vmem>>, vector<16xf32>,
          %max3A = arith.maximumf %get3A_297, %get3A_300 : vector<16xf32>
          %swap3A_301 = arith.index_cast %while3A_285 : i32 to index
          %swap3A_302 = arith.constant 0 : index
          %swap3A_303 = tpu.vector_load %arg13[%swap3A_301, %swap3A_302] {strides = array<i32>} : memref<160x128xf32, #tpu.memory_space<vmem>>, vector<16xf32>,
          tpu.vector_store %arg13[%swap3A_301, %swap3A_302], %max3A {strides = array<i32>} : memref<160x128xf32, #tpu.memory_space<vmem>>, vector<16xf32>,
          %get3A_304 = arith.index_cast %while3A_285 : i32 to index
          %get3A_305 = arith.constant 16 : index
          %get3A_306 = tpu.vector_load %arg13[%get3A_304, %get3A_305] {strides = array<i32>} : memref<160x128xf32, #tpu.memory_space<vmem>>, vector<16xf32>,
          %get3A_307 = arith.index_cast %while3A_284 : i32 to index
          %get3A_308 = arith.constant 16 : index
          %get3A_309 = tpu.vector_load %arg12[%get3A_307, %get3A_308] {strides = array<i32>} : memref<64x128xf32, #tpu.memory_space<vmem>>, vector<16xf32>,
          %max3A_310 = arith.maximumf %get3A_306, %get3A_309 : vector<16xf32>
          %swap3A_311 = arith.index_cast %while3A_285 : i32 to index
          %swap3A_312 = arith.constant 16 : index
          %swap3A_313 = tpu.vector_load %arg13[%swap3A_311, %swap3A_312] {strides = array<i32>} : memref<160x128xf32, #tpu.memory_space<vmem>>, vector<16xf32>,
          tpu.vector_store %arg13[%swap3A_311, %swap3A_312], %max3A_310 {strides = array<i32>} : memref<160x128xf32, #tpu.memory_space<vmem>>, vector<16xf32>,
          %get3A_314 = arith.index_cast %while3A_285 : i32 to index
          %get3A_315 = arith.constant 32 : index
          %get3A_316 = tpu.vector_load %arg13[%get3A_314, %get3A_315] {strides = array<i32>} : memref<160x128xf32, #tpu.memory_space<vmem>>, vector<16xf32>,
          %get3A_317 = arith.index_cast %while3A_284 : i32 to index
          %get3A_318 = arith.constant 32 : index
          %get3A_319 = tpu.vector_load %arg12[%get3A_317, %get3A_318] {strides = array<i32>} : memref<64x128xf32, #tpu.memory_space<vmem>>, vector<16xf32>,
          %max3A_320 = arith.maximumf %get3A_316, %get3A_319 : vector<16xf32>
          %swap3A_321 = arith.index_cast %while3A_285 : i32 to index
          %swap3A_322 = arith.constant 32 : index
          %swap3A_323 = tpu.vector_load %arg13[%swap3A_321, %swap3A_322] {strides = array<i32>} : memref<160x128xf32, #tpu.memory_space<vmem>>, vector<16xf32>,
          tpu.vector_store %arg13[%swap3A_321, %swap3A_322], %max3A_320 {strides = array<i32>} : memref<160x128xf32, #tpu.memory_space<vmem>>, vector<16xf32>,
          %get3A_324 = arith.index_cast %while3A_285 : i32 to index
          %get3A_325 = arith.constant 48 : index
          %get3A_326 = tpu.vector_load %arg13[%get3A_324, %get3A_325] {strides = array<i32>} : memref<160x128xf32, #tpu.memory_space<vmem>>, vector<16xf32>,
          %get3A_327 = arith.index_cast %while3A_284 : i32 to index
          %get3A_328 = arith.constant 48 : index
          %get3A_329 = tpu.vector_load %arg12[%get3A_327, %get3A_328] {strides = array<i32>} : memref<64x128xf32, #tpu.memory_space<vmem>>, vector<16xf32>,
          %max3A_330 = arith.maximumf %get3A_326, %get3A_329 : vector<16xf32>
          %swap3A_331 = arith.index_cast %while3A_285 : i32 to index
          %swap3A_332 = arith.constant 48 : index
          %swap3A_333 = tpu.vector_load %arg13[%swap3A_331, %swap3A_332] {strides = array<i32>} : memref<160x128xf32, #tpu.memory_space<vmem>>, vector<16xf32>,
          tpu.vector_store %arg13[%swap3A_331, %swap3A_332], %max3A_330 {strides = array<i32>} : memref<160x128xf32, #tpu.memory_space<vmem>>, vector<16xf32>,
          %get3A_334 = arith.index_cast %while3A_285 : i32 to index
          %get3A_335 = arith.constant 64 : index
          %get3A_336 = tpu.vector_load %arg13[%get3A_334, %get3A_335] {strides = array<i32>} : memref<160x128xf32, #tpu.memory_space<vmem>>, vector<16xf32>,
          %get3A_337 = arith.index_cast %while3A_284 : i32 to index
          %get3A_338 = arith.constant 64 : index
          %get3A_339 = tpu.vector_load %arg12[%get3A_337, %get3A_338] {strides = array<i32>} : memref<64x128xf32, #tpu.memory_space<vmem>>, vector<16xf32>,
          %max3A_340 = arith.maximumf %get3A_336, %get3A_339 : vector<16xf32>
          %swap3A_341 = arith.index_cast %while3A_285 : i32 to index
          %swap3A_342 = arith.constant 64 : index
          %swap3A_343 = tpu.vector_load %arg13[%swap3A_341, %swap3A_342] {strides = array<i32>} : memref<160x128xf32, #tpu.memory_space<vmem>>, vector<16xf32>,
          tpu.vector_store %arg13[%swap3A_341, %swap3A_342], %max3A_340 {strides = array<i32>} : memref<160x128xf32, #tpu.memory_space<vmem>>, vector<16xf32>,
          %get3A_344 = arith.index_cast %while3A_285 : i32 to index
          %get3A_345 = arith.constant 80 : index
          %get3A_346 = tpu.vector_load %arg13[%get3A_344, %get3A_345] {strides = array<i32>} : memref<160x128xf32, #tpu.memory_space<vmem>>, vector<16xf32>,
          %get3A_347 = arith.index_cast %while3A_284 : i32 to index
          %get3A_348 = arith.constant 80 : index
          %get3A_349 = tpu.vector_load %arg12[%get3A_347, %get3A_348] {strides = array<i32>} : memref<64x128xf32, #tpu.memory_space<vmem>>, vector<16xf32>,
          %max3A_350 = arith.maximumf %get3A_346, %get3A_349 : vector<16xf32>
          %swap3A_351 = arith.index_cast %while3A_285 : i32 to index
          %swap3A_352 = arith.constant 80 : index
          %swap3A_353 = tpu.vector_load %arg13[%swap3A_351, %swap3A_352] {strides = array<i32>} : memref<160x128xf32, #tpu.memory_space<vmem>>, vector<16xf32>,
          tpu.vector_store %arg13[%swap3A_351, %swap3A_352], %max3A_350 {strides = array<i32>} : memref<160x128xf32, #tpu.memory_space<vmem>>, vector<16xf32>,
          %get3A_354 = arith.index_cast %while3A_285 : i32 to index
          %get3A_355 = arith.constant 96 : index
          %get3A_356 = tpu.vector_load %arg13[%get3A_354, %get3A_355] {strides = array<i32>} : memref<160x128xf32, #tpu.memory_space<vmem>>, vector<16xf32>,
          %get3A_357 = arith.index_cast %while3A_284 : i32 to index
          %get3A_358 = arith.constant 96 : index
          %get3A_359 = tpu.vector_load %arg12[%get3A_357, %get3A_358] {strides = array<i32>} : memref<64x128xf32, #tpu.memory_space<vmem>>, vector<16xf32>,
          %max3A_360 = arith.maximumf %get3A_356, %get3A_359 : vector<16xf32>
          %swap3A_361 = arith.index_cast %while3A_285 : i32 to index
          %swap3A_362 = arith.constant 96 : index
          %swap3A_363 = tpu.vector_load %arg13[%swap3A_361, %swap3A_362] {strides = array<i32>} : memref<160x128xf32, #tpu.memory_space<vmem>>, vector<16xf32>,
          tpu.vector_store %arg13[%swap3A_361, %swap3A_362], %max3A_360 {strides = array<i32>} : memref<160x128xf32, #tpu.memory_space<vmem>>, vector<16xf32>,
          %get3A_364 = arith.index_cast %while3A_285 : i32 to index
          %get3A_365 = arith.constant 112 : index
          %get3A_366 = tpu.vector_load %arg13[%get3A_364, %get3A_365] {strides = array<i32>} : memref<160x128xf32, #tpu.memory_space<vmem>>, vector<16xf32>,
          %get3A_367 = arith.index_cast %while3A_284 : i32 to index
          %get3A_368 = arith.constant 112 : index
          %get3A_369 = tpu.vector_load %arg12[%get3A_367, %get3A_368] {strides = array<i32>} : memref<64x128xf32, #tpu.memory_space<vmem>>, vector<16xf32>,
          %max3A_370 = arith.maximumf %get3A_366, %get3A_369 : vector<16xf32>
          %swap3A_371 = arith.index_cast %while3A_285 : i32 to index
          %swap3A_372 = arith.constant 112 : index
          %swap3A_373 = tpu.vector_load %arg13[%swap3A_371, %swap3A_372] {strides = array<i32>} : memref<160x128xf32, #tpu.memory_space<vmem>>, vector<16xf32>,
          tpu.vector_store %arg13[%swap3A_371, %swap3A_372], %max3A_370 {strides = array<i32>} : memref<160x128xf32, #tpu.memory_space<vmem>>, vector<16xf32>,
          scf.yield %squeeze3A_294 : i32
        }
      }
      %while3A_165 = arith.constant 1 : i32
      scf.for %while3A_253 = %while3A_163 to %while3A_159 step %while3A_165  : i32 {
        %mul3A_254 = arith.constant 64 : i32
        %mul3A_255 = arith.muli %while3A_253, %mul3A_254 : i32
        %dma_start3A_256 = tpu.memref_slice %arg10[%mul3A_255] : memref<2064xi32, #tpu.memory_space<vmem>> -> memref<64xi32, #tpu.memory_space<vmem>>
        %dma_start3A_257 = arith.constant 0 : i32
        %dma_start3A_258 = arith.constant 0 : i32
        %dma_start3A_259 = tpu.memref_slice %arg14[%dma_start3A_257, %dma_start3A_258] : memref<10240x128xf32, #tpu.memory_space<vmem_shared>> -> memref<10240x128xf32, #tpu.memory_space<vmem_shared>>
        tpu.enqueue_indirect_dma source(%dma_start3A_259 : memref<10240x128xf32, #tpu.memory_space<vmem_shared>>) target(%arg12 : memref<64x128xf32, #tpu.memory_space<vmem>>) offsets(%dma_start3A_256 : memref<64xi32, #tpu.memory_space<vmem>>) semaphore(%arg17 : memref<!tpu.dma_semaphore, #tpu.memory_space<semaphore_mem>>)
        %dma_wait3A_260 = tpu.memref_slice %arg10[%mul3A_255] : memref<2064xi32, #tpu.memory_space<vmem>> -> memref<64xi32, #tpu.memory_space<vmem>>
        %dma_wait3A_261 = arith.constant 0 : i32
        %dma_wait3A_262 = arith.constant 0 : i32
        %dma_wait3A_263 = tpu.memref_slice %arg14[%dma_wait3A_261, %dma_wait3A_262] : memref<10240x128xf32, #tpu.memory_space<vmem_shared>> -> memref<10240x128xf32, #tpu.memory_space<vmem_shared>>
        tpu.wait_indirect_dma semaphore(%arg17 : memref<!tpu.dma_semaphore, #tpu.memory_space<semaphore_mem>>) src(%dma_wait3A_263 : memref<10240x128xf32, #tpu.memory_space<vmem_shared>>) dst(%arg12 : memref<64x128xf32, #tpu.memory_space<vmem>>)
        %mul3A_264 = arith.constant 64 : i32
        %mul3A_265 = arith.muli %while3A_253, %mul3A_264 : i32
        %sub3A_266 = arith.subi %squeeze3A, %mul3A_265 : i32
        %min3A = arith.constant 64 : i32
        %min3A_267 = arith.minsi %min3A, %sub3A_266 : i32
        %mul3A_268 = arith.constant 64 : i32
        %mul3A_269 = arith.muli %while3A_253, %mul3A_268 : i32
        %get3A = arith.index_cast %mul3A_269 : i32 to index
        %get3A_270 = tpu.vector_load %arg11[%get3A] {strides = array<i32>} : memref<2016xi32, #tpu.memory_space<vmem>>, vector<16xi32>,
        %slice3A_271 = vector.extract_strided_slice %get3A_270 {offsets = [0], sizes = [1], strides = [1]} : vector<16xi32> to vector<1xi32>
        %squeeze3A_272 = vector.extract %slice3A_271[0] : i32 from vector<1xi32>
        %while3A_273 = arith.constant 0 : i32
        %while3A_274 = arith.subi %min3A_267, %while3A_273 : i32
        %while3A_275 = arith.addi %while3A_273, %while3A_274 : i32
        %while3A_276 = arith.constant 1 : i32
        %while3A_277 = arith.divsi %while3A_274, %while3A_276 : i32
        %while3A_278 = arith.muli %while3A_277, %while3A_276 : i32
        %while3A_279 = arith.addi %while3A_273, %while3A_278 : i32
        %while3A_280 = arith.constant 1 : i32
        %while3A_281 = scf.for %while3A_284 = %while3A_273 to %while3A_279 step %while3A_280 iter_args(%while3A_285 = %squeeze3A_272) -> (i32)  : i32 {
          %mul3A_286 = arith.constant 64 : i32
          %mul3A_287 = arith.muli %while3A_253, %mul3A_286 : i32
          %add3A_288 = arith.addi %mul3A_287, %while3A_284 : i32
          %add3A_289 = arith.constant 1 : i32
          %add3A_290 = arith.addi %add3A_288, %add3A_289 : i32
          %get3A_291 = arith.index_cast %add3A_290 : i32 to index
          %get3A_292 = tpu.vector_load %arg11[%get3A_291] {strides = array<i32>} : memref<2016xi32, #tpu.memory_space<vmem>>, vector<16xi32>,
          %slice3A_293 = vector.extract_strided_slice %get3A_292 {offsets = [0], sizes = [1], strides = [1]} : vector<16xi32> to vector<1xi32>
          %squeeze3A_294 = vector.extract %slice3A_293[0] : i32 from vector<1xi32>
          %get3A_295 = arith.index_cast %while3A_285 : i32 to index
          %get3A_296 = arith.constant 0 : index
          %get3A_297 = tpu.vector_load %arg13[%get3A_295, %get3A_296] {strides = array<i32>} : memref<160x128xf32, #tpu.memory_space<vmem>>, vector<16xf32>,
          %get3A_298 = arith.index_cast %while3A_284 : i32 to index
          %get3A_299 = arith.constant 0 : index
          %get3A_300 = tpu.vector_load %arg12[%get3A_298, %get3A_299] {strides = array<i32>} : memref<64x128xf32, #tpu.memory_space<vmem>>, vector<16xf32>,
          %max3A = arith.maximumf %get3A_297, %get3A_300 : vector<16xf32>
          %swap3A_301 = arith.index_cast %while3A_285 : i32 to index
          %swap3A_302 = arith.constant 0 : index
          %swap3A_303 = tpu.vector_load %arg13[%swap3A_301, %swap3A_302] {strides = array<i32>} : memref<160x128xf32, #tpu.memory_space<vmem>>, vector<16xf32>,
          tpu.vector_store %arg13[%swap3A_301, %swap3A_302], %max3A {strides = array<i32>} : memref<160x128xf32, #tpu.memory_space<vmem>>, vector<16xf32>,
          %get3A_304 = arith.index_cast %while3A_285 : i32 to index
          %get3A_305 = arith.constant 16 : index
          %get3A_306 = tpu.vector_load %arg13[%get3A_304, %get3A_305] {strides = array<i32>} : memref<160x128xf32, #tpu.memory_space<vmem>>, vector<16xf32>,
          %get3A_307 = arith.index_cast %while3A_284 : i32 to index
          %get3A_308 = arith.constant 16 : index
          %get3A_309 = tpu.vector_load %arg12[%get3A_307, %get3A_308] {strides = array<i32>} : memref<64x128xf32, #tpu.memory_space<vmem>>, vector<16xf32>,
          %max3A_310 = arith.maximumf %get3A_306, %get3A_309 : vector<16xf32>
          %swap3A_311 = arith.index_cast %while3A_285 : i32 to index
          %swap3A_312 = arith.constant 16 : index
          %swap3A_313 = tpu.vector_load %arg13[%swap3A_311, %swap3A_312] {strides = array<i32>} : memref<160x128xf32, #tpu.memory_space<vmem>>, vector<16xf32>,
          tpu.vector_store %arg13[%swap3A_311, %swap3A_312], %max3A_310 {strides = array<i32>} : memref<160x128xf32, #tpu.memory_space<vmem>>, vector<16xf32>,
          %get3A_314 = arith.index_cast %while3A_285 : i32 to index
          %get3A_315 = arith.constant 32 : index
          %get3A_316 = tpu.vector_load %arg13[%get3A_314, %get3A_315] {strides = array<i32>} : memref<160x128xf32, #tpu.memory_space<vmem>>, vector<16xf32>,
          %get3A_317 = arith.index_cast %while3A_284 : i32 to index
          %get3A_318 = arith.constant 32 : index
          %get3A_319 = tpu.vector_load %arg12[%get3A_317, %get3A_318] {strides = array<i32>} : memref<64x128xf32, #tpu.memory_space<vmem>>, vector<16xf32>,
          %max3A_320 = arith.maximumf %get3A_316, %get3A_319 : vector<16xf32>
          %swap3A_321 = arith.index_cast %while3A_285 : i32 to index
          %swap3A_322 = arith.constant 32 : index
          %swap3A_323 = tpu.vector_load %arg13[%swap3A_321, %swap3A_322] {strides = array<i32>} : memref<160x128xf32, #tpu.memory_space<vmem>>, vector<16xf32>,
          tpu.vector_store %arg13[%swap3A_321, %swap3A_322], %max3A_320 {strides = array<i32>} : memref<160x128xf32, #tpu.memory_space<vmem>>, vector<16xf32>,
          %get3A_324 = arith.index_cast %while3A_285 : i32 to index
          %get3A_325 = arith.constant 48 : index
          %get3A_326 = tpu.vector_load %arg13[%get3A_324, %get3A_325] {strides = array<i32>} : memref<160x128xf32, #tpu.memory_space<vmem>>, vector<16xf32>,
          %get3A_327 = arith.index_cast %while3A_284 : i32 to index
          %get3A_328 = arith.constant 48 : index
          %get3A_329 = tpu.vector_load %arg12[%get3A_327, %get3A_328] {strides = array<i32>} : memref<64x128xf32, #tpu.memory_space<vmem>>, vector<16xf32>,
          %max3A_330 = arith.maximumf %get3A_326, %get3A_329 : vector<16xf32>
          %swap3A_331 = arith.index_cast %while3A_285 : i32 to index
          %swap3A_332 = arith.constant 48 : index
          %swap3A_333 = tpu.vector_load %arg13[%swap3A_331, %swap3A_332] {strides = array<i32>} : memref<160x128xf32, #tpu.memory_space<vmem>>, vector<16xf32>,
          tpu.vector_store %arg13[%swap3A_331, %swap3A_332], %max3A_330 {strides = array<i32>} : memref<160x128xf32, #tpu.memory_space<vmem>>, vector<16xf32>,
          %get3A_334 = arith.index_cast %while3A_285 : i32 to index
          %get3A_335 = arith.constant 64 : index
          %get3A_336 = tpu.vector_load %arg13[%get3A_334, %get3A_335] {strides = array<i32>} : memref<160x128xf32, #tpu.memory_space<vmem>>, vector<16xf32>,
          %get3A_337 = arith.index_cast %while3A_284 : i32 to index
          %get3A_338 = arith.constant 64 : index
          %get3A_339 = tpu.vector_load %arg12[%get3A_337, %get3A_338] {strides = array<i32>} : memref<64x128xf32, #tpu.memory_space<vmem>>, vector<16xf32>,
          %max3A_340 = arith.maximumf %get3A_336, %get3A_339 : vector<16xf32>
          %swap3A_341 = arith.index_cast %while3A_285 : i32 to index
          %swap3A_342 = arith.constant 64 : index
          %swap3A_343 = tpu.vector_load %arg13[%swap3A_341, %swap3A_342] {strides = array<i32>} : memref<160x128xf32, #tpu.memory_space<vmem>>, vector<16xf32>,
          tpu.vector_store %arg13[%swap3A_341, %swap3A_342], %max3A_340 {strides = array<i32>} : memref<160x128xf32, #tpu.memory_space<vmem>>, vector<16xf32>,
          %get3A_344 = arith.index_cast %while3A_285 : i32 to index
          %get3A_345 = arith.constant 80 : index
          %get3A_346 = tpu.vector_load %arg13[%get3A_344, %get3A_345] {strides = array<i32>} : memref<160x128xf32, #tpu.memory_space<vmem>>, vector<16xf32>,
          %get3A_347 = arith.index_cast %while3A_284 : i32 to index
          %get3A_348 = arith.constant 80 : index
          %get3A_349 = tpu.vector_load %arg12[%get3A_347, %get3A_348] {strides = array<i32>} : memref<64x128xf32, #tpu.memory_space<vmem>>, vector<16xf32>,
          %max3A_350 = arith.maximumf %get3A_346, %get3A_349 : vector<16xf32>
          %swap3A_351 = arith.index_cast %while3A_285 : i32 to index
          %swap3A_352 = arith.constant 80 : index
          %swap3A_353 = tpu.vector_load %arg13[%swap3A_351, %swap3A_352] {strides = array<i32>} : memref<160x128xf32, #tpu.memory_space<vmem>>, vector<16xf32>,
          tpu.vector_store %arg13[%swap3A_351, %swap3A_352], %max3A_350 {strides = array<i32>} : memref<160x128xf32, #tpu.memory_space<vmem>>, vector<16xf32>,
          %get3A_354 = arith.index_cast %while3A_285 : i32 to index
          %get3A_355 = arith.constant 96 : index
          %get3A_356 = tpu.vector_load %arg13[%get3A_354, %get3A_355] {strides = array<i32>} : memref<160x128xf32, #tpu.memory_space<vmem>>, vector<16xf32>,
          %get3A_357 = arith.index_cast %while3A_284 : i32 to index
          %get3A_358 = arith.constant 96 : index
          %get3A_359 = tpu.vector_load %arg12[%get3A_357, %get3A_358] {strides = array<i32>} : memref<64x128xf32, #tpu.memory_space<vmem>>, vector<16xf32>,
          %max3A_360 = arith.maximumf %get3A_356, %get3A_359 : vector<16xf32>
          %swap3A_361 = arith.index_cast %while3A_285 : i32 to index
          %swap3A_362 = arith.constant 96 : index
          %swap3A_363 = tpu.vector_load %arg13[%swap3A_361, %swap3A_362] {strides = array<i32>} : memref<160x128xf32, #tpu.memory_space<vmem>>, vector<16xf32>,
          tpu.vector_store %arg13[%swap3A_361, %swap3A_362], %max3A_360 {strides = array<i32>} : memref<160x128xf32, #tpu.memory_space<vmem>>, vector<16xf32>,
          %get3A_364 = arith.index_cast %while3A_285 : i32 to index
          %get3A_365 = arith.constant 112 : index
          %get3A_366 = tpu.vector_load %arg13[%get3A_364, %get3A_365] {strides = array<i32>} : memref<160x128xf32, #tpu.memory_space<vmem>>, vector<16xf32>,
          %get3A_367 = arith.index_cast %while3A_284 : i32 to index
          %get3A_368 = arith.constant 112 : index
          %get3A_369 = tpu.vector_load %arg12[%get3A_367, %get3A_368] {strides = array<i32>} : memref<64x128xf32, #tpu.memory_space<vmem>>, vector<16xf32>,
          %max3A_370 = arith.maximumf %get3A_366, %get3A_369 : vector<16xf32>
          %swap3A_371 = arith.index_cast %while3A_285 : i32 to index
          %swap3A_372 = arith.constant 112 : index
          %swap3A_373 = tpu.vector_load %arg13[%swap3A_371, %swap3A_372] {strides = array<i32>} : memref<160x128xf32, #tpu.memory_space<vmem>>, vector<16xf32>,
          tpu.vector_store %arg13[%swap3A_371, %swap3A_372], %max3A_370 {strides = array<i32>} : memref<160x128xf32, #tpu.memory_space<vmem>>, vector<16xf32>,
          scf.yield %squeeze3A_294 : i32
        }
        %while3A_282 = arith.constant 1 : i32
        %while3A_283 = scf.for %while3A_284 = %while3A_279 to %while3A_275 step %while3A_282 iter_args(%while3A_285 = %while3A_281) -> (i32)  : i32 {
          %mul3A_286 = arith.constant 64 : i32
          %mul3A_287 = arith.muli %while3A_253, %mul3A_286 : i32
          %add3A_288 = arith.addi %mul3A_287, %while3A_284 : i32
          %add3A_289 = arith.constant 1 : i32
          %add3A_290 = arith.addi %add3A_288, %add3A_289 : i32
          %get3A_291 = arith.index_cast %add3A_290 : i32 to index
          %get3A_292 = tpu.vector_load %arg11[%get3A_291] {strides = array<i32>} : memref<2016xi32, #tpu.memory_space<vmem>>, vector<16xi32>,
          %slice3A_293 = vector.extract_strided_slice %get3A_292 {offsets = [0], sizes = [1], strides = [1]} : vector<16xi32> to vector<1xi32>
          %squeeze3A_294 = vector.extract %slice3A_293[0] : i32 from vector<1xi32>
          %get3A_295 = arith.index_cast %while3A_285 : i32 to index
          %get3A_296 = arith.constant 0 : index
          %get3A_297 = tpu.vector_load %arg13[%get3A_295, %get3A_296] {strides = array<i32>} : memref<160x128xf32, #tpu.memory_space<vmem>>, vector<16xf32>,
          %get3A_298 = arith.index_cast %while3A_284 : i32 to index
          %get3A_299 = arith.constant 0 : index
          %get3A_300 = tpu.vector_load %arg12[%get3A_298, %get3A_299] {strides = array<i32>} : memref<64x128xf32, #tpu.memory_space<vmem>>, vector<16xf32>,
          %max3A = arith.maximumf %get3A_297, %get3A_300 : vector<16xf32>
          %swap3A_301 = arith.index_cast %while3A_285 : i32 to index
          %swap3A_302 = arith.constant 0 : index
          %swap3A_303 = tpu.vector_load %arg13[%swap3A_301, %swap3A_302] {strides = array<i32>} : memref<160x128xf32, #tpu.memory_space<vmem>>, vector<16xf32>,
          tpu.vector_store %arg13[%swap3A_301, %swap3A_302], %max3A {strides = array<i32>} : memref<160x128xf32, #tpu.memory_space<vmem>>, vector<16xf32>,
          %get3A_304 = arith.index_cast %while3A_285 : i32 to index
          %get3A_305 = arith.constant 16 : index
          %get3A_306 = tpu.vector_load %arg13[%get3A_304, %get3A_305] {strides = array<i32>} : memref<160x128xf32, #tpu.memory_space<vmem>>, vector<16xf32>,
          %get3A_307 = arith.index_cast %while3A_284 : i32 to index
          %get3A_308 = arith.constant 16 : index
          %get3A_309 = tpu.vector_load %arg12[%get3A_307, %get3A_308] {strides = array<i32>} : memref<64x128xf32, #tpu.memory_space<vmem>>, vector<16xf32>,
          %max3A_310 = arith.maximumf %get3A_306, %get3A_309 : vector<16xf32>
          %swap3A_311 = arith.index_cast %while3A_285 : i32 to index
          %swap3A_312 = arith.constant 16 : index
          %swap3A_313 = tpu.vector_load %arg13[%swap3A_311, %swap3A_312] {strides = array<i32>} : memref<160x128xf32, #tpu.memory_space<vmem>>, vector<16xf32>,
          tpu.vector_store %arg13[%swap3A_311, %swap3A_312], %max3A_310 {strides = array<i32>} : memref<160x128xf32, #tpu.memory_space<vmem>>, vector<16xf32>,
          %get3A_314 = arith.index_cast %while3A_285 : i32 to index
          %get3A_315 = arith.constant 32 : index
          %get3A_316 = tpu.vector_load %arg13[%get3A_314, %get3A_315] {strides = array<i32>} : memref<160x128xf32, #tpu.memory_space<vmem>>, vector<16xf32>,
          %get3A_317 = arith.index_cast %while3A_284 : i32 to index
          %get3A_318 = arith.constant 32 : index
          %get3A_319 = tpu.vector_load %arg12[%get3A_317, %get3A_318] {strides = array<i32>} : memref<64x128xf32, #tpu.memory_space<vmem>>, vector<16xf32>,
          %max3A_320 = arith.maximumf %get3A_316, %get3A_319 : vector<16xf32>
          %swap3A_321 = arith.index_cast %while3A_285 : i32 to index
          %swap3A_322 = arith.constant 32 : index
          %swap3A_323 = tpu.vector_load %arg13[%swap3A_321, %swap3A_322] {strides = array<i32>} : memref<160x128xf32, #tpu.memory_space<vmem>>, vector<16xf32>,
          tpu.vector_store %arg13[%swap3A_321, %swap3A_322], %max3A_320 {strides = array<i32>} : memref<160x128xf32, #tpu.memory_space<vmem>>, vector<16xf32>,
          %get3A_324 = arith.index_cast %while3A_285 : i32 to index
          %get3A_325 = arith.constant 48 : index
          %get3A_326 = tpu.vector_load %arg13[%get3A_324, %get3A_325] {strides = array<i32>} : memref<160x128xf32, #tpu.memory_space<vmem>>, vector<16xf32>,
          %get3A_327 = arith.index_cast %while3A_284 : i32 to index
          %get3A_328 = arith.constant 48 : index
          %get3A_329 = tpu.vector_load %arg12[%get3A_327, %get3A_328] {strides = array<i32>} : memref<64x128xf32, #tpu.memory_space<vmem>>, vector<16xf32>,
          %max3A_330 = arith.maximumf %get3A_326, %get3A_329 : vector<16xf32>
          %swap3A_331 = arith.index_cast %while3A_285 : i32 to index
          %swap3A_332 = arith.constant 48 : index
          %swap3A_333 = tpu.vector_load %arg13[%swap3A_331, %swap3A_332] {strides = array<i32>} : memref<160x128xf32, #tpu.memory_space<vmem>>, vector<16xf32>,
          tpu.vector_store %arg13[%swap3A_331, %swap3A_332], %max3A_330 {strides = array<i32>} : memref<160x128xf32, #tpu.memory_space<vmem>>, vector<16xf32>,
          %get3A_334 = arith.index_cast %while3A_285 : i32 to index
          %get3A_335 = arith.constant 64 : index
          %get3A_336 = tpu.vector_load %arg13[%get3A_334, %get3A_335] {strides = array<i32>} : memref<160x128xf32, #tpu.memory_space<vmem>>, vector<16xf32>,
          %get3A_337 = arith.index_cast %while3A_284 : i32 to index
          %get3A_338 = arith.constant 64 : index
          %get3A_339 = tpu.vector_load %arg12[%get3A_337, %get3A_338] {strides = array<i32>} : memref<64x128xf32, #tpu.memory_space<vmem>>, vector<16xf32>,
          %max3A_340 = arith.maximumf %get3A_336, %get3A_339 : vector<16xf32>
          %swap3A_341 = arith.index_cast %while3A_285 : i32 to index
          %swap3A_342 = arith.constant 64 : index
          %swap3A_343 = tpu.vector_load %arg13[%swap3A_341, %swap3A_342] {strides = array<i32>} : memref<160x128xf32, #tpu.memory_space<vmem>>, vector<16xf32>,
          tpu.vector_store %arg13[%swap3A_341, %swap3A_342], %max3A_340 {strides = array<i32>} : memref<160x128xf32, #tpu.memory_space<vmem>>, vector<16xf32>,
          %get3A_344 = arith.index_cast %while3A_285 : i32 to index
          %get3A_345 = arith.constant 80 : index
          %get3A_346 = tpu.vector_load %arg13[%get3A_344, %get3A_345] {strides = array<i32>} : memref<160x128xf32, #tpu.memory_space<vmem>>, vector<16xf32>,
          %get3A_347 = arith.index_cast %while3A_284 : i32 to index
          %get3A_348 = arith.constant 80 : index
          %get3A_349 = tpu.vector_load %arg12[%get3A_347, %get3A_348] {strides = array<i32>} : memref<64x128xf32, #tpu.memory_space<vmem>>, vector<16xf32>,
          %max3A_350 = arith.maximumf %get3A_346, %get3A_349 : vector<16xf32>
          %swap3A_351 = arith.index_cast %while3A_285 : i32 to index
          %swap3A_352 = arith.constant 80 : index
          %swap3A_353 = tpu.vector_load %arg13[%swap3A_351, %swap3A_352] {strides = array<i32>} : memref<160x128xf32, #tpu.memory_space<vmem>>, vector<16xf32>,
          tpu.vector_store %arg13[%swap3A_351, %swap3A_352], %max3A_350 {strides = array<i32>} : memref<160x128xf32, #tpu.memory_space<vmem>>, vector<16xf32>,
          %get3A_354 = arith.index_cast %while3A_285 : i32 to index
          %get3A_355 = arith.constant 96 : index
          %get3A_356 = tpu.vector_load %arg13[%get3A_354, %get3A_355] {strides = array<i32>} : memref<160x128xf32, #tpu.memory_space<vmem>>, vector<16xf32>,
          %get3A_357 = arith.index_cast %while3A_284 : i32 to index
          %get3A_358 = arith.constant 96 : index
          %get3A_359 = tpu.vector_load %arg12[%get3A_357, %get3A_358] {strides = array<i32>} : memref<64x128xf32, #tpu.memory_space<vmem>>, vector<16xf32>,
          %max3A_360 = arith.maximumf %get3A_356, %get3A_359 : vector<16xf32>
          %swap3A_361 = arith.index_cast %while3A_285 : i32 to index
          %swap3A_362 = arith.constant 96 : index
          %swap3A_363 = tpu.vector_load %arg13[%swap3A_361, %swap3A_362] {strides = array<i32>} : memref<160x128xf32, #tpu.memory_space<vmem>>, vector<16xf32>,
          tpu.vector_store %arg13[%swap3A_361, %swap3A_362], %max3A_360 {strides = array<i32>} : memref<160x128xf32, #tpu.memory_space<vmem>>, vector<16xf32>,
          %get3A_364 = arith.index_cast %while3A_285 : i32 to index
          %get3A_365 = arith.constant 112 : index
          %get3A_366 = tpu.vector_load %arg13[%get3A_364, %get3A_365] {strides = array<i32>} : memref<160x128xf32, #tpu.memory_space<vmem>>, vector<16xf32>,
          %get3A_367 = arith.index_cast %while3A_284 : i32 to index
          %get3A_368 = arith.constant 112 : index
          %get3A_369 = tpu.vector_load %arg12[%get3A_367, %get3A_368] {strides = array<i32>} : memref<64x128xf32, #tpu.memory_space<vmem>>, vector<16xf32>,
          %max3A_370 = arith.maximumf %get3A_366, %get3A_369 : vector<16xf32>
          %swap3A_371 = arith.index_cast %while3A_285 : i32 to index
          %swap3A_372 = arith.constant 112 : index
          %swap3A_373 = tpu.vector_load %arg13[%swap3A_371, %swap3A_372] {strides = array<i32>} : memref<160x128xf32, #tpu.memory_space<vmem>>, vector<16xf32>,
          tpu.vector_store %arg13[%swap3A_371, %swap3A_372], %max3A_370 {strides = array<i32>} : memref<160x128xf32, #tpu.memory_space<vmem>>, vector<16xf32>,
          scf.yield %squeeze3A_294 : i32
        }
      }
      %mul3A_166 = arith.constant 2 : i32
      %mul3A_167 = arith.muli %mul3A_166, %scan3A_106 : i32
      %add3A_168 = arith.constant 2 : i32
      %add3A_169 = arith.addi %mul3A_167, %add3A_168 : i32
      %lt3A = arith.constant 160 : i32
      %lt3A_170 = arith.cmpi slt, %add3A_169, %lt3A : i32
      %convert_element_type3A = arith.extui %lt3A_170 : i1 to i32
      %cond3A = arith.constant 0 : i32
      %cond3A_171 = arith.cmpi ne, %convert_element_type3A, %cond3A : i32
      scf.if %cond3A_171 {
        %mul3A_253 = arith.constant 2 : i32
        %mul3A_254 = arith.muli %mul3A_253, %scan3A_106 : i32
        %add3A_255 = arith.constant 2 : i32
        %add3A_256 = arith.addi %mul3A_254, %add3A_255 : i32
        %mul3A_257 = arith.constant 2000 : i32
        %mul3A_258 = arith.muli %add3A_256, %mul3A_257 : i32
        %dma_start3A_259 = tpu.memref_slice %arg3[%mul3A_258] : memref<320000xi32, #tpu.memory_space<hbm>> -> memref<2000xi32, #tpu.memory_space<hbm>>
        %dma_start3A_260 = tpu.memref_slice %arg3[%mul3A_258] : memref<320000xi32, #tpu.memory_space<hbm>> -> memref<2000xi32, #tpu.memory_space<hbm>>
        tpu.enqueue_dma source(%dma_start3A_260 : memref<2000xi32, #tpu.memory_space<hbm>>) target(%arg6 : memref<2000xi32, #tpu.memory_space<vmem>>) target_semaphore(%arg16 : memref<!tpu.dma_semaphore, #tpu.memory_space<semaphore_mem>>)
        %dma_start3A_261 = tpu.memref_slice %arg4[%mul3A_258] : memref<320000xi32, #tpu.memory_space<hbm>> -> memref<2000xi32, #tpu.memory_space<hbm>>
        %dma_start3A_262 = tpu.memref_slice %arg4[%mul3A_258] : memref<320000xi32, #tpu.memory_space<hbm>> -> memref<2000xi32, #tpu.memory_space<hbm>>
        tpu.enqueue_dma source(%dma_start3A_262 : memref<2000xi32, #tpu.memory_space<hbm>>) target(%arg7 : memref<2000xi32, #tpu.memory_space<vmem>>) target_semaphore(%arg16 : memref<!tpu.dma_semaphore, #tpu.memory_space<semaphore_mem>>)
      } else {
      }
      %dma_wait3A_172 = arith.constant 0 : i32
      %dma_wait3A_173 = tpu.memref_slice %arg3[%dma_wait3A_172] : memref<320000xi32, #tpu.memory_space<hbm>> -> memref<2000xi32, #tpu.memory_space<hbm>>
      %dma_wait3A_174 = arith.constant 0 : i32
      %dma_wait3A_175 = tpu.memref_slice %arg3[%dma_wait3A_174] : memref<320000xi32, #tpu.memory_space<hbm>> -> memref<2000xi32, #tpu.memory_space<hbm>>
      tpu.wait_dma2 semaphore(%arg15 : memref<!tpu.dma_semaphore, #tpu.memory_space<semaphore_mem>>) src(%dma_wait3A_175 : memref<2000xi32, #tpu.memory_space<hbm>>) dst(%arg8 : memref<2000xi32, #tpu.memory_space<vmem>>)
      %dma_wait3A_176 = arith.constant 0 : i32
      %dma_wait3A_177 = tpu.memref_slice %arg4[%dma_wait3A_176] : memref<320000xi32, #tpu.memory_space<hbm>> -> memref<2000xi32, #tpu.memory_space<hbm>>
      %dma_wait3A_178 = arith.constant 0 : i32
      %dma_wait3A_179 = tpu.memref_slice %arg4[%dma_wait3A_178] : memref<320000xi32, #tpu.memory_space<hbm>> -> memref<2000xi32, #tpu.memory_space<hbm>>
      tpu.wait_dma2 semaphore(%arg15 : memref<!tpu.dma_semaphore, #tpu.memory_space<semaphore_mem>>) src(%dma_wait3A_179 : memref<2000xi32, #tpu.memory_space<hbm>>) dst(%arg9 : memref<2000xi32, #tpu.memory_space<vmem>>)
      %broadcast_in_dim3A_180 = arith.constant 0 : i32
      %broadcast_in_dim3A_181 = vector.broadcast %broadcast_in_dim3A_180 : i32 to vector<16xi32>
      %scan3A_182 = arith.constant 0 : i32
      %scan3A_183 = arith.constant 125 : i32
      %scan3A_184 = arith.addi %scan3A_182, %scan3A_183 : i32
      %scan3A_185 = arith.constant 1 : i32
      %scan3A_186 = scf.for %scan3A_253 = %scan3A_182 to %scan3A_184 step %scan3A_185 iter_args(%scan3A_254 = %broadcast_in_dim3A_181) -> (vector<16xi32>)  : i32 {
        %mul3A_255 = arith.constant 16 : i32
        %mul3A_256 = arith.muli %scan3A_253, %mul3A_255 : i32
        %get3A = arith.index_cast %mul3A_256 : i32 to index
        %get3A_257 = tpu.vector_load %arg9[%get3A] {strides = array<i32>} : memref<2000xi32, #tpu.memory_space<vmem>>, vector<16xi32>,
        %mul3A_258 = arith.constant 16 : i32
        %mul3A_259 = arith.muli %scan3A_253, %mul3A_258 : i32
        %get3A_260 = arith.index_cast %mul3A_259 : i32 to index
        %get3A_261 = tpu.vector_load %arg8[%get3A_260] {strides = array<i32>} : memref<2000xi32, #tpu.memory_space<vmem>>, vector<16xi32>,
        %ge3A = vector.broadcast %add3A_47 : i32 to vector<16xi32>
        %ge3A_262 = arith.cmpi sge, %get3A_257, %ge3A : vector<16xi32>
        %add3A_263 = arith.constant 160 : i32
        %add3A_264 = arith.addi %add3A_47, %add3A_263 : i32
        %lt3A_265 = vector.broadcast %add3A_264 : i32 to vector<16xi32>
        %lt3A_266 = arith.cmpi slt, %get3A_257, %lt3A_265 : vector<16xi32>
        %and3A_267 = arith.andi %ge3A_262, %lt3A_266 : vector<16xi1>
        %broadcast_in_dim3A_268 = arith.constant 1 : i32
        %broadcast_in_dim3A_269 = vector.broadcast %broadcast_in_dim3A_268 : i32 to vector<16xi32>
        %broadcast_in_dim3A_270 = arith.constant 0 : i32
        %broadcast_in_dim3A_271 = vector.broadcast %broadcast_in_dim3A_270 : i32 to vector<16xi32>
        %select_n3A_272 = arith.select %and3A_267, %broadcast_in_dim3A_269, %broadcast_in_dim3A_271 : vector<16xi1>, vector<16xi32>
        %broadcast_in_dim3A_273 = arith.constant true
        %broadcast_in_dim3A_274 = vector.broadcast %broadcast_in_dim3A_273 : i1 to vector<16xi1>
        %masked_cumsum3A = tpu.scan <sum>, %select_n3A_272 masked %broadcast_in_dim3A_274 : vector<16xi32>, vector<16xi1> -> vector<16xi32>
        %add3A_275 = arith.addi %scan3A_254, %masked_cumsum3A : vector<16xi32>
        %sub3A_276 = arith.constant 1 : i32
        %sub3A_277 = vector.broadcast %sub3A_276 : i32 to vector<16xi32>
        %sub3A_278 = arith.subi %add3A_275, %sub3A_277 : vector<16xi32>
        %sub3A_279 = vector.broadcast %add3A_47 : i32 to vector<16xi32>
        %sub3A_280 = arith.subi %get3A_257, %sub3A_279 : vector<16xi32>
        tpu.vector_store_idx %arg11[%sub3A_278], %sub3A_280 masked %and3A_267 : memref<2016xi32, #tpu.memory_space<vmem>>[vector<16xi32>], vector<16xi32>, vector<16xi1>
        tpu.vector_store_idx %arg10[%sub3A_278], %get3A_261 masked %and3A_267 : memref<2064xi32, #tpu.memory_space<vmem>>[vector<16xi32>], vector<16xi32>, vector<16xi1>
        %all_reduce_population_count3A = tpu.all_reduce %and3A_267 {dim = 0 : i64, kind = #tpu.reduction_kind<sum>} : vector<16xi1> -> vector<16xi32>
        %add3A_281 = arith.addi %scan3A_254, %all_reduce_population_count3A : vector<16xi32>
        scf.yield %add3A_281 : vector<16xi32>
      }
      %scan3A_187 = arith.constant 125 : i32
      %slice3A_188 = vector.extract_strided_slice %scan3A_186 {offsets = [0], sizes = [1], strides = [1]} : vector<16xi32> to vector<1xi32>
      %squeeze3A_189 = vector.extract %slice3A_188[0] : i32 from vector<1xi32>
      %add3A_190 = arith.constant 0 : i32
      %add3A_191 = arith.addi %squeeze3A_189, %add3A_190 : i32
      %swap3A_192 = arith.index_cast %add3A_191 : i32 to index
      %swap3A_193 = tpu.vector_load %arg10[%swap3A_192] {strides = array<i32>} : memref<2064xi32, #tpu.memory_space<vmem>>, vector<16xi32>,
      tpu.vector_store %arg10[%swap3A_192], %broadcast_in_dim3A_43 {strides = array<i32>} : memref<2064xi32, #tpu.memory_space<vmem>>, vector<16xi32>,
      %add3A_194 = arith.constant 16 : i32
      %add3A_195 = arith.addi %squeeze3A_189, %add3A_194 : i32
      %swap3A_196 = arith.index_cast %add3A_195 : i32 to index
      %swap3A_197 = tpu.vector_load %arg10[%swap3A_196] {strides = array<i32>} : memref<2064xi32, #tpu.memory_space<vmem>>, vector<16xi32>,
      tpu.vector_store %arg10[%swap3A_196], %broadcast_in_dim3A_43 {strides = array<i32>} : memref<2064xi32, #tpu.memory_space<vmem>>, vector<16xi32>,
      %add3A_198 = arith.constant 32 : i32
      %add3A_199 = arith.addi %squeeze3A_189, %add3A_198 : i32
      %swap3A_200 = arith.index_cast %add3A_199 : i32 to index
      %swap3A_201 = tpu.vector_load %arg10[%swap3A_200] {strides = array<i32>} : memref<2064xi32, #tpu.memory_space<vmem>>, vector<16xi32>,
      tpu.vector_store %arg10[%swap3A_200], %broadcast_in_dim3A_43 {strides = array<i32>} : memref<2064xi32, #tpu.memory_space<vmem>>, vector<16xi32>,
      %add3A_202 = arith.constant 48 : i32
      %add3A_203 = arith.addi %squeeze3A_189, %add3A_202 : i32
      %swap3A_204 = arith.index_cast %add3A_203 : i32 to index
      %swap3A_205 = tpu.vector_load %arg10[%swap3A_204] {strides = array<i32>} : memref<2064xi32, #tpu.memory_space<vmem>>, vector<16xi32>,
      tpu.vector_store %arg10[%swap3A_204], %broadcast_in_dim3A_43 {strides = array<i32>} : memref<2064xi32, #tpu.memory_space<vmem>>, vector<16xi32>,
      %add3A_206 = arith.constant 64 : i32
      %add3A_207 = arith.addi %squeeze3A_189, %add3A_206 : i32
      %sub3A_208 = arith.constant 1 : i32
      %sub3A_209 = arith.subi %add3A_207, %sub3A_208 : i32
      %jit3A_210 = arith.constant 64 : i32
      %div3A_211 = arith.divsi %sub3A_209, %jit3A_210 : i32
      %sign3A_212 = arith.constant 0 : i32
      %sign3A_213 = arith.cmpi sgt, %sub3A_209, %sign3A_212 : i32
      %sign3A_214 = arith.extui %sign3A_213 : i1 to i32
      %sign3A_215 = arith.constant 0 : i32
      %sign3A_216 = arith.cmpi slt, %sub3A_209, %sign3A_215 : i32
      %sign3A_217 = arith.extui %sign3A_216 : i1 to i32
      %sign3A_218 = arith.subi %sign3A_214, %sign3A_217 : i32
      %sign3A_219 = arith.constant 0 : i32
      %sign3A_220 = arith.cmpi sgt, %jit3A_210, %sign3A_219 : i32
      %sign3A_221 = arith.extui %sign3A_220 : i1 to i32
      %sign3A_222 = arith.constant 0 : i32
      %sign3A_223 = arith.cmpi slt, %jit3A_210, %sign3A_222 : i32
      %sign3A_224 = arith.extui %sign3A_223 : i1 to i32
      %sign3A_225 = arith.subi %sign3A_221, %sign3A_224 : i32
      %ne3A_226 = arith.cmpi ne, %sign3A_218, %sign3A_225 : i32
      %rem3A_227 = arith.remsi %sub3A_209, %jit3A_210 : i32
      %ne3A_228 = arith.constant 0 : i32
      %ne3A_229 = arith.cmpi ne, %rem3A_227, %ne3A_228 : i32
      %and3A_230 = arith.andi %ne3A_226, %ne3A_229 : i1
      %sub3A_231 = arith.constant 1 : i32
      %sub3A_232 = arith.subi %div3A_211, %sub3A_231 : i32
      %select_n3A_233 = arith.select %and3A_230, %sub3A_232, %div3A_211 : i32
      %while3A_234 = arith.constant 0 : i32
      %while3A_235 = arith.constant 0 : i32
      %while3A_236 = arith.subi %select_n3A_233, %while3A_235 : i32
      %while3A_237 = arith.addi %while3A_235, %while3A_236 : i32
      %while3A_238 = arith.constant 1 : i32
      %while3A_239 = arith.divsi %while3A_236, %while3A_238 : i32
      %while3A_240 = arith.muli %while3A_239, %while3A_238 : i32
      %while3A_241 = arith.addi %while3A_235, %while3A_240 : i32
      %while3A_242 = arith.constant 1 : i32
      scf.for %while3A_253 = %while3A_235 to %while3A_241 step %while3A_242  : i32 {
        %mul3A_254 = arith.constant 64 : i32
        %mul3A_255 = arith.muli %while3A_253, %mul3A_254 : i32
        %dma_start3A_256 = tpu.memref_slice %arg10[%mul3A_255] : memref<2064xi32, #tpu.memory_space<vmem>> -> memref<64xi32, #tpu.memory_space<vmem>>
        %dma_start3A_257 = arith.constant 0 : i32
        %dma_start3A_258 = arith.constant 0 : i32
        %dma_start3A_259 = tpu.memref_slice %arg14[%dma_start3A_257, %dma_start3A_258] : memref<10240x128xf32, #tpu.memory_space<vmem_shared>> -> memref<10240x128xf32, #tpu.memory_space<vmem_shared>>
        tpu.enqueue_indirect_dma source(%dma_start3A_259 : memref<10240x128xf32, #tpu.memory_space<vmem_shared>>) target(%arg12 : memref<64x128xf32, #tpu.memory_space<vmem>>) offsets(%dma_start3A_256 : memref<64xi32, #tpu.memory_space<vmem>>) semaphore(%arg17 : memref<!tpu.dma_semaphore, #tpu.memory_space<semaphore_mem>>)
        %dma_wait3A_260 = tpu.memref_slice %arg10[%mul3A_255] : memref<2064xi32, #tpu.memory_space<vmem>> -> memref<64xi32, #tpu.memory_space<vmem>>
        %dma_wait3A_261 = arith.constant 0 : i32
        %dma_wait3A_262 = arith.constant 0 : i32
        %dma_wait3A_263 = tpu.memref_slice %arg14[%dma_wait3A_261, %dma_wait3A_262] : memref<10240x128xf32, #tpu.memory_space<vmem_shared>> -> memref<10240x128xf32, #tpu.memory_space<vmem_shared>>
        tpu.wait_indirect_dma semaphore(%arg17 : memref<!tpu.dma_semaphore, #tpu.memory_space<semaphore_mem>>) src(%dma_wait3A_263 : memref<10240x128xf32, #tpu.memory_space<vmem_shared>>) dst(%arg12 : memref<64x128xf32, #tpu.memory_space<vmem>>)
        %mul3A_264 = arith.constant 64 : i32
        %mul3A_265 = arith.muli %while3A_253, %mul3A_264 : i32
        %sub3A_266 = arith.subi %squeeze3A_189, %mul3A_265 : i32
        %min3A = arith.constant 64 : i32
        %min3A_267 = arith.minsi %min3A, %sub3A_266 : i32
        %mul3A_268 = arith.constant 64 : i32
        %mul3A_269 = arith.muli %while3A_253, %mul3A_268 : i32
        %get3A = arith.index_cast %mul3A_269 : i32 to index
        %get3A_270 = tpu.vector_load %arg11[%get3A] {strides = array<i32>} : memref<2016xi32, #tpu.memory_space<vmem>>, vector<16xi32>,
        %slice3A_271 = vector.extract_strided_slice %get3A_270 {offsets = [0], sizes = [1], strides = [1]} : vector<16xi32> to vector<1xi32>
        %squeeze3A_272 = vector.extract %slice3A_271[0] : i32 from vector<1xi32>
        %while3A_273 = arith.constant 0 : i32
        %while3A_274 = arith.subi %min3A_267, %while3A_273 : i32
        %while3A_275 = arith.addi %while3A_273, %while3A_274 : i32
        %while3A_276 = arith.constant 1 : i32
        %while3A_277 = arith.divsi %while3A_274, %while3A_276 : i32
        %while3A_278 = arith.muli %while3A_277, %while3A_276 : i32
        %while3A_279 = arith.addi %while3A_273, %while3A_278 : i32
        %while3A_280 = arith.constant 1 : i32
        %while3A_281 = scf.for %while3A_284 = %while3A_273 to %while3A_279 step %while3A_280 iter_args(%while3A_285 = %squeeze3A_272) -> (i32)  : i32 {
          %mul3A_286 = arith.constant 64 : i32
          %mul3A_287 = arith.muli %while3A_253, %mul3A_286 : i32
          %add3A_288 = arith.addi %mul3A_287, %while3A_284 : i32
          %add3A_289 = arith.constant 1 : i32
          %add3A_290 = arith.addi %add3A_288, %add3A_289 : i32
          %get3A_291 = arith.index_cast %add3A_290 : i32 to index
          %get3A_292 = tpu.vector_load %arg11[%get3A_291] {strides = array<i32>} : memref<2016xi32, #tpu.memory_space<vmem>>, vector<16xi32>,
          %slice3A_293 = vector.extract_strided_slice %get3A_292 {offsets = [0], sizes = [1], strides = [1]} : vector<16xi32> to vector<1xi32>
          %squeeze3A_294 = vector.extract %slice3A_293[0] : i32 from vector<1xi32>
          %get3A_295 = arith.index_cast %while3A_285 : i32 to index
          %get3A_296 = arith.constant 0 : index
          %get3A_297 = tpu.vector_load %arg13[%get3A_295, %get3A_296] {strides = array<i32>} : memref<160x128xf32, #tpu.memory_space<vmem>>, vector<16xf32>,
          %get3A_298 = arith.index_cast %while3A_284 : i32 to index
          %get3A_299 = arith.constant 0 : index
          %get3A_300 = tpu.vector_load %arg12[%get3A_298, %get3A_299] {strides = array<i32>} : memref<64x128xf32, #tpu.memory_space<vmem>>, vector<16xf32>,
          %max3A = arith.maximumf %get3A_297, %get3A_300 : vector<16xf32>
          %swap3A_301 = arith.index_cast %while3A_285 : i32 to index
          %swap3A_302 = arith.constant 0 : index
          %swap3A_303 = tpu.vector_load %arg13[%swap3A_301, %swap3A_302] {strides = array<i32>} : memref<160x128xf32, #tpu.memory_space<vmem>>, vector<16xf32>,
          tpu.vector_store %arg13[%swap3A_301, %swap3A_302], %max3A {strides = array<i32>} : memref<160x128xf32, #tpu.memory_space<vmem>>, vector<16xf32>,
          %get3A_304 = arith.index_cast %while3A_285 : i32 to index
          %get3A_305 = arith.constant 16 : index
          %get3A_306 = tpu.vector_load %arg13[%get3A_304, %get3A_305] {strides = array<i32>} : memref<160x128xf32, #tpu.memory_space<vmem>>, vector<16xf32>,
          %get3A_307 = arith.index_cast %while3A_284 : i32 to index
          %get3A_308 = arith.constant 16 : index
          %get3A_309 = tpu.vector_load %arg12[%get3A_307, %get3A_308] {strides = array<i32>} : memref<64x128xf32, #tpu.memory_space<vmem>>, vector<16xf32>,
          %max3A_310 = arith.maximumf %get3A_306, %get3A_309 : vector<16xf32>
          %swap3A_311 = arith.index_cast %while3A_285 : i32 to index
          %swap3A_312 = arith.constant 16 : index
          %swap3A_313 = tpu.vector_load %arg13[%swap3A_311, %swap3A_312] {strides = array<i32>} : memref<160x128xf32, #tpu.memory_space<vmem>>, vector<16xf32>,
          tpu.vector_store %arg13[%swap3A_311, %swap3A_312], %max3A_310 {strides = array<i32>} : memref<160x128xf32, #tpu.memory_space<vmem>>, vector<16xf32>,
          %get3A_314 = arith.index_cast %while3A_285 : i32 to index
          %get3A_315 = arith.constant 32 : index
          %get3A_316 = tpu.vector_load %arg13[%get3A_314, %get3A_315] {strides = array<i32>} : memref<160x128xf32, #tpu.memory_space<vmem>>, vector<16xf32>,
          %get3A_317 = arith.index_cast %while3A_284 : i32 to index
          %get3A_318 = arith.constant 32 : index
          %get3A_319 = tpu.vector_load %arg12[%get3A_317, %get3A_318] {strides = array<i32>} : memref<64x128xf32, #tpu.memory_space<vmem>>, vector<16xf32>,
          %max3A_320 = arith.maximumf %get3A_316, %get3A_319 : vector<16xf32>
          %swap3A_321 = arith.index_cast %while3A_285 : i32 to index
          %swap3A_322 = arith.constant 32 : index
          %swap3A_323 = tpu.vector_load %arg13[%swap3A_321, %swap3A_322] {strides = array<i32>} : memref<160x128xf32, #tpu.memory_space<vmem>>, vector<16xf32>,
          tpu.vector_store %arg13[%swap3A_321, %swap3A_322], %max3A_320 {strides = array<i32>} : memref<160x128xf32, #tpu.memory_space<vmem>>, vector<16xf32>,
          %get3A_324 = arith.index_cast %while3A_285 : i32 to index
          %get3A_325 = arith.constant 48 : index
          %get3A_326 = tpu.vector_load %arg13[%get3A_324, %get3A_325] {strides = array<i32>} : memref<160x128xf32, #tpu.memory_space<vmem>>, vector<16xf32>,
          %get3A_327 = arith.index_cast %while3A_284 : i32 to index
          %get3A_328 = arith.constant 48 : index
          %get3A_329 = tpu.vector_load %arg12[%get3A_327, %get3A_328] {strides = array<i32>} : memref<64x128xf32, #tpu.memory_space<vmem>>, vector<16xf32>,
          %max3A_330 = arith.maximumf %get3A_326, %get3A_329 : vector<16xf32>
          %swap3A_331 = arith.index_cast %while3A_285 : i32 to index
          %swap3A_332 = arith.constant 48 : index
          %swap3A_333 = tpu.vector_load %arg13[%swap3A_331, %swap3A_332] {strides = array<i32>} : memref<160x128xf32, #tpu.memory_space<vmem>>, vector<16xf32>,
          tpu.vector_store %arg13[%swap3A_331, %swap3A_332], %max3A_330 {strides = array<i32>} : memref<160x128xf32, #tpu.memory_space<vmem>>, vector<16xf32>,
          %get3A_334 = arith.index_cast %while3A_285 : i32 to index
          %get3A_335 = arith.constant 64 : index
          %get3A_336 = tpu.vector_load %arg13[%get3A_334, %get3A_335] {strides = array<i32>} : memref<160x128xf32, #tpu.memory_space<vmem>>, vector<16xf32>,
          %get3A_337 = arith.index_cast %while3A_284 : i32 to index
          %get3A_338 = arith.constant 64 : index
          %get3A_339 = tpu.vector_load %arg12[%get3A_337, %get3A_338] {strides = array<i32>} : memref<64x128xf32, #tpu.memory_space<vmem>>, vector<16xf32>,
          %max3A_340 = arith.maximumf %get3A_336, %get3A_339 : vector<16xf32>
          %swap3A_341 = arith.index_cast %while3A_285 : i32 to index
          %swap3A_342 = arith.constant 64 : index
          %swap3A_343 = tpu.vector_load %arg13[%swap3A_341, %swap3A_342] {strides = array<i32>} : memref<160x128xf32, #tpu.memory_space<vmem>>, vector<16xf32>,
          tpu.vector_store %arg13[%swap3A_341, %swap3A_342], %max3A_340 {strides = array<i32>} : memref<160x128xf32, #tpu.memory_space<vmem>>, vector<16xf32>,
          %get3A_344 = arith.index_cast %while3A_285 : i32 to index
          %get3A_345 = arith.constant 80 : index
          %get3A_346 = tpu.vector_load %arg13[%get3A_344, %get3A_345] {strides = array<i32>} : memref<160x128xf32, #tpu.memory_space<vmem>>, vector<16xf32>,
          %get3A_347 = arith.index_cast %while3A_284 : i32 to index
          %get3A_348 = arith.constant 80 : index
          %get3A_349 = tpu.vector_load %arg12[%get3A_347, %get3A_348] {strides = array<i32>} : memref<64x128xf32, #tpu.memory_space<vmem>>, vector<16xf32>,
          %max3A_350 = arith.maximumf %get3A_346, %get3A_349 : vector<16xf32>
          %swap3A_351 = arith.index_cast %while3A_285 : i32 to index
          %swap3A_352 = arith.constant 80 : index
          %swap3A_353 = tpu.vector_load %arg13[%swap3A_351, %swap3A_352] {strides = array<i32>} : memref<160x128xf32, #tpu.memory_space<vmem>>, vector<16xf32>,
          tpu.vector_store %arg13[%swap3A_351, %swap3A_352], %max3A_350 {strides = array<i32>} : memref<160x128xf32, #tpu.memory_space<vmem>>, vector<16xf32>,
          %get3A_354 = arith.index_cast %while3A_285 : i32 to index
          %get3A_355 = arith.constant 96 : index
          %get3A_356 = tpu.vector_load %arg13[%get3A_354, %get3A_355] {strides = array<i32>} : memref<160x128xf32, #tpu.memory_space<vmem>>, vector<16xf32>,
          %get3A_357 = arith.index_cast %while3A_284 : i32 to index
          %get3A_358 = arith.constant 96 : index
          %get3A_359 = tpu.vector_load %arg12[%get3A_357, %get3A_358] {strides = array<i32>} : memref<64x128xf32, #tpu.memory_space<vmem>>, vector<16xf32>,
          %max3A_360 = arith.maximumf %get3A_356, %get3A_359 : vector<16xf32>
          %swap3A_361 = arith.index_cast %while3A_285 : i32 to index
          %swap3A_362 = arith.constant 96 : index
          %swap3A_363 = tpu.vector_load %arg13[%swap3A_361, %swap3A_362] {strides = array<i32>} : memref<160x128xf32, #tpu.memory_space<vmem>>, vector<16xf32>,
          tpu.vector_store %arg13[%swap3A_361, %swap3A_362], %max3A_360 {strides = array<i32>} : memref<160x128xf32, #tpu.memory_space<vmem>>, vector<16xf32>,
          %get3A_364 = arith.index_cast %while3A_285 : i32 to index
          %get3A_365 = arith.constant 112 : index
          %get3A_366 = tpu.vector_load %arg13[%get3A_364, %get3A_365] {strides = array<i32>} : memref<160x128xf32, #tpu.memory_space<vmem>>, vector<16xf32>,
          %get3A_367 = arith.index_cast %while3A_284 : i32 to index
          %get3A_368 = arith.constant 112 : index
          %get3A_369 = tpu.vector_load %arg12[%get3A_367, %get3A_368] {strides = array<i32>} : memref<64x128xf32, #tpu.memory_space<vmem>>, vector<16xf32>,
          %max3A_370 = arith.maximumf %get3A_366, %get3A_369 : vector<16xf32>
          %swap3A_371 = arith.index_cast %while3A_285 : i32 to index
          %swap3A_372 = arith.constant 112 : index
          %swap3A_373 = tpu.vector_load %arg13[%swap3A_371, %swap3A_372] {strides = array<i32>} : memref<160x128xf32, #tpu.memory_space<vmem>>, vector<16xf32>,
          tpu.vector_store %arg13[%swap3A_371, %swap3A_372], %max3A_370 {strides = array<i32>} : memref<160x128xf32, #tpu.memory_space<vmem>>, vector<16xf32>,
          scf.yield %squeeze3A_294 : i32
        }
        %while3A_282 = arith.constant 1 : i32
        %while3A_283 = scf.for %while3A_284 = %while3A_279 to %while3A_275 step %while3A_282 iter_args(%while3A_285 = %while3A_281) -> (i32)  : i32 {
          %mul3A_286 = arith.constant 64 : i32
          %mul3A_287 = arith.muli %while3A_253, %mul3A_286 : i32
          %add3A_288 = arith.addi %mul3A_287, %while3A_284 : i32
          %add3A_289 = arith.constant 1 : i32
          %add3A_290 = arith.addi %add3A_288, %add3A_289 : i32
          %get3A_291 = arith.index_cast %add3A_290 : i32 to index
          %get3A_292 = tpu.vector_load %arg11[%get3A_291] {strides = array<i32>} : memref<2016xi32, #tpu.memory_space<vmem>>, vector<16xi32>,
          %slice3A_293 = vector.extract_strided_slice %get3A_292 {offsets = [0], sizes = [1], strides = [1]} : vector<16xi32> to vector<1xi32>
          %squeeze3A_294 = vector.extract %slice3A_293[0] : i32 from vector<1xi32>
          %get3A_295 = arith.index_cast %while3A_285 : i32 to index
          %get3A_296 = arith.constant 0 : index
          %get3A_297 = tpu.vector_load %arg13[%get3A_295, %get3A_296] {strides = array<i32>} : memref<160x128xf32, #tpu.memory_space<vmem>>, vector<16xf32>,
          %get3A_298 = arith.index_cast %while3A_284 : i32 to index
          %get3A_299 = arith.constant 0 : index
          %get3A_300 = tpu.vector_load %arg12[%get3A_298, %get3A_299] {strides = array<i32>} : memref<64x128xf32, #tpu.memory_space<vmem>>, vector<16xf32>,
          %max3A = arith.maximumf %get3A_297, %get3A_300 : vector<16xf32>
          %swap3A_301 = arith.index_cast %while3A_285 : i32 to index
          %swap3A_302 = arith.constant 0 : index
          %swap3A_303 = tpu.vector_load %arg13[%swap3A_301, %swap3A_302] {strides = array<i32>} : memref<160x128xf32, #tpu.memory_space<vmem>>, vector<16xf32>,
          tpu.vector_store %arg13[%swap3A_301, %swap3A_302], %max3A {strides = array<i32>} : memref<160x128xf32, #tpu.memory_space<vmem>>, vector<16xf32>,
          %get3A_304 = arith.index_cast %while3A_285 : i32 to index
          %get3A_305 = arith.constant 16 : index
          %get3A_306 = tpu.vector_load %arg13[%get3A_304, %get3A_305] {strides = array<i32>} : memref<160x128xf32, #tpu.memory_space<vmem>>, vector<16xf32>,
          %get3A_307 = arith.index_cast %while3A_284 : i32 to index
          %get3A_308 = arith.constant 16 : index
          %get3A_309 = tpu.vector_load %arg12[%get3A_307, %get3A_308] {strides = array<i32>} : memref<64x128xf32, #tpu.memory_space<vmem>>, vector<16xf32>,
          %max3A_310 = arith.maximumf %get3A_306, %get3A_309 : vector<16xf32>
          %swap3A_311 = arith.index_cast %while3A_285 : i32 to index
          %swap3A_312 = arith.constant 16 : index
          %swap3A_313 = tpu.vector_load %arg13[%swap3A_311, %swap3A_312] {strides = array<i32>} : memref<160x128xf32, #tpu.memory_space<vmem>>, vector<16xf32>,
          tpu.vector_store %arg13[%swap3A_311, %swap3A_312], %max3A_310 {strides = array<i32>} : memref<160x128xf32, #tpu.memory_space<vmem>>, vector<16xf32>,
          %get3A_314 = arith.index_cast %while3A_285 : i32 to index
          %get3A_315 = arith.constant 32 : index
          %get3A_316 = tpu.vector_load %arg13[%get3A_314, %get3A_315] {strides = array<i32>} : memref<160x128xf32, #tpu.memory_space<vmem>>, vector<16xf32>,
          %get3A_317 = arith.index_cast %while3A_284 : i32 to index
          %get3A_318 = arith.constant 32 : index
          %get3A_319 = tpu.vector_load %arg12[%get3A_317, %get3A_318] {strides = array<i32>} : memref<64x128xf32, #tpu.memory_space<vmem>>, vector<16xf32>,
          %max3A_320 = arith.maximumf %get3A_316, %get3A_319 : vector<16xf32>
          %swap3A_321 = arith.index_cast %while3A_285 : i32 to index
          %swap3A_322 = arith.constant 32 : index
          %swap3A_323 = tpu.vector_load %arg13[%swap3A_321, %swap3A_322] {strides = array<i32>} : memref<160x128xf32, #tpu.memory_space<vmem>>, vector<16xf32>,
          tpu.vector_store %arg13[%swap3A_321, %swap3A_322], %max3A_320 {strides = array<i32>} : memref<160x128xf32, #tpu.memory_space<vmem>>, vector<16xf32>,
          %get3A_324 = arith.index_cast %while3A_285 : i32 to index
          %get3A_325 = arith.constant 48 : index
          %get3A_326 = tpu.vector_load %arg13[%get3A_324, %get3A_325] {strides = array<i32>} : memref<160x128xf32, #tpu.memory_space<vmem>>, vector<16xf32>,
          %get3A_327 = arith.index_cast %while3A_284 : i32 to index
          %get3A_328 = arith.constant 48 : index
          %get3A_329 = tpu.vector_load %arg12[%get3A_327, %get3A_328] {strides = array<i32>} : memref<64x128xf32, #tpu.memory_space<vmem>>, vector<16xf32>,
          %max3A_330 = arith.maximumf %get3A_326, %get3A_329 : vector<16xf32>
          %swap3A_331 = arith.index_cast %while3A_285 : i32 to index
          %swap3A_332 = arith.constant 48 : index
          %swap3A_333 = tpu.vector_load %arg13[%swap3A_331, %swap3A_332] {strides = array<i32>} : memref<160x128xf32, #tpu.memory_space<vmem>>, vector<16xf32>,
          tpu.vector_store %arg13[%swap3A_331, %swap3A_332], %max3A_330 {strides = array<i32>} : memref<160x128xf32, #tpu.memory_space<vmem>>, vector<16xf32>,
          %get3A_334 = arith.index_cast %while3A_285 : i32 to index
          %get3A_335 = arith.constant 64 : index
          %get3A_336 = tpu.vector_load %arg13[%get3A_334, %get3A_335] {strides = array<i32>} : memref<160x128xf32, #tpu.memory_space<vmem>>, vector<16xf32>,
          %get3A_337 = arith.index_cast %while3A_284 : i32 to index
          %get3A_338 = arith.constant 64 : index
          %get3A_339 = tpu.vector_load %arg12[%get3A_337, %get3A_338] {strides = array<i32>} : memref<64x128xf32, #tpu.memory_space<vmem>>, vector<16xf32>,
          %max3A_340 = arith.maximumf %get3A_336, %get3A_339 : vector<16xf32>
          %swap3A_341 = arith.index_cast %while3A_285 : i32 to index
          %swap3A_342 = arith.constant 64 : index
          %swap3A_343 = tpu.vector_load %arg13[%swap3A_341, %swap3A_342] {strides = array<i32>} : memref<160x128xf32, #tpu.memory_space<vmem>>, vector<16xf32>,
          tpu.vector_store %arg13[%swap3A_341, %swap3A_342], %max3A_340 {strides = array<i32>} : memref<160x128xf32, #tpu.memory_space<vmem>>, vector<16xf32>,
          %get3A_344 = arith.index_cast %while3A_285 : i32 to index
          %get3A_345 = arith.constant 80 : index
          %get3A_346 = tpu.vector_load %arg13[%get3A_344, %get3A_345] {strides = array<i32>} : memref<160x128xf32, #tpu.memory_space<vmem>>, vector<16xf32>,
          %get3A_347 = arith.index_cast %while3A_284 : i32 to index
          %get3A_348 = arith.constant 80 : index
          %get3A_349 = tpu.vector_load %arg12[%get3A_347, %get3A_348] {strides = array<i32>} : memref<64x128xf32, #tpu.memory_space<vmem>>, vector<16xf32>,
          %max3A_350 = arith.maximumf %get3A_346, %get3A_349 : vector<16xf32>
          %swap3A_351 = arith.index_cast %while3A_285 : i32 to index
          %swap3A_352 = arith.constant 80 : index
          %swap3A_353 = tpu.vector_load %arg13[%swap3A_351, %swap3A_352] {strides = array<i32>} : memref<160x128xf32, #tpu.memory_space<vmem>>, vector<16xf32>,
          tpu.vector_store %arg13[%swap3A_351, %swap3A_352], %max3A_350 {strides = array<i32>} : memref<160x128xf32, #tpu.memory_space<vmem>>, vector<16xf32>,
          %get3A_354 = arith.index_cast %while3A_285 : i32 to index
          %get3A_355 = arith.constant 96 : index
          %get3A_356 = tpu.vector_load %arg13[%get3A_354, %get3A_355] {strides = array<i32>} : memref<160x128xf32, #tpu.memory_space<vmem>>, vector<16xf32>,
          %get3A_357 = arith.index_cast %while3A_284 : i32 to index
          %get3A_358 = arith.constant 96 : index
          %get3A_359 = tpu.vector_load %arg12[%get3A_357, %get3A_358] {strides = array<i32>} : memref<64x128xf32, #tpu.memory_space<vmem>>, vector<16xf32>,
          %max3A_360 = arith.maximumf %get3A_356, %get3A_359 : vector<16xf32>
          %swap3A_361 = arith.index_cast %while3A_285 : i32 to index
          %swap3A_362 = arith.constant 96 : index
          %swap3A_363 = tpu.vector_load %arg13[%swap3A_361, %swap3A_362] {strides = array<i32>} : memref<160x128xf32, #tpu.memory_space<vmem>>, vector<16xf32>,
          tpu.vector_store %arg13[%swap3A_361, %swap3A_362], %max3A_360 {strides = array<i32>} : memref<160x128xf32, #tpu.memory_space<vmem>>, vector<16xf32>,
          %get3A_364 = arith.index_cast %while3A_285 : i32 to index
          %get3A_365 = arith.constant 112 : index
          %get3A_366 = tpu.vector_load %arg13[%get3A_364, %get3A_365] {strides = array<i32>} : memref<160x128xf32, #tpu.memory_space<vmem>>, vector<16xf32>,
          %get3A_367 = arith.index_cast %while3A_284 : i32 to index
          %get3A_368 = arith.constant 112 : index
          %get3A_369 = tpu.vector_load %arg12[%get3A_367, %get3A_368] {strides = array<i32>} : memref<64x128xf32, #tpu.memory_space<vmem>>, vector<16xf32>,
          %max3A_370 = arith.maximumf %get3A_366, %get3A_369 : vector<16xf32>
          %swap3A_371 = arith.index_cast %while3A_285 : i32 to index
          %swap3A_372 = arith.constant 112 : index
          %swap3A_373 = tpu.vector_load %arg13[%swap3A_371, %swap3A_372] {strides = array<i32>} : memref<160x128xf32, #tpu.memory_space<vmem>>, vector<16xf32>,
          tpu.vector_store %arg13[%swap3A_371, %swap3A_372], %max3A_370 {strides = array<i32>} : memref<160x128xf32, #tpu.memory_space<vmem>>, vector<16xf32>,
          scf.yield %squeeze3A_294 : i32
        }
      }
      %while3A_243 = arith.constant 1 : i32
      scf.for %while3A_253 = %while3A_241 to %while3A_237 step %while3A_243  : i32 {
        %mul3A_254 = arith.constant 64 : i32
        %mul3A_255 = arith.muli %while3A_253, %mul3A_254 : i32
        %dma_start3A_256 = tpu.memref_slice %arg10[%mul3A_255] : memref<2064xi32, #tpu.memory_space<vmem>> -> memref<64xi32, #tpu.memory_space<vmem>>
        %dma_start3A_257 = arith.constant 0 : i32
        %dma_start3A_258 = arith.constant 0 : i32
        %dma_start3A_259 = tpu.memref_slice %arg14[%dma_start3A_257, %dma_start3A_258] : memref<10240x128xf32, #tpu.memory_space<vmem_shared>> -> memref<10240x128xf32, #tpu.memory_space<vmem_shared>>
        tpu.enqueue_indirect_dma source(%dma_start3A_259 : memref<10240x128xf32, #tpu.memory_space<vmem_shared>>) target(%arg12 : memref<64x128xf32, #tpu.memory_space<vmem>>) offsets(%dma_start3A_256 : memref<64xi32, #tpu.memory_space<vmem>>) semaphore(%arg17 : memref<!tpu.dma_semaphore, #tpu.memory_space<semaphore_mem>>)
        %dma_wait3A_260 = tpu.memref_slice %arg10[%mul3A_255] : memref<2064xi32, #tpu.memory_space<vmem>> -> memref<64xi32, #tpu.memory_space<vmem>>
        %dma_wait3A_261 = arith.constant 0 : i32
        %dma_wait3A_262 = arith.constant 0 : i32
        %dma_wait3A_263 = tpu.memref_slice %arg14[%dma_wait3A_261, %dma_wait3A_262] : memref<10240x128xf32, #tpu.memory_space<vmem_shared>> -> memref<10240x128xf32, #tpu.memory_space<vmem_shared>>
        tpu.wait_indirect_dma semaphore(%arg17 : memref<!tpu.dma_semaphore, #tpu.memory_space<semaphore_mem>>) src(%dma_wait3A_263 : memref<10240x128xf32, #tpu.memory_space<vmem_shared>>) dst(%arg12 : memref<64x128xf32, #tpu.memory_space<vmem>>)
        %mul3A_264 = arith.constant 64 : i32
        %mul3A_265 = arith.muli %while3A_253, %mul3A_264 : i32
        %sub3A_266 = arith.subi %squeeze3A_189, %mul3A_265 : i32
        %min3A = arith.constant 64 : i32
        %min3A_267 = arith.minsi %min3A, %sub3A_266 : i32
        %mul3A_268 = arith.constant 64 : i32
        %mul3A_269 = arith.muli %while3A_253, %mul3A_268 : i32
        %get3A = arith.index_cast %mul3A_269 : i32 to index
        %get3A_270 = tpu.vector_load %arg11[%get3A] {strides = array<i32>} : memref<2016xi32, #tpu.memory_space<vmem>>, vector<16xi32>,
        %slice3A_271 = vector.extract_strided_slice %get3A_270 {offsets = [0], sizes = [1], strides = [1]} : vector<16xi32> to vector<1xi32>
        %squeeze3A_272 = vector.extract %slice3A_271[0] : i32 from vector<1xi32>
        %while3A_273 = arith.constant 0 : i32
        %while3A_274 = arith.subi %min3A_267, %while3A_273 : i32
        %while3A_275 = arith.addi %while3A_273, %while3A_274 : i32
        %while3A_276 = arith.constant 1 : i32
        %while3A_277 = arith.divsi %while3A_274, %while3A_276 : i32
        %while3A_278 = arith.muli %while3A_277, %while3A_276 : i32
        %while3A_279 = arith.addi %while3A_273, %while3A_278 : i32
        %while3A_280 = arith.constant 1 : i32
        %while3A_281 = scf.for %while3A_284 = %while3A_273 to %while3A_279 step %while3A_280 iter_args(%while3A_285 = %squeeze3A_272) -> (i32)  : i32 {
          %mul3A_286 = arith.constant 64 : i32
          %mul3A_287 = arith.muli %while3A_253, %mul3A_286 : i32
          %add3A_288 = arith.addi %mul3A_287, %while3A_284 : i32
          %add3A_289 = arith.constant 1 : i32
          %add3A_290 = arith.addi %add3A_288, %add3A_289 : i32
          %get3A_291 = arith.index_cast %add3A_290 : i32 to index
          %get3A_292 = tpu.vector_load %arg11[%get3A_291] {strides = array<i32>} : memref<2016xi32, #tpu.memory_space<vmem>>, vector<16xi32>,
          %slice3A_293 = vector.extract_strided_slice %get3A_292 {offsets = [0], sizes = [1], strides = [1]} : vector<16xi32> to vector<1xi32>
          %squeeze3A_294 = vector.extract %slice3A_293[0] : i32 from vector<1xi32>
          %get3A_295 = arith.index_cast %while3A_285 : i32 to index
          %get3A_296 = arith.constant 0 : index
          %get3A_297 = tpu.vector_load %arg13[%get3A_295, %get3A_296] {strides = array<i32>} : memref<160x128xf32, #tpu.memory_space<vmem>>, vector<16xf32>,
          %get3A_298 = arith.index_cast %while3A_284 : i32 to index
          %get3A_299 = arith.constant 0 : index
          %get3A_300 = tpu.vector_load %arg12[%get3A_298, %get3A_299] {strides = array<i32>} : memref<64x128xf32, #tpu.memory_space<vmem>>, vector<16xf32>,
          %max3A = arith.maximumf %get3A_297, %get3A_300 : vector<16xf32>
          %swap3A_301 = arith.index_cast %while3A_285 : i32 to index
          %swap3A_302 = arith.constant 0 : index
          %swap3A_303 = tpu.vector_load %arg13[%swap3A_301, %swap3A_302] {strides = array<i32>} : memref<160x128xf32, #tpu.memory_space<vmem>>, vector<16xf32>,
          tpu.vector_store %arg13[%swap3A_301, %swap3A_302], %max3A {strides = array<i32>} : memref<160x128xf32, #tpu.memory_space<vmem>>, vector<16xf32>,
          %get3A_304 = arith.index_cast %while3A_285 : i32 to index
          %get3A_305 = arith.constant 16 : index
          %get3A_306 = tpu.vector_load %arg13[%get3A_304, %get3A_305] {strides = array<i32>} : memref<160x128xf32, #tpu.memory_space<vmem>>, vector<16xf32>,
          %get3A_307 = arith.index_cast %while3A_284 : i32 to index
          %get3A_308 = arith.constant 16 : index
          %get3A_309 = tpu.vector_load %arg12[%get3A_307, %get3A_308] {strides = array<i32>} : memref<64x128xf32, #tpu.memory_space<vmem>>, vector<16xf32>,
          %max3A_310 = arith.maximumf %get3A_306, %get3A_309 : vector<16xf32>
          %swap3A_311 = arith.index_cast %while3A_285 : i32 to index
          %swap3A_312 = arith.constant 16 : index
          %swap3A_313 = tpu.vector_load %arg13[%swap3A_311, %swap3A_312] {strides = array<i32>} : memref<160x128xf32, #tpu.memory_space<vmem>>, vector<16xf32>,
          tpu.vector_store %arg13[%swap3A_311, %swap3A_312], %max3A_310 {strides = array<i32>} : memref<160x128xf32, #tpu.memory_space<vmem>>, vector<16xf32>,
          %get3A_314 = arith.index_cast %while3A_285 : i32 to index
          %get3A_315 = arith.constant 32 : index
          %get3A_316 = tpu.vector_load %arg13[%get3A_314, %get3A_315] {strides = array<i32>} : memref<160x128xf32, #tpu.memory_space<vmem>>, vector<16xf32>,
          %get3A_317 = arith.index_cast %while3A_284 : i32 to index
          %get3A_318 = arith.constant 32 : index
          %get3A_319 = tpu.vector_load %arg12[%get3A_317, %get3A_318] {strides = array<i32>} : memref<64x128xf32, #tpu.memory_space<vmem>>, vector<16xf32>,
          %max3A_320 = arith.maximumf %get3A_316, %get3A_319 : vector<16xf32>
          %swap3A_321 = arith.index_cast %while3A_285 : i32 to index
          %swap3A_322 = arith.constant 32 : index
          %swap3A_323 = tpu.vector_load %arg13[%swap3A_321, %swap3A_322] {strides = array<i32>} : memref<160x128xf32, #tpu.memory_space<vmem>>, vector<16xf32>,
          tpu.vector_store %arg13[%swap3A_321, %swap3A_322], %max3A_320 {strides = array<i32>} : memref<160x128xf32, #tpu.memory_space<vmem>>, vector<16xf32>,
          %get3A_324 = arith.index_cast %while3A_285 : i32 to index
          %get3A_325 = arith.constant 48 : index
          %get3A_326 = tpu.vector_load %arg13[%get3A_324, %get3A_325] {strides = array<i32>} : memref<160x128xf32, #tpu.memory_space<vmem>>, vector<16xf32>,
          %get3A_327 = arith.index_cast %while3A_284 : i32 to index
          %get3A_328 = arith.constant 48 : index
          %get3A_329 = tpu.vector_load %arg12[%get3A_327, %get3A_328] {strides = array<i32>} : memref<64x128xf32, #tpu.memory_space<vmem>>, vector<16xf32>,
          %max3A_330 = arith.maximumf %get3A_326, %get3A_329 : vector<16xf32>
          %swap3A_331 = arith.index_cast %while3A_285 : i32 to index
          %swap3A_332 = arith.constant 48 : index
          %swap3A_333 = tpu.vector_load %arg13[%swap3A_331, %swap3A_332] {strides = array<i32>} : memref<160x128xf32, #tpu.memory_space<vmem>>, vector<16xf32>,
          tpu.vector_store %arg13[%swap3A_331, %swap3A_332], %max3A_330 {strides = array<i32>} : memref<160x128xf32, #tpu.memory_space<vmem>>, vector<16xf32>,
          %get3A_334 = arith.index_cast %while3A_285 : i32 to index
          %get3A_335 = arith.constant 64 : index
          %get3A_336 = tpu.vector_load %arg13[%get3A_334, %get3A_335] {strides = array<i32>} : memref<160x128xf32, #tpu.memory_space<vmem>>, vector<16xf32>,
          %get3A_337 = arith.index_cast %while3A_284 : i32 to index
          %get3A_338 = arith.constant 64 : index
          %get3A_339 = tpu.vector_load %arg12[%get3A_337, %get3A_338] {strides = array<i32>} : memref<64x128xf32, #tpu.memory_space<vmem>>, vector<16xf32>,
          %max3A_340 = arith.maximumf %get3A_336, %get3A_339 : vector<16xf32>
          %swap3A_341 = arith.index_cast %while3A_285 : i32 to index
          %swap3A_342 = arith.constant 64 : index
          %swap3A_343 = tpu.vector_load %arg13[%swap3A_341, %swap3A_342] {strides = array<i32>} : memref<160x128xf32, #tpu.memory_space<vmem>>, vector<16xf32>,
          tpu.vector_store %arg13[%swap3A_341, %swap3A_342], %max3A_340 {strides = array<i32>} : memref<160x128xf32, #tpu.memory_space<vmem>>, vector<16xf32>,
          %get3A_344 = arith.index_cast %while3A_285 : i32 to index
          %get3A_345 = arith.constant 80 : index
          %get3A_346 = tpu.vector_load %arg13[%get3A_344, %get3A_345] {strides = array<i32>} : memref<160x128xf32, #tpu.memory_space<vmem>>, vector<16xf32>,
          %get3A_347 = arith.index_cast %while3A_284 : i32 to index
          %get3A_348 = arith.constant 80 : index
          %get3A_349 = tpu.vector_load %arg12[%get3A_347, %get3A_348] {strides = array<i32>} : memref<64x128xf32, #tpu.memory_space<vmem>>, vector<16xf32>,
          %max3A_350 = arith.maximumf %get3A_346, %get3A_349 : vector<16xf32>
          %swap3A_351 = arith.index_cast %while3A_285 : i32 to index
          %swap3A_352 = arith.constant 80 : index
          %swap3A_353 = tpu.vector_load %arg13[%swap3A_351, %swap3A_352] {strides = array<i32>} : memref<160x128xf32, #tpu.memory_space<vmem>>, vector<16xf32>,
          tpu.vector_store %arg13[%swap3A_351, %swap3A_352], %max3A_350 {strides = array<i32>} : memref<160x128xf32, #tpu.memory_space<vmem>>, vector<16xf32>,
          %get3A_354 = arith.index_cast %while3A_285 : i32 to index
          %get3A_355 = arith.constant 96 : index
          %get3A_356 = tpu.vector_load %arg13[%get3A_354, %get3A_355] {strides = array<i32>} : memref<160x128xf32, #tpu.memory_space<vmem>>, vector<16xf32>,
          %get3A_357 = arith.index_cast %while3A_284 : i32 to index
          %get3A_358 = arith.constant 96 : index
          %get3A_359 = tpu.vector_load %arg12[%get3A_357, %get3A_358] {strides = array<i32>} : memref<64x128xf32, #tpu.memory_space<vmem>>, vector<16xf32>,
          %max3A_360 = arith.maximumf %get3A_356, %get3A_359 : vector<16xf32>
          %swap3A_361 = arith.index_cast %while3A_285 : i32 to index
          %swap3A_362 = arith.constant 96 : index
          %swap3A_363 = tpu.vector_load %arg13[%swap3A_361, %swap3A_362] {strides = array<i32>} : memref<160x128xf32, #tpu.memory_space<vmem>>, vector<16xf32>,
          tpu.vector_store %arg13[%swap3A_361, %swap3A_362], %max3A_360 {strides = array<i32>} : memref<160x128xf32, #tpu.memory_space<vmem>>, vector<16xf32>,
          %get3A_364 = arith.index_cast %while3A_285 : i32 to index
          %get3A_365 = arith.constant 112 : index
          %get3A_366 = tpu.vector_load %arg13[%get3A_364, %get3A_365] {strides = array<i32>} : memref<160x128xf32, #tpu.memory_space<vmem>>, vector<16xf32>,
          %get3A_367 = arith.index_cast %while3A_284 : i32 to index
          %get3A_368 = arith.constant 112 : index
          %get3A_369 = tpu.vector_load %arg12[%get3A_367, %get3A_368] {strides = array<i32>} : memref<64x128xf32, #tpu.memory_space<vmem>>, vector<16xf32>,
          %max3A_370 = arith.maximumf %get3A_366, %get3A_369 : vector<16xf32>
          %swap3A_371 = arith.index_cast %while3A_285 : i32 to index
          %swap3A_372 = arith.constant 112 : index
          %swap3A_373 = tpu.vector_load %arg13[%swap3A_371, %swap3A_372] {strides = array<i32>} : memref<160x128xf32, #tpu.memory_space<vmem>>, vector<16xf32>,
          tpu.vector_store %arg13[%swap3A_371, %swap3A_372], %max3A_370 {strides = array<i32>} : memref<160x128xf32, #tpu.memory_space<vmem>>, vector<16xf32>,
          scf.yield %squeeze3A_294 : i32
        }
        %while3A_282 = arith.constant 1 : i32
        %while3A_283 = scf.for %while3A_284 = %while3A_279 to %while3A_275 step %while3A_282 iter_args(%while3A_285 = %while3A_281) -> (i32)  : i32 {
          %mul3A_286 = arith.constant 64 : i32
          %mul3A_287 = arith.muli %while3A_253, %mul3A_286 : i32
          %add3A_288 = arith.addi %mul3A_287, %while3A_284 : i32
          %add3A_289 = arith.constant 1 : i32
          %add3A_290 = arith.addi %add3A_288, %add3A_289 : i32
          %get3A_291 = arith.index_cast %add3A_290 : i32 to index
          %get3A_292 = tpu.vector_load %arg11[%get3A_291] {strides = array<i32>} : memref<2016xi32, #tpu.memory_space<vmem>>, vector<16xi32>,
          %slice3A_293 = vector.extract_strided_slice %get3A_292 {offsets = [0], sizes = [1], strides = [1]} : vector<16xi32> to vector<1xi32>
          %squeeze3A_294 = vector.extract %slice3A_293[0] : i32 from vector<1xi32>
          %get3A_295 = arith.index_cast %while3A_285 : i32 to index
          %get3A_296 = arith.constant 0 : index
          %get3A_297 = tpu.vector_load %arg13[%get3A_295, %get3A_296] {strides = array<i32>} : memref<160x128xf32, #tpu.memory_space<vmem>>, vector<16xf32>,
          %get3A_298 = arith.index_cast %while3A_284 : i32 to index
          %get3A_299 = arith.constant 0 : index
          %get3A_300 = tpu.vector_load %arg12[%get3A_298, %get3A_299] {strides = array<i32>} : memref<64x128xf32, #tpu.memory_space<vmem>>, vector<16xf32>,
          %max3A = arith.maximumf %get3A_297, %get3A_300 : vector<16xf32>
          %swap3A_301 = arith.index_cast %while3A_285 : i32 to index
          %swap3A_302 = arith.constant 0 : index
          %swap3A_303 = tpu.vector_load %arg13[%swap3A_301, %swap3A_302] {strides = array<i32>} : memref<160x128xf32, #tpu.memory_space<vmem>>, vector<16xf32>,
          tpu.vector_store %arg13[%swap3A_301, %swap3A_302], %max3A {strides = array<i32>} : memref<160x128xf32, #tpu.memory_space<vmem>>, vector<16xf32>,
          %get3A_304 = arith.index_cast %while3A_285 : i32 to index
          %get3A_305 = arith.constant 16 : index
          %get3A_306 = tpu.vector_load %arg13[%get3A_304, %get3A_305] {strides = array<i32>} : memref<160x128xf32, #tpu.memory_space<vmem>>, vector<16xf32>,
          %get3A_307 = arith.index_cast %while3A_284 : i32 to index
          %get3A_308 = arith.constant 16 : index
          %get3A_309 = tpu.vector_load %arg12[%get3A_307, %get3A_308] {strides = array<i32>} : memref<64x128xf32, #tpu.memory_space<vmem>>, vector<16xf32>,
          %max3A_310 = arith.maximumf %get3A_306, %get3A_309 : vector<16xf32>
          %swap3A_311 = arith.index_cast %while3A_285 : i32 to index
          %swap3A_312 = arith.constant 16 : index
          %swap3A_313 = tpu.vector_load %arg13[%swap3A_311, %swap3A_312] {strides = array<i32>} : memref<160x128xf32, #tpu.memory_space<vmem>>, vector<16xf32>,
          tpu.vector_store %arg13[%swap3A_311, %swap3A_312], %max3A_310 {strides = array<i32>} : memref<160x128xf32, #tpu.memory_space<vmem>>, vector<16xf32>,
          %get3A_314 = arith.index_cast %while3A_285 : i32 to index
          %get3A_315 = arith.constant 32 : index
          %get3A_316 = tpu.vector_load %arg13[%get3A_314, %get3A_315] {strides = array<i32>} : memref<160x128xf32, #tpu.memory_space<vmem>>, vector<16xf32>,
          %get3A_317 = arith.index_cast %while3A_284 : i32 to index
          %get3A_318 = arith.constant 32 : index
          %get3A_319 = tpu.vector_load %arg12[%get3A_317, %get3A_318] {strides = array<i32>} : memref<64x128xf32, #tpu.memory_space<vmem>>, vector<16xf32>,
          %max3A_320 = arith.maximumf %get3A_316, %get3A_319 : vector<16xf32>
          %swap3A_321 = arith.index_cast %while3A_285 : i32 to index
          %swap3A_322 = arith.constant 32 : index
          %swap3A_323 = tpu.vector_load %arg13[%swap3A_321, %swap3A_322] {strides = array<i32>} : memref<160x128xf32, #tpu.memory_space<vmem>>, vector<16xf32>,
          tpu.vector_store %arg13[%swap3A_321, %swap3A_322], %max3A_320 {strides = array<i32>} : memref<160x128xf32, #tpu.memory_space<vmem>>, vector<16xf32>,
          %get3A_324 = arith.index_cast %while3A_285 : i32 to index
          %get3A_325 = arith.constant 48 : index
          %get3A_326 = tpu.vector_load %arg13[%get3A_324, %get3A_325] {strides = array<i32>} : memref<160x128xf32, #tpu.memory_space<vmem>>, vector<16xf32>,
          %get3A_327 = arith.index_cast %while3A_284 : i32 to index
          %get3A_328 = arith.constant 48 : index
          %get3A_329 = tpu.vector_load %arg12[%get3A_327, %get3A_328] {strides = array<i32>} : memref<64x128xf32, #tpu.memory_space<vmem>>, vector<16xf32>,
          %max3A_330 = arith.maximumf %get3A_326, %get3A_329 : vector<16xf32>
          %swap3A_331 = arith.index_cast %while3A_285 : i32 to index
          %swap3A_332 = arith.constant 48 : index
          %swap3A_333 = tpu.vector_load %arg13[%swap3A_331, %swap3A_332] {strides = array<i32>} : memref<160x128xf32, #tpu.memory_space<vmem>>, vector<16xf32>,
          tpu.vector_store %arg13[%swap3A_331, %swap3A_332], %max3A_330 {strides = array<i32>} : memref<160x128xf32, #tpu.memory_space<vmem>>, vector<16xf32>,
          %get3A_334 = arith.index_cast %while3A_285 : i32 to index
          %get3A_335 = arith.constant 64 : index
          %get3A_336 = tpu.vector_load %arg13[%get3A_334, %get3A_335] {strides = array<i32>} : memref<160x128xf32, #tpu.memory_space<vmem>>, vector<16xf32>,
          %get3A_337 = arith.index_cast %while3A_284 : i32 to index
          %get3A_338 = arith.constant 64 : index
          %get3A_339 = tpu.vector_load %arg12[%get3A_337, %get3A_338] {strides = array<i32>} : memref<64x128xf32, #tpu.memory_space<vmem>>, vector<16xf32>,
          %max3A_340 = arith.maximumf %get3A_336, %get3A_339 : vector<16xf32>
          %swap3A_341 = arith.index_cast %while3A_285 : i32 to index
          %swap3A_342 = arith.constant 64 : index
          %swap3A_343 = tpu.vector_load %arg13[%swap3A_341, %swap3A_342] {strides = array<i32>} : memref<160x128xf32, #tpu.memory_space<vmem>>, vector<16xf32>,
          tpu.vector_store %arg13[%swap3A_341, %swap3A_342], %max3A_340 {strides = array<i32>} : memref<160x128xf32, #tpu.memory_space<vmem>>, vector<16xf32>,
          %get3A_344 = arith.index_cast %while3A_285 : i32 to index
          %get3A_345 = arith.constant 80 : index
          %get3A_346 = tpu.vector_load %arg13[%get3A_344, %get3A_345] {strides = array<i32>} : memref<160x128xf32, #tpu.memory_space<vmem>>, vector<16xf32>,
          %get3A_347 = arith.index_cast %while3A_284 : i32 to index
          %get3A_348 = arith.constant 80 : index
          %get3A_349 = tpu.vector_load %arg12[%get3A_347, %get3A_348] {strides = array<i32>} : memref<64x128xf32, #tpu.memory_space<vmem>>, vector<16xf32>,
          %max3A_350 = arith.maximumf %get3A_346, %get3A_349 : vector<16xf32>
          %swap3A_351 = arith.index_cast %while3A_285 : i32 to index
          %swap3A_352 = arith.constant 80 : index
          %swap3A_353 = tpu.vector_load %arg13[%swap3A_351, %swap3A_352] {strides = array<i32>} : memref<160x128xf32, #tpu.memory_space<vmem>>, vector<16xf32>,
          tpu.vector_store %arg13[%swap3A_351, %swap3A_352], %max3A_350 {strides = array<i32>} : memref<160x128xf32, #tpu.memory_space<vmem>>, vector<16xf32>,
          %get3A_354 = arith.index_cast %while3A_285 : i32 to index
          %get3A_355 = arith.constant 96 : index
          %get3A_356 = tpu.vector_load %arg13[%get3A_354, %get3A_355] {strides = array<i32>} : memref<160x128xf32, #tpu.memory_space<vmem>>, vector<16xf32>,
          %get3A_357 = arith.index_cast %while3A_284 : i32 to index
          %get3A_358 = arith.constant 96 : index
          %get3A_359 = tpu.vector_load %arg12[%get3A_357, %get3A_358] {strides = array<i32>} : memref<64x128xf32, #tpu.memory_space<vmem>>, vector<16xf32>,
          %max3A_360 = arith.maximumf %get3A_356, %get3A_359 : vector<16xf32>
          %swap3A_361 = arith.index_cast %while3A_285 : i32 to index
          %swap3A_362 = arith.constant 96 : index
          %swap3A_363 = tpu.vector_load %arg13[%swap3A_361, %swap3A_362] {strides = array<i32>} : memref<160x128xf32, #tpu.memory_space<vmem>>, vector<16xf32>,
          tpu.vector_store %arg13[%swap3A_361, %swap3A_362], %max3A_360 {strides = array<i32>} : memref<160x128xf32, #tpu.memory_space<vmem>>, vector<16xf32>,
          %get3A_364 = arith.index_cast %while3A_285 : i32 to index
          %get3A_365 = arith.constant 112 : index
          %get3A_366 = tpu.vector_load %arg13[%get3A_364, %get3A_365] {strides = array<i32>} : memref<160x128xf32, #tpu.memory_space<vmem>>, vector<16xf32>,
          %get3A_367 = arith.index_cast %while3A_284 : i32 to index
          %get3A_368 = arith.constant 112 : index
          %get3A_369 = tpu.vector_load %arg12[%get3A_367, %get3A_368] {strides = array<i32>} : memref<64x128xf32, #tpu.memory_space<vmem>>, vector<16xf32>,
          %max3A_370 = arith.maximumf %get3A_366, %get3A_369 : vector<16xf32>
          %swap3A_371 = arith.index_cast %while3A_285 : i32 to index
          %swap3A_372 = arith.constant 112 : index
          %swap3A_373 = tpu.vector_load %arg13[%swap3A_371, %swap3A_372] {strides = array<i32>} : memref<160x128xf32, #tpu.memory_space<vmem>>, vector<16xf32>,
          tpu.vector_store %arg13[%swap3A_371, %swap3A_372], %max3A_370 {strides = array<i32>} : memref<160x128xf32, #tpu.memory_space<vmem>>, vector<16xf32>,
          scf.yield %squeeze3A_294 : i32
        }
      }
      %mul3A_244 = arith.constant 2 : i32
      %mul3A_245 = arith.muli %mul3A_244, %scan3A_106 : i32
      %add3A_246 = arith.constant 3 : i32
      %add3A_247 = arith.addi %mul3A_245, %add3A_246 : i32
      %lt3A_248 = arith.constant 160 : i32
      %lt3A_249 = arith.cmpi slt, %add3A_247, %lt3A_248 : i32
      %convert_element_type3A_250 = arith.extui %lt3A_249 : i1 to i32
      %cond3A_251 = arith.constant 0 : i32
      %cond3A_252 = arith.cmpi ne, %convert_element_type3A_250, %cond3A_251 : i32
      scf.if %cond3A_252 {
        %mul3A_253 = arith.constant 2 : i32
        %mul3A_254 = arith.muli %mul3A_253, %scan3A_106 : i32
        %add3A_255 = arith.constant 3 : i32
        %add3A_256 = arith.addi %mul3A_254, %add3A_255 : i32
        %mul3A_257 = arith.constant 2000 : i32
        %mul3A_258 = arith.muli %add3A_256, %mul3A_257 : i32
        %dma_start3A_259 = tpu.memref_slice %arg3[%mul3A_258] : memref<320000xi32, #tpu.memory_space<hbm>> -> memref<2000xi32, #tpu.memory_space<hbm>>
        %dma_start3A_260 = tpu.memref_slice %arg3[%mul3A_258] : memref<320000xi32, #tpu.memory_space<hbm>> -> memref<2000xi32, #tpu.memory_space<hbm>>
        tpu.enqueue_dma source(%dma_start3A_260 : memref<2000xi32, #tpu.memory_space<hbm>>) target(%arg8 : memref<2000xi32, #tpu.memory_space<vmem>>) target_semaphore(%arg15 : memref<!tpu.dma_semaphore, #tpu.memory_space<semaphore_mem>>)
        %dma_start3A_261 = tpu.memref_slice %arg4[%mul3A_258] : memref<320000xi32, #tpu.memory_space<hbm>> -> memref<2000xi32, #tpu.memory_space<hbm>>
        %dma_start3A_262 = tpu.memref_slice %arg4[%mul3A_258] : memref<320000xi32, #tpu.memory_space<hbm>> -> memref<2000xi32, #tpu.memory_space<hbm>>
        tpu.enqueue_dma source(%dma_start3A_262 : memref<2000xi32, #tpu.memory_space<hbm>>) target(%arg9 : memref<2000xi32, #tpu.memory_space<vmem>>) target_semaphore(%arg15 : memref<!tpu.dma_semaphore, #tpu.memory_space<semaphore_mem>>)
      } else {
      }
    }
    %scan3A_73 = arith.constant 80 : i32
    "tpu.region"() ({
      %run_scoped3A = tpu.sem_alloc : memref<!tpu.dma_semaphore, #tpu.memory_space<semaphore_mem>>
      %dma_start3A_106 = arith.constant 0 : i32
      %dma_start3A_107 = tpu.memref_slice %arg5[%add3A_47, %dma_start3A_106] : memref<10240x128xf32, #tpu.memory_space<hbm>> -> memref<160x128xf32, #tpu.memory_space<hbm>>
      %dma_start3A_108 = arith.constant 0 : i32
      %dma_start3A_109 = tpu.memref_slice %arg5[%add3A_47, %dma_start3A_108] : memref<10240x128xf32, #tpu.memory_space<hbm>> -> memref<160x128xf32, #tpu.memory_space<hbm>>
      tpu.enqueue_dma source(%arg13 : memref<160x128xf32, #tpu.memory_space<vmem>>) target(%dma_start3A_109 : memref<160x128xf32, #tpu.memory_space<hbm>>) target_semaphore(%run_scoped3A : memref<!tpu.dma_semaphore, #tpu.memory_space<semaphore_mem>>)
      %dma_wait3A = arith.constant 0 : i32
      %dma_wait3A_110 = tpu.memref_slice %arg5[%add3A_47, %dma_wait3A] : memref<10240x128xf32, #tpu.memory_space<hbm>> -> memref<160x128xf32, #tpu.memory_space<hbm>>
      %dma_wait3A_111 = arith.constant 0 : i32
      %dma_wait3A_112 = tpu.memref_slice %arg5[%add3A_47, %dma_wait3A_111] : memref<10240x128xf32, #tpu.memory_space<hbm>> -> memref<160x128xf32, #tpu.memory_space<hbm>>
      tpu.wait_dma2 semaphore(%run_scoped3A : memref<!tpu.dma_semaphore, #tpu.memory_space<semaphore_mem>>) src(%arg13 : memref<160x128xf32, #tpu.memory_space<vmem>>) dst(%dma_wait3A_112 : memref<160x128xf32, #tpu.memory_space<hbm>>)
      tpu.yield
    }) : () -> ()
    %mul3A_74 = arith.constant 160 : i32
    %mul3A_75 = arith.muli %add3A, %mul3A_74 : i32
    %add3A_76 = arith.constant 5120 : i32
    %add3A_77 = arith.addi %add3A_76, %mul3A_75 : i32
    %scan3A_78 = arith.constant 0 : i32
    %scan3A_79 = arith.constant 0 : i32
    %scan3A_80 = arith.constant 160 : i32
    %scan3A_81 = arith.addi %scan3A_79, %scan3A_80 : i32
    %scan3A_82 = arith.constant 1 : i32
    scf.for %scan3A_106 = %scan3A_79 to %scan3A_81 step %scan3A_82  : i32 {
      %swap3A = arith.index_cast %scan3A_106 : i32 to index
      %swap3A_107 = arith.constant 0 : index
      %swap3A_108 = tpu.vector_load %arg13[%swap3A, %swap3A_107] {strides = array<i32>} : memref<160x128xf32, #tpu.memory_space<vmem>>, vector<16xf32>,
      tpu.vector_store %arg13[%swap3A, %swap3A_107], %broadcast_in_dim3A_41 {strides = array<i32>} : memref<160x128xf32, #tpu.memory_space<vmem>>, vector<16xf32>,
      %swap3A_109 = arith.index_cast %scan3A_106 : i32 to index
      %swap3A_110 = arith.constant 16 : index
      %swap3A_111 = tpu.vector_load %arg13[%swap3A_109, %swap3A_110] {strides = array<i32>} : memref<160x128xf32, #tpu.memory_space<vmem>>, vector<16xf32>,
      tpu.vector_store %arg13[%swap3A_109, %swap3A_110], %broadcast_in_dim3A_41 {strides = array<i32>} : memref<160x128xf32, #tpu.memory_space<vmem>>, vector<16xf32>,
      %swap3A_112 = arith.index_cast %scan3A_106 : i32 to index
      %swap3A_113 = arith.constant 32 : index
      %swap3A_114 = tpu.vector_load %arg13[%swap3A_112, %swap3A_113] {strides = array<i32>} : memref<160x128xf32, #tpu.memory_space<vmem>>, vector<16xf32>,
      tpu.vector_store %arg13[%swap3A_112, %swap3A_113], %broadcast_in_dim3A_41 {strides = array<i32>} : memref<160x128xf32, #tpu.memory_space<vmem>>, vector<16xf32>,
      %swap3A_115 = arith.index_cast %scan3A_106 : i32 to index
      %swap3A_116 = arith.constant 48 : index
      %swap3A_117 = tpu.vector_load %arg13[%swap3A_115, %swap3A_116] {strides = array<i32>} : memref<160x128xf32, #tpu.memory_space<vmem>>, vector<16xf32>,
      tpu.vector_store %arg13[%swap3A_115, %swap3A_116], %broadcast_in_dim3A_41 {strides = array<i32>} : memref<160x128xf32, #tpu.memory_space<vmem>>, vector<16xf32>,
      %swap3A_118 = arith.index_cast %scan3A_106 : i32 to index
      %swap3A_119 = arith.constant 64 : index
      %swap3A_120 = tpu.vector_load %arg13[%swap3A_118, %swap3A_119] {strides = array<i32>} : memref<160x128xf32, #tpu.memory_space<vmem>>, vector<16xf32>,
      tpu.vector_store %arg13[%swap3A_118, %swap3A_119], %broadcast_in_dim3A_41 {strides = array<i32>} : memref<160x128xf32, #tpu.memory_space<vmem>>, vector<16xf32>,
      %swap3A_121 = arith.index_cast %scan3A_106 : i32 to index
      %swap3A_122 = arith.constant 80 : index
      %swap3A_123 = tpu.vector_load %arg13[%swap3A_121, %swap3A_122] {strides = array<i32>} : memref<160x128xf32, #tpu.memory_space<vmem>>, vector<16xf32>,
      tpu.vector_store %arg13[%swap3A_121, %swap3A_122], %broadcast_in_dim3A_41 {strides = array<i32>} : memref<160x128xf32, #tpu.memory_space<vmem>>, vector<16xf32>,
      %swap3A_124 = arith.index_cast %scan3A_106 : i32 to index
      %swap3A_125 = arith.constant 96 : index
      %swap3A_126 = tpu.vector_load %arg13[%swap3A_124, %swap3A_125] {strides = array<i32>} : memref<160x128xf32, #tpu.memory_space<vmem>>, vector<16xf32>,
      tpu.vector_store %arg13[%swap3A_124, %swap3A_125], %broadcast_in_dim3A_41 {strides = array<i32>} : memref<160x128xf32, #tpu.memory_space<vmem>>, vector<16xf32>,
      %swap3A_127 = arith.index_cast %scan3A_106 : i32 to index
      %swap3A_128 = arith.constant 112 : index
      %swap3A_129 = tpu.vector_load %arg13[%swap3A_127, %swap3A_128] {strides = array<i32>} : memref<160x128xf32, #tpu.memory_space<vmem>>, vector<16xf32>,
      tpu.vector_store %arg13[%swap3A_127, %swap3A_128], %broadcast_in_dim3A_41 {strides = array<i32>} : memref<160x128xf32, #tpu.memory_space<vmem>>, vector<16xf32>,
    }
    %scan3A_83 = arith.constant 160 : i32
    %dma_start3A_84 = arith.constant 0 : i32
    %dma_start3A_85 = tpu.memref_slice %arg3[%dma_start3A_84] : memref<320000xi32, #tpu.memory_space<hbm>> -> memref<2000xi32, #tpu.memory_space<hbm>>
    %dma_start3A_86 = arith.constant 0 : i32
    %dma_start3A_87 = tpu.memref_slice %arg3[%dma_start3A_86] : memref<320000xi32, #tpu.memory_space<hbm>> -> memref<2000xi32, #tpu.memory_space<hbm>>
    tpu.enqueue_dma source(%dma_start3A_87 : memref<2000xi32, #tpu.memory_space<hbm>>) target(%arg6 : memref<2000xi32, #tpu.memory_space<vmem>>) target_semaphore(%arg16 : memref<!tpu.dma_semaphore, #tpu.memory_space<semaphore_mem>>)
    %dma_start3A_88 = arith.constant 0 : i32
    %dma_start3A_89 = tpu.memref_slice %arg4[%dma_start3A_88] : memref<320000xi32, #tpu.memory_space<hbm>> -> memref<2000xi32, #tpu.memory_space<hbm>>
    %dma_start3A_90 = arith.constant 0 : i32
    %dma_start3A_91 = tpu.memref_slice %arg4[%dma_start3A_90] : memref<320000xi32, #tpu.memory_space<hbm>> -> memref<2000xi32, #tpu.memory_space<hbm>>
    tpu.enqueue_dma source(%dma_start3A_91 : memref<2000xi32, #tpu.memory_space<hbm>>) target(%arg7 : memref<2000xi32, #tpu.memory_space<vmem>>) target_semaphore(%arg16 : memref<!tpu.dma_semaphore, #tpu.memory_space<semaphore_mem>>)
    %dma_start3A_92 = arith.constant 2000 : i32
    %dma_start3A_93 = tpu.memref_slice %arg3[%dma_start3A_92] : memref<320000xi32, #tpu.memory_space<hbm>> -> memref<2000xi32, #tpu.memory_space<hbm>>
    %dma_start3A_94 = arith.constant 2000 : i32
    %dma_start3A_95 = tpu.memref_slice %arg3[%dma_start3A_94] : memref<320000xi32, #tpu.memory_space<hbm>> -> memref<2000xi32, #tpu.memory_space<hbm>>
    tpu.enqueue_dma source(%dma_start3A_95 : memref<2000xi32, #tpu.memory_space<hbm>>) target(%arg8 : memref<2000xi32, #tpu.memory_space<vmem>>) target_semaphore(%arg15 : memref<!tpu.dma_semaphore, #tpu.memory_space<semaphore_mem>>)
    %dma_start3A_96 = arith.constant 2000 : i32
    %dma_start3A_97 = tpu.memref_slice %arg4[%dma_start3A_96] : memref<320000xi32, #tpu.memory_space<hbm>> -> memref<2000xi32, #tpu.memory_space<hbm>>
    %dma_start3A_98 = arith.constant 2000 : i32
    %dma_start3A_99 = tpu.memref_slice %arg4[%dma_start3A_98] : memref<320000xi32, #tpu.memory_space<hbm>> -> memref<2000xi32, #tpu.memory_space<hbm>>
    tpu.enqueue_dma source(%dma_start3A_99 : memref<2000xi32, #tpu.memory_space<hbm>>) target(%arg9 : memref<2000xi32, #tpu.memory_space<vmem>>) target_semaphore(%arg15 : memref<!tpu.dma_semaphore, #tpu.memory_space<semaphore_mem>>)
    %scan3A_100 = arith.constant 0 : i32
    %scan3A_101 = arith.constant 0 : i32
    %scan3A_102 = arith.constant 80 : i32
    %scan3A_103 = arith.addi %scan3A_101, %scan3A_102 : i32
    %scan3A_104 = arith.constant 1 : i32
    scf.for %scan3A_106 = %scan3A_101 to %scan3A_103 step %scan3A_104  : i32 {
      %dma_wait3A = arith.constant 0 : i32
      %dma_wait3A_107 = tpu.memref_slice %arg3[%dma_wait3A] : memref<320000xi32, #tpu.memory_space<hbm>> -> memref<2000xi32, #tpu.memory_space<hbm>>
      %dma_wait3A_108 = arith.constant 0 : i32
      %dma_wait3A_109 = tpu.memref_slice %arg3[%dma_wait3A_108] : memref<320000xi32, #tpu.memory_space<hbm>> -> memref<2000xi32, #tpu.memory_space<hbm>>
      tpu.wait_dma2 semaphore(%arg16 : memref<!tpu.dma_semaphore, #tpu.memory_space<semaphore_mem>>) src(%dma_wait3A_109 : memref<2000xi32, #tpu.memory_space<hbm>>) dst(%arg6 : memref<2000xi32, #tpu.memory_space<vmem>>)
      %dma_wait3A_110 = arith.constant 0 : i32
      %dma_wait3A_111 = tpu.memref_slice %arg4[%dma_wait3A_110] : memref<320000xi32, #tpu.memory_space<hbm>> -> memref<2000xi32, #tpu.memory_space<hbm>>
      %dma_wait3A_112 = arith.constant 0 : i32
      %dma_wait3A_113 = tpu.memref_slice %arg4[%dma_wait3A_112] : memref<320000xi32, #tpu.memory_space<hbm>> -> memref<2000xi32, #tpu.memory_space<hbm>>
      tpu.wait_dma2 semaphore(%arg16 : memref<!tpu.dma_semaphore, #tpu.memory_space<semaphore_mem>>) src(%dma_wait3A_113 : memref<2000xi32, #tpu.memory_space<hbm>>) dst(%arg7 : memref<2000xi32, #tpu.memory_space<vmem>>)
      %broadcast_in_dim3A_114 = arith.constant 0 : i32
      %broadcast_in_dim3A_115 = vector.broadcast %broadcast_in_dim3A_114 : i32 to vector<16xi32>
      %scan3A_116 = arith.constant 0 : i32
      %scan3A_117 = arith.constant 125 : i32
      %scan3A_118 = arith.addi %scan3A_116, %scan3A_117 : i32
      %scan3A_119 = arith.constant 1 : i32
      %scan3A_120 = scf.for %scan3A_253 = %scan3A_116 to %scan3A_118 step %scan3A_119 iter_args(%scan3A_254 = %broadcast_in_dim3A_115) -> (vector<16xi32>)  : i32 {
        %mul3A_255 = arith.constant 16 : i32
        %mul3A_256 = arith.muli %scan3A_253, %mul3A_255 : i32
        %get3A = arith.index_cast %mul3A_256 : i32 to index
        %get3A_257 = tpu.vector_load %arg7[%get3A] {strides = array<i32>} : memref<2000xi32, #tpu.memory_space<vmem>>, vector<16xi32>,
        %mul3A_258 = arith.constant 16 : i32
        %mul3A_259 = arith.muli %scan3A_253, %mul3A_258 : i32
        %get3A_260 = arith.index_cast %mul3A_259 : i32 to index
        %get3A_261 = tpu.vector_load %arg6[%get3A_260] {strides = array<i32>} : memref<2000xi32, #tpu.memory_space<vmem>>, vector<16xi32>,
        %ge3A = vector.broadcast %add3A_77 : i32 to vector<16xi32>
        %ge3A_262 = arith.cmpi sge, %get3A_257, %ge3A : vector<16xi32>
        %add3A_263 = arith.constant 160 : i32
        %add3A_264 = arith.addi %add3A_77, %add3A_263 : i32
        %lt3A_265 = vector.broadcast %add3A_264 : i32 to vector<16xi32>
        %lt3A_266 = arith.cmpi slt, %get3A_257, %lt3A_265 : vector<16xi32>
        %and3A_267 = arith.andi %ge3A_262, %lt3A_266 : vector<16xi1>
        %broadcast_in_dim3A_268 = arith.constant 1 : i32
        %broadcast_in_dim3A_269 = vector.broadcast %broadcast_in_dim3A_268 : i32 to vector<16xi32>
        %broadcast_in_dim3A_270 = arith.constant 0 : i32
        %broadcast_in_dim3A_271 = vector.broadcast %broadcast_in_dim3A_270 : i32 to vector<16xi32>
        %select_n3A_272 = arith.select %and3A_267, %broadcast_in_dim3A_269, %broadcast_in_dim3A_271 : vector<16xi1>, vector<16xi32>
        %broadcast_in_dim3A_273 = arith.constant true
        %broadcast_in_dim3A_274 = vector.broadcast %broadcast_in_dim3A_273 : i1 to vector<16xi1>
        %masked_cumsum3A = tpu.scan <sum>, %select_n3A_272 masked %broadcast_in_dim3A_274 : vector<16xi32>, vector<16xi1> -> vector<16xi32>
        %add3A_275 = arith.addi %scan3A_254, %masked_cumsum3A : vector<16xi32>
        %sub3A_276 = arith.constant 1 : i32
        %sub3A_277 = vector.broadcast %sub3A_276 : i32 to vector<16xi32>
        %sub3A_278 = arith.subi %add3A_275, %sub3A_277 : vector<16xi32>
        %sub3A_279 = vector.broadcast %add3A_77 : i32 to vector<16xi32>
        %sub3A_280 = arith.subi %get3A_257, %sub3A_279 : vector<16xi32>
        tpu.vector_store_idx %arg11[%sub3A_278], %sub3A_280 masked %and3A_267 : memref<2016xi32, #tpu.memory_space<vmem>>[vector<16xi32>], vector<16xi32>, vector<16xi1>
        tpu.vector_store_idx %arg10[%sub3A_278], %get3A_261 masked %and3A_267 : memref<2064xi32, #tpu.memory_space<vmem>>[vector<16xi32>], vector<16xi32>, vector<16xi1>
        %all_reduce_population_count3A = tpu.all_reduce %and3A_267 {dim = 0 : i64, kind = #tpu.reduction_kind<sum>} : vector<16xi1> -> vector<16xi32>
        %add3A_281 = arith.addi %scan3A_254, %all_reduce_population_count3A : vector<16xi32>
        scf.yield %add3A_281 : vector<16xi32>
      }
      %scan3A_121 = arith.constant 125 : i32
      %slice3A = vector.extract_strided_slice %scan3A_120 {offsets = [0], sizes = [1], strides = [1]} : vector<16xi32> to vector<1xi32>
      %squeeze3A = vector.extract %slice3A[0] : i32 from vector<1xi32>
      %add3A_122 = arith.constant 0 : i32
      %add3A_123 = arith.addi %squeeze3A, %add3A_122 : i32
      %swap3A = arith.index_cast %add3A_123 : i32 to index
      %swap3A_124 = tpu.vector_load %arg10[%swap3A] {strides = array<i32>} : memref<2064xi32, #tpu.memory_space<vmem>>, vector<16xi32>,
      tpu.vector_store %arg10[%swap3A], %broadcast_in_dim3A_43 {strides = array<i32>} : memref<2064xi32, #tpu.memory_space<vmem>>, vector<16xi32>,
      %add3A_125 = arith.constant 16 : i32
      %add3A_126 = arith.addi %squeeze3A, %add3A_125 : i32
      %swap3A_127 = arith.index_cast %add3A_126 : i32 to index
      %swap3A_128 = tpu.vector_load %arg10[%swap3A_127] {strides = array<i32>} : memref<2064xi32, #tpu.memory_space<vmem>>, vector<16xi32>,
      tpu.vector_store %arg10[%swap3A_127], %broadcast_in_dim3A_43 {strides = array<i32>} : memref<2064xi32, #tpu.memory_space<vmem>>, vector<16xi32>,
      %add3A_129 = arith.constant 32 : i32
      %add3A_130 = arith.addi %squeeze3A, %add3A_129 : i32
      %swap3A_131 = arith.index_cast %add3A_130 : i32 to index
      %swap3A_132 = tpu.vector_load %arg10[%swap3A_131] {strides = array<i32>} : memref<2064xi32, #tpu.memory_space<vmem>>, vector<16xi32>,
      tpu.vector_store %arg10[%swap3A_131], %broadcast_in_dim3A_43 {strides = array<i32>} : memref<2064xi32, #tpu.memory_space<vmem>>, vector<16xi32>,
      %add3A_133 = arith.constant 48 : i32
      %add3A_134 = arith.addi %squeeze3A, %add3A_133 : i32
      %swap3A_135 = arith.index_cast %add3A_134 : i32 to index
      %swap3A_136 = tpu.vector_load %arg10[%swap3A_135] {strides = array<i32>} : memref<2064xi32, #tpu.memory_space<vmem>>, vector<16xi32>,
      tpu.vector_store %arg10[%swap3A_135], %broadcast_in_dim3A_43 {strides = array<i32>} : memref<2064xi32, #tpu.memory_space<vmem>>, vector<16xi32>,
      %add3A_137 = arith.constant 64 : i32
      %add3A_138 = arith.addi %squeeze3A, %add3A_137 : i32
      %sub3A = arith.constant 1 : i32
      %sub3A_139 = arith.subi %add3A_138, %sub3A : i32
      %jit3A = arith.constant 64 : i32
      %div3A = arith.divsi %sub3A_139, %jit3A : i32
      %sign3A = arith.constant 0 : i32
      %sign3A_140 = arith.cmpi sgt, %sub3A_139, %sign3A : i32
      %sign3A_141 = arith.extui %sign3A_140 : i1 to i32
      %sign3A_142 = arith.constant 0 : i32
      %sign3A_143 = arith.cmpi slt, %sub3A_139, %sign3A_142 : i32
      %sign3A_144 = arith.extui %sign3A_143 : i1 to i32
      %sign3A_145 = arith.subi %sign3A_141, %sign3A_144 : i32
      %sign3A_146 = arith.constant 0 : i32
      %sign3A_147 = arith.cmpi sgt, %jit3A, %sign3A_146 : i32
      %sign3A_148 = arith.extui %sign3A_147 : i1 to i32
      %sign3A_149 = arith.constant 0 : i32
      %sign3A_150 = arith.cmpi slt, %jit3A, %sign3A_149 : i32
      %sign3A_151 = arith.extui %sign3A_150 : i1 to i32
      %sign3A_152 = arith.subi %sign3A_148, %sign3A_151 : i32
      %ne3A = arith.cmpi ne, %sign3A_145, %sign3A_152 : i32
      %rem3A = arith.remsi %sub3A_139, %jit3A : i32
      %ne3A_153 = arith.constant 0 : i32
      %ne3A_154 = arith.cmpi ne, %rem3A, %ne3A_153 : i32
      %and3A = arith.andi %ne3A, %ne3A_154 : i1
      %sub3A_155 = arith.constant 1 : i32
      %sub3A_156 = arith.subi %div3A, %sub3A_155 : i32
      %select_n3A = arith.select %and3A, %sub3A_156, %div3A : i32
      %while3A = arith.constant 0 : i32
      %while3A_157 = arith.constant 0 : i32
      %while3A_158 = arith.subi %select_n3A, %while3A_157 : i32
      %while3A_159 = arith.addi %while3A_157, %while3A_158 : i32
      %while3A_160 = arith.constant 1 : i32
      %while3A_161 = arith.divsi %while3A_158, %while3A_160 : i32
      %while3A_162 = arith.muli %while3A_161, %while3A_160 : i32
      %while3A_163 = arith.addi %while3A_157, %while3A_162 : i32
      %while3A_164 = arith.constant 1 : i32
      scf.for %while3A_253 = %while3A_157 to %while3A_163 step %while3A_164  : i32 {
        %mul3A_254 = arith.constant 64 : i32
        %mul3A_255 = arith.muli %while3A_253, %mul3A_254 : i32
        %dma_start3A_256 = tpu.memref_slice %arg10[%mul3A_255] : memref<2064xi32, #tpu.memory_space<vmem>> -> memref<64xi32, #tpu.memory_space<vmem>>
        %dma_start3A_257 = arith.constant 0 : i32
        %dma_start3A_258 = arith.constant 0 : i32
        %dma_start3A_259 = tpu.memref_slice %arg14[%dma_start3A_257, %dma_start3A_258] : memref<10240x128xf32, #tpu.memory_space<vmem_shared>> -> memref<10240x128xf32, #tpu.memory_space<vmem_shared>>
        tpu.enqueue_indirect_dma source(%dma_start3A_259 : memref<10240x128xf32, #tpu.memory_space<vmem_shared>>) target(%arg12 : memref<64x128xf32, #tpu.memory_space<vmem>>) offsets(%dma_start3A_256 : memref<64xi32, #tpu.memory_space<vmem>>) semaphore(%arg17 : memref<!tpu.dma_semaphore, #tpu.memory_space<semaphore_mem>>)
        %dma_wait3A_260 = tpu.memref_slice %arg10[%mul3A_255] : memref<2064xi32, #tpu.memory_space<vmem>> -> memref<64xi32, #tpu.memory_space<vmem>>
        %dma_wait3A_261 = arith.constant 0 : i32
        %dma_wait3A_262 = arith.constant 0 : i32
        %dma_wait3A_263 = tpu.memref_slice %arg14[%dma_wait3A_261, %dma_wait3A_262] : memref<10240x128xf32, #tpu.memory_space<vmem_shared>> -> memref<10240x128xf32, #tpu.memory_space<vmem_shared>>
        tpu.wait_indirect_dma semaphore(%arg17 : memref<!tpu.dma_semaphore, #tpu.memory_space<semaphore_mem>>) src(%dma_wait3A_263 : memref<10240x128xf32, #tpu.memory_space<vmem_shared>>) dst(%arg12 : memref<64x128xf32, #tpu.memory_space<vmem>>)
        %mul3A_264 = arith.constant 64 : i32
        %mul3A_265 = arith.muli %while3A_253, %mul3A_264 : i32
        %sub3A_266 = arith.subi %squeeze3A, %mul3A_265 : i32
        %min3A = arith.constant 64 : i32
        %min3A_267 = arith.minsi %min3A, %sub3A_266 : i32
        %mul3A_268 = arith.constant 64 : i32
        %mul3A_269 = arith.muli %while3A_253, %mul3A_268 : i32
        %get3A = arith.index_cast %mul3A_269 : i32 to index
        %get3A_270 = tpu.vector_load %arg11[%get3A] {strides = array<i32>} : memref<2016xi32, #tpu.memory_space<vmem>>, vector<16xi32>,
        %slice3A_271 = vector.extract_strided_slice %get3A_270 {offsets = [0], sizes = [1], strides = [1]} : vector<16xi32> to vector<1xi32>
        %squeeze3A_272 = vector.extract %slice3A_271[0] : i32 from vector<1xi32>
        %while3A_273 = arith.constant 0 : i32
        %while3A_274 = arith.subi %min3A_267, %while3A_273 : i32
        %while3A_275 = arith.addi %while3A_273, %while3A_274 : i32
        %while3A_276 = arith.constant 1 : i32
        %while3A_277 = arith.divsi %while3A_274, %while3A_276 : i32
        %while3A_278 = arith.muli %while3A_277, %while3A_276 : i32
        %while3A_279 = arith.addi %while3A_273, %while3A_278 : i32
        %while3A_280 = arith.constant 1 : i32
        %while3A_281 = scf.for %while3A_284 = %while3A_273 to %while3A_279 step %while3A_280 iter_args(%while3A_285 = %squeeze3A_272) -> (i32)  : i32 {
          %mul3A_286 = arith.constant 64 : i32
          %mul3A_287 = arith.muli %while3A_253, %mul3A_286 : i32
          %add3A_288 = arith.addi %mul3A_287, %while3A_284 : i32
          %add3A_289 = arith.constant 1 : i32
          %add3A_290 = arith.addi %add3A_288, %add3A_289 : i32
          %get3A_291 = arith.index_cast %add3A_290 : i32 to index
          %get3A_292 = tpu.vector_load %arg11[%get3A_291] {strides = array<i32>} : memref<2016xi32, #tpu.memory_space<vmem>>, vector<16xi32>,
          %slice3A_293 = vector.extract_strided_slice %get3A_292 {offsets = [0], sizes = [1], strides = [1]} : vector<16xi32> to vector<1xi32>
          %squeeze3A_294 = vector.extract %slice3A_293[0] : i32 from vector<1xi32>
          %get3A_295 = arith.index_cast %while3A_285 : i32 to index
          %get3A_296 = arith.constant 0 : index
          %get3A_297 = tpu.vector_load %arg13[%get3A_295, %get3A_296] {strides = array<i32>} : memref<160x128xf32, #tpu.memory_space<vmem>>, vector<16xf32>,
          %get3A_298 = arith.index_cast %while3A_284 : i32 to index
          %get3A_299 = arith.constant 0 : index
          %get3A_300 = tpu.vector_load %arg12[%get3A_298, %get3A_299] {strides = array<i32>} : memref<64x128xf32, #tpu.memory_space<vmem>>, vector<16xf32>,
          %max3A = arith.maximumf %get3A_297, %get3A_300 : vector<16xf32>
          %swap3A_301 = arith.index_cast %while3A_285 : i32 to index
          %swap3A_302 = arith.constant 0 : index
          %swap3A_303 = tpu.vector_load %arg13[%swap3A_301, %swap3A_302] {strides = array<i32>} : memref<160x128xf32, #tpu.memory_space<vmem>>, vector<16xf32>,
          tpu.vector_store %arg13[%swap3A_301, %swap3A_302], %max3A {strides = array<i32>} : memref<160x128xf32, #tpu.memory_space<vmem>>, vector<16xf32>,
          %get3A_304 = arith.index_cast %while3A_285 : i32 to index
          %get3A_305 = arith.constant 16 : index
          %get3A_306 = tpu.vector_load %arg13[%get3A_304, %get3A_305] {strides = array<i32>} : memref<160x128xf32, #tpu.memory_space<vmem>>, vector<16xf32>,
          %get3A_307 = arith.index_cast %while3A_284 : i32 to index
          %get3A_308 = arith.constant 16 : index
          %get3A_309 = tpu.vector_load %arg12[%get3A_307, %get3A_308] {strides = array<i32>} : memref<64x128xf32, #tpu.memory_space<vmem>>, vector<16xf32>,
          %max3A_310 = arith.maximumf %get3A_306, %get3A_309 : vector<16xf32>
          %swap3A_311 = arith.index_cast %while3A_285 : i32 to index
          %swap3A_312 = arith.constant 16 : index
          %swap3A_313 = tpu.vector_load %arg13[%swap3A_311, %swap3A_312] {strides = array<i32>} : memref<160x128xf32, #tpu.memory_space<vmem>>, vector<16xf32>,
          tpu.vector_store %arg13[%swap3A_311, %swap3A_312], %max3A_310 {strides = array<i32>} : memref<160x128xf32, #tpu.memory_space<vmem>>, vector<16xf32>,
          %get3A_314 = arith.index_cast %while3A_285 : i32 to index
          %get3A_315 = arith.constant 32 : index
          %get3A_316 = tpu.vector_load %arg13[%get3A_314, %get3A_315] {strides = array<i32>} : memref<160x128xf32, #tpu.memory_space<vmem>>, vector<16xf32>,
          %get3A_317 = arith.index_cast %while3A_284 : i32 to index
          %get3A_318 = arith.constant 32 : index
          %get3A_319 = tpu.vector_load %arg12[%get3A_317, %get3A_318] {strides = array<i32>} : memref<64x128xf32, #tpu.memory_space<vmem>>, vector<16xf32>,
          %max3A_320 = arith.maximumf %get3A_316, %get3A_319 : vector<16xf32>
          %swap3A_321 = arith.index_cast %while3A_285 : i32 to index
          %swap3A_322 = arith.constant 32 : index
          %swap3A_323 = tpu.vector_load %arg13[%swap3A_321, %swap3A_322] {strides = array<i32>} : memref<160x128xf32, #tpu.memory_space<vmem>>, vector<16xf32>,
          tpu.vector_store %arg13[%swap3A_321, %swap3A_322], %max3A_320 {strides = array<i32>} : memref<160x128xf32, #tpu.memory_space<vmem>>, vector<16xf32>,
          %get3A_324 = arith.index_cast %while3A_285 : i32 to index
          %get3A_325 = arith.constant 48 : index
          %get3A_326 = tpu.vector_load %arg13[%get3A_324, %get3A_325] {strides = array<i32>} : memref<160x128xf32, #tpu.memory_space<vmem>>, vector<16xf32>,
          %get3A_327 = arith.index_cast %while3A_284 : i32 to index
          %get3A_328 = arith.constant 48 : index
          %get3A_329 = tpu.vector_load %arg12[%get3A_327, %get3A_328] {strides = array<i32>} : memref<64x128xf32, #tpu.memory_space<vmem>>, vector<16xf32>,
          %max3A_330 = arith.maximumf %get3A_326, %get3A_329 : vector<16xf32>
          %swap3A_331 = arith.index_cast %while3A_285 : i32 to index
          %swap3A_332 = arith.constant 48 : index
          %swap3A_333 = tpu.vector_load %arg13[%swap3A_331, %swap3A_332] {strides = array<i32>} : memref<160x128xf32, #tpu.memory_space<vmem>>, vector<16xf32>,
          tpu.vector_store %arg13[%swap3A_331, %swap3A_332], %max3A_330 {strides = array<i32>} : memref<160x128xf32, #tpu.memory_space<vmem>>, vector<16xf32>,
          %get3A_334 = arith.index_cast %while3A_285 : i32 to index
          %get3A_335 = arith.constant 64 : index
          %get3A_336 = tpu.vector_load %arg13[%get3A_334, %get3A_335] {strides = array<i32>} : memref<160x128xf32, #tpu.memory_space<vmem>>, vector<16xf32>,
          %get3A_337 = arith.index_cast %while3A_284 : i32 to index
          %get3A_338 = arith.constant 64 : index
          %get3A_339 = tpu.vector_load %arg12[%get3A_337, %get3A_338] {strides = array<i32>} : memref<64x128xf32, #tpu.memory_space<vmem>>, vector<16xf32>,
          %max3A_340 = arith.maximumf %get3A_336, %get3A_339 : vector<16xf32>
          %swap3A_341 = arith.index_cast %while3A_285 : i32 to index
          %swap3A_342 = arith.constant 64 : index
          %swap3A_343 = tpu.vector_load %arg13[%swap3A_341, %swap3A_342] {strides = array<i32>} : memref<160x128xf32, #tpu.memory_space<vmem>>, vector<16xf32>,
          tpu.vector_store %arg13[%swap3A_341, %swap3A_342], %max3A_340 {strides = array<i32>} : memref<160x128xf32, #tpu.memory_space<vmem>>, vector<16xf32>,
          %get3A_344 = arith.index_cast %while3A_285 : i32 to index
          %get3A_345 = arith.constant 80 : index
          %get3A_346 = tpu.vector_load %arg13[%get3A_344, %get3A_345] {strides = array<i32>} : memref<160x128xf32, #tpu.memory_space<vmem>>, vector<16xf32>,
          %get3A_347 = arith.index_cast %while3A_284 : i32 to index
          %get3A_348 = arith.constant 80 : index
          %get3A_349 = tpu.vector_load %arg12[%get3A_347, %get3A_348] {strides = array<i32>} : memref<64x128xf32, #tpu.memory_space<vmem>>, vector<16xf32>,
          %max3A_350 = arith.maximumf %get3A_346, %get3A_349 : vector<16xf32>
          %swap3A_351 = arith.index_cast %while3A_285 : i32 to index
          %swap3A_352 = arith.constant 80 : index
          %swap3A_353 = tpu.vector_load %arg13[%swap3A_351, %swap3A_352] {strides = array<i32>} : memref<160x128xf32, #tpu.memory_space<vmem>>, vector<16xf32>,
          tpu.vector_store %arg13[%swap3A_351, %swap3A_352], %max3A_350 {strides = array<i32>} : memref<160x128xf32, #tpu.memory_space<vmem>>, vector<16xf32>,
          %get3A_354 = arith.index_cast %while3A_285 : i32 to index
          %get3A_355 = arith.constant 96 : index
          %get3A_356 = tpu.vector_load %arg13[%get3A_354, %get3A_355] {strides = array<i32>} : memref<160x128xf32, #tpu.memory_space<vmem>>, vector<16xf32>,
          %get3A_357 = arith.index_cast %while3A_284 : i32 to index
          %get3A_358 = arith.constant 96 : index
          %get3A_359 = tpu.vector_load %arg12[%get3A_357, %get3A_358] {strides = array<i32>} : memref<64x128xf32, #tpu.memory_space<vmem>>, vector<16xf32>,
          %max3A_360 = arith.maximumf %get3A_356, %get3A_359 : vector<16xf32>
          %swap3A_361 = arith.index_cast %while3A_285 : i32 to index
          %swap3A_362 = arith.constant 96 : index
          %swap3A_363 = tpu.vector_load %arg13[%swap3A_361, %swap3A_362] {strides = array<i32>} : memref<160x128xf32, #tpu.memory_space<vmem>>, vector<16xf32>,
          tpu.vector_store %arg13[%swap3A_361, %swap3A_362], %max3A_360 {strides = array<i32>} : memref<160x128xf32, #tpu.memory_space<vmem>>, vector<16xf32>,
          %get3A_364 = arith.index_cast %while3A_285 : i32 to index
          %get3A_365 = arith.constant 112 : index
          %get3A_366 = tpu.vector_load %arg13[%get3A_364, %get3A_365] {strides = array<i32>} : memref<160x128xf32, #tpu.memory_space<vmem>>, vector<16xf32>,
          %get3A_367 = arith.index_cast %while3A_284 : i32 to index
          %get3A_368 = arith.constant 112 : index
          %get3A_369 = tpu.vector_load %arg12[%get3A_367, %get3A_368] {strides = array<i32>} : memref<64x128xf32, #tpu.memory_space<vmem>>, vector<16xf32>,
          %max3A_370 = arith.maximumf %get3A_366, %get3A_369 : vector<16xf32>
          %swap3A_371 = arith.index_cast %while3A_285 : i32 to index
          %swap3A_372 = arith.constant 112 : index
          %swap3A_373 = tpu.vector_load %arg13[%swap3A_371, %swap3A_372] {strides = array<i32>} : memref<160x128xf32, #tpu.memory_space<vmem>>, vector<16xf32>,
          tpu.vector_store %arg13[%swap3A_371, %swap3A_372], %max3A_370 {strides = array<i32>} : memref<160x128xf32, #tpu.memory_space<vmem>>, vector<16xf32>,
          scf.yield %squeeze3A_294 : i32
        }
        %while3A_282 = arith.constant 1 : i32
        %while3A_283 = scf.for %while3A_284 = %while3A_279 to %while3A_275 step %while3A_282 iter_args(%while3A_285 = %while3A_281) -> (i32)  : i32 {
          %mul3A_286 = arith.constant 64 : i32
          %mul3A_287 = arith.muli %while3A_253, %mul3A_286 : i32
          %add3A_288 = arith.addi %mul3A_287, %while3A_284 : i32
          %add3A_289 = arith.constant 1 : i32
          %add3A_290 = arith.addi %add3A_288, %add3A_289 : i32
          %get3A_291 = arith.index_cast %add3A_290 : i32 to index
          %get3A_292 = tpu.vector_load %arg11[%get3A_291] {strides = array<i32>} : memref<2016xi32, #tpu.memory_space<vmem>>, vector<16xi32>,
          %slice3A_293 = vector.extract_strided_slice %get3A_292 {offsets = [0], sizes = [1], strides = [1]} : vector<16xi32> to vector<1xi32>
          %squeeze3A_294 = vector.extract %slice3A_293[0] : i32 from vector<1xi32>
          %get3A_295 = arith.index_cast %while3A_285 : i32 to index
          %get3A_296 = arith.constant 0 : index
          %get3A_297 = tpu.vector_load %arg13[%get3A_295, %get3A_296] {strides = array<i32>} : memref<160x128xf32, #tpu.memory_space<vmem>>, vector<16xf32>,
          %get3A_298 = arith.index_cast %while3A_284 : i32 to index
          %get3A_299 = arith.constant 0 : index
          %get3A_300 = tpu.vector_load %arg12[%get3A_298, %get3A_299] {strides = array<i32>} : memref<64x128xf32, #tpu.memory_space<vmem>>, vector<16xf32>,
          %max3A = arith.maximumf %get3A_297, %get3A_300 : vector<16xf32>
          %swap3A_301 = arith.index_cast %while3A_285 : i32 to index
          %swap3A_302 = arith.constant 0 : index
          %swap3A_303 = tpu.vector_load %arg13[%swap3A_301, %swap3A_302] {strides = array<i32>} : memref<160x128xf32, #tpu.memory_space<vmem>>, vector<16xf32>,
          tpu.vector_store %arg13[%swap3A_301, %swap3A_302], %max3A {strides = array<i32>} : memref<160x128xf32, #tpu.memory_space<vmem>>, vector<16xf32>,
          %get3A_304 = arith.index_cast %while3A_285 : i32 to index
          %get3A_305 = arith.constant 16 : index
          %get3A_306 = tpu.vector_load %arg13[%get3A_304, %get3A_305] {strides = array<i32>} : memref<160x128xf32, #tpu.memory_space<vmem>>, vector<16xf32>,
          %get3A_307 = arith.index_cast %while3A_284 : i32 to index
          %get3A_308 = arith.constant 16 : index
          %get3A_309 = tpu.vector_load %arg12[%get3A_307, %get3A_308] {strides = array<i32>} : memref<64x128xf32, #tpu.memory_space<vmem>>, vector<16xf32>,
          %max3A_310 = arith.maximumf %get3A_306, %get3A_309 : vector<16xf32>
          %swap3A_311 = arith.index_cast %while3A_285 : i32 to index
          %swap3A_312 = arith.constant 16 : index
          %swap3A_313 = tpu.vector_load %arg13[%swap3A_311, %swap3A_312] {strides = array<i32>} : memref<160x128xf32, #tpu.memory_space<vmem>>, vector<16xf32>,
          tpu.vector_store %arg13[%swap3A_311, %swap3A_312], %max3A_310 {strides = array<i32>} : memref<160x128xf32, #tpu.memory_space<vmem>>, vector<16xf32>,
          %get3A_314 = arith.index_cast %while3A_285 : i32 to index
          %get3A_315 = arith.constant 32 : index
          %get3A_316 = tpu.vector_load %arg13[%get3A_314, %get3A_315] {strides = array<i32>} : memref<160x128xf32, #tpu.memory_space<vmem>>, vector<16xf32>,
          %get3A_317 = arith.index_cast %while3A_284 : i32 to index
          %get3A_318 = arith.constant 32 : index
          %get3A_319 = tpu.vector_load %arg12[%get3A_317, %get3A_318] {strides = array<i32>} : memref<64x128xf32, #tpu.memory_space<vmem>>, vector<16xf32>,
          %max3A_320 = arith.maximumf %get3A_316, %get3A_319 : vector<16xf32>
          %swap3A_321 = arith.index_cast %while3A_285 : i32 to index
          %swap3A_322 = arith.constant 32 : index
          %swap3A_323 = tpu.vector_load %arg13[%swap3A_321, %swap3A_322] {strides = array<i32>} : memref<160x128xf32, #tpu.memory_space<vmem>>, vector<16xf32>,
          tpu.vector_store %arg13[%swap3A_321, %swap3A_322], %max3A_320 {strides = array<i32>} : memref<160x128xf32, #tpu.memory_space<vmem>>, vector<16xf32>,
          %get3A_324 = arith.index_cast %while3A_285 : i32 to index
          %get3A_325 = arith.constant 48 : index
          %get3A_326 = tpu.vector_load %arg13[%get3A_324, %get3A_325] {strides = array<i32>} : memref<160x128xf32, #tpu.memory_space<vmem>>, vector<16xf32>,
          %get3A_327 = arith.index_cast %while3A_284 : i32 to index
          %get3A_328 = arith.constant 48 : index
          %get3A_329 = tpu.vector_load %arg12[%get3A_327, %get3A_328] {strides = array<i32>} : memref<64x128xf32, #tpu.memory_space<vmem>>, vector<16xf32>,
          %max3A_330 = arith.maximumf %get3A_326, %get3A_329 : vector<16xf32>
          %swap3A_331 = arith.index_cast %while3A_285 : i32 to index
          %swap3A_332 = arith.constant 48 : index
          %swap3A_333 = tpu.vector_load %arg13[%swap3A_331, %swap3A_332] {strides = array<i32>} : memref<160x128xf32, #tpu.memory_space<vmem>>, vector<16xf32>,
          tpu.vector_store %arg13[%swap3A_331, %swap3A_332], %max3A_330 {strides = array<i32>} : memref<160x128xf32, #tpu.memory_space<vmem>>, vector<16xf32>,
          %get3A_334 = arith.index_cast %while3A_285 : i32 to index
          %get3A_335 = arith.constant 64 : index
          %get3A_336 = tpu.vector_load %arg13[%get3A_334, %get3A_335] {strides = array<i32>} : memref<160x128xf32, #tpu.memory_space<vmem>>, vector<16xf32>,
          %get3A_337 = arith.index_cast %while3A_284 : i32 to index
          %get3A_338 = arith.constant 64 : index
          %get3A_339 = tpu.vector_load %arg12[%get3A_337, %get3A_338] {strides = array<i32>} : memref<64x128xf32, #tpu.memory_space<vmem>>, vector<16xf32>,
          %max3A_340 = arith.maximumf %get3A_336, %get3A_339 : vector<16xf32>
          %swap3A_341 = arith.index_cast %while3A_285 : i32 to index
          %swap3A_342 = arith.constant 64 : index
          %swap3A_343 = tpu.vector_load %arg13[%swap3A_341, %swap3A_342] {strides = array<i32>} : memref<160x128xf32, #tpu.memory_space<vmem>>, vector<16xf32>,
          tpu.vector_store %arg13[%swap3A_341, %swap3A_342], %max3A_340 {strides = array<i32>} : memref<160x128xf32, #tpu.memory_space<vmem>>, vector<16xf32>,
          %get3A_344 = arith.index_cast %while3A_285 : i32 to index
          %get3A_345 = arith.constant 80 : index
          %get3A_346 = tpu.vector_load %arg13[%get3A_344, %get3A_345] {strides = array<i32>} : memref<160x128xf32, #tpu.memory_space<vmem>>, vector<16xf32>,
          %get3A_347 = arith.index_cast %while3A_284 : i32 to index
          %get3A_348 = arith.constant 80 : index
          %get3A_349 = tpu.vector_load %arg12[%get3A_347, %get3A_348] {strides = array<i32>} : memref<64x128xf32, #tpu.memory_space<vmem>>, vector<16xf32>,
          %max3A_350 = arith.maximumf %get3A_346, %get3A_349 : vector<16xf32>
          %swap3A_351 = arith.index_cast %while3A_285 : i32 to index
          %swap3A_352 = arith.constant 80 : index
          %swap3A_353 = tpu.vector_load %arg13[%swap3A_351, %swap3A_352] {strides = array<i32>} : memref<160x128xf32, #tpu.memory_space<vmem>>, vector<16xf32>,
          tpu.vector_store %arg13[%swap3A_351, %swap3A_352], %max3A_350 {strides = array<i32>} : memref<160x128xf32, #tpu.memory_space<vmem>>, vector<16xf32>,
          %get3A_354 = arith.index_cast %while3A_285 : i32 to index
          %get3A_355 = arith.constant 96 : index
          %get3A_356 = tpu.vector_load %arg13[%get3A_354, %get3A_355] {strides = array<i32>} : memref<160x128xf32, #tpu.memory_space<vmem>>, vector<16xf32>,
          %get3A_357 = arith.index_cast %while3A_284 : i32 to index
          %get3A_358 = arith.constant 96 : index
          %get3A_359 = tpu.vector_load %arg12[%get3A_357, %get3A_358] {strides = array<i32>} : memref<64x128xf32, #tpu.memory_space<vmem>>, vector<16xf32>,
          %max3A_360 = arith.maximumf %get3A_356, %get3A_359 : vector<16xf32>
          %swap3A_361 = arith.index_cast %while3A_285 : i32 to index
          %swap3A_362 = arith.constant 96 : index
          %swap3A_363 = tpu.vector_load %arg13[%swap3A_361, %swap3A_362] {strides = array<i32>} : memref<160x128xf32, #tpu.memory_space<vmem>>, vector<16xf32>,
          tpu.vector_store %arg13[%swap3A_361, %swap3A_362], %max3A_360 {strides = array<i32>} : memref<160x128xf32, #tpu.memory_space<vmem>>, vector<16xf32>,
          %get3A_364 = arith.index_cast %while3A_285 : i32 to index
          %get3A_365 = arith.constant 112 : index
          %get3A_366 = tpu.vector_load %arg13[%get3A_364, %get3A_365] {strides = array<i32>} : memref<160x128xf32, #tpu.memory_space<vmem>>, vector<16xf32>,
          %get3A_367 = arith.index_cast %while3A_284 : i32 to index
          %get3A_368 = arith.constant 112 : index
          %get3A_369 = tpu.vector_load %arg12[%get3A_367, %get3A_368] {strides = array<i32>} : memref<64x128xf32, #tpu.memory_space<vmem>>, vector<16xf32>,
          %max3A_370 = arith.maximumf %get3A_366, %get3A_369 : vector<16xf32>
          %swap3A_371 = arith.index_cast %while3A_285 : i32 to index
          %swap3A_372 = arith.constant 112 : index
          %swap3A_373 = tpu.vector_load %arg13[%swap3A_371, %swap3A_372] {strides = array<i32>} : memref<160x128xf32, #tpu.memory_space<vmem>>, vector<16xf32>,
          tpu.vector_store %arg13[%swap3A_371, %swap3A_372], %max3A_370 {strides = array<i32>} : memref<160x128xf32, #tpu.memory_space<vmem>>, vector<16xf32>,
          scf.yield %squeeze3A_294 : i32
        }
      }
      %while3A_165 = arith.constant 1 : i32
      scf.for %while3A_253 = %while3A_163 to %while3A_159 step %while3A_165  : i32 {
        %mul3A_254 = arith.constant 64 : i32
        %mul3A_255 = arith.muli %while3A_253, %mul3A_254 : i32
        %dma_start3A_256 = tpu.memref_slice %arg10[%mul3A_255] : memref<2064xi32, #tpu.memory_space<vmem>> -> memref<64xi32, #tpu.memory_space<vmem>>
        %dma_start3A_257 = arith.constant 0 : i32
        %dma_start3A_258 = arith.constant 0 : i32
        %dma_start3A_259 = tpu.memref_slice %arg14[%dma_start3A_257, %dma_start3A_258] : memref<10240x128xf32, #tpu.memory_space<vmem_shared>> -> memref<10240x128xf32, #tpu.memory_space<vmem_shared>>
        tpu.enqueue_indirect_dma source(%dma_start3A_259 : memref<10240x128xf32, #tpu.memory_space<vmem_shared>>) target(%arg12 : memref<64x128xf32, #tpu.memory_space<vmem>>) offsets(%dma_start3A_256 : memref<64xi32, #tpu.memory_space<vmem>>) semaphore(%arg17 : memref<!tpu.dma_semaphore, #tpu.memory_space<semaphore_mem>>)
        %dma_wait3A_260 = tpu.memref_slice %arg10[%mul3A_255] : memref<2064xi32, #tpu.memory_space<vmem>> -> memref<64xi32, #tpu.memory_space<vmem>>
        %dma_wait3A_261 = arith.constant 0 : i32
        %dma_wait3A_262 = arith.constant 0 : i32
        %dma_wait3A_263 = tpu.memref_slice %arg14[%dma_wait3A_261, %dma_wait3A_262] : memref<10240x128xf32, #tpu.memory_space<vmem_shared>> -> memref<10240x128xf32, #tpu.memory_space<vmem_shared>>
        tpu.wait_indirect_dma semaphore(%arg17 : memref<!tpu.dma_semaphore, #tpu.memory_space<semaphore_mem>>) src(%dma_wait3A_263 : memref<10240x128xf32, #tpu.memory_space<vmem_shared>>) dst(%arg12 : memref<64x128xf32, #tpu.memory_space<vmem>>)
        %mul3A_264 = arith.constant 64 : i32
        %mul3A_265 = arith.muli %while3A_253, %mul3A_264 : i32
        %sub3A_266 = arith.subi %squeeze3A, %mul3A_265 : i32
        %min3A = arith.constant 64 : i32
        %min3A_267 = arith.minsi %min3A, %sub3A_266 : i32
        %mul3A_268 = arith.constant 64 : i32
        %mul3A_269 = arith.muli %while3A_253, %mul3A_268 : i32
        %get3A = arith.index_cast %mul3A_269 : i32 to index
        %get3A_270 = tpu.vector_load %arg11[%get3A] {strides = array<i32>} : memref<2016xi32, #tpu.memory_space<vmem>>, vector<16xi32>,
        %slice3A_271 = vector.extract_strided_slice %get3A_270 {offsets = [0], sizes = [1], strides = [1]} : vector<16xi32> to vector<1xi32>
        %squeeze3A_272 = vector.extract %slice3A_271[0] : i32 from vector<1xi32>
        %while3A_273 = arith.constant 0 : i32
        %while3A_274 = arith.subi %min3A_267, %while3A_273 : i32
        %while3A_275 = arith.addi %while3A_273, %while3A_274 : i32
        %while3A_276 = arith.constant 1 : i32
        %while3A_277 = arith.divsi %while3A_274, %while3A_276 : i32
        %while3A_278 = arith.muli %while3A_277, %while3A_276 : i32
        %while3A_279 = arith.addi %while3A_273, %while3A_278 : i32
        %while3A_280 = arith.constant 1 : i32
        %while3A_281 = scf.for %while3A_284 = %while3A_273 to %while3A_279 step %while3A_280 iter_args(%while3A_285 = %squeeze3A_272) -> (i32)  : i32 {
          %mul3A_286 = arith.constant 64 : i32
          %mul3A_287 = arith.muli %while3A_253, %mul3A_286 : i32
          %add3A_288 = arith.addi %mul3A_287, %while3A_284 : i32
          %add3A_289 = arith.constant 1 : i32
          %add3A_290 = arith.addi %add3A_288, %add3A_289 : i32
          %get3A_291 = arith.index_cast %add3A_290 : i32 to index
          %get3A_292 = tpu.vector_load %arg11[%get3A_291] {strides = array<i32>} : memref<2016xi32, #tpu.memory_space<vmem>>, vector<16xi32>,
          %slice3A_293 = vector.extract_strided_slice %get3A_292 {offsets = [0], sizes = [1], strides = [1]} : vector<16xi32> to vector<1xi32>
          %squeeze3A_294 = vector.extract %slice3A_293[0] : i32 from vector<1xi32>
          %get3A_295 = arith.index_cast %while3A_285 : i32 to index
          %get3A_296 = arith.constant 0 : index
          %get3A_297 = tpu.vector_load %arg13[%get3A_295, %get3A_296] {strides = array<i32>} : memref<160x128xf32, #tpu.memory_space<vmem>>, vector<16xf32>,
          %get3A_298 = arith.index_cast %while3A_284 : i32 to index
          %get3A_299 = arith.constant 0 : index
          %get3A_300 = tpu.vector_load %arg12[%get3A_298, %get3A_299] {strides = array<i32>} : memref<64x128xf32, #tpu.memory_space<vmem>>, vector<16xf32>,
          %max3A = arith.maximumf %get3A_297, %get3A_300 : vector<16xf32>
          %swap3A_301 = arith.index_cast %while3A_285 : i32 to index
          %swap3A_302 = arith.constant 0 : index
          %swap3A_303 = tpu.vector_load %arg13[%swap3A_301, %swap3A_302] {strides = array<i32>} : memref<160x128xf32, #tpu.memory_space<vmem>>, vector<16xf32>,
          tpu.vector_store %arg13[%swap3A_301, %swap3A_302], %max3A {strides = array<i32>} : memref<160x128xf32, #tpu.memory_space<vmem>>, vector<16xf32>,
          %get3A_304 = arith.index_cast %while3A_285 : i32 to index
          %get3A_305 = arith.constant 16 : index
          %get3A_306 = tpu.vector_load %arg13[%get3A_304, %get3A_305] {strides = array<i32>} : memref<160x128xf32, #tpu.memory_space<vmem>>, vector<16xf32>,
          %get3A_307 = arith.index_cast %while3A_284 : i32 to index
          %get3A_308 = arith.constant 16 : index
          %get3A_309 = tpu.vector_load %arg12[%get3A_307, %get3A_308] {strides = array<i32>} : memref<64x128xf32, #tpu.memory_space<vmem>>, vector<16xf32>,
          %max3A_310 = arith.maximumf %get3A_306, %get3A_309 : vector<16xf32>
          %swap3A_311 = arith.index_cast %while3A_285 : i32 to index
          %swap3A_312 = arith.constant 16 : index
          %swap3A_313 = tpu.vector_load %arg13[%swap3A_311, %swap3A_312] {strides = array<i32>} : memref<160x128xf32, #tpu.memory_space<vmem>>, vector<16xf32>,
          tpu.vector_store %arg13[%swap3A_311, %swap3A_312], %max3A_310 {strides = array<i32>} : memref<160x128xf32, #tpu.memory_space<vmem>>, vector<16xf32>,
          %get3A_314 = arith.index_cast %while3A_285 : i32 to index
          %get3A_315 = arith.constant 32 : index
          %get3A_316 = tpu.vector_load %arg13[%get3A_314, %get3A_315] {strides = array<i32>} : memref<160x128xf32, #tpu.memory_space<vmem>>, vector<16xf32>,
          %get3A_317 = arith.index_cast %while3A_284 : i32 to index
          %get3A_318 = arith.constant 32 : index
          %get3A_319 = tpu.vector_load %arg12[%get3A_317, %get3A_318] {strides = array<i32>} : memref<64x128xf32, #tpu.memory_space<vmem>>, vector<16xf32>,
          %max3A_320 = arith.maximumf %get3A_316, %get3A_319 : vector<16xf32>
          %swap3A_321 = arith.index_cast %while3A_285 : i32 to index
          %swap3A_322 = arith.constant 32 : index
          %swap3A_323 = tpu.vector_load %arg13[%swap3A_321, %swap3A_322] {strides = array<i32>} : memref<160x128xf32, #tpu.memory_space<vmem>>, vector<16xf32>,
          tpu.vector_store %arg13[%swap3A_321, %swap3A_322], %max3A_320 {strides = array<i32>} : memref<160x128xf32, #tpu.memory_space<vmem>>, vector<16xf32>,
          %get3A_324 = arith.index_cast %while3A_285 : i32 to index
          %get3A_325 = arith.constant 48 : index
          %get3A_326 = tpu.vector_load %arg13[%get3A_324, %get3A_325] {strides = array<i32>} : memref<160x128xf32, #tpu.memory_space<vmem>>, vector<16xf32>,
          %get3A_327 = arith.index_cast %while3A_284 : i32 to index
          %get3A_328 = arith.constant 48 : index
          %get3A_329 = tpu.vector_load %arg12[%get3A_327, %get3A_328] {strides = array<i32>} : memref<64x128xf32, #tpu.memory_space<vmem>>, vector<16xf32>,
          %max3A_330 = arith.maximumf %get3A_326, %get3A_329 : vector<16xf32>
          %swap3A_331 = arith.index_cast %while3A_285 : i32 to index
          %swap3A_332 = arith.constant 48 : index
          %swap3A_333 = tpu.vector_load %arg13[%swap3A_331, %swap3A_332] {strides = array<i32>} : memref<160x128xf32, #tpu.memory_space<vmem>>, vector<16xf32>,
          tpu.vector_store %arg13[%swap3A_331, %swap3A_332], %max3A_330 {strides = array<i32>} : memref<160x128xf32, #tpu.memory_space<vmem>>, vector<16xf32>,
          %get3A_334 = arith.index_cast %while3A_285 : i32 to index
          %get3A_335 = arith.constant 64 : index
          %get3A_336 = tpu.vector_load %arg13[%get3A_334, %get3A_335] {strides = array<i32>} : memref<160x128xf32, #tpu.memory_space<vmem>>, vector<16xf32>,
          %get3A_337 = arith.index_cast %while3A_284 : i32 to index
          %get3A_338 = arith.constant 64 : index
          %get3A_339 = tpu.vector_load %arg12[%get3A_337, %get3A_338] {strides = array<i32>} : memref<64x128xf32, #tpu.memory_space<vmem>>, vector<16xf32>,
          %max3A_340 = arith.maximumf %get3A_336, %get3A_339 : vector<16xf32>
          %swap3A_341 = arith.index_cast %while3A_285 : i32 to index
          %swap3A_342 = arith.constant 64 : index
          %swap3A_343 = tpu.vector_load %arg13[%swap3A_341, %swap3A_342] {strides = array<i32>} : memref<160x128xf32, #tpu.memory_space<vmem>>, vector<16xf32>,
          tpu.vector_store %arg13[%swap3A_341, %swap3A_342], %max3A_340 {strides = array<i32>} : memref<160x128xf32, #tpu.memory_space<vmem>>, vector<16xf32>,
          %get3A_344 = arith.index_cast %while3A_285 : i32 to index
          %get3A_345 = arith.constant 80 : index
          %get3A_346 = tpu.vector_load %arg13[%get3A_344, %get3A_345] {strides = array<i32>} : memref<160x128xf32, #tpu.memory_space<vmem>>, vector<16xf32>,
          %get3A_347 = arith.index_cast %while3A_284 : i32 to index
          %get3A_348 = arith.constant 80 : index
          %get3A_349 = tpu.vector_load %arg12[%get3A_347, %get3A_348] {strides = array<i32>} : memref<64x128xf32, #tpu.memory_space<vmem>>, vector<16xf32>,
          %max3A_350 = arith.maximumf %get3A_346, %get3A_349 : vector<16xf32>
          %swap3A_351 = arith.index_cast %while3A_285 : i32 to index
          %swap3A_352 = arith.constant 80 : index
          %swap3A_353 = tpu.vector_load %arg13[%swap3A_351, %swap3A_352] {strides = array<i32>} : memref<160x128xf32, #tpu.memory_space<vmem>>, vector<16xf32>,
          tpu.vector_store %arg13[%swap3A_351, %swap3A_352], %max3A_350 {strides = array<i32>} : memref<160x128xf32, #tpu.memory_space<vmem>>, vector<16xf32>,
          %get3A_354 = arith.index_cast %while3A_285 : i32 to index
          %get3A_355 = arith.constant 96 : index
          %get3A_356 = tpu.vector_load %arg13[%get3A_354, %get3A_355] {strides = array<i32>} : memref<160x128xf32, #tpu.memory_space<vmem>>, vector<16xf32>,
          %get3A_357 = arith.index_cast %while3A_284 : i32 to index
          %get3A_358 = arith.constant 96 : index
          %get3A_359 = tpu.vector_load %arg12[%get3A_357, %get3A_358] {strides = array<i32>} : memref<64x128xf32, #tpu.memory_space<vmem>>, vector<16xf32>,
          %max3A_360 = arith.maximumf %get3A_356, %get3A_359 : vector<16xf32>
          %swap3A_361 = arith.index_cast %while3A_285 : i32 to index
          %swap3A_362 = arith.constant 96 : index
          %swap3A_363 = tpu.vector_load %arg13[%swap3A_361, %swap3A_362] {strides = array<i32>} : memref<160x128xf32, #tpu.memory_space<vmem>>, vector<16xf32>,
          tpu.vector_store %arg13[%swap3A_361, %swap3A_362], %max3A_360 {strides = array<i32>} : memref<160x128xf32, #tpu.memory_space<vmem>>, vector<16xf32>,
          %get3A_364 = arith.index_cast %while3A_285 : i32 to index
          %get3A_365 = arith.constant 112 : index
          %get3A_366 = tpu.vector_load %arg13[%get3A_364, %get3A_365] {strides = array<i32>} : memref<160x128xf32, #tpu.memory_space<vmem>>, vector<16xf32>,
          %get3A_367 = arith.index_cast %while3A_284 : i32 to index
          %get3A_368 = arith.constant 112 : index
          %get3A_369 = tpu.vector_load %arg12[%get3A_367, %get3A_368] {strides = array<i32>} : memref<64x128xf32, #tpu.memory_space<vmem>>, vector<16xf32>,
          %max3A_370 = arith.maximumf %get3A_366, %get3A_369 : vector<16xf32>
          %swap3A_371 = arith.index_cast %while3A_285 : i32 to index
          %swap3A_372 = arith.constant 112 : index
          %swap3A_373 = tpu.vector_load %arg13[%swap3A_371, %swap3A_372] {strides = array<i32>} : memref<160x128xf32, #tpu.memory_space<vmem>>, vector<16xf32>,
          tpu.vector_store %arg13[%swap3A_371, %swap3A_372], %max3A_370 {strides = array<i32>} : memref<160x128xf32, #tpu.memory_space<vmem>>, vector<16xf32>,
          scf.yield %squeeze3A_294 : i32
        }
        %while3A_282 = arith.constant 1 : i32
        %while3A_283 = scf.for %while3A_284 = %while3A_279 to %while3A_275 step %while3A_282 iter_args(%while3A_285 = %while3A_281) -> (i32)  : i32 {
          %mul3A_286 = arith.constant 64 : i32
          %mul3A_287 = arith.muli %while3A_253, %mul3A_286 : i32
          %add3A_288 = arith.addi %mul3A_287, %while3A_284 : i32
          %add3A_289 = arith.constant 1 : i32
          %add3A_290 = arith.addi %add3A_288, %add3A_289 : i32
          %get3A_291 = arith.index_cast %add3A_290 : i32 to index
          %get3A_292 = tpu.vector_load %arg11[%get3A_291] {strides = array<i32>} : memref<2016xi32, #tpu.memory_space<vmem>>, vector<16xi32>,
          %slice3A_293 = vector.extract_strided_slice %get3A_292 {offsets = [0], sizes = [1], strides = [1]} : vector<16xi32> to vector<1xi32>
          %squeeze3A_294 = vector.extract %slice3A_293[0] : i32 from vector<1xi32>
          %get3A_295 = arith.index_cast %while3A_285 : i32 to index
          %get3A_296 = arith.constant 0 : index
          %get3A_297 = tpu.vector_load %arg13[%get3A_295, %get3A_296] {strides = array<i32>} : memref<160x128xf32, #tpu.memory_space<vmem>>, vector<16xf32>,
          %get3A_298 = arith.index_cast %while3A_284 : i32 to index
          %get3A_299 = arith.constant 0 : index
          %get3A_300 = tpu.vector_load %arg12[%get3A_298, %get3A_299] {strides = array<i32>} : memref<64x128xf32, #tpu.memory_space<vmem>>, vector<16xf32>,
          %max3A = arith.maximumf %get3A_297, %get3A_300 : vector<16xf32>
          %swap3A_301 = arith.index_cast %while3A_285 : i32 to index
          %swap3A_302 = arith.constant 0 : index
          %swap3A_303 = tpu.vector_load %arg13[%swap3A_301, %swap3A_302] {strides = array<i32>} : memref<160x128xf32, #tpu.memory_space<vmem>>, vector<16xf32>,
          tpu.vector_store %arg13[%swap3A_301, %swap3A_302], %max3A {strides = array<i32>} : memref<160x128xf32, #tpu.memory_space<vmem>>, vector<16xf32>,
          %get3A_304 = arith.index_cast %while3A_285 : i32 to index
          %get3A_305 = arith.constant 16 : index
          %get3A_306 = tpu.vector_load %arg13[%get3A_304, %get3A_305] {strides = array<i32>} : memref<160x128xf32, #tpu.memory_space<vmem>>, vector<16xf32>,
          %get3A_307 = arith.index_cast %while3A_284 : i32 to index
          %get3A_308 = arith.constant 16 : index
          %get3A_309 = tpu.vector_load %arg12[%get3A_307, %get3A_308] {strides = array<i32>} : memref<64x128xf32, #tpu.memory_space<vmem>>, vector<16xf32>,
          %max3A_310 = arith.maximumf %get3A_306, %get3A_309 : vector<16xf32>
          %swap3A_311 = arith.index_cast %while3A_285 : i32 to index
          %swap3A_312 = arith.constant 16 : index
          %swap3A_313 = tpu.vector_load %arg13[%swap3A_311, %swap3A_312] {strides = array<i32>} : memref<160x128xf32, #tpu.memory_space<vmem>>, vector<16xf32>,
          tpu.vector_store %arg13[%swap3A_311, %swap3A_312], %max3A_310 {strides = array<i32>} : memref<160x128xf32, #tpu.memory_space<vmem>>, vector<16xf32>,
          %get3A_314 = arith.index_cast %while3A_285 : i32 to index
          %get3A_315 = arith.constant 32 : index
          %get3A_316 = tpu.vector_load %arg13[%get3A_314, %get3A_315] {strides = array<i32>} : memref<160x128xf32, #tpu.memory_space<vmem>>, vector<16xf32>,
          %get3A_317 = arith.index_cast %while3A_284 : i32 to index
          %get3A_318 = arith.constant 32 : index
          %get3A_319 = tpu.vector_load %arg12[%get3A_317, %get3A_318] {strides = array<i32>} : memref<64x128xf32, #tpu.memory_space<vmem>>, vector<16xf32>,
          %max3A_320 = arith.maximumf %get3A_316, %get3A_319 : vector<16xf32>
          %swap3A_321 = arith.index_cast %while3A_285 : i32 to index
          %swap3A_322 = arith.constant 32 : index
          %swap3A_323 = tpu.vector_load %arg13[%swap3A_321, %swap3A_322] {strides = array<i32>} : memref<160x128xf32, #tpu.memory_space<vmem>>, vector<16xf32>,
          tpu.vector_store %arg13[%swap3A_321, %swap3A_322], %max3A_320 {strides = array<i32>} : memref<160x128xf32, #tpu.memory_space<vmem>>, vector<16xf32>,
          %get3A_324 = arith.index_cast %while3A_285 : i32 to index
          %get3A_325 = arith.constant 48 : index
          %get3A_326 = tpu.vector_load %arg13[%get3A_324, %get3A_325] {strides = array<i32>} : memref<160x128xf32, #tpu.memory_space<vmem>>, vector<16xf32>,
          %get3A_327 = arith.index_cast %while3A_284 : i32 to index
          %get3A_328 = arith.constant 48 : index
          %get3A_329 = tpu.vector_load %arg12[%get3A_327, %get3A_328] {strides = array<i32>} : memref<64x128xf32, #tpu.memory_space<vmem>>, vector<16xf32>,
          %max3A_330 = arith.maximumf %get3A_326, %get3A_329 : vector<16xf32>
          %swap3A_331 = arith.index_cast %while3A_285 : i32 to index
          %swap3A_332 = arith.constant 48 : index
          %swap3A_333 = tpu.vector_load %arg13[%swap3A_331, %swap3A_332] {strides = array<i32>} : memref<160x128xf32, #tpu.memory_space<vmem>>, vector<16xf32>,
          tpu.vector_store %arg13[%swap3A_331, %swap3A_332], %max3A_330 {strides = array<i32>} : memref<160x128xf32, #tpu.memory_space<vmem>>, vector<16xf32>,
          %get3A_334 = arith.index_cast %while3A_285 : i32 to index
          %get3A_335 = arith.constant 64 : index
          %get3A_336 = tpu.vector_load %arg13[%get3A_334, %get3A_335] {strides = array<i32>} : memref<160x128xf32, #tpu.memory_space<vmem>>, vector<16xf32>,
          %get3A_337 = arith.index_cast %while3A_284 : i32 to index
          %get3A_338 = arith.constant 64 : index
          %get3A_339 = tpu.vector_load %arg12[%get3A_337, %get3A_338] {strides = array<i32>} : memref<64x128xf32, #tpu.memory_space<vmem>>, vector<16xf32>,
          %max3A_340 = arith.maximumf %get3A_336, %get3A_339 : vector<16xf32>
          %swap3A_341 = arith.index_cast %while3A_285 : i32 to index
          %swap3A_342 = arith.constant 64 : index
          %swap3A_343 = tpu.vector_load %arg13[%swap3A_341, %swap3A_342] {strides = array<i32>} : memref<160x128xf32, #tpu.memory_space<vmem>>, vector<16xf32>,
          tpu.vector_store %arg13[%swap3A_341, %swap3A_342], %max3A_340 {strides = array<i32>} : memref<160x128xf32, #tpu.memory_space<vmem>>, vector<16xf32>,
          %get3A_344 = arith.index_cast %while3A_285 : i32 to index
          %get3A_345 = arith.constant 80 : index
          %get3A_346 = tpu.vector_load %arg13[%get3A_344, %get3A_345] {strides = array<i32>} : memref<160x128xf32, #tpu.memory_space<vmem>>, vector<16xf32>,
          %get3A_347 = arith.index_cast %while3A_284 : i32 to index
          %get3A_348 = arith.constant 80 : index
          %get3A_349 = tpu.vector_load %arg12[%get3A_347, %get3A_348] {strides = array<i32>} : memref<64x128xf32, #tpu.memory_space<vmem>>, vector<16xf32>,
          %max3A_350 = arith.maximumf %get3A_346, %get3A_349 : vector<16xf32>
          %swap3A_351 = arith.index_cast %while3A_285 : i32 to index
          %swap3A_352 = arith.constant 80 : index
          %swap3A_353 = tpu.vector_load %arg13[%swap3A_351, %swap3A_352] {strides = array<i32>} : memref<160x128xf32, #tpu.memory_space<vmem>>, vector<16xf32>,
          tpu.vector_store %arg13[%swap3A_351, %swap3A_352], %max3A_350 {strides = array<i32>} : memref<160x128xf32, #tpu.memory_space<vmem>>, vector<16xf32>,
          %get3A_354 = arith.index_cast %while3A_285 : i32 to index
          %get3A_355 = arith.constant 96 : index
          %get3A_356 = tpu.vector_load %arg13[%get3A_354, %get3A_355] {strides = array<i32>} : memref<160x128xf32, #tpu.memory_space<vmem>>, vector<16xf32>,
          %get3A_357 = arith.index_cast %while3A_284 : i32 to index
          %get3A_358 = arith.constant 96 : index
          %get3A_359 = tpu.vector_load %arg12[%get3A_357, %get3A_358] {strides = array<i32>} : memref<64x128xf32, #tpu.memory_space<vmem>>, vector<16xf32>,
          %max3A_360 = arith.maximumf %get3A_356, %get3A_359 : vector<16xf32>
          %swap3A_361 = arith.index_cast %while3A_285 : i32 to index
          %swap3A_362 = arith.constant 96 : index
          %swap3A_363 = tpu.vector_load %arg13[%swap3A_361, %swap3A_362] {strides = array<i32>} : memref<160x128xf32, #tpu.memory_space<vmem>>, vector<16xf32>,
          tpu.vector_store %arg13[%swap3A_361, %swap3A_362], %max3A_360 {strides = array<i32>} : memref<160x128xf32, #tpu.memory_space<vmem>>, vector<16xf32>,
          %get3A_364 = arith.index_cast %while3A_285 : i32 to index
          %get3A_365 = arith.constant 112 : index
          %get3A_366 = tpu.vector_load %arg13[%get3A_364, %get3A_365] {strides = array<i32>} : memref<160x128xf32, #tpu.memory_space<vmem>>, vector<16xf32>,
          %get3A_367 = arith.index_cast %while3A_284 : i32 to index
          %get3A_368 = arith.constant 112 : index
          %get3A_369 = tpu.vector_load %arg12[%get3A_367, %get3A_368] {strides = array<i32>} : memref<64x128xf32, #tpu.memory_space<vmem>>, vector<16xf32>,
          %max3A_370 = arith.maximumf %get3A_366, %get3A_369 : vector<16xf32>
          %swap3A_371 = arith.index_cast %while3A_285 : i32 to index
          %swap3A_372 = arith.constant 112 : index
          %swap3A_373 = tpu.vector_load %arg13[%swap3A_371, %swap3A_372] {strides = array<i32>} : memref<160x128xf32, #tpu.memory_space<vmem>>, vector<16xf32>,
          tpu.vector_store %arg13[%swap3A_371, %swap3A_372], %max3A_370 {strides = array<i32>} : memref<160x128xf32, #tpu.memory_space<vmem>>, vector<16xf32>,
          scf.yield %squeeze3A_294 : i32
        }
      }
      %mul3A_166 = arith.constant 2 : i32
      %mul3A_167 = arith.muli %mul3A_166, %scan3A_106 : i32
      %add3A_168 = arith.constant 2 : i32
      %add3A_169 = arith.addi %mul3A_167, %add3A_168 : i32
      %lt3A = arith.constant 160 : i32
      %lt3A_170 = arith.cmpi slt, %add3A_169, %lt3A : i32
      %convert_element_type3A = arith.extui %lt3A_170 : i1 to i32
      %cond3A = arith.constant 0 : i32
      %cond3A_171 = arith.cmpi ne, %convert_element_type3A, %cond3A : i32
      scf.if %cond3A_171 {
        %mul3A_253 = arith.constant 2 : i32
        %mul3A_254 = arith.muli %mul3A_253, %scan3A_106 : i32
        %add3A_255 = arith.constant 2 : i32
        %add3A_256 = arith.addi %mul3A_254, %add3A_255 : i32
        %mul3A_257 = arith.constant 2000 : i32
        %mul3A_258 = arith.muli %add3A_256, %mul3A_257 : i32
        %dma_start3A_259 = tpu.memref_slice %arg3[%mul3A_258] : memref<320000xi32, #tpu.memory_space<hbm>> -> memref<2000xi32, #tpu.memory_space<hbm>>
        %dma_start3A_260 = tpu.memref_slice %arg3[%mul3A_258] : memref<320000xi32, #tpu.memory_space<hbm>> -> memref<2000xi32, #tpu.memory_space<hbm>>
        tpu.enqueue_dma source(%dma_start3A_260 : memref<2000xi32, #tpu.memory_space<hbm>>) target(%arg6 : memref<2000xi32, #tpu.memory_space<vmem>>) target_semaphore(%arg16 : memref<!tpu.dma_semaphore, #tpu.memory_space<semaphore_mem>>)
        %dma_start3A_261 = tpu.memref_slice %arg4[%mul3A_258] : memref<320000xi32, #tpu.memory_space<hbm>> -> memref<2000xi32, #tpu.memory_space<hbm>>
        %dma_start3A_262 = tpu.memref_slice %arg4[%mul3A_258] : memref<320000xi32, #tpu.memory_space<hbm>> -> memref<2000xi32, #tpu.memory_space<hbm>>
        tpu.enqueue_dma source(%dma_start3A_262 : memref<2000xi32, #tpu.memory_space<hbm>>) target(%arg7 : memref<2000xi32, #tpu.memory_space<vmem>>) target_semaphore(%arg16 : memref<!tpu.dma_semaphore, #tpu.memory_space<semaphore_mem>>)
      } else {
      }
      %dma_wait3A_172 = arith.constant 0 : i32
      %dma_wait3A_173 = tpu.memref_slice %arg3[%dma_wait3A_172] : memref<320000xi32, #tpu.memory_space<hbm>> -> memref<2000xi32, #tpu.memory_space<hbm>>
      %dma_wait3A_174 = arith.constant 0 : i32
      %dma_wait3A_175 = tpu.memref_slice %arg3[%dma_wait3A_174] : memref<320000xi32, #tpu.memory_space<hbm>> -> memref<2000xi32, #tpu.memory_space<hbm>>
      tpu.wait_dma2 semaphore(%arg15 : memref<!tpu.dma_semaphore, #tpu.memory_space<semaphore_mem>>) src(%dma_wait3A_175 : memref<2000xi32, #tpu.memory_space<hbm>>) dst(%arg8 : memref<2000xi32, #tpu.memory_space<vmem>>)
      %dma_wait3A_176 = arith.constant 0 : i32
      %dma_wait3A_177 = tpu.memref_slice %arg4[%dma_wait3A_176] : memref<320000xi32, #tpu.memory_space<hbm>> -> memref<2000xi32, #tpu.memory_space<hbm>>
      %dma_wait3A_178 = arith.constant 0 : i32
      %dma_wait3A_179 = tpu.memref_slice %arg4[%dma_wait3A_178] : memref<320000xi32, #tpu.memory_space<hbm>> -> memref<2000xi32, #tpu.memory_space<hbm>>
      tpu.wait_dma2 semaphore(%arg15 : memref<!tpu.dma_semaphore, #tpu.memory_space<semaphore_mem>>) src(%dma_wait3A_179 : memref<2000xi32, #tpu.memory_space<hbm>>) dst(%arg9 : memref<2000xi32, #tpu.memory_space<vmem>>)
      %broadcast_in_dim3A_180 = arith.constant 0 : i32
      %broadcast_in_dim3A_181 = vector.broadcast %broadcast_in_dim3A_180 : i32 to vector<16xi32>
      %scan3A_182 = arith.constant 0 : i32
      %scan3A_183 = arith.constant 125 : i32
      %scan3A_184 = arith.addi %scan3A_182, %scan3A_183 : i32
      %scan3A_185 = arith.constant 1 : i32
      %scan3A_186 = scf.for %scan3A_253 = %scan3A_182 to %scan3A_184 step %scan3A_185 iter_args(%scan3A_254 = %broadcast_in_dim3A_181) -> (vector<16xi32>)  : i32 {
        %mul3A_255 = arith.constant 16 : i32
        %mul3A_256 = arith.muli %scan3A_253, %mul3A_255 : i32
        %get3A = arith.index_cast %mul3A_256 : i32 to index
        %get3A_257 = tpu.vector_load %arg9[%get3A] {strides = array<i32>} : memref<2000xi32, #tpu.memory_space<vmem>>, vector<16xi32>,
        %mul3A_258 = arith.constant 16 : i32
        %mul3A_259 = arith.muli %scan3A_253, %mul3A_258 : i32
        %get3A_260 = arith.index_cast %mul3A_259 : i32 to index
        %get3A_261 = tpu.vector_load %arg8[%get3A_260] {strides = array<i32>} : memref<2000xi32, #tpu.memory_space<vmem>>, vector<16xi32>,
        %ge3A = vector.broadcast %add3A_77 : i32 to vector<16xi32>
        %ge3A_262 = arith.cmpi sge, %get3A_257, %ge3A : vector<16xi32>
        %add3A_263 = arith.constant 160 : i32
        %add3A_264 = arith.addi %add3A_77, %add3A_263 : i32
        %lt3A_265 = vector.broadcast %add3A_264 : i32 to vector<16xi32>
        %lt3A_266 = arith.cmpi slt, %get3A_257, %lt3A_265 : vector<16xi32>
        %and3A_267 = arith.andi %ge3A_262, %lt3A_266 : vector<16xi1>
        %broadcast_in_dim3A_268 = arith.constant 1 : i32
        %broadcast_in_dim3A_269 = vector.broadcast %broadcast_in_dim3A_268 : i32 to vector<16xi32>
        %broadcast_in_dim3A_270 = arith.constant 0 : i32
        %broadcast_in_dim3A_271 = vector.broadcast %broadcast_in_dim3A_270 : i32 to vector<16xi32>
        %select_n3A_272 = arith.select %and3A_267, %broadcast_in_dim3A_269, %broadcast_in_dim3A_271 : vector<16xi1>, vector<16xi32>
        %broadcast_in_dim3A_273 = arith.constant true
        %broadcast_in_dim3A_274 = vector.broadcast %broadcast_in_dim3A_273 : i1 to vector<16xi1>
        %masked_cumsum3A = tpu.scan <sum>, %select_n3A_272 masked %broadcast_in_dim3A_274 : vector<16xi32>, vector<16xi1> -> vector<16xi32>
        %add3A_275 = arith.addi %scan3A_254, %masked_cumsum3A : vector<16xi32>
        %sub3A_276 = arith.constant 1 : i32
        %sub3A_277 = vector.broadcast %sub3A_276 : i32 to vector<16xi32>
        %sub3A_278 = arith.subi %add3A_275, %sub3A_277 : vector<16xi32>
        %sub3A_279 = vector.broadcast %add3A_77 : i32 to vector<16xi32>
        %sub3A_280 = arith.subi %get3A_257, %sub3A_279 : vector<16xi32>
        tpu.vector_store_idx %arg11[%sub3A_278], %sub3A_280 masked %and3A_267 : memref<2016xi32, #tpu.memory_space<vmem>>[vector<16xi32>], vector<16xi32>, vector<16xi1>
        tpu.vector_store_idx %arg10[%sub3A_278], %get3A_261 masked %and3A_267 : memref<2064xi32, #tpu.memory_space<vmem>>[vector<16xi32>], vector<16xi32>, vector<16xi1>
        %all_reduce_population_count3A = tpu.all_reduce %and3A_267 {dim = 0 : i64, kind = #tpu.reduction_kind<sum>} : vector<16xi1> -> vector<16xi32>
        %add3A_281 = arith.addi %scan3A_254, %all_reduce_population_count3A : vector<16xi32>
        scf.yield %add3A_281 : vector<16xi32>
      }
      %scan3A_187 = arith.constant 125 : i32
      %slice3A_188 = vector.extract_strided_slice %scan3A_186 {offsets = [0], sizes = [1], strides = [1]} : vector<16xi32> to vector<1xi32>
      %squeeze3A_189 = vector.extract %slice3A_188[0] : i32 from vector<1xi32>
      %add3A_190 = arith.constant 0 : i32
      %add3A_191 = arith.addi %squeeze3A_189, %add3A_190 : i32
      %swap3A_192 = arith.index_cast %add3A_191 : i32 to index
      %swap3A_193 = tpu.vector_load %arg10[%swap3A_192] {strides = array<i32>} : memref<2064xi32, #tpu.memory_space<vmem>>, vector<16xi32>,
      tpu.vector_store %arg10[%swap3A_192], %broadcast_in_dim3A_43 {strides = array<i32>} : memref<2064xi32, #tpu.memory_space<vmem>>, vector<16xi32>,
      %add3A_194 = arith.constant 16 : i32
      %add3A_195 = arith.addi %squeeze3A_189, %add3A_194 : i32
      %swap3A_196 = arith.index_cast %add3A_195 : i32 to index
      %swap3A_197 = tpu.vector_load %arg10[%swap3A_196] {strides = array<i32>} : memref<2064xi32, #tpu.memory_space<vmem>>, vector<16xi32>,
      tpu.vector_store %arg10[%swap3A_196], %broadcast_in_dim3A_43 {strides = array<i32>} : memref<2064xi32, #tpu.memory_space<vmem>>, vector<16xi32>,
      %add3A_198 = arith.constant 32 : i32
      %add3A_199 = arith.addi %squeeze3A_189, %add3A_198 : i32
      %swap3A_200 = arith.index_cast %add3A_199 : i32 to index
      %swap3A_201 = tpu.vector_load %arg10[%swap3A_200] {strides = array<i32>} : memref<2064xi32, #tpu.memory_space<vmem>>, vector<16xi32>,
      tpu.vector_store %arg10[%swap3A_200], %broadcast_in_dim3A_43 {strides = array<i32>} : memref<2064xi32, #tpu.memory_space<vmem>>, vector<16xi32>,
      %add3A_202 = arith.constant 48 : i32
      %add3A_203 = arith.addi %squeeze3A_189, %add3A_202 : i32
      %swap3A_204 = arith.index_cast %add3A_203 : i32 to index
      %swap3A_205 = tpu.vector_load %arg10[%swap3A_204] {strides = array<i32>} : memref<2064xi32, #tpu.memory_space<vmem>>, vector<16xi32>,
      tpu.vector_store %arg10[%swap3A_204], %broadcast_in_dim3A_43 {strides = array<i32>} : memref<2064xi32, #tpu.memory_space<vmem>>, vector<16xi32>,
      %add3A_206 = arith.constant 64 : i32
      %add3A_207 = arith.addi %squeeze3A_189, %add3A_206 : i32
      %sub3A_208 = arith.constant 1 : i32
      %sub3A_209 = arith.subi %add3A_207, %sub3A_208 : i32
      %jit3A_210 = arith.constant 64 : i32
      %div3A_211 = arith.divsi %sub3A_209, %jit3A_210 : i32
      %sign3A_212 = arith.constant 0 : i32
      %sign3A_213 = arith.cmpi sgt, %sub3A_209, %sign3A_212 : i32
      %sign3A_214 = arith.extui %sign3A_213 : i1 to i32
      %sign3A_215 = arith.constant 0 : i32
      %sign3A_216 = arith.cmpi slt, %sub3A_209, %sign3A_215 : i32
      %sign3A_217 = arith.extui %sign3A_216 : i1 to i32
      %sign3A_218 = arith.subi %sign3A_214, %sign3A_217 : i32
      %sign3A_219 = arith.constant 0 : i32
      %sign3A_220 = arith.cmpi sgt, %jit3A_210, %sign3A_219 : i32
      %sign3A_221 = arith.extui %sign3A_220 : i1 to i32
      %sign3A_222 = arith.constant 0 : i32
      %sign3A_223 = arith.cmpi slt, %jit3A_210, %sign3A_222 : i32
      %sign3A_224 = arith.extui %sign3A_223 : i1 to i32
      %sign3A_225 = arith.subi %sign3A_221, %sign3A_224 : i32
      %ne3A_226 = arith.cmpi ne, %sign3A_218, %sign3A_225 : i32
      %rem3A_227 = arith.remsi %sub3A_209, %jit3A_210 : i32
      %ne3A_228 = arith.constant 0 : i32
      %ne3A_229 = arith.cmpi ne, %rem3A_227, %ne3A_228 : i32
      %and3A_230 = arith.andi %ne3A_226, %ne3A_229 : i1
      %sub3A_231 = arith.constant 1 : i32
      %sub3A_232 = arith.subi %div3A_211, %sub3A_231 : i32
      %select_n3A_233 = arith.select %and3A_230, %sub3A_232, %div3A_211 : i32
      %while3A_234 = arith.constant 0 : i32
      %while3A_235 = arith.constant 0 : i32
      %while3A_236 = arith.subi %select_n3A_233, %while3A_235 : i32
      %while3A_237 = arith.addi %while3A_235, %while3A_236 : i32
      %while3A_238 = arith.constant 1 : i32
      %while3A_239 = arith.divsi %while3A_236, %while3A_238 : i32
      %while3A_240 = arith.muli %while3A_239, %while3A_238 : i32
      %while3A_241 = arith.addi %while3A_235, %while3A_240 : i32
      %while3A_242 = arith.constant 1 : i32
      scf.for %while3A_253 = %while3A_235 to %while3A_241 step %while3A_242  : i32 {
        %mul3A_254 = arith.constant 64 : i32
        %mul3A_255 = arith.muli %while3A_253, %mul3A_254 : i32
        %dma_start3A_256 = tpu.memref_slice %arg10[%mul3A_255] : memref<2064xi32, #tpu.memory_space<vmem>> -> memref<64xi32, #tpu.memory_space<vmem>>
        %dma_start3A_257 = arith.constant 0 : i32
        %dma_start3A_258 = arith.constant 0 : i32
        %dma_start3A_259 = tpu.memref_slice %arg14[%dma_start3A_257, %dma_start3A_258] : memref<10240x128xf32, #tpu.memory_space<vmem_shared>> -> memref<10240x128xf32, #tpu.memory_space<vmem_shared>>
        tpu.enqueue_indirect_dma source(%dma_start3A_259 : memref<10240x128xf32, #tpu.memory_space<vmem_shared>>) target(%arg12 : memref<64x128xf32, #tpu.memory_space<vmem>>) offsets(%dma_start3A_256 : memref<64xi32, #tpu.memory_space<vmem>>) semaphore(%arg17 : memref<!tpu.dma_semaphore, #tpu.memory_space<semaphore_mem>>)
        %dma_wait3A_260 = tpu.memref_slice %arg10[%mul3A_255] : memref<2064xi32, #tpu.memory_space<vmem>> -> memref<64xi32, #tpu.memory_space<vmem>>
        %dma_wait3A_261 = arith.constant 0 : i32
        %dma_wait3A_262 = arith.constant 0 : i32
        %dma_wait3A_263 = tpu.memref_slice %arg14[%dma_wait3A_261, %dma_wait3A_262] : memref<10240x128xf32, #tpu.memory_space<vmem_shared>> -> memref<10240x128xf32, #tpu.memory_space<vmem_shared>>
        tpu.wait_indirect_dma semaphore(%arg17 : memref<!tpu.dma_semaphore, #tpu.memory_space<semaphore_mem>>) src(%dma_wait3A_263 : memref<10240x128xf32, #tpu.memory_space<vmem_shared>>) dst(%arg12 : memref<64x128xf32, #tpu.memory_space<vmem>>)
        %mul3A_264 = arith.constant 64 : i32
        %mul3A_265 = arith.muli %while3A_253, %mul3A_264 : i32
        %sub3A_266 = arith.subi %squeeze3A_189, %mul3A_265 : i32
        %min3A = arith.constant 64 : i32
        %min3A_267 = arith.minsi %min3A, %sub3A_266 : i32
        %mul3A_268 = arith.constant 64 : i32
        %mul3A_269 = arith.muli %while3A_253, %mul3A_268 : i32
        %get3A = arith.index_cast %mul3A_269 : i32 to index
        %get3A_270 = tpu.vector_load %arg11[%get3A] {strides = array<i32>} : memref<2016xi32, #tpu.memory_space<vmem>>, vector<16xi32>,
        %slice3A_271 = vector.extract_strided_slice %get3A_270 {offsets = [0], sizes = [1], strides = [1]} : vector<16xi32> to vector<1xi32>
        %squeeze3A_272 = vector.extract %slice3A_271[0] : i32 from vector<1xi32>
        %while3A_273 = arith.constant 0 : i32
        %while3A_274 = arith.subi %min3A_267, %while3A_273 : i32
        %while3A_275 = arith.addi %while3A_273, %while3A_274 : i32
        %while3A_276 = arith.constant 1 : i32
        %while3A_277 = arith.divsi %while3A_274, %while3A_276 : i32
        %while3A_278 = arith.muli %while3A_277, %while3A_276 : i32
        %while3A_279 = arith.addi %while3A_273, %while3A_278 : i32
        %while3A_280 = arith.constant 1 : i32
        %while3A_281 = scf.for %while3A_284 = %while3A_273 to %while3A_279 step %while3A_280 iter_args(%while3A_285 = %squeeze3A_272) -> (i32)  : i32 {
          %mul3A_286 = arith.constant 64 : i32
          %mul3A_287 = arith.muli %while3A_253, %mul3A_286 : i32
          %add3A_288 = arith.addi %mul3A_287, %while3A_284 : i32
          %add3A_289 = arith.constant 1 : i32
          %add3A_290 = arith.addi %add3A_288, %add3A_289 : i32
          %get3A_291 = arith.index_cast %add3A_290 : i32 to index
          %get3A_292 = tpu.vector_load %arg11[%get3A_291] {strides = array<i32>} : memref<2016xi32, #tpu.memory_space<vmem>>, vector<16xi32>,
          %slice3A_293 = vector.extract_strided_slice %get3A_292 {offsets = [0], sizes = [1], strides = [1]} : vector<16xi32> to vector<1xi32>
          %squeeze3A_294 = vector.extract %slice3A_293[0] : i32 from vector<1xi32>
          %get3A_295 = arith.index_cast %while3A_285 : i32 to index
          %get3A_296 = arith.constant 0 : index
          %get3A_297 = tpu.vector_load %arg13[%get3A_295, %get3A_296] {strides = array<i32>} : memref<160x128xf32, #tpu.memory_space<vmem>>, vector<16xf32>,
          %get3A_298 = arith.index_cast %while3A_284 : i32 to index
          %get3A_299 = arith.constant 0 : index
          %get3A_300 = tpu.vector_load %arg12[%get3A_298, %get3A_299] {strides = array<i32>} : memref<64x128xf32, #tpu.memory_space<vmem>>, vector<16xf32>,
          %max3A = arith.maximumf %get3A_297, %get3A_300 : vector<16xf32>
          %swap3A_301 = arith.index_cast %while3A_285 : i32 to index
          %swap3A_302 = arith.constant 0 : index
          %swap3A_303 = tpu.vector_load %arg13[%swap3A_301, %swap3A_302] {strides = array<i32>} : memref<160x128xf32, #tpu.memory_space<vmem>>, vector<16xf32>,
          tpu.vector_store %arg13[%swap3A_301, %swap3A_302], %max3A {strides = array<i32>} : memref<160x128xf32, #tpu.memory_space<vmem>>, vector<16xf32>,
          %get3A_304 = arith.index_cast %while3A_285 : i32 to index
          %get3A_305 = arith.constant 16 : index
          %get3A_306 = tpu.vector_load %arg13[%get3A_304, %get3A_305] {strides = array<i32>} : memref<160x128xf32, #tpu.memory_space<vmem>>, vector<16xf32>,
          %get3A_307 = arith.index_cast %while3A_284 : i32 to index
          %get3A_308 = arith.constant 16 : index
          %get3A_309 = tpu.vector_load %arg12[%get3A_307, %get3A_308] {strides = array<i32>} : memref<64x128xf32, #tpu.memory_space<vmem>>, vector<16xf32>,
          %max3A_310 = arith.maximumf %get3A_306, %get3A_309 : vector<16xf32>
          %swap3A_311 = arith.index_cast %while3A_285 : i32 to index
          %swap3A_312 = arith.constant 16 : index
          %swap3A_313 = tpu.vector_load %arg13[%swap3A_311, %swap3A_312] {strides = array<i32>} : memref<160x128xf32, #tpu.memory_space<vmem>>, vector<16xf32>,
          tpu.vector_store %arg13[%swap3A_311, %swap3A_312], %max3A_310 {strides = array<i32>} : memref<160x128xf32, #tpu.memory_space<vmem>>, vector<16xf32>,
          %get3A_314 = arith.index_cast %while3A_285 : i32 to index
          %get3A_315 = arith.constant 32 : index
          %get3A_316 = tpu.vector_load %arg13[%get3A_314, %get3A_315] {strides = array<i32>} : memref<160x128xf32, #tpu.memory_space<vmem>>, vector<16xf32>,
          %get3A_317 = arith.index_cast %while3A_284 : i32 to index
          %get3A_318 = arith.constant 32 : index
          %get3A_319 = tpu.vector_load %arg12[%get3A_317, %get3A_318] {strides = array<i32>} : memref<64x128xf32, #tpu.memory_space<vmem>>, vector<16xf32>,
          %max3A_320 = arith.maximumf %get3A_316, %get3A_319 : vector<16xf32>
          %swap3A_321 = arith.index_cast %while3A_285 : i32 to index
          %swap3A_322 = arith.constant 32 : index
          %swap3A_323 = tpu.vector_load %arg13[%swap3A_321, %swap3A_322] {strides = array<i32>} : memref<160x128xf32, #tpu.memory_space<vmem>>, vector<16xf32>,
          tpu.vector_store %arg13[%swap3A_321, %swap3A_322], %max3A_320 {strides = array<i32>} : memref<160x128xf32, #tpu.memory_space<vmem>>, vector<16xf32>,
          %get3A_324 = arith.index_cast %while3A_285 : i32 to index
          %get3A_325 = arith.constant 48 : index
          %get3A_326 = tpu.vector_load %arg13[%get3A_324, %get3A_325] {strides = array<i32>} : memref<160x128xf32, #tpu.memory_space<vmem>>, vector<16xf32>,
          %get3A_327 = arith.index_cast %while3A_284 : i32 to index
          %get3A_328 = arith.constant 48 : index
          %get3A_329 = tpu.vector_load %arg12[%get3A_327, %get3A_328] {strides = array<i32>} : memref<64x128xf32, #tpu.memory_space<vmem>>, vector<16xf32>,
          %max3A_330 = arith.maximumf %get3A_326, %get3A_329 : vector<16xf32>
          %swap3A_331 = arith.index_cast %while3A_285 : i32 to index
          %swap3A_332 = arith.constant 48 : index
          %swap3A_333 = tpu.vector_load %arg13[%swap3A_331, %swap3A_332] {strides = array<i32>} : memref<160x128xf32, #tpu.memory_space<vmem>>, vector<16xf32>,
          tpu.vector_store %arg13[%swap3A_331, %swap3A_332], %max3A_330 {strides = array<i32>} : memref<160x128xf32, #tpu.memory_space<vmem>>, vector<16xf32>,
          %get3A_334 = arith.index_cast %while3A_285 : i32 to index
          %get3A_335 = arith.constant 64 : index
          %get3A_336 = tpu.vector_load %arg13[%get3A_334, %get3A_335] {strides = array<i32>} : memref<160x128xf32, #tpu.memory_space<vmem>>, vector<16xf32>,
          %get3A_337 = arith.index_cast %while3A_284 : i32 to index
          %get3A_338 = arith.constant 64 : index
          %get3A_339 = tpu.vector_load %arg12[%get3A_337, %get3A_338] {strides = array<i32>} : memref<64x128xf32, #tpu.memory_space<vmem>>, vector<16xf32>,
          %max3A_340 = arith.maximumf %get3A_336, %get3A_339 : vector<16xf32>
          %swap3A_341 = arith.index_cast %while3A_285 : i32 to index
          %swap3A_342 = arith.constant 64 : index
          %swap3A_343 = tpu.vector_load %arg13[%swap3A_341, %swap3A_342] {strides = array<i32>} : memref<160x128xf32, #tpu.memory_space<vmem>>, vector<16xf32>,
          tpu.vector_store %arg13[%swap3A_341, %swap3A_342], %max3A_340 {strides = array<i32>} : memref<160x128xf32, #tpu.memory_space<vmem>>, vector<16xf32>,
          %get3A_344 = arith.index_cast %while3A_285 : i32 to index
          %get3A_345 = arith.constant 80 : index
          %get3A_346 = tpu.vector_load %arg13[%get3A_344, %get3A_345] {strides = array<i32>} : memref<160x128xf32, #tpu.memory_space<vmem>>, vector<16xf32>,
          %get3A_347 = arith.index_cast %while3A_284 : i32 to index
          %get3A_348 = arith.constant 80 : index
          %get3A_349 = tpu.vector_load %arg12[%get3A_347, %get3A_348] {strides = array<i32>} : memref<64x128xf32, #tpu.memory_space<vmem>>, vector<16xf32>,
          %max3A_350 = arith.maximumf %get3A_346, %get3A_349 : vector<16xf32>
          %swap3A_351 = arith.index_cast %while3A_285 : i32 to index
          %swap3A_352 = arith.constant 80 : index
          %swap3A_353 = tpu.vector_load %arg13[%swap3A_351, %swap3A_352] {strides = array<i32>} : memref<160x128xf32, #tpu.memory_space<vmem>>, vector<16xf32>,
          tpu.vector_store %arg13[%swap3A_351, %swap3A_352], %max3A_350 {strides = array<i32>} : memref<160x128xf32, #tpu.memory_space<vmem>>, vector<16xf32>,
          %get3A_354 = arith.index_cast %while3A_285 : i32 to index
          %get3A_355 = arith.constant 96 : index
          %get3A_356 = tpu.vector_load %arg13[%get3A_354, %get3A_355] {strides = array<i32>} : memref<160x128xf32, #tpu.memory_space<vmem>>, vector<16xf32>,
          %get3A_357 = arith.index_cast %while3A_284 : i32 to index
          %get3A_358 = arith.constant 96 : index
          %get3A_359 = tpu.vector_load %arg12[%get3A_357, %get3A_358] {strides = array<i32>} : memref<64x128xf32, #tpu.memory_space<vmem>>, vector<16xf32>,
          %max3A_360 = arith.maximumf %get3A_356, %get3A_359 : vector<16xf32>
          %swap3A_361 = arith.index_cast %while3A_285 : i32 to index
          %swap3A_362 = arith.constant 96 : index
          %swap3A_363 = tpu.vector_load %arg13[%swap3A_361, %swap3A_362] {strides = array<i32>} : memref<160x128xf32, #tpu.memory_space<vmem>>, vector<16xf32>,
          tpu.vector_store %arg13[%swap3A_361, %swap3A_362], %max3A_360 {strides = array<i32>} : memref<160x128xf32, #tpu.memory_space<vmem>>, vector<16xf32>,
          %get3A_364 = arith.index_cast %while3A_285 : i32 to index
          %get3A_365 = arith.constant 112 : index
          %get3A_366 = tpu.vector_load %arg13[%get3A_364, %get3A_365] {strides = array<i32>} : memref<160x128xf32, #tpu.memory_space<vmem>>, vector<16xf32>,
          %get3A_367 = arith.index_cast %while3A_284 : i32 to index
          %get3A_368 = arith.constant 112 : index
          %get3A_369 = tpu.vector_load %arg12[%get3A_367, %get3A_368] {strides = array<i32>} : memref<64x128xf32, #tpu.memory_space<vmem>>, vector<16xf32>,
          %max3A_370 = arith.maximumf %get3A_366, %get3A_369 : vector<16xf32>
          %swap3A_371 = arith.index_cast %while3A_285 : i32 to index
          %swap3A_372 = arith.constant 112 : index
          %swap3A_373 = tpu.vector_load %arg13[%swap3A_371, %swap3A_372] {strides = array<i32>} : memref<160x128xf32, #tpu.memory_space<vmem>>, vector<16xf32>,
          tpu.vector_store %arg13[%swap3A_371, %swap3A_372], %max3A_370 {strides = array<i32>} : memref<160x128xf32, #tpu.memory_space<vmem>>, vector<16xf32>,
          scf.yield %squeeze3A_294 : i32
        }
        %while3A_282 = arith.constant 1 : i32
        %while3A_283 = scf.for %while3A_284 = %while3A_279 to %while3A_275 step %while3A_282 iter_args(%while3A_285 = %while3A_281) -> (i32)  : i32 {
          %mul3A_286 = arith.constant 64 : i32
          %mul3A_287 = arith.muli %while3A_253, %mul3A_286 : i32
          %add3A_288 = arith.addi %mul3A_287, %while3A_284 : i32
          %add3A_289 = arith.constant 1 : i32
          %add3A_290 = arith.addi %add3A_288, %add3A_289 : i32
          %get3A_291 = arith.index_cast %add3A_290 : i32 to index
          %get3A_292 = tpu.vector_load %arg11[%get3A_291] {strides = array<i32>} : memref<2016xi32, #tpu.memory_space<vmem>>, vector<16xi32>,
          %slice3A_293 = vector.extract_strided_slice %get3A_292 {offsets = [0], sizes = [1], strides = [1]} : vector<16xi32> to vector<1xi32>
          %squeeze3A_294 = vector.extract %slice3A_293[0] : i32 from vector<1xi32>
          %get3A_295 = arith.index_cast %while3A_285 : i32 to index
          %get3A_296 = arith.constant 0 : index
          %get3A_297 = tpu.vector_load %arg13[%get3A_295, %get3A_296] {strides = array<i32>} : memref<160x128xf32, #tpu.memory_space<vmem>>, vector<16xf32>,
          %get3A_298 = arith.index_cast %while3A_284 : i32 to index
          %get3A_299 = arith.constant 0 : index
          %get3A_300 = tpu.vector_load %arg12[%get3A_298, %get3A_299] {strides = array<i32>} : memref<64x128xf32, #tpu.memory_space<vmem>>, vector<16xf32>,
          %max3A = arith.maximumf %get3A_297, %get3A_300 : vector<16xf32>
          %swap3A_301 = arith.index_cast %while3A_285 : i32 to index
          %swap3A_302 = arith.constant 0 : index
          %swap3A_303 = tpu.vector_load %arg13[%swap3A_301, %swap3A_302] {strides = array<i32>} : memref<160x128xf32, #tpu.memory_space<vmem>>, vector<16xf32>,
          tpu.vector_store %arg13[%swap3A_301, %swap3A_302], %max3A {strides = array<i32>} : memref<160x128xf32, #tpu.memory_space<vmem>>, vector<16xf32>,
          %get3A_304 = arith.index_cast %while3A_285 : i32 to index
          %get3A_305 = arith.constant 16 : index
          %get3A_306 = tpu.vector_load %arg13[%get3A_304, %get3A_305] {strides = array<i32>} : memref<160x128xf32, #tpu.memory_space<vmem>>, vector<16xf32>,
          %get3A_307 = arith.index_cast %while3A_284 : i32 to index
          %get3A_308 = arith.constant 16 : index
          %get3A_309 = tpu.vector_load %arg12[%get3A_307, %get3A_308] {strides = array<i32>} : memref<64x128xf32, #tpu.memory_space<vmem>>, vector<16xf32>,
          %max3A_310 = arith.maximumf %get3A_306, %get3A_309 : vector<16xf32>
          %swap3A_311 = arith.index_cast %while3A_285 : i32 to index
          %swap3A_312 = arith.constant 16 : index
          %swap3A_313 = tpu.vector_load %arg13[%swap3A_311, %swap3A_312] {strides = array<i32>} : memref<160x128xf32, #tpu.memory_space<vmem>>, vector<16xf32>,
          tpu.vector_store %arg13[%swap3A_311, %swap3A_312], %max3A_310 {strides = array<i32>} : memref<160x128xf32, #tpu.memory_space<vmem>>, vector<16xf32>,
          %get3A_314 = arith.index_cast %while3A_285 : i32 to index
          %get3A_315 = arith.constant 32 : index
          %get3A_316 = tpu.vector_load %arg13[%get3A_314, %get3A_315] {strides = array<i32>} : memref<160x128xf32, #tpu.memory_space<vmem>>, vector<16xf32>,
          %get3A_317 = arith.index_cast %while3A_284 : i32 to index
          %get3A_318 = arith.constant 32 : index
          %get3A_319 = tpu.vector_load %arg12[%get3A_317, %get3A_318] {strides = array<i32>} : memref<64x128xf32, #tpu.memory_space<vmem>>, vector<16xf32>,
          %max3A_320 = arith.maximumf %get3A_316, %get3A_319 : vector<16xf32>
          %swap3A_321 = arith.index_cast %while3A_285 : i32 to index
          %swap3A_322 = arith.constant 32 : index
          %swap3A_323 = tpu.vector_load %arg13[%swap3A_321, %swap3A_322] {strides = array<i32>} : memref<160x128xf32, #tpu.memory_space<vmem>>, vector<16xf32>,
          tpu.vector_store %arg13[%swap3A_321, %swap3A_322], %max3A_320 {strides = array<i32>} : memref<160x128xf32, #tpu.memory_space<vmem>>, vector<16xf32>,
          %get3A_324 = arith.index_cast %while3A_285 : i32 to index
          %get3A_325 = arith.constant 48 : index
          %get3A_326 = tpu.vector_load %arg13[%get3A_324, %get3A_325] {strides = array<i32>} : memref<160x128xf32, #tpu.memory_space<vmem>>, vector<16xf32>,
          %get3A_327 = arith.index_cast %while3A_284 : i32 to index
          %get3A_328 = arith.constant 48 : index
          %get3A_329 = tpu.vector_load %arg12[%get3A_327, %get3A_328] {strides = array<i32>} : memref<64x128xf32, #tpu.memory_space<vmem>>, vector<16xf32>,
          %max3A_330 = arith.maximumf %get3A_326, %get3A_329 : vector<16xf32>
          %swap3A_331 = arith.index_cast %while3A_285 : i32 to index
          %swap3A_332 = arith.constant 48 : index
          %swap3A_333 = tpu.vector_load %arg13[%swap3A_331, %swap3A_332] {strides = array<i32>} : memref<160x128xf32, #tpu.memory_space<vmem>>, vector<16xf32>,
          tpu.vector_store %arg13[%swap3A_331, %swap3A_332], %max3A_330 {strides = array<i32>} : memref<160x128xf32, #tpu.memory_space<vmem>>, vector<16xf32>,
          %get3A_334 = arith.index_cast %while3A_285 : i32 to index
          %get3A_335 = arith.constant 64 : index
          %get3A_336 = tpu.vector_load %arg13[%get3A_334, %get3A_335] {strides = array<i32>} : memref<160x128xf32, #tpu.memory_space<vmem>>, vector<16xf32>,
          %get3A_337 = arith.index_cast %while3A_284 : i32 to index
          %get3A_338 = arith.constant 64 : index
          %get3A_339 = tpu.vector_load %arg12[%get3A_337, %get3A_338] {strides = array<i32>} : memref<64x128xf32, #tpu.memory_space<vmem>>, vector<16xf32>,
          %max3A_340 = arith.maximumf %get3A_336, %get3A_339 : vector<16xf32>
          %swap3A_341 = arith.index_cast %while3A_285 : i32 to index
          %swap3A_342 = arith.constant 64 : index
          %swap3A_343 = tpu.vector_load %arg13[%swap3A_341, %swap3A_342] {strides = array<i32>} : memref<160x128xf32, #tpu.memory_space<vmem>>, vector<16xf32>,
          tpu.vector_store %arg13[%swap3A_341, %swap3A_342], %max3A_340 {strides = array<i32>} : memref<160x128xf32, #tpu.memory_space<vmem>>, vector<16xf32>,
          %get3A_344 = arith.index_cast %while3A_285 : i32 to index
          %get3A_345 = arith.constant 80 : index
          %get3A_346 = tpu.vector_load %arg13[%get3A_344, %get3A_345] {strides = array<i32>} : memref<160x128xf32, #tpu.memory_space<vmem>>, vector<16xf32>,
          %get3A_347 = arith.index_cast %while3A_284 : i32 to index
          %get3A_348 = arith.constant 80 : index
          %get3A_349 = tpu.vector_load %arg12[%get3A_347, %get3A_348] {strides = array<i32>} : memref<64x128xf32, #tpu.memory_space<vmem>>, vector<16xf32>,
          %max3A_350 = arith.maximumf %get3A_346, %get3A_349 : vector<16xf32>
          %swap3A_351 = arith.index_cast %while3A_285 : i32 to index
          %swap3A_352 = arith.constant 80 : index
          %swap3A_353 = tpu.vector_load %arg13[%swap3A_351, %swap3A_352] {strides = array<i32>} : memref<160x128xf32, #tpu.memory_space<vmem>>, vector<16xf32>,
          tpu.vector_store %arg13[%swap3A_351, %swap3A_352], %max3A_350 {strides = array<i32>} : memref<160x128xf32, #tpu.memory_space<vmem>>, vector<16xf32>,
          %get3A_354 = arith.index_cast %while3A_285 : i32 to index
          %get3A_355 = arith.constant 96 : index
          %get3A_356 = tpu.vector_load %arg13[%get3A_354, %get3A_355] {strides = array<i32>} : memref<160x128xf32, #tpu.memory_space<vmem>>, vector<16xf32>,
          %get3A_357 = arith.index_cast %while3A_284 : i32 to index
          %get3A_358 = arith.constant 96 : index
          %get3A_359 = tpu.vector_load %arg12[%get3A_357, %get3A_358] {strides = array<i32>} : memref<64x128xf32, #tpu.memory_space<vmem>>, vector<16xf32>,
          %max3A_360 = arith.maximumf %get3A_356, %get3A_359 : vector<16xf32>
          %swap3A_361 = arith.index_cast %while3A_285 : i32 to index
          %swap3A_362 = arith.constant 96 : index
          %swap3A_363 = tpu.vector_load %arg13[%swap3A_361, %swap3A_362] {strides = array<i32>} : memref<160x128xf32, #tpu.memory_space<vmem>>, vector<16xf32>,
          tpu.vector_store %arg13[%swap3A_361, %swap3A_362], %max3A_360 {strides = array<i32>} : memref<160x128xf32, #tpu.memory_space<vmem>>, vector<16xf32>,
          %get3A_364 = arith.index_cast %while3A_285 : i32 to index
          %get3A_365 = arith.constant 112 : index
          %get3A_366 = tpu.vector_load %arg13[%get3A_364, %get3A_365] {strides = array<i32>} : memref<160x128xf32, #tpu.memory_space<vmem>>, vector<16xf32>,
          %get3A_367 = arith.index_cast %while3A_284 : i32 to index
          %get3A_368 = arith.constant 112 : index
          %get3A_369 = tpu.vector_load %arg12[%get3A_367, %get3A_368] {strides = array<i32>} : memref<64x128xf32, #tpu.memory_space<vmem>>, vector<16xf32>,
          %max3A_370 = arith.maximumf %get3A_366, %get3A_369 : vector<16xf32>
          %swap3A_371 = arith.index_cast %while3A_285 : i32 to index
          %swap3A_372 = arith.constant 112 : index
          %swap3A_373 = tpu.vector_load %arg13[%swap3A_371, %swap3A_372] {strides = array<i32>} : memref<160x128xf32, #tpu.memory_space<vmem>>, vector<16xf32>,
          tpu.vector_store %arg13[%swap3A_371, %swap3A_372], %max3A_370 {strides = array<i32>} : memref<160x128xf32, #tpu.memory_space<vmem>>, vector<16xf32>,
          scf.yield %squeeze3A_294 : i32
        }
      }
      %while3A_243 = arith.constant 1 : i32
      scf.for %while3A_253 = %while3A_241 to %while3A_237 step %while3A_243  : i32 {
        %mul3A_254 = arith.constant 64 : i32
        %mul3A_255 = arith.muli %while3A_253, %mul3A_254 : i32
        %dma_start3A_256 = tpu.memref_slice %arg10[%mul3A_255] : memref<2064xi32, #tpu.memory_space<vmem>> -> memref<64xi32, #tpu.memory_space<vmem>>
        %dma_start3A_257 = arith.constant 0 : i32
        %dma_start3A_258 = arith.constant 0 : i32
        %dma_start3A_259 = tpu.memref_slice %arg14[%dma_start3A_257, %dma_start3A_258] : memref<10240x128xf32, #tpu.memory_space<vmem_shared>> -> memref<10240x128xf32, #tpu.memory_space<vmem_shared>>
        tpu.enqueue_indirect_dma source(%dma_start3A_259 : memref<10240x128xf32, #tpu.memory_space<vmem_shared>>) target(%arg12 : memref<64x128xf32, #tpu.memory_space<vmem>>) offsets(%dma_start3A_256 : memref<64xi32, #tpu.memory_space<vmem>>) semaphore(%arg17 : memref<!tpu.dma_semaphore, #tpu.memory_space<semaphore_mem>>)
        %dma_wait3A_260 = tpu.memref_slice %arg10[%mul3A_255] : memref<2064xi32, #tpu.memory_space<vmem>> -> memref<64xi32, #tpu.memory_space<vmem>>
        %dma_wait3A_261 = arith.constant 0 : i32
        %dma_wait3A_262 = arith.constant 0 : i32
        %dma_wait3A_263 = tpu.memref_slice %arg14[%dma_wait3A_261, %dma_wait3A_262] : memref<10240x128xf32, #tpu.memory_space<vmem_shared>> -> memref<10240x128xf32, #tpu.memory_space<vmem_shared>>
        tpu.wait_indirect_dma semaphore(%arg17 : memref<!tpu.dma_semaphore, #tpu.memory_space<semaphore_mem>>) src(%dma_wait3A_263 : memref<10240x128xf32, #tpu.memory_space<vmem_shared>>) dst(%arg12 : memref<64x128xf32, #tpu.memory_space<vmem>>)
        %mul3A_264 = arith.constant 64 : i32
        %mul3A_265 = arith.muli %while3A_253, %mul3A_264 : i32
        %sub3A_266 = arith.subi %squeeze3A_189, %mul3A_265 : i32
        %min3A = arith.constant 64 : i32
        %min3A_267 = arith.minsi %min3A, %sub3A_266 : i32
        %mul3A_268 = arith.constant 64 : i32
        %mul3A_269 = arith.muli %while3A_253, %mul3A_268 : i32
        %get3A = arith.index_cast %mul3A_269 : i32 to index
        %get3A_270 = tpu.vector_load %arg11[%get3A] {strides = array<i32>} : memref<2016xi32, #tpu.memory_space<vmem>>, vector<16xi32>,
        %slice3A_271 = vector.extract_strided_slice %get3A_270 {offsets = [0], sizes = [1], strides = [1]} : vector<16xi32> to vector<1xi32>
        %squeeze3A_272 = vector.extract %slice3A_271[0] : i32 from vector<1xi32>
        %while3A_273 = arith.constant 0 : i32
        %while3A_274 = arith.subi %min3A_267, %while3A_273 : i32
        %while3A_275 = arith.addi %while3A_273, %while3A_274 : i32
        %while3A_276 = arith.constant 1 : i32
        %while3A_277 = arith.divsi %while3A_274, %while3A_276 : i32
        %while3A_278 = arith.muli %while3A_277, %while3A_276 : i32
        %while3A_279 = arith.addi %while3A_273, %while3A_278 : i32
        %while3A_280 = arith.constant 1 : i32
        %while3A_281 = scf.for %while3A_284 = %while3A_273 to %while3A_279 step %while3A_280 iter_args(%while3A_285 = %squeeze3A_272) -> (i32)  : i32 {
          %mul3A_286 = arith.constant 64 : i32
          %mul3A_287 = arith.muli %while3A_253, %mul3A_286 : i32
          %add3A_288 = arith.addi %mul3A_287, %while3A_284 : i32
          %add3A_289 = arith.constant 1 : i32
          %add3A_290 = arith.addi %add3A_288, %add3A_289 : i32
          %get3A_291 = arith.index_cast %add3A_290 : i32 to index
          %get3A_292 = tpu.vector_load %arg11[%get3A_291] {strides = array<i32>} : memref<2016xi32, #tpu.memory_space<vmem>>, vector<16xi32>,
          %slice3A_293 = vector.extract_strided_slice %get3A_292 {offsets = [0], sizes = [1], strides = [1]} : vector<16xi32> to vector<1xi32>
          %squeeze3A_294 = vector.extract %slice3A_293[0] : i32 from vector<1xi32>
          %get3A_295 = arith.index_cast %while3A_285 : i32 to index
          %get3A_296 = arith.constant 0 : index
          %get3A_297 = tpu.vector_load %arg13[%get3A_295, %get3A_296] {strides = array<i32>} : memref<160x128xf32, #tpu.memory_space<vmem>>, vector<16xf32>,
          %get3A_298 = arith.index_cast %while3A_284 : i32 to index
          %get3A_299 = arith.constant 0 : index
          %get3A_300 = tpu.vector_load %arg12[%get3A_298, %get3A_299] {strides = array<i32>} : memref<64x128xf32, #tpu.memory_space<vmem>>, vector<16xf32>,
          %max3A = arith.maximumf %get3A_297, %get3A_300 : vector<16xf32>
          %swap3A_301 = arith.index_cast %while3A_285 : i32 to index
          %swap3A_302 = arith.constant 0 : index
          %swap3A_303 = tpu.vector_load %arg13[%swap3A_301, %swap3A_302] {strides = array<i32>} : memref<160x128xf32, #tpu.memory_space<vmem>>, vector<16xf32>,
          tpu.vector_store %arg13[%swap3A_301, %swap3A_302], %max3A {strides = array<i32>} : memref<160x128xf32, #tpu.memory_space<vmem>>, vector<16xf32>,
          %get3A_304 = arith.index_cast %while3A_285 : i32 to index
          %get3A_305 = arith.constant 16 : index
          %get3A_306 = tpu.vector_load %arg13[%get3A_304, %get3A_305] {strides = array<i32>} : memref<160x128xf32, #tpu.memory_space<vmem>>, vector<16xf32>,
          %get3A_307 = arith.index_cast %while3A_284 : i32 to index
          %get3A_308 = arith.constant 16 : index
          %get3A_309 = tpu.vector_load %arg12[%get3A_307, %get3A_308] {strides = array<i32>} : memref<64x128xf32, #tpu.memory_space<vmem>>, vector<16xf32>,
          %max3A_310 = arith.maximumf %get3A_306, %get3A_309 : vector<16xf32>
          %swap3A_311 = arith.index_cast %while3A_285 : i32 to index
          %swap3A_312 = arith.constant 16 : index
          %swap3A_313 = tpu.vector_load %arg13[%swap3A_311, %swap3A_312] {strides = array<i32>} : memref<160x128xf32, #tpu.memory_space<vmem>>, vector<16xf32>,
          tpu.vector_store %arg13[%swap3A_311, %swap3A_312], %max3A_310 {strides = array<i32>} : memref<160x128xf32, #tpu.memory_space<vmem>>, vector<16xf32>,
          %get3A_314 = arith.index_cast %while3A_285 : i32 to index
          %get3A_315 = arith.constant 32 : index
          %get3A_316 = tpu.vector_load %arg13[%get3A_314, %get3A_315] {strides = array<i32>} : memref<160x128xf32, #tpu.memory_space<vmem>>, vector<16xf32>,
          %get3A_317 = arith.index_cast %while3A_284 : i32 to index
          %get3A_318 = arith.constant 32 : index
          %get3A_319 = tpu.vector_load %arg12[%get3A_317, %get3A_318] {strides = array<i32>} : memref<64x128xf32, #tpu.memory_space<vmem>>, vector<16xf32>,
          %max3A_320 = arith.maximumf %get3A_316, %get3A_319 : vector<16xf32>
          %swap3A_321 = arith.index_cast %while3A_285 : i32 to index
          %swap3A_322 = arith.constant 32 : index
          %swap3A_323 = tpu.vector_load %arg13[%swap3A_321, %swap3A_322] {strides = array<i32>} : memref<160x128xf32, #tpu.memory_space<vmem>>, vector<16xf32>,
          tpu.vector_store %arg13[%swap3A_321, %swap3A_322], %max3A_320 {strides = array<i32>} : memref<160x128xf32, #tpu.memory_space<vmem>>, vector<16xf32>,
          %get3A_324 = arith.index_cast %while3A_285 : i32 to index
          %get3A_325 = arith.constant 48 : index
          %get3A_326 = tpu.vector_load %arg13[%get3A_324, %get3A_325] {strides = array<i32>} : memref<160x128xf32, #tpu.memory_space<vmem>>, vector<16xf32>,
          %get3A_327 = arith.index_cast %while3A_284 : i32 to index
          %get3A_328 = arith.constant 48 : index
          %get3A_329 = tpu.vector_load %arg12[%get3A_327, %get3A_328] {strides = array<i32>} : memref<64x128xf32, #tpu.memory_space<vmem>>, vector<16xf32>,
          %max3A_330 = arith.maximumf %get3A_326, %get3A_329 : vector<16xf32>
          %swap3A_331 = arith.index_cast %while3A_285 : i32 to index
          %swap3A_332 = arith.constant 48 : index
          %swap3A_333 = tpu.vector_load %arg13[%swap3A_331, %swap3A_332] {strides = array<i32>} : memref<160x128xf32, #tpu.memory_space<vmem>>, vector<16xf32>,
          tpu.vector_store %arg13[%swap3A_331, %swap3A_332], %max3A_330 {strides = array<i32>} : memref<160x128xf32, #tpu.memory_space<vmem>>, vector<16xf32>,
          %get3A_334 = arith.index_cast %while3A_285 : i32 to index
          %get3A_335 = arith.constant 64 : index
          %get3A_336 = tpu.vector_load %arg13[%get3A_334, %get3A_335] {strides = array<i32>} : memref<160x128xf32, #tpu.memory_space<vmem>>, vector<16xf32>,
          %get3A_337 = arith.index_cast %while3A_284 : i32 to index
          %get3A_338 = arith.constant 64 : index
          %get3A_339 = tpu.vector_load %arg12[%get3A_337, %get3A_338] {strides = array<i32>} : memref<64x128xf32, #tpu.memory_space<vmem>>, vector<16xf32>,
          %max3A_340 = arith.maximumf %get3A_336, %get3A_339 : vector<16xf32>
          %swap3A_341 = arith.index_cast %while3A_285 : i32 to index
          %swap3A_342 = arith.constant 64 : index
          %swap3A_343 = tpu.vector_load %arg13[%swap3A_341, %swap3A_342] {strides = array<i32>} : memref<160x128xf32, #tpu.memory_space<vmem>>, vector<16xf32>,
          tpu.vector_store %arg13[%swap3A_341, %swap3A_342], %max3A_340 {strides = array<i32>} : memref<160x128xf32, #tpu.memory_space<vmem>>, vector<16xf32>,
          %get3A_344 = arith.index_cast %while3A_285 : i32 to index
          %get3A_345 = arith.constant 80 : index
          %get3A_346 = tpu.vector_load %arg13[%get3A_344, %get3A_345] {strides = array<i32>} : memref<160x128xf32, #tpu.memory_space<vmem>>, vector<16xf32>,
          %get3A_347 = arith.index_cast %while3A_284 : i32 to index
          %get3A_348 = arith.constant 80 : index
          %get3A_349 = tpu.vector_load %arg12[%get3A_347, %get3A_348] {strides = array<i32>} : memref<64x128xf32, #tpu.memory_space<vmem>>, vector<16xf32>,
          %max3A_350 = arith.maximumf %get3A_346, %get3A_349 : vector<16xf32>
          %swap3A_351 = arith.index_cast %while3A_285 : i32 to index
          %swap3A_352 = arith.constant 80 : index
          %swap3A_353 = tpu.vector_load %arg13[%swap3A_351, %swap3A_352] {strides = array<i32>} : memref<160x128xf32, #tpu.memory_space<vmem>>, vector<16xf32>,
          tpu.vector_store %arg13[%swap3A_351, %swap3A_352], %max3A_350 {strides = array<i32>} : memref<160x128xf32, #tpu.memory_space<vmem>>, vector<16xf32>,
          %get3A_354 = arith.index_cast %while3A_285 : i32 to index
          %get3A_355 = arith.constant 96 : index
          %get3A_356 = tpu.vector_load %arg13[%get3A_354, %get3A_355] {strides = array<i32>} : memref<160x128xf32, #tpu.memory_space<vmem>>, vector<16xf32>,
          %get3A_357 = arith.index_cast %while3A_284 : i32 to index
          %get3A_358 = arith.constant 96 : index
          %get3A_359 = tpu.vector_load %arg12[%get3A_357, %get3A_358] {strides = array<i32>} : memref<64x128xf32, #tpu.memory_space<vmem>>, vector<16xf32>,
          %max3A_360 = arith.maximumf %get3A_356, %get3A_359 : vector<16xf32>
          %swap3A_361 = arith.index_cast %while3A_285 : i32 to index
          %swap3A_362 = arith.constant 96 : index
          %swap3A_363 = tpu.vector_load %arg13[%swap3A_361, %swap3A_362] {strides = array<i32>} : memref<160x128xf32, #tpu.memory_space<vmem>>, vector<16xf32>,
          tpu.vector_store %arg13[%swap3A_361, %swap3A_362], %max3A_360 {strides = array<i32>} : memref<160x128xf32, #tpu.memory_space<vmem>>, vector<16xf32>,
          %get3A_364 = arith.index_cast %while3A_285 : i32 to index
          %get3A_365 = arith.constant 112 : index
          %get3A_366 = tpu.vector_load %arg13[%get3A_364, %get3A_365] {strides = array<i32>} : memref<160x128xf32, #tpu.memory_space<vmem>>, vector<16xf32>,
          %get3A_367 = arith.index_cast %while3A_284 : i32 to index
          %get3A_368 = arith.constant 112 : index
          %get3A_369 = tpu.vector_load %arg12[%get3A_367, %get3A_368] {strides = array<i32>} : memref<64x128xf32, #tpu.memory_space<vmem>>, vector<16xf32>,
          %max3A_370 = arith.maximumf %get3A_366, %get3A_369 : vector<16xf32>
          %swap3A_371 = arith.index_cast %while3A_285 : i32 to index
          %swap3A_372 = arith.constant 112 : index
          %swap3A_373 = tpu.vector_load %arg13[%swap3A_371, %swap3A_372] {strides = array<i32>} : memref<160x128xf32, #tpu.memory_space<vmem>>, vector<16xf32>,
          tpu.vector_store %arg13[%swap3A_371, %swap3A_372], %max3A_370 {strides = array<i32>} : memref<160x128xf32, #tpu.memory_space<vmem>>, vector<16xf32>,
          scf.yield %squeeze3A_294 : i32
        }
        %while3A_282 = arith.constant 1 : i32
        %while3A_283 = scf.for %while3A_284 = %while3A_279 to %while3A_275 step %while3A_282 iter_args(%while3A_285 = %while3A_281) -> (i32)  : i32 {
          %mul3A_286 = arith.constant 64 : i32
          %mul3A_287 = arith.muli %while3A_253, %mul3A_286 : i32
          %add3A_288 = arith.addi %mul3A_287, %while3A_284 : i32
          %add3A_289 = arith.constant 1 : i32
          %add3A_290 = arith.addi %add3A_288, %add3A_289 : i32
          %get3A_291 = arith.index_cast %add3A_290 : i32 to index
          %get3A_292 = tpu.vector_load %arg11[%get3A_291] {strides = array<i32>} : memref<2016xi32, #tpu.memory_space<vmem>>, vector<16xi32>,
          %slice3A_293 = vector.extract_strided_slice %get3A_292 {offsets = [0], sizes = [1], strides = [1]} : vector<16xi32> to vector<1xi32>
          %squeeze3A_294 = vector.extract %slice3A_293[0] : i32 from vector<1xi32>
          %get3A_295 = arith.index_cast %while3A_285 : i32 to index
          %get3A_296 = arith.constant 0 : index
          %get3A_297 = tpu.vector_load %arg13[%get3A_295, %get3A_296] {strides = array<i32>} : memref<160x128xf32, #tpu.memory_space<vmem>>, vector<16xf32>,
          %get3A_298 = arith.index_cast %while3A_284 : i32 to index
          %get3A_299 = arith.constant 0 : index
          %get3A_300 = tpu.vector_load %arg12[%get3A_298, %get3A_299] {strides = array<i32>} : memref<64x128xf32, #tpu.memory_space<vmem>>, vector<16xf32>,
          %max3A = arith.maximumf %get3A_297, %get3A_300 : vector<16xf32>
          %swap3A_301 = arith.index_cast %while3A_285 : i32 to index
          %swap3A_302 = arith.constant 0 : index
          %swap3A_303 = tpu.vector_load %arg13[%swap3A_301, %swap3A_302] {strides = array<i32>} : memref<160x128xf32, #tpu.memory_space<vmem>>, vector<16xf32>,
          tpu.vector_store %arg13[%swap3A_301, %swap3A_302], %max3A {strides = array<i32>} : memref<160x128xf32, #tpu.memory_space<vmem>>, vector<16xf32>,
          %get3A_304 = arith.index_cast %while3A_285 : i32 to index
          %get3A_305 = arith.constant 16 : index
          %get3A_306 = tpu.vector_load %arg13[%get3A_304, %get3A_305] {strides = array<i32>} : memref<160x128xf32, #tpu.memory_space<vmem>>, vector<16xf32>,
          %get3A_307 = arith.index_cast %while3A_284 : i32 to index
          %get3A_308 = arith.constant 16 : index
          %get3A_309 = tpu.vector_load %arg12[%get3A_307, %get3A_308] {strides = array<i32>} : memref<64x128xf32, #tpu.memory_space<vmem>>, vector<16xf32>,
          %max3A_310 = arith.maximumf %get3A_306, %get3A_309 : vector<16xf32>
          %swap3A_311 = arith.index_cast %while3A_285 : i32 to index
          %swap3A_312 = arith.constant 16 : index
          %swap3A_313 = tpu.vector_load %arg13[%swap3A_311, %swap3A_312] {strides = array<i32>} : memref<160x128xf32, #tpu.memory_space<vmem>>, vector<16xf32>,
          tpu.vector_store %arg13[%swap3A_311, %swap3A_312], %max3A_310 {strides = array<i32>} : memref<160x128xf32, #tpu.memory_space<vmem>>, vector<16xf32>,
          %get3A_314 = arith.index_cast %while3A_285 : i32 to index
          %get3A_315 = arith.constant 32 : index
          %get3A_316 = tpu.vector_load %arg13[%get3A_314, %get3A_315] {strides = array<i32>} : memref<160x128xf32, #tpu.memory_space<vmem>>, vector<16xf32>,
          %get3A_317 = arith.index_cast %while3A_284 : i32 to index
          %get3A_318 = arith.constant 32 : index
          %get3A_319 = tpu.vector_load %arg12[%get3A_317, %get3A_318] {strides = array<i32>} : memref<64x128xf32, #tpu.memory_space<vmem>>, vector<16xf32>,
          %max3A_320 = arith.maximumf %get3A_316, %get3A_319 : vector<16xf32>
          %swap3A_321 = arith.index_cast %while3A_285 : i32 to index
          %swap3A_322 = arith.constant 32 : index
          %swap3A_323 = tpu.vector_load %arg13[%swap3A_321, %swap3A_322] {strides = array<i32>} : memref<160x128xf32, #tpu.memory_space<vmem>>, vector<16xf32>,
          tpu.vector_store %arg13[%swap3A_321, %swap3A_322], %max3A_320 {strides = array<i32>} : memref<160x128xf32, #tpu.memory_space<vmem>>, vector<16xf32>,
          %get3A_324 = arith.index_cast %while3A_285 : i32 to index
          %get3A_325 = arith.constant 48 : index
          %get3A_326 = tpu.vector_load %arg13[%get3A_324, %get3A_325] {strides = array<i32>} : memref<160x128xf32, #tpu.memory_space<vmem>>, vector<16xf32>,
          %get3A_327 = arith.index_cast %while3A_284 : i32 to index
          %get3A_328 = arith.constant 48 : index
          %get3A_329 = tpu.vector_load %arg12[%get3A_327, %get3A_328] {strides = array<i32>} : memref<64x128xf32, #tpu.memory_space<vmem>>, vector<16xf32>,
          %max3A_330 = arith.maximumf %get3A_326, %get3A_329 : vector<16xf32>
          %swap3A_331 = arith.index_cast %while3A_285 : i32 to index
          %swap3A_332 = arith.constant 48 : index
          %swap3A_333 = tpu.vector_load %arg13[%swap3A_331, %swap3A_332] {strides = array<i32>} : memref<160x128xf32, #tpu.memory_space<vmem>>, vector<16xf32>,
          tpu.vector_store %arg13[%swap3A_331, %swap3A_332], %max3A_330 {strides = array<i32>} : memref<160x128xf32, #tpu.memory_space<vmem>>, vector<16xf32>,
          %get3A_334 = arith.index_cast %while3A_285 : i32 to index
          %get3A_335 = arith.constant 64 : index
          %get3A_336 = tpu.vector_load %arg13[%get3A_334, %get3A_335] {strides = array<i32>} : memref<160x128xf32, #tpu.memory_space<vmem>>, vector<16xf32>,
          %get3A_337 = arith.index_cast %while3A_284 : i32 to index
          %get3A_338 = arith.constant 64 : index
          %get3A_339 = tpu.vector_load %arg12[%get3A_337, %get3A_338] {strides = array<i32>} : memref<64x128xf32, #tpu.memory_space<vmem>>, vector<16xf32>,
          %max3A_340 = arith.maximumf %get3A_336, %get3A_339 : vector<16xf32>
          %swap3A_341 = arith.index_cast %while3A_285 : i32 to index
          %swap3A_342 = arith.constant 64 : index
          %swap3A_343 = tpu.vector_load %arg13[%swap3A_341, %swap3A_342] {strides = array<i32>} : memref<160x128xf32, #tpu.memory_space<vmem>>, vector<16xf32>,
          tpu.vector_store %arg13[%swap3A_341, %swap3A_342], %max3A_340 {strides = array<i32>} : memref<160x128xf32, #tpu.memory_space<vmem>>, vector<16xf32>,
          %get3A_344 = arith.index_cast %while3A_285 : i32 to index
          %get3A_345 = arith.constant 80 : index
          %get3A_346 = tpu.vector_load %arg13[%get3A_344, %get3A_345] {strides = array<i32>} : memref<160x128xf32, #tpu.memory_space<vmem>>, vector<16xf32>,
          %get3A_347 = arith.index_cast %while3A_284 : i32 to index
          %get3A_348 = arith.constant 80 : index
          %get3A_349 = tpu.vector_load %arg12[%get3A_347, %get3A_348] {strides = array<i32>} : memref<64x128xf32, #tpu.memory_space<vmem>>, vector<16xf32>,
          %max3A_350 = arith.maximumf %get3A_346, %get3A_349 : vector<16xf32>
          %swap3A_351 = arith.index_cast %while3A_285 : i32 to index
          %swap3A_352 = arith.constant 80 : index
          %swap3A_353 = tpu.vector_load %arg13[%swap3A_351, %swap3A_352] {strides = array<i32>} : memref<160x128xf32, #tpu.memory_space<vmem>>, vector<16xf32>,
          tpu.vector_store %arg13[%swap3A_351, %swap3A_352], %max3A_350 {strides = array<i32>} : memref<160x128xf32, #tpu.memory_space<vmem>>, vector<16xf32>,
          %get3A_354 = arith.index_cast %while3A_285 : i32 to index
          %get3A_355 = arith.constant 96 : index
          %get3A_356 = tpu.vector_load %arg13[%get3A_354, %get3A_355] {strides = array<i32>} : memref<160x128xf32, #tpu.memory_space<vmem>>, vector<16xf32>,
          %get3A_357 = arith.index_cast %while3A_284 : i32 to index
          %get3A_358 = arith.constant 96 : index
          %get3A_359 = tpu.vector_load %arg12[%get3A_357, %get3A_358] {strides = array<i32>} : memref<64x128xf32, #tpu.memory_space<vmem>>, vector<16xf32>,
          %max3A_360 = arith.maximumf %get3A_356, %get3A_359 : vector<16xf32>
          %swap3A_361 = arith.index_cast %while3A_285 : i32 to index
          %swap3A_362 = arith.constant 96 : index
          %swap3A_363 = tpu.vector_load %arg13[%swap3A_361, %swap3A_362] {strides = array<i32>} : memref<160x128xf32, #tpu.memory_space<vmem>>, vector<16xf32>,
          tpu.vector_store %arg13[%swap3A_361, %swap3A_362], %max3A_360 {strides = array<i32>} : memref<160x128xf32, #tpu.memory_space<vmem>>, vector<16xf32>,
          %get3A_364 = arith.index_cast %while3A_285 : i32 to index
          %get3A_365 = arith.constant 112 : index
          %get3A_366 = tpu.vector_load %arg13[%get3A_364, %get3A_365] {strides = array<i32>} : memref<160x128xf32, #tpu.memory_space<vmem>>, vector<16xf32>,
          %get3A_367 = arith.index_cast %while3A_284 : i32 to index
          %get3A_368 = arith.constant 112 : index
          %get3A_369 = tpu.vector_load %arg12[%get3A_367, %get3A_368] {strides = array<i32>} : memref<64x128xf32, #tpu.memory_space<vmem>>, vector<16xf32>,
          %max3A_370 = arith.maximumf %get3A_366, %get3A_369 : vector<16xf32>
          %swap3A_371 = arith.index_cast %while3A_285 : i32 to index
          %swap3A_372 = arith.constant 112 : index
          %swap3A_373 = tpu.vector_load %arg13[%swap3A_371, %swap3A_372] {strides = array<i32>} : memref<160x128xf32, #tpu.memory_space<vmem>>, vector<16xf32>,
          tpu.vector_store %arg13[%swap3A_371, %swap3A_372], %max3A_370 {strides = array<i32>} : memref<160x128xf32, #tpu.memory_space<vmem>>, vector<16xf32>,
          scf.yield %squeeze3A_294 : i32
        }
      }
      %mul3A_244 = arith.constant 2 : i32
      %mul3A_245 = arith.muli %mul3A_244, %scan3A_106 : i32
      %add3A_246 = arith.constant 3 : i32
      %add3A_247 = arith.addi %mul3A_245, %add3A_246 : i32
      %lt3A_248 = arith.constant 160 : i32
      %lt3A_249 = arith.cmpi slt, %add3A_247, %lt3A_248 : i32
      %convert_element_type3A_250 = arith.extui %lt3A_249 : i1 to i32
      %cond3A_251 = arith.constant 0 : i32
      %cond3A_252 = arith.cmpi ne, %convert_element_type3A_250, %cond3A_251 : i32
      scf.if %cond3A_252 {
        %mul3A_253 = arith.constant 2 : i32
        %mul3A_254 = arith.muli %mul3A_253, %scan3A_106 : i32
        %add3A_255 = arith.constant 3 : i32
        %add3A_256 = arith.addi %mul3A_254, %add3A_255 : i32
        %mul3A_257 = arith.constant 2000 : i32
        %mul3A_258 = arith.muli %add3A_256, %mul3A_257 : i32
        %dma_start3A_259 = tpu.memref_slice %arg3[%mul3A_258] : memref<320000xi32, #tpu.memory_space<hbm>> -> memref<2000xi32, #tpu.memory_space<hbm>>
        %dma_start3A_260 = tpu.memref_slice %arg3[%mul3A_258] : memref<320000xi32, #tpu.memory_space<hbm>> -> memref<2000xi32, #tpu.memory_space<hbm>>
        tpu.enqueue_dma source(%dma_start3A_260 : memref<2000xi32, #tpu.memory_space<hbm>>) target(%arg8 : memref<2000xi32, #tpu.memory_space<vmem>>) target_semaphore(%arg15 : memref<!tpu.dma_semaphore, #tpu.memory_space<semaphore_mem>>)
        %dma_start3A_261 = tpu.memref_slice %arg4[%mul3A_258] : memref<320000xi32, #tpu.memory_space<hbm>> -> memref<2000xi32, #tpu.memory_space<hbm>>
        %dma_start3A_262 = tpu.memref_slice %arg4[%mul3A_258] : memref<320000xi32, #tpu.memory_space<hbm>> -> memref<2000xi32, #tpu.memory_space<hbm>>
        tpu.enqueue_dma source(%dma_start3A_262 : memref<2000xi32, #tpu.memory_space<hbm>>) target(%arg9 : memref<2000xi32, #tpu.memory_space<vmem>>) target_semaphore(%arg15 : memref<!tpu.dma_semaphore, #tpu.memory_space<semaphore_mem>>)
      } else {
      }
    }
    %scan3A_105 = arith.constant 80 : i32
    "tpu.region"() ({
      %run_scoped3A = tpu.sem_alloc : memref<!tpu.dma_semaphore, #tpu.memory_space<semaphore_mem>>
      %dma_start3A_106 = arith.constant 0 : i32
      %dma_start3A_107 = tpu.memref_slice %arg5[%add3A_77, %dma_start3A_106] : memref<10240x128xf32, #tpu.memory_space<hbm>> -> memref<160x128xf32, #tpu.memory_space<hbm>>
      %dma_start3A_108 = arith.constant 0 : i32
      %dma_start3A_109 = tpu.memref_slice %arg5[%add3A_77, %dma_start3A_108] : memref<10240x128xf32, #tpu.memory_space<hbm>> -> memref<160x128xf32, #tpu.memory_space<hbm>>
      tpu.enqueue_dma source(%arg13 : memref<160x128xf32, #tpu.memory_space<vmem>>) target(%dma_start3A_109 : memref<160x128xf32, #tpu.memory_space<hbm>>) target_semaphore(%run_scoped3A : memref<!tpu.dma_semaphore, #tpu.memory_space<semaphore_mem>>)
      %dma_wait3A = arith.constant 0 : i32
      %dma_wait3A_110 = tpu.memref_slice %arg5[%add3A_77, %dma_wait3A] : memref<10240x128xf32, #tpu.memory_space<hbm>> -> memref<160x128xf32, #tpu.memory_space<hbm>>
      %dma_wait3A_111 = arith.constant 0 : i32
      %dma_wait3A_112 = tpu.memref_slice %arg5[%add3A_77, %dma_wait3A_111] : memref<10240x128xf32, #tpu.memory_space<hbm>> -> memref<160x128xf32, #tpu.memory_space<hbm>>
      tpu.wait_dma2 semaphore(%run_scoped3A : memref<!tpu.dma_semaphore, #tpu.memory_space<semaphore_mem>>) src(%arg13 : memref<160x128xf32, #tpu.memory_space<vmem>>) dst(%dma_wait3A_112 : memref<160x128xf32, #tpu.memory_space<hbm>>)
      tpu.yield
    }) : () -> ()
    return
  }
}

module attributes {stable_mosaic.version = 14 : i64} {
  func.func @_mm_theta_body(%arg0: i32, %arg1: memref<2560x128xf32, #tpu.memory_space<vmem>>, %arg2: memref<128x128xf32, #tpu.memory_space<vmem>>, %arg3: memref<2560x128xf32, #tpu.memory_space<vmem>>) attributes {dimension_semantics = [#tpu.dimension_semantics<arbitrary>], iteration_bounds = array<i64: 4>, scalar_prefetch = 0 : i64, scratch_operands = 0 : i64, tpu.core_type = #tpu.core_type<tc>, window_params = [{transform_indices = @transform_0, window_bounds = array<i64: 2560, 128>}, {pipeline_mode = #tpu.pipeline_mode<synchronous>, transform_indices = @transform_1, window_bounds = array<i64: 128, 128>}, {transform_indices = @transform_2, window_bounds = array<i64: 2560, 128>}]} {
    %get3A = arith.constant 0 : index
    %get3A_0 = arith.constant 0 : index
    %get3A_1 = vector.load %arg1[%get3A, %get3A_0] : memref<2560x128xf32, #tpu.memory_space<vmem>>, vector<2560x128xf32>
    %get3A_2 = arith.constant 0 : index
    %get3A_3 = arith.constant 0 : index
    %get3A_4 = vector.load %arg2[%get3A_2, %get3A_3] : memref<128x128xf32, #tpu.memory_space<vmem>>, vector<128x128xf32>
    %dot_general3A = arith.constant dense<0.000000e+00> : vector<2560x128xf32>
    %dot_general3A_5 = tpu.matmul %get3A_1, %get3A_4, %dot_general3A {dimension_numbers = #tpu.dot_dimension_numbers<[1], [0], [0], [1], [0, 0, 1, 1], [], []>, transpose_lhs_hint = false} : vector<2560x128xf32>, vector<128x128xf32>, vector<2560x128xf32> -> vector<2560x128xf32>
    %swap3A = arith.constant 0 : index
    %swap3A_6 = arith.constant 0 : index
    %swap3A_7 = vector.load %arg3[%swap3A, %swap3A_6] : memref<2560x128xf32, #tpu.memory_space<vmem>>, vector<2560x128xf32>
    tpu.vector_store %arg3[%swap3A, %swap3A_6], %dot_general3A_5 {strides = array<i32>} : memref<2560x128xf32, #tpu.memory_space<vmem>>, vector<2560x128xf32>,
    return
  }
  func.func @transform_0(%arg0: i32) -> (i32, i32) {
    %c0_i32 = arith.constant 0 : i32
    %c0_i32_0 = arith.constant 0 : i32
    return %arg0, %c0_i32 : i32, i32
  }
  func.func @transform_1(%arg0: i32) -> (i32, i32) {
    %c0_i32 = arith.constant 0 : i32
    %c0_i32_0 = arith.constant 0 : i32
    %c0_i32_1 = arith.constant 0 : i32
    return %c0_i32, %c0_i32_0 : i32, i32
  }
  func.func @transform_2(%arg0: i32) -> (i32, i32) {
    %c0_i32 = arith.constant 0 : i32
    %c0_i32_0 = arith.constant 0 : i32
    return %arg0, %c0_i32 : i32, i32
  }
}

module attributes {stable_mosaic.version = 14 : i64} {
  func.func @_final_body(%arg0: i32, %arg1: memref<2560x128xf32, #tpu.memory_space<vmem>>, %arg2: memref<2560x128xf32, #tpu.memory_space<vmem>>, %arg3: memref<128x128xf32, #tpu.memory_space<vmem>>, %arg4: memref<2560x128xf32, #tpu.memory_space<vmem>>) attributes {dimension_semantics = [#tpu.dimension_semantics<arbitrary>], iteration_bounds = array<i64: 4>, scalar_prefetch = 0 : i64, scratch_operands = 0 : i64, tpu.core_type = #tpu.core_type<tc>, window_params = [{transform_indices = @transform_0, window_bounds = array<i64: 2560, 128>}, {transform_indices = @transform_1, window_bounds = array<i64: 2560, 128>}, {pipeline_mode = #tpu.pipeline_mode<synchronous>, transform_indices = @transform_2, window_bounds = array<i64: 128, 128>}, {transform_indices = @transform_3, window_bounds = array<i64: 2560, 128>}]} {
    %get3A = arith.constant 0 : index
    %get3A_0 = arith.constant 0 : index
    %get3A_1 = vector.load %arg1[%get3A, %get3A_0] : memref<2560x128xf32, #tpu.memory_space<vmem>>, vector<2560x128xf32>
    %is_finite3A = tpu.weird %get3A_1 : vector<2560x128xf32> -> vector<2560x128xi1>
    %is_finite3A_2 = arith.constant dense<true> : vector<2560x128xi1>
    %is_finite3A_3 = arith.xori %is_finite3A, %is_finite3A_2 : vector<2560x128xi1>
    %get3A_4 = arith.constant 0 : index
    %get3A_5 = arith.constant 0 : index
    %get3A_6 = vector.load %arg2[%get3A_4, %get3A_5] : memref<2560x128xf32, #tpu.memory_space<vmem>>, vector<2560x128xf32>
    %sub3A = arith.subf %get3A_1, %get3A_6 : vector<2560x128xf32>
    %jit3A = arith.constant 0.000000e+00 : f32
    %broadcast_in_dim3A = vector.broadcast %jit3A : f32 to vector<2560x128xf32>
    %select_n3A = arith.select %is_finite3A_3, %sub3A, %broadcast_in_dim3A : vector<2560x128xi1>, vector<2560x128xf32>
    %get3A_7 = arith.constant 0 : index
    %get3A_8 = arith.constant 0 : index
    %get3A_9 = vector.load %arg3[%get3A_7, %get3A_8] : memref<128x128xf32, #tpu.memory_space<vmem>>, vector<128x128xf32>
    %dot_general3A = arith.constant dense<0.000000e+00> : vector<2560x128xf32>
    %dot_general3A_10 = tpu.matmul %select_n3A, %get3A_9, %dot_general3A {dimension_numbers = #tpu.dot_dimension_numbers<[1], [0], [0], [1], [0, 0, 1, 1], [], []>, transpose_lhs_hint = false} : vector<2560x128xf32>, vector<128x128xf32>, vector<2560x128xf32> -> vector<2560x128xf32>
    %max3A = arith.constant 0.000000e+00 : f32
    %max3A_11 = vector.broadcast %max3A : f32 to vector<2560x128xf32>
    %max3A_12 = arith.maximumf %dot_general3A_10, %max3A_11 : vector<2560x128xf32>
    %swap3A = arith.constant 0 : index
    %swap3A_13 = arith.constant 0 : index
    %swap3A_14 = vector.load %arg4[%swap3A, %swap3A_13] : memref<2560x128xf32, #tpu.memory_space<vmem>>, vector<2560x128xf32>
    tpu.vector_store %arg4[%swap3A, %swap3A_13], %max3A_12 {strides = array<i32>} : memref<2560x128xf32, #tpu.memory_space<vmem>>, vector<2560x128xf32>,
    return
  }
  func.func @transform_0(%arg0: i32) -> (i32, i32) {
    %c0_i32 = arith.constant 0 : i32
    %c0_i32_0 = arith.constant 0 : i32
    return %arg0, %c0_i32 : i32, i32
  }
  func.func @transform_1(%arg0: i32) -> (i32, i32) {
    %c0_i32 = arith.constant 0 : i32
    %c0_i32_0 = arith.constant 0 : i32
    return %arg0, %c0_i32 : i32, i32
  }
  func.func @transform_2(%arg0: i32) -> (i32, i32) {
    %c0_i32 = arith.constant 0 : i32
    %c0_i32_0 = arith.constant 0 : i32
    %c0_i32_1 = arith.constant 0 : i32
    return %c0_i32, %c0_i32_0 : i32, i32
  }
  func.func @transform_3(%arg0: i32) -> (i32, i32) {
    %c0_i32 = arith.constant 0 : i32
    %c0_i32_0 = arith.constant 0 : i32
    return %arg0, %c0_i32 : i32, i32
  }
}

</mosaic_0001>

<sc_bundles>
// kernel: kernel.5.cloned.1.call-start
scs
__scs_entry_jumppad:
0x0: {  	(pc) =	sbr.rel $0x88, $3  }
0x1: {  	(tag) =	ssettag $0x0;
	lr =	simm.s32 $0x1  }
0x2: {  	[smem:$0x3F9D] =	sst lr;
	_ =	strace $0xD0000000  }
0x3: {  	_ = 	snop  }
0x4: {  	_ = 	snop  }
0x5: {  	_ = 	snop  }
0x6: {  	_ = 	snop  }
0x7: {  	_ = 	snop  }
__scs_overlays_trampoline_lowered:
0x8: {  	[smem:$0x3FAC] =	sst s0  }
0x9: {  	[smem:$0x3FAD] =	sst s1  }
0xa: {  	[smem:$0x3FAE] =	sst s2  }
0xb: {  	[smem:$0x3FAF] =	sst s3  }
0xc: {  	[smem:$0x3FB0] =	sst s4  }
0xd: {  	[smem:$0x3FB1] =	sst s5  }
0xe: {  	[smem:$0x3FB2] =	sst s6  }
0xf: {  	[smem:$0x3FB3] =	sst s7  }
0x10: {  	[smem:$0x3FB4] =	sst s8  }
0x11: {  	[smem:$0x3FB5] =	sst s9;
	s0 =	simm.s32 @!p0 $0x0  }
0x12: {  	s1 =	sld [smem:$0x3F9B];
	s0 =	simm.s32 @p0 $0x1  }
0x13: {  	[smem:$0x3FB6] =	sst s0;
	s0 =	simm.s32 @!p1 $0x0  }
0x14: {  	s2 =	sld [smem:$0x3F9A];
	s0 =	simm.s32 @p1 $0x1  }
0x15: {  	[smem:$0x3FB7] =	sst s0;
	s0 =	simm.s32 @!p2 $0x0  }
0x16: {  	s3 =	sld [smem:$0x3FDB];
	s0 =	simm.s32 @p2 $0x1  }
0x17: {  	s4 =	simm.s32 $0x1BF5;
	[smem:$0x3FB9] =	sst s0  }
0x18: {  	s0 =	sld [smem:$0x3F9C];
	_ =	swait.ge [sflag:s4], $0x0  }
0x19: {  	s7 =	sld [smem:$0x3F9D]  }
0x1a: {  	s8 =	sadd.s32 $0xFFFFE003, lr  }
0x1b: {  	s9 =	sadd.s32 $0xFFFFFEF7, lr;
	s5 =	simm.s32 $0xFFFFFFFF;
	p2 =	slt.u32 s8, $0xFFFFF086  }
0x1c: {  	p1 =	slt.u32 s9, $0xF7A;
	s5 =	simm.s32 @!p2 $0x0  }
0x1d: {  	s5 =	simm.s32 @p1 $0x1;
	p0 =	seq.s32 s7, s2  }
0x1e: {  	s7 =	smul.u32 @!p0 $0xF7A, s2;
	p2 =	seq.s32 @!p0 s5, $0x0  }
0x1f: {  	s9 =	smul.u32 $0xF7A, s1;
	s8 =	simm.s32 @!p0 $0x1BF5;
	p2 =	por !p2, p0  }
0x20: {  	[sflag:s8] =	ssyncset.s32 @!p0 $0xFFFFF086;
	s6 =	sadd.s32 @!p0 s3, s7;
	s7 =	simm.s32 @!p0 $0x108  }
0x21: {  	s3 =	sadd.s32 s3, s9;
	s6 =	sadd.s32 @!p0 $0x88, s6;
	s7 =	simm.s32 @p2 $0x1082  }
0x22: {  	[simem:s7], [sflag:s8] =	dma.local @!p0 [hbm:s6], $0xF7A  }
0x23: {  	s9 =	sor.u32 $0xD0000000, s2;
	s6 =	simm.s32 $0x108;
	_ =	swait.ge @!p0 [sflag:s8], $0x0  }
0x24: {  	s3 =	sadd.s32 $0x88, s3;
	s6 =	simm.s32 @!p1 $0x1082;
	[sflag:s4] =	ssyncset.s32 $0xFFFFF086  }
0x25: {  	[simem:s6], [sflag:s4] =	dma.local [hbm:s3], $0xF7A  }
0x26: {  	[smem:$0x3F9D] =	sst s1;
	(tag) =	ssettag s2;
	_ =	strace s9  }
0x27: {  	s1 =	sld [smem:$0x3FAD]  }
0x28: {  	s2 =	sld [smem:$0x3FAE]  }
0x29: {  	s4 =	sld [smem:$0x3FB0]  }
0x2a: {  	p0 =	seq.s32 s5, $0x0;
	s5 =	sld [smem:$0x3FB1]  }
0x2b: {  	s6 =	sld [smem:$0x3FB2]  }
0x2c: {  	s7 =	sld [smem:$0x3FB3]  }
0x2d: {  	s3 =	simm.s32 $0x108;
	s8 =	sld [smem:$0x3FB4]  }
0x2e: {  	s3 =	simm.s32 @!p0 $0x1082;
	s9 =	sld [smem:$0x3FB5]  }
0x2f: {  	lr =	sadd.s32 s0, s3;
	s0 =	sld [smem:$0x3FAC]  }
0x30: {  	s3 =	sld [smem:$0x3FAF]  }
0x31: {  	[smem:$0x3FB8] =	sst s10  }
0x32: {  	s10 =	sld [smem:$0x3FB6];
	_ =	sdelay $0x3  }
0x33: {  	p0 =	seq.s32 s10, $0x1;
	s10 =	sld [smem:$0x3FB8];
	_ =	sdelay $0x3  }
0x34: {  	[smem:$0x3FB8] =	sst s10  }
0x35: {  	s10 =	sld [smem:$0x3FB7];
	_ =	sdelay $0x3  }
0x36: {  	p1 =	seq.s32 s10, $0x1;
	s10 =	sld [smem:$0x3FB8];
	_ =	sdelay $0x3  }
0x37: {  	[smem:$0x3FB8] =	sst s10  }
0x38: {  	s10 =	sld [smem:$0x3FB9]  }
0x39: {  	_ = 	snop;
	(pc) =	sbr.ind lr, $3  }
0x3a: {  	_ = 	snop  }
0x3b: {  	_ = 	snop  }
0x3c: {  	p2 =	seq.s32 s10, $0x1;
	s10 =	sld [smem:$0x3FB8]  }
0x3d: {  	_ =	shalt  }
0x3e: {  	_ =	shalt  }
0x3f: {  	_ =	shalt  }
0x40: {  	_ =	shalt  }
0x41: {  	_ =	shalt  }
0x42: {  	_ =	shalt  }
0x43: {  	_ =	shalt  }
0x44: {  	_ =	shalt  }
0x45: {  	_ =	shalt  }
0x46: {  	_ =	shalt  }
0x47: {  	_ =	shalt  }
0x48: {  	_ =	shalt  }
0x49: {  	_ =	shalt  }
0x4a: {  	_ =	shalt  }
0x4b: {  	_ =	shalt  }
0x4c: {  	_ =	shalt  }
0x4d: {  	_ =	shalt  }
0x4e: {  	_ =	shalt  }
0x4f: {  	_ =	shalt  }
0x50: {  	_ =	shalt  }
0x51: {  	_ =	shalt  }
0x52: {  	_ =	shalt  }
0x53: {  	_ =	shalt  }
0x54: {  	_ =	shalt  }
0x55: {  	_ =	shalt  }
0x56: {  	_ =	shalt  }
0x57: {  	_ =	shalt  }
0x58: {  	_ =	shalt  }
0x59: {  	_ =	shalt  }
0x5a: {  	_ =	shalt  }
0x5b: {  	_ =	shalt  }
0x5c: {  	_ =	shalt  }
0x5d: {  	_ =	shalt  }
0x5e: {  	_ =	shalt  }
0x5f: {  	_ =	shalt  }
0x60: {  	_ =	shalt  }
0x61: {  	_ =	shalt  }
0x62: {  	_ =	shalt  }
0x63: {  	_ =	shalt  }
0x64: {  	_ =	shalt  }
0x65: {  	_ =	shalt  }
0x66: {  	_ =	shalt  }
0x67: {  	_ =	shalt  }
0x68: {  	_ =	shalt  }
0x69: {  	_ =	shalt  }
0x6a: {  	_ =	shalt  }
0x6b: {  	_ =	shalt  }
0x6c: {  	_ =	shalt  }
0x6d: {  	_ =	shalt  }
0x6e: {  	_ =	shalt  }
0x6f: {  	_ =	shalt  }
0x70: {  	_ =	shalt  }
0x71: {  	_ =	shalt  }
0x72: {  	_ =	shalt  }
0x73: {  	_ =	shalt  }
0x74: {  	_ =	shalt  }
0x75: {  	_ =	shalt  }
0x76: {  	_ =	shalt  }
0x77: {  	_ =	shalt  }
0x78: {  	_ =	shalt  }
0x79: {  	_ =	shalt  }
0x7a: {  	_ =	shalt  }
0x7b: {  	_ =	shalt  }
0x7c: {  	_ =	shalt  }
0x7d: {  	_ =	shalt  }
0x7e: {  	_ =	shalt  }
0x7f: {  	_ =	shalt  }
0x80: {  	_ =	shalt  }
0x81: {  	_ =	shalt  }
0x82: {  	_ =	shalt  }
0x83: {  	_ =	shalt  }
0x84: {  	_ =	shalt  }
0x85: {  	_ =	shalt  }
0x86: {  	_ =	shalt  }
0x87: {  	_ =	shalt  }
.Lfunc_end0:
.L_simem_size_0:
called_computation_lowered:
.L_overlay_start_0:
0x88: {  	s2 =	sld [smem:$0x3FD9]  }
0x89: {  	s3 =	sld [smem:$0x3FFE];
	_ =	sdelay $0x1  }
0x8a: {  	s1 =	srdreg.scid  }
0x8b: {  	s0 =	sand.u32 $0x1, s1  }
0x8c: {  	s17 =	sshll.u32 s0, $0xA;
	s2 =	sadd.s32 s3, s2  }
0x8d: {  	s2 =	sadd.s32 s2, s17  }
0x8e: {  	[smem:$0x3FC4] =	sst s2  }
0x8f: {  	_ = 	snop  }
0x90: {  	s2 =	sld [smem:$0x3FD0];
	(tm) =	ssettm $0x1  }
0x91: {  	s18 =	sld [smem:$0x3FFB];
	_ =	sdelay $0x3  }
0x92: {  	_ =	strace s18  }
0x93: {  	s3 =	sld [smem:$0x3FFC];
	_ =	sdelay $0x3  }
0x94: {  	_ =	strace s3  }
0x95: {  	s3 =	sld [smem:$0x3FFD];
	_ =	sdelay $0x3  }
0x96: {  	_ =	strace s3  }
0x97: {  	_ =	strace $0x8FFFFFFF  }
0x98: {  	s19 =	sld [smem:$0x3FDB];
	_ =	sdelay $0x1  }
0x99: {  	s4 =	simm.s32 $_scs_section_size  }
0x9a: {  	s5 =	simm.s32 $_size__tile_overlayer_lowered;
	s6 =	simm.s32 $_tile_overlayer_lowered  }
0x9b: {  	s22 =	simm.s32 $0x1BFF;
	s21 =	sshll.u32 s6, $0x1;
	s3 =	sadd.s32 s4, s19  }
0x9c: {  	s7 =	simm.s32 $0x0;
	s20 =	sshll.u32 s5, $0x1;
	s5 =	sadd.s32 s21, s3  }
0x9d: {  	[timem:s7], [sflag:s22] =	dma.local [hbm:s5], s20  }
0x9e: {  	_ =	swait.ge [sflag:s22], s20  }
0x9f: {  	s4 =	ssub.s32 $0x0, s20;
	[sflag:s22] =	ssyncset.done $0x0  }
0xa0: {  	[sflag:s22] =	ssyncadd.s32 s4;
	_ =	sdelay $0x1  }
0xa1: {  	s23 =	simm.s32 $0x1B8B  }
0xa2: {  	_ =	swait.ge [sflag:s23], $0x1  }
0xa3: {  	[sflag:s23] =	ssyncset.done $0x0  }
0xa4: {  	s25 =	simm.s32 $0x1B8E;
	s24 =	sld [smem:$0x3FFE];
	[sflag:s23] =	ssyncadd.s32 $0xFFFFFFFF  }
0xa5: {  	s26 =	simm.s32 $execute0_lowered;
	[smem:$0x3FD2] =	sst s25  }
0xa6: {  	s5 =	sshll.u32 s26, $0x1;
	_ =	strace $0x80000046;
	[dreg:$0x1] =	wrdreg $0xFFFFFFFF  }
0xa7: {  	s28 =	simm.s32 $_size_execute0_lowered;
	s3 =	sadd.s32 s3, s5;
	[dreg:$0x0] =	wrdreg $0x0  }
0xa8: {  	s5 =	sshll.u32 s28, $0x1;
	[dreg:$0x2] =	wrdreg s3  }
0xa9: {  	[dreg:$0x3] =	wrdreg s5  }
0xaa: {  	[dreg:$0x4] =	wrdreg $0xC0  }
0xab: {  	_ =	task [dreg:s7], $0x5FFFF  }
0xac: {  	[dreg:$0x1] =	wrdreg $0xFFFFFFFF  }
0xad: {  	[dreg:$0x0] =	wrdreg $0x60  }
0xae: {  	[dreg:$0x2] =	wrdreg s24  }
0xaf: {  	[dreg:$0x3] =	wrdreg s2  }
0xb0: {  	[dreg:$0x4] =	wrdreg $0xA0800  }
0xb1: {  	[dreg:$0x5] =	wrdreg $0x9  }
0xb2: {  	_ =	task.clear_ibuf [dreg:s7], $0x6FFFF;
	_ =	strace $0x90000046  }
0xb3: {  	s29 =	simm.s32 $0x9;
	_ =	strace $0x80000048  }
0xb4: {  	_ =	swait.ge [sflag:s29], $0x1  }
0xb5: {  	[sflag:s29] =	ssyncadd.s32 $0xFFFFFFFF  }
0xb6: {  	_ =	strace $0x90000048  }
0xb7: {  	_ =	sfence  }
0xb8: {  	s30 =	sld [smem:$0x0];
	_ =	sdelay $0x2  }
0xb9: {  	s31 =	sshll.u32 s1, $0xD;
	s1 =	sshrl.u32 s1, $0x2  }
0xba: {  	s3 =	sand.u32 $0x4000, s31;
	s1 =	sadd.s32 s1, s30  }
0xbb: {  	s0 =	sor.u32 s3, s0;
	s1 =	sshll.u32 s1, $0x11  }
0xbc: {  	s0 =	sor.u32 s1, s0  }
0xbd: {  	s0 =	sadd.s32 $0x8F2B, s0  }
0xbe: {  	[sflag:s0] =	ssyncadd.remote.s32 $0x1  }
0xbf: {  	_ =	sfence.sel $0xFFFF  }
0xc0: {  	[dreg:$0x0] =	wrdreg $0xFFFFFFFF;
	(pc) =	sbr.abs _section_cstart, $3  }
0xc1: {  	[dreg:$0x1] =	wrdreg $0xFFFFFFFF  }
0xc2: {  	_ =	task.clear_ibuf [dreg:s7], $0x2FFFF;
	_ =	strace $0x9FFFFFFF  }
0xc3: {  	(tm) =	ssettm $0x7FFFFFFF  }
tec
execute0_lowered:
.L_overlay_start_1:
0x0: {  	(tag) =	ssettag $0x1  }
0x1: {  	s0 =	rddreg [dreg:$0x0]  }
0x2: {  	s1 =	rddreg [dreg:$0x1];
	s3 =	srdreg.scid  }
0x3: {  	s2 =	simm.s32 $0x0;
	s15 =	stileid.u32;
	s4 =	sand.u32 $0x1, s3  }
0x4: {  	s5 =	sadd.s32 $0xAA00, s0;
	s6 =	smul.u32 $0x280, s15;
	s8 =	sshll.u32 s15, $0x1  }
0x5: {  	s9 =	smul.u32 $0x2800, s15;
	[smem:$0x7FF] =	sst s2;
	s24 =	sadd.s32 $0x32A00, s0  }
0x6: {  	s25 =	smul.u32 $0x50000, s15;
	s15 =	rddreg [dreg:$0x2];
	s28 =	sadd.s32 $0xC00, s0  }
0x7: {  	s29 =	sadd.s32 $0xCFA, s0;
	s31 =	sadd.s32 $0xFA, s1;
	s3 =	ssub.s32 $0x2, s4  }
0x8: {  	s0 =	simm.s32 $0x4;
	s4 =	sor.u32 s4, s8;
	s7 =	sshrl.u32 s3, $0x1  }
0x9: {  	s13 =	sadd.s32 s5, s9;
	s9 =	sadd.s32 $0x80, s6;
	s10 =	sadd.s32 $0xC0, s6  }
0xa: {  	s11 =	sadd.s32 $0x100, s6;
	s12 =	sadd.s32 $0x140, s6;
	s3 =	ssub.s32 s3, s7  }
0xb: {  	s7 =	sor.u32 $0x40, s6;
	[dreg:$0x4] =	wrdreg s13;
	s16 =	sshll.u32 s9, $0x4  }
0xc: {  	s17 =	sshll.u32 s10, $0x4;
	s18 =	sshll.u32 s11, $0x4;
	s19 =	sshll.u32 s12, $0x4  }
0xd: {  	s13 =	sadd.s32 $0x180, s6;
	s11 =	sshll.u32 s11, $0x7;
	s12 =	sshll.u32 s12, $0x7  }
0xe: {  	s14 =	sshll.u32 s7, $0x4;
	s20 =	sshll.u32 s13, $0x4;
	s7 =	sshll.u32 s7, $0x7  }
0xf: {  	s30 =	smax.u32 s3, $0x1;
	s8 =	sadd.s32 s5, s14;
	s14 =	sadd.s32 $0x1C0, s6  }
0x10: {  	[dreg:$0x5] =	wrdreg s8;
	s8 =	sadd.s32 s5, s16;
	s21 =	sshll.u32 s14, $0x4  }
0x11: {  	s16 =	sadd.s32 $0x200, s6;
	s6 =	sadd.s32 $0x240, s6;
	[dreg:$0x6] =	wrdreg s8  }
0x12: {  	s8 =	sadd.s32 s5, s17;
	s22 =	sshll.u32 s16, $0x4;
	s17 =	smul.u32 $0xA0, s4  }
0x13: {  	s4 =	smul.u32 $0xA00, s4;
	[dreg:$0x7] =	wrdreg s8;
	s8 =	sadd.s32 s5, s18  }
0x14: {  	s23 =	sshll.u32 s6, $0x4;
	[dreg:$0x8] =	wrdreg s8;
	s8 =	sadd.s32 s5, s19  }
0x15: {  	s18 =	sadd.s32 $0x1400, s17;
	s4 =	sadd.s32 s24, s4;
	s19 =	sshll.u32 s13, $0x7  }
0x16: {  	s13 =	simm.s32 $0x3080;
	[dreg:$0x9] =	wrdreg s8;
	s8 =	sadd.s32 s5, s20  }
0x17: {  	[dreg:$0xe] =	wrdreg s4;
	s26 =	sshll.u32 s18, $0x4;
	s20 =	sadd.s32 s19, s15  }
0x18: {  	[dreg:$0xa] =	wrdreg s8;
	s8 =	sadd.s32 s5, s21;
	s4 =	sadd.s32 s24, s26  }
0x19: {  	s21 =	sshll.u32 s14, $0x7;
	s26 =	sadd.s32 $0x14A0, s17;
	[dreg:$0xb] =	wrdreg s8  }
0x1a: {  	s14 =	simm.s32 $0x0;
	s8 =	sadd.s32 s5, s22;
	[dreg:$0xf] =	wrdreg s4  }
0x1b: {  	s5 =	sadd.s32 s5, s23;
	s22 =	sshll.u32 s16, $0x7;
	[dreg:$0xc] =	wrdreg s8  }
0x1c: {  	s23 =	sshll.u32 s6, $0x7;
	s6 =	simm.s32 $0x2;
	[dreg:$0xd] =	wrdreg s5  }
0x1d: {  	s5 =	sshrl.u32 s25, $0x2;
	s8 =	sshll.u32 s9, $0x7;
	s9 =	sshll.u32 s10, $0x7  }
0x1e: {  	s24 =	sadd.s32 s23, s15;
	_ =	strace $0x80000047;
	[dreg:$0x16] =	wrdreg s20  }
0x1f: {  	s25 =	sadd.s32 $0xA0, s17;
	s4 =	sadd.s32 s5, s15;
	[dreg:$0x19] =	wrdreg s24  }
0x20: {  	s10 =	sadd.s32 s9, s15;
	s5 =	simm.s32 $0x1800;
	[dreg:$0x10] =	wrdreg s4  }
0x21: {  	s9 =	simm.s32 $0x1;
	s4 =	sadd.s32 s7, s15;
	[dreg:$0x13] =	wrdreg s10  }
0x22: {  	s7 =	simm.s32 $0x2880;
	[dreg:$0x11] =	wrdreg s4;
	s4 =	sadd.s32 s8, s15  }
.Ltmp0:
0x23: {  	[dreg:$0x12] =	wrdreg s4;
	s4 =	sadd.s32 s11, s15;
	(pc) =	sbr.rel .LBB2_1-.Ltmp0, $4  }
0x24: {  	s10 =	simm.s32 $0x40;
	[dreg:$0x14] =	wrdreg s4;
	s4 =	sadd.s32 s12, s15  }
0x25: {  	s8 =	simm.s32 $0x2000;
	[dreg:$0x15] =	wrdreg s4;
	s4 =	sadd.s32 s21, s15  }
0x26: {  	v4 =	vimm.f32 $-Inf;
	v5 =	vimm.s32 $0x0;
	v0 =	vmov s17;
	s11 =	simm.s32 $0x3;
	[dreg:$0x17] =	wrdreg s4;
	s4 =	sadd.s32 s22, s15  }
0x27: {  	v2 =	vmov s18;
	v3 =	vmov s26;
	v1 =	vmov s25;
	s12 =	simm.s32 $0x5080;
	[dreg:$0x18] =	wrdreg s4;
	s4 =	simm.s32 $0x1000  }
.LBB2_59:
0x28: {  	s14 =	sadd.s32 $0x1, s14  }
0x29: {  	p0 =	sne.s32 s14, s30  }
.Ltmp1:
0x2a: {  	s3 =	rddreg [dreg:$0xf];
	(pc) =	sbr.rel @!p0 .LBB2_60-.Ltmp1, $4  }
0x2b: {  	[hbm4b:s3+s2] =	stream.linear.scatter [tilespmem:s12], [sflag:$0x4], $0x5000, $0x38;
	[tilespmem:$0x1E080] =	vst v63  }
0x2c: {  	_ =	swait.ge [sflag:s0], $0x5000  }
0x2d: {  	[sflag:s0] =	ssyncset.done $0x0  }
0x2e: {  	[sflag:s0] =	ssyncadd.s32 $0xFFFFB000  }
.LBB2_1:
0x2f: {  	s3 =	rddreg [dreg:$0x4]  }
0x30: {  	[tilespmem:s13], [sflag:$0x4] =	stream.linear.gather [hbm4b:s3+s2], $0x2000, $0x38;
	[tilespmem:$0x1E080] =	vst v63  }
0x31: {  	_ =	swait.ge [sflag:s0], $0x2000  }
0x32: {  	[sflag:s0] =	ssyncset.done $0x0  }
0x33: {  	s19 =	rddreg [dreg:$0x10];
	[sflag:s0] =	ssyncadd.s32 $0xFFFFE000  }
0x34: {  	[spmem:s19] =	stream.linear.scatter [tilespmem:s13], [sflag:$0x4], $0x2000, $0x38;
	[tilespmem:$0x1E080] =	vst v63  }
0x35: {  	_ =	swait.ge [sflag:s0], $0x2000  }
0x36: {  	[sflag:s0] =	ssyncset.done $0x0  }
0x37: {  	s20 =	rddreg [dreg:$0x5];
	[sflag:s0] =	ssyncadd.s32 $0xFFFFE000  }
0x38: {  	[tilespmem:s13], [sflag:$0x4] =	stream.linear.gather [hbm4b:s20+s2], $0x2000, $0x38;
	[tilespmem:$0x1E080] =	vst v63  }
0x39: {  	_ =	swait.ge [sflag:s0], $0x2000  }
0x3a: {  	[sflag:s0] =	ssyncset.done $0x0  }
0x3b: {  	s21 =	rddreg [dreg:$0x11];
	[sflag:s0] =	ssyncadd.s32 $0xFFFFE000  }
0x3c: {  	[spmem:s21] =	stream.linear.scatter [tilespmem:s13], [sflag:$0x4], $0x2000, $0x38;
	[tilespmem:$0x1E080] =	vst v63  }
0x3d: {  	_ =	swait.ge [sflag:s0], $0x2000  }
0x3e: {  	[sflag:s0] =	ssyncset.done $0x0  }
0x3f: {  	s22 =	rddreg [dreg:$0x6];
	[sflag:s0] =	ssyncadd.s32 $0xFFFFE000  }
0x40: {  	[tilespmem:s13], [sflag:$0x4] =	stream.linear.gather [hbm4b:s22+s2], $0x2000, $0x38;
	[tilespmem:$0x1E080] =	vst v63  }
0x41: {  	_ =	swait.ge [sflag:s0], $0x2000  }
0x42: {  	[sflag:s0] =	ssyncset.done $0x0  }
0x43: {  	s23 =	rddreg [dreg:$0x12];
	[sflag:s0] =	ssyncadd.s32 $0xFFFFE000  }
0x44: {  	[spmem:s23] =	stream.linear.scatter [tilespmem:s13], [sflag:$0x4], $0x2000, $0x38;
	[tilespmem:$0x1E080] =	vst v63  }
0x45: {  	_ =	swait.ge [sflag:s0], $0x2000  }
0x46: {  	[sflag:s0] =	ssyncset.done $0x0  }
0x47: {  	s24 =	rddreg [dreg:$0x7];
	[sflag:s0] =	ssyncadd.s32 $0xFFFFE000  }
0x48: {  	[tilespmem:s13], [sflag:$0x4] =	stream.linear.gather [hbm4b:s24+s2], $0x2000, $0x38;
	[tilespmem:$0x1E080] =	vst v63  }
0x49: {  	_ =	swait.ge [sflag:s0], $0x2000  }
0x4a: {  	[sflag:s0] =	ssyncset.done $0x0  }
0x4b: {  	s25 =	rddreg [dreg:$0x13];
	[sflag:s0] =	ssyncadd.s32 $0xFFFFE000  }
0x4c: {  	[spmem:s25] =	stream.linear.scatter [tilespmem:s13], [sflag:$0x4], $0x2000, $0x38;
	[tilespmem:$0x1E080] =	vst v63  }
0x4d: {  	_ =	swait.ge [sflag:s0], $0x2000  }
0x4e: {  	[sflag:s0] =	ssyncset.done $0x0  }
0x4f: {  	s26 =	rddreg [dreg:$0x8];
	[sflag:s0] =	ssyncadd.s32 $0xFFFFE000  }
0x50: {  	[tilespmem:s13], [sflag:$0x4] =	stream.linear.gather [hbm4b:s26+s2], $0x2000, $0x38;
	[tilespmem:$0x1E080] =	vst v63  }
0x51: {  	_ =	swait.ge [sflag:s0], $0x2000  }
0x52: {  	[sflag:s0] =	ssyncset.done $0x0  }
0x53: {  	s16 =	rddreg [dreg:$0x14];
	[sflag:s0] =	ssyncadd.s32 $0xFFFFE000  }
0x54: {  	[spmem:s16] =	stream.linear.scatter [tilespmem:s13], [sflag:$0x4], $0x2000, $0x38;
	[tilespmem:$0x1E080] =	vst v63  }
0x55: {  	_ =	swait.ge [sflag:s0], $0x2000  }
0x56: {  	[sflag:s0] =	ssyncset.done $0x0  }
0x57: {  	s17 =	rddreg [dreg:$0x9];
	[sflag:s0] =	ssyncadd.s32 $0xFFFFE000  }
0x58: {  	[tilespmem:s13], [sflag:$0x4] =	stream.linear.gather [hbm4b:s17+s2], $0x2000, $0x38;
	[tilespmem:$0x1E080] =	vst v63  }
0x59: {  	_ =	swait.ge [sflag:s0], $0x2000  }
0x5a: {  	[sflag:s0] =	ssyncset.done $0x0  }
0x5b: {  	s18 =	rddreg [dreg:$0x15];
	[sflag:s0] =	ssyncadd.s32 $0xFFFFE000  }
0x5c: {  	[spmem:s18] =	stream.linear.scatter [tilespmem:s13], [sflag:$0x4], $0x2000, $0x38;
	[tilespmem:$0x1E080] =	vst v63  }
0x5d: {  	_ =	swait.ge [sflag:s0], $0x2000  }
0x5e: {  	[sflag:s0] =	ssyncset.done $0x0  }
0x5f: {  	s19 =	rddreg [dreg:$0xa];
	[sflag:s0] =	ssyncadd.s32 $0xFFFFE000  }
0x60: {  	[tilespmem:s13], [sflag:$0x4] =	stream.linear.gather [hbm4b:s19+s2], $0x2000, $0x38;
	[tilespmem:$0x1E080] =	vst v63  }
0x61: {  	_ =	swait.ge [sflag:s0], $0x2000  }
0x62: {  	[sflag:s0] =	ssyncset.done $0x0  }
0x63: {  	s20 =	rddreg [dreg:$0x16];
	[sflag:s0] =	ssyncadd.s32 $0xFFFFE000  }
0x64: {  	[spmem:s20] =	stream.linear.scatter [tilespmem:s13], [sflag:$0x4], $0x2000, $0x38;
	[tilespmem:$0x1E080] =	vst v63  }
0x65: {  	_ =	swait.ge [sflag:s0], $0x2000  }
0x66: {  	[sflag:s0] =	ssyncset.done $0x0  }
0x67: {  	s21 =	rddreg [dreg:$0xb];
	[sflag:s0] =	ssyncadd.s32 $0xFFFFE000  }
0x68: {  	[tilespmem:s13], [sflag:$0x4] =	stream.linear.gather [hbm4b:s21+s2], $0x2000, $0x38;
	[tilespmem:$0x1E080] =	vst v63  }
0x69: {  	_ =	swait.ge [sflag:s0], $0x2000  }
0x6a: {  	[sflag:s0] =	ssyncset.done $0x0  }
0x6b: {  	s22 =	rddreg [dreg:$0x17];
	[sflag:s0] =	ssyncadd.s32 $0xFFFFE000  }
0x6c: {  	[spmem:s22] =	stream.linear.scatter [tilespmem:s13], [sflag:$0x4], $0x2000, $0x38;
	[tilespmem:$0x1E080] =	vst v63  }
0x6d: {  	_ =	swait.ge [sflag:s0], $0x2000  }
0x6e: {  	[sflag:s0] =	ssyncset.done $0x0  }
0x6f: {  	s23 =	rddreg [dreg:$0xc];
	[sflag:s0] =	ssyncadd.s32 $0xFFFFE000  }
0x70: {  	[tilespmem:s13], [sflag:$0x4] =	stream.linear.gather [hbm4b:s23+s2], $0x2000, $0x38;
	[tilespmem:$0x1E080] =	vst v63  }
0x71: {  	_ =	swait.ge [sflag:s0], $0x2000  }
0x72: {  	[sflag:s0] =	ssyncset.done $0x0  }
0x73: {  	s24 =	rddreg [dreg:$0x18];
	[sflag:s0] =	ssyncadd.s32 $0xFFFFE000  }
0x74: {  	[spmem:s24] =	stream.linear.scatter [tilespmem:s13], [sflag:$0x4], $0x2000, $0x38;
	[tilespmem:$0x1E080] =	vst v63  }
0x75: {  	_ =	swait.ge [sflag:s0], $0x2000  }
0x76: {  	[sflag:s0] =	ssyncset.done $0x0  }
0x77: {  	s25 =	rddreg [dreg:$0xd];
	[sflag:s0] =	ssyncadd.s32 $0xFFFFE000  }
0x78: {  	[tilespmem:s13], [sflag:$0x4] =	stream.linear.gather [hbm4b:s25+s2], $0x2000, $0x38;
	[tilespmem:$0x1E080] =	vst v63  }
0x79: {  	_ =	swait.ge [sflag:s0], $0x2000  }
0x7a: {  	[sflag:s0] =	ssyncset.done $0x0  }
0x7b: {  	s26 =	rddreg [dreg:$0x19];
	[sflag:s0] =	ssyncadd.s32 $0xFFFFE000  }
0x7c: {  	[spmem:s26] =	stream.linear.scatter [tilespmem:s13], [sflag:$0x4], $0x2000, $0x38;
	[tilespmem:$0x1E080] =	vst v63  }
0x7d: {  	_ =	swait.ge [sflag:s0], $0x2000  }
0x7e: {  	[sflag:s0] =	ssyncset.done $0x0  }
0x7f: {  	[sflag:s0] =	ssyncadd.s32 $0xFFFFE000  }
0x80: {  	s3 =	simm.s32 $0x0;
	s16 =	simm.s32 $0x200;
	[bflag:$0x0] =	sbarrier.arrive $0xFFFF  }
.LBB2_2:
0x81: {  	p0 =	sne.s32 s16, $0x13E00;
	[tilespmem:s3+$0x50F0] =	vst v4  }
0x82: {  	[tilespmem:s3+$0x5080] =	vst v4  }
0x83: {  	[tilespmem:s3+$0x5090] =	vst v4  }
.Ltmp2:
0x84: {  	[tilespmem:s3+$0x50A0] =	vst v4;
	(pc) =	sbr.rel @p0 .LBB2_2-.Ltmp2, $4  }
0x85: {  	[tilespmem:s3+$0x50B0] =	vst v4  }
0x86: {  	[tilespmem:s3+$0x50C0] =	vst v4  }
0x87: {  	[tilespmem:s3+$0x50D0] =	vst v4  }
0x88: {  	[tilespmem:s3+$0x50E0] =	vst v4;
	s3 =	sshra.s32 s16, $0x2;
	s16 =	sadd.s32 $0x200, s16  }
0x89: {  	[tilespmem:s3+$0x50F0] =	vst v4  }
0x8a: {  	[tilespmem:s3+$0x5080] =	vst v4  }
0x8b: {  	[tilespmem:s3+$0x5090] =	vst v4  }
0x8c: {  	[tilespmem:s3+$0x50A0] =	vst v4  }
0x8d: {  	[tilespmem:s3+$0x50B0] =	vst v4  }
0x8e: {  	[tilespmem:s3+$0x50C0] =	vst v4  }
0x8f: {  	[tilespmem:s3+$0x50D0] =	vst v4  }
0x90: {  	[tilespmem:s3+$0x50E0] =	vst v4;
	s16 =	simm.s32 $0x0  }
0x91: {  	[tilespmem:s16], [sflag:$0x2] =	stream.linear.gather [hbm4b:s28+s16], $0x7D0, $0x38;
	[tilespmem:$0x1E080] =	vst v63  }
0x92: {  	s26 =	simm.s32 $0x800  }
0x93: {  	[tilespmem:s26], [sflag:$0x2] =	stream.linear.gather [hbm4b:s1+s16], $0x7D0, $0x38;
	[tilespmem:$0x1E080] =	vst v63  }
0x94: {  	_ = 	snop  }
0x95: {  	[tilespmem:s4], [sflag:$0x1] =	stream.linear.gather [hbm4b:s29+s16], $0x7D0, $0x38;
	[tilespmem:$0x1E080] =	vst v63  }
0x96: {  	_ = 	snop  }
0x97: {  	[tilespmem:s5], [sflag:$0x1] =	stream.linear.gather [hbm4b:s31+s16], $0x7D0, $0x38;
	[tilespmem:$0x1E080] =	vst v63  }
.LBB2_4:
0x98: {  	_ =	swait.ge [sflag:s6], $0x7D0  }
0x99: {  	[sflag:s6] =	ssyncset.done $0x0  }
0x9a: {  	[sflag:s6] =	ssyncadd.s32 $0xFFFFF830  }
0x9b: {  	_ =	swait.ge [sflag:s6], $0x7D0  }
0x9c: {  	[sflag:s6] =	ssyncset.done $0x0  }
0x9d: {  	s3 =	simm.s32 $0x0;
	[sflag:s6] =	ssyncadd.s32 $0xFFFFF830  }
0x9e: {  	v8 =	vimm.s32 $0x0;
	s17 =	simm.s32 $0x40;
	v7 =	vimm.s32 $0x0;
	v6 =	vld [tilespmem:s3+$0x800]  }
.LBB2_5:
0x9f: {  	p0 =	sne.s32 s17, $0x1F00;
	_ =	sdelay $0x3  }
0xa0: {  	vm0 =	vge.s32 v6, v0;
	vm1 =	vlt.s32 v6, v1  }
0xa1: {  	vm0 =	vmand vm0, vm1  }
0xa2: {  	v9 =	vsel vm0, $0x1, v5;
	v10 =	vmpcnt.ones.xlane vm0  }
0xa3: {  	(xrf0) =	vadd.scan.msk.s32 $0xffff, v9  }
0xa4: {  	v8 =	vadd.s32 v8, v10;
	_ =	sdelay $0x4  }
0xa5: {  	v9, _, _ =	vpop (xrf0)  }
0xa6: {  	v9 =	vadd.s32 v9, v7;
	v7 =	vmov v8  }
0xa7: {  	v9 =	vadd.s32 $0xFFFFFFFF, v9  }
0xa8: {  	v10 =	vld [tilespmem:s3+$0x0];
	_ =	sdelay $0x1  }
.Ltmp3:
0xa9: {  	(pc) =	sbr.rel @p0 .LBB2_5-.Ltmp3, $4  }
0xaa: {  	v6 =	vsub.s32 v6, v0  }
0xab: {  	[tilespmem:v9+s7+$0x0] =	vst.idx.msk vm0, v6  }
0xac: {  	s3 =	sshra.s32 s17, $0x2;
	[tilespmem:v9+s8+$0x0] =	vst.idx.msk vm0, v10  }
0xad: {  	s17 =	sadd.s32 $0x40, s17;
	v6 =	vld [tilespmem:s3+$0x800]  }
0xae: {  	_ =	sdelay $0x3  }
0xaf: {  	vm0 =	vge.s32 v6, v0;
	vm1 =	vlt.s32 v6, v1  }
0xb0: {  	vm0 =	vmand vm0, vm1  }
0xb1: {  	v9 =	vmpcnt.ones.xlane vm0;
	_ =	sdelay $0x1  }
0xb2: {  	v8 =	vadd.s32 v8, v9  }
0xb3: {  	(v2sf) =	vpush v8, $0x0;
	_ =	sdelay $0x8  }
0xb4: {  	v62 =	vsel vm0, $0x1, v5  }
0xb5: {  	(xrf0) =	vadd.scan.msk.s32 $0xffff, v62;
	_ =	sdelay $0x4  }
0xb6: {  	s20 =	spop (v2sf)  }
0xb7: {  	v8, _, _ =	vpop (xrf0);
	s25 =	sadd.s32 $0x3F, s20  }
0xb8: {  	v7 =	vadd.s32 v8, v7;
	s17 =	sand.u32 $0x3F, s25  }
0xb9: {  	v7 =	vadd.s32 $0xFFFFFFFF, v7;
	s26 =	sshra.s32 s25, $0x1F;
	p1 =	slt.s32 s25, $0x1;
	p0 =	sne.s32 s17, $0x0  }
0xba: {  	v63 =	vld [tilespmem:s3+$0x0];
	s17 =	sshrl.u32 s26, $0x1A;
	p0 =	por !p1, !p0  }
0xbb: {  	s3 =	sadd.s32 s17, s25;
	s17 =	simm.s32 $0x1;
	p0 =	por !p0, !p0  }
0xbc: {  	s3 =	sshra.s32 s3, $0x6;
	s17 =	simm.s32 @!p0 $0x0  }
0xbd: {  	v6 =	vsub.s32 v6, v0;
	s18 =	ssub.s32 s3, s17  }
0xbe: {  	[tilespmem:v7+s7+$0x0] =	vst.idx.msk vm0, v6;
	p0 =	slt.s32 s18, $0x1  }
.Ltmp4:
0xbf: {  	[tilespmem:v7+s8+$0x0] =	vst.idx.msk vm0, v63;
	(pc) =	sbr.rel @p0 .LBB2_16-.Ltmp4, $4  }
0xc0: {  	[tilespmem:s20+$0x2000] =	vst v5  }
0xc1: {  	[tilespmem:s20+$0x2010] =	vst v5  }
0xc2: {  	[tilespmem:s20+$0x2020] =	vst v5  }
0xc3: {  	[tilespmem:s20+$0x2030] =	vst v5  }
.Ltmp5:
0xc4: {  	(pc) =	sbr.rel .LBB2_8-.Ltmp5, $2  }
0xc5: {  	_ =	sdelay $0x2  }
0xc6: {  	s3 =	simm.s32 $0x0;
	s23 =	simm.s32 $0x2881;
	s17 =	smov.u32 s20  }
.LBB2_10:
0xc7: {  	s19 =	smov.u32 s23;
	s24 =	simm.s32 $0x30C0  }
.LBB2_14:
0xc8: {  	s25 =	sshra.s32 s26, $0x2;
	v6 =	vmax.f32 @p0 v6, v7;
	s24 =	sadd.s32 @p0 $0x80, s24  }
0xc9: {  	v7 =	vld [tilespmem:s25+$0x5080];
	[tilespmem:s22+$0x50F0] =	vst @p0 v6;
	s21 =	smov.u32 @p0 s24  }
0xca: {  	v6 =	vld [tilespmem:s21+$0xFFFFFFC0];
	_ =	sdelay $0x2  }
0xcb: {  	s19 =	sadd.s32 @p0 $0x1, s19;
	s22 =	smov.u32 s23  }
0xcc: {  	s22 =	smov.u32 @p0 s19  }
0xcd: {  	v8 =	vld [tilespmem:s22+$0x0];
	v6 =	vmax.f32 v7, v6  }
0xce: {  	[tilespmem:s25+$0x5080] =	vst v6;
	v6 =	vld [tilespmem:s25+$0x5090]  }
0xcf: {  	v7 =	vld [tilespmem:s21+$0xFFFFFFD0];
	_ =	sdelay $0x4  }
0xd0: {  	v6 =	vmax.f32 v6, v7  }
0xd1: {  	[tilespmem:s25+$0x5090] =	vst v6;
	v6 =	vld [tilespmem:s25+$0x50A0]  }
0xd2: {  	v7 =	vld [tilespmem:s21+$0xFFFFFFE0];
	_ =	sdelay $0x4  }
0xd3: {  	v6 =	vmax.f32 v6, v7  }
0xd4: {  	[tilespmem:s25+$0x50A0] =	vst v6;
	v6 =	vld [tilespmem:s25+$0x50B0]  }
0xd5: {  	v7 =	vld [tilespmem:s21+$0xFFFFFFF0];
	_ =	sdelay $0x4  }
0xd6: {  	v6 =	vmax.f32 v6, v7  }
0xd7: {  	[tilespmem:s25+$0x50B0] =	vst v6;
	v6 =	vld [tilespmem:s25+$0x50C0]  }
0xd8: {  	v7 =	vld [tilespmem:s21+$0x0];
	_ =	sdelay $0x4  }
0xd9: {  	v6 =	vmax.f32 v6, v7  }
0xda: {  	[tilespmem:s25+$0x50C0] =	vst v6;
	v6 =	vld [tilespmem:s25+$0x50D0]  }
0xdb: {  	v7 =	vld [tilespmem:s21+$0x10];
	_ =	sdelay $0x4  }
0xdc: {  	(v2sf) =	vpush v8, $0x0;
	v6 =	vmax.f32 v6, v7  }
0xdd: {  	[tilespmem:s25+$0x50D0] =	vst v6;
	v6 =	vld [tilespmem:s25+$0x50E0]  }
0xde: {  	v7 =	vld [tilespmem:s21+$0x20];
	_ =	sdelay $0x4  }
0xdf: {  	v6 =	vmax.f32 v6, v7  }
0xe0: {  	[tilespmem:s25+$0x50E0] =	vst v6;
	v6 =	vld [tilespmem:s25+$0x50F0]  }
0xe1: {  	v7 =	vld [tilespmem:s21+$0x30];
	_ =	sdelay $0x4  }
0xe2: {  	v6 =	vmax.f32 v6, v7  }
0xe3: {  	s26 =	spop (v2sf);
	[tilespmem:s25+$0x50F0] =	vst v6  }
.LBB2_15:
0xe4: {  	s3 =	sadd.s32 $0x1, s3  }
0xe5: {  	p0 =	sne.s32 s3, s18  }
.Ltmp6:
0xe6: {  	_ = 	snop;
	(pc) =	sbr.rel @!p0 .LBB2_16-.Ltmp6, $2  }
0xe7: {  	_ =	sdelay $0x2  }
0xe8: {  	s17 =	sadd.s32 $0xFFFFFFC0, s17;
	s23 =	sadd.s32 $0x40, s23  }
.LBB2_8:
0xe9: {  	s19 =	sshll.u32 s3, $0x6  }
0xea: {  	s26 =	ssub.s32 s20, s19  }
0xeb: {  	p0 =	slt.s32 s26, $0x1  }
.Ltmp7:
0xec: {  	s21 =	sadd.s32 $0x2000, s19;
	(pc) =	sbr.rel @p0 .LBB2_15-.Ltmp7, $4  }
0xed: {  	[tilespmem:s13], [sflag:$0x3] =	stream.indirect.gather [spmem:s15], $0x80, s21, s10, $0xb8;
	[tilespmem:$0x1E080] =	vst v63  }
0xee: {  	_ =	swait.ge [sflag:s11], $0x2000  }
0xef: {  	[sflag:s11] =	ssyncset.done $0x0  }
0xf0: {  	[sflag:s11] =	ssyncadd.s32 $0xFFFFE000  }
0xf1: {  	v6 =	vld [tilespmem:s19+$0x2880];
	_ =	sdelay $0x4  }
0xf2: {  	(v2sf) =	vpush v6, $0x0;
	_ =	sdelay $0x7  }
0xf3: {  	p0 =	sgt.s32 s17, $0x1;
	s19 =	smov.u32 s17  }
0xf4: {  	s19 =	simm.s32 @!p0 $0x1  }
0xf5: {  	s19 =	smin.u32 s19, $0x40  }
0xf6: {  	p1 =	sne.s32 s19, $0x1  }
.Ltmp8:
0xf7: {  	_ = 	snop;
	(pc) =	sbr.rel @!p1 .LBB2_10-.Ltmp8, $3  }
0xf8: {  	_ =	sdelay $0x1  }
0xf9: {  	s21 =	simm.s32 $0x30C0;
	s22 =	spop (v2sf)  }
0xfa: {  	p0 =	por $0x0, $0x0;
	s19 =	sadd.s32 $0xFFFFFFFF, s19;
	s26 =	sshll.u32 s22, $0x9  }
0xfb: {  	s22 =	sshra.s32 s26, $0x2;
	v7 =	vld [tilespmem:s21+$0xFFFFFFC0]  }
0xfc: {  	v6 =	vld [tilespmem:s22+$0x5080];
	_ =	sdelay $0x4  }
0xfd: {  	v8 =	vld [tilespmem:s23+$0x0];
	v6 =	vmax.f32 v6, v7  }
0xfe: {  	[tilespmem:s22+$0x5080] =	vst v6;
	v6 =	vld [tilespmem:s22+$0x5090]  }
0xff: {  	v7 =	vld [tilespmem:s21+$0xFFFFFFD0];
	_ =	sdelay $0x4  }
0x100: {  	v6 =	vmax.f32 v6, v7  }
0x101: {  	[tilespmem:s22+$0x5090] =	vst v6;
	v6 =	vld [tilespmem:s22+$0x50A0]  }
0x102: {  	v7 =	vld [tilespmem:s21+$0xFFFFFFE0];
	_ =	sdelay $0x4  }
0x103: {  	v6 =	vmax.f32 v6, v7  }
0x104: {  	[tilespmem:s22+$0x50A0] =	vst v6;
	v6 =	vld [tilespmem:s22+$0x50B0]  }
0x105: {  	v7 =	vld [tilespmem:s21+$0xFFFFFFF0];
	_ =	sdelay $0x4  }
0x106: {  	v6 =	vmax.f32 v6, v7  }
0x107: {  	[tilespmem:s22+$0x50B0] =	vst v6;
	v6 =	vld [tilespmem:s22+$0x50C0]  }
0x108: {  	v7 =	vld [tilespmem:s21+$0x0];
	_ =	sdelay $0x4  }
0x109: {  	v6 =	vmax.f32 v6, v7  }
0x10a: {  	[tilespmem:s22+$0x50C0] =	vst v6;
	v6 =	vld [tilespmem:s22+$0x50D0]  }
0x10b: {  	v7 =	vld [tilespmem:s21+$0x10];
	_ =	sdelay $0x1  }
0x10c: {  	(v2sf) =	vpush v8, $0x0;
	_ =	sdelay $0x2  }
0x10d: {  	v6 =	vmax.f32 v6, v7  }
0x10e: {  	[tilespmem:s22+$0x50D0] =	vst v6;
	v6 =	vld [tilespmem:s22+$0x50E0]  }
0x10f: {  	v7 =	vld [tilespmem:s21+$0x20];
	_ =	sdelay $0x4  }
0x110: {  	v6 =	vmax.f32 v6, v7  }
0x111: {  	p1 =	sne.s32 s19, $0x1;
	[tilespmem:s22+$0x50E0] =	vst v6;
	v6 =	vld [tilespmem:s22+$0x50F0]  }
.Ltmp9:
0x112: {  	v7 =	vld [tilespmem:s21+$0x30];
	(pc) =	sbr.rel @!p1 .LBB2_12-.Ltmp9, $3  }
0x113: {  	_ =	sdelay $0x1  }
0x114: {  	s25 =	sadd.s32 $0xFFFFFFFF, s19;
	p0 =	por $0x1, $0x1;
	s26 =	spop (v2sf)  }
0x115: {  	s19 =	smov.u32 s23;
	s24 =	simm.s32 $0x30C0;
	s26 =	sshll.u32 s26, $0x9  }
.LBB2_13:
0x116: {  	s26 =	sshra.s32 s26, $0x2;
	v6 =	vmax.f32 v6, v7;
	s19 =	sadd.s32 $0x1, s19;
	s24 =	sadd.s32 $0x80, s24  }
0x117: {  	p1 =	sne.s32 s25, $0x1;
	s25 =	sadd.s32 $0xFFFFFFFF, s25;
	v7 =	vld [tilespmem:s26+$0x5080];
	[tilespmem:s22+$0x50F0] =	vst v6;
	s22 =	smov.u32 s26  }
0x118: {  	v6 =	vld [tilespmem:s24+$0xFFFFFFC0];
	_ =	sdelay $0x3  }
0x119: {  	v8 =	vld [tilespmem:s19+$0x0]  }
0x11a: {  	v6 =	vmax.f32 v7, v6  }
0x11b: {  	[tilespmem:s22+$0x5080] =	vst v6;
	v6 =	vld [tilespmem:s22+$0x5090]  }
0x11c: {  	v7 =	vld [tilespmem:s24+$0xFFFFFFD0];
	_ =	sdelay $0x1  }
0x11d: {  	(v2sf) =	vpush v8, $0x0;
	_ =	sdelay $0x2  }
0x11e: {  	v6 =	vmax.f32 v6, v7  }
0x11f: {  	[tilespmem:s22+$0x5090] =	vst v6;
	v6 =	vld [tilespmem:s22+$0x50A0]  }
0x120: {  	v7 =	vld [tilespmem:s24+$0xFFFFFFE0];
	_ =	sdelay $0x4  }
0x121: {  	v6 =	vmax.f32 v6, v7  }
0x122: {  	[tilespmem:s22+$0x50A0] =	vst v6;
	v6 =	vld [tilespmem:s22+$0x50B0]  }
0x123: {  	v7 =	vld [tilespmem:s24+$0xFFFFFFF0];
	_ =	sdelay $0x2  }
0x124: {  	s26 =	spop (v2sf);
	_ =	sdelay $0x1  }
0x125: {  	v6 =	vmax.f32 v6, v7  }
0x126: {  	[tilespmem:s22+$0x50B0] =	vst v6;
	v6 =	vld [tilespmem:s22+$0x50C0]  }
0x127: {  	v7 =	vld [tilespmem:s24+$0x0];
	_ =	sdelay $0x4  }
0x128: {  	v6 =	vmax.f32 v6, v7  }
0x129: {  	[tilespmem:s22+$0x50C0] =	vst v6;
	v6 =	vld [tilespmem:s22+$0x50D0]  }
0x12a: {  	v7 =	vld [tilespmem:s24+$0x10];
	_ =	sdelay $0x4  }
0x12b: {  	v6 =	vmax.f32 v6, v7  }
0x12c: {  	[tilespmem:s22+$0x50D0] =	vst v6;
	v6 =	vld [tilespmem:s22+$0x50E0]  }
0x12d: {  	v7 =	vld [tilespmem:s24+$0x20];
	_ =	sdelay $0x4  }
0x12e: {  	v6 =	vmax.f32 v6, v7  }
0x12f: {  	[tilespmem:s22+$0x50E0] =	vst v6;
	v6 =	vld [tilespmem:s22+$0x50F0]  }
.Ltmp10:
0x130: {  	v7 =	vld [tilespmem:s24+$0x30];
	(pc) =	sbr.rel @p1 .LBB2_13-.Ltmp10, $2  }
0x131: {  	_ =	sdelay $0x2  }
0x132: {  	s26 =	sshll.u32 s26, $0x9  }
.Ltmp11:
0x133: {  	_ = 	snop;
	(pc) =	sbr.rel .LBB2_14-.Ltmp11, $1  }
0x134: {  	_ =	sdelay $0x3  }
.LBB2_12:
.Ltmp12:
0x135: {  	(pc) =	sbr.rel .LBB2_14-.Ltmp12, $2  }
0x136: {  	_ =	sdelay $0x2  }
0x137: {  	s19 =	smov.u32 s23;
	s24 =	simm.s32 $0x30C0  }
.LBB2_16:
0x138: {  	p0 =	seq.s32 s16, $0x4F  }
0x139: {  	s3 =	smul.u32 @!p0 $0xFA0, s16;
	_ =	sdelay $0x1  }
0x13a: {  	s3 =	sshrl.u32 @!p0 s3, $0x3  }
0x13b: {  	s3 =	sadd.s32 @!p0 $0x1F4, s3  }
0x13c: {  	s18 =	simm.s32 @!p0 $0x0;
	s17 =	sadd.s32 @!p0 s28, s3  }
0x13d: {  	[tilespmem:s18], [sflag:$0x2] =	stream.linear.gather @!p0 [hbm4b:s17+s18], $0x7D0, $0x38;
	[tilespmem:$0x1E080] =	vst v63  }
0x13e: {  	s3 =	sadd.s32 @!p0 s1, s3;
	s17 =	simm.s32 @!p0 $0x800  }
0x13f: {  	[tilespmem:s17], [sflag:$0x2] =	stream.linear.gather @!p0 [hbm4b:s3+s18], $0x7D0, $0x38;
	[tilespmem:$0x1E080] =	vst v63  }
0x140: {  	_ =	swait.ge [sflag:s9], $0x7D0  }
0x141: {  	[sflag:s9] =	ssyncset.done $0x0  }
0x142: {  	[sflag:s9] =	ssyncadd.s32 $0xFFFFF830  }
0x143: {  	_ =	swait.ge [sflag:s9], $0x7D0  }
0x144: {  	[sflag:s9] =	ssyncset.done $0x0  }
0x145: {  	s3 =	simm.s32 $0x0;
	[sflag:s9] =	ssyncadd.s32 $0xFFFFF830  }
0x146: {  	v8 =	vimm.s32 $0x0;
	v7 =	vimm.s32 $0x0;
	s17 =	simm.s32 $0x40;
	v6 =	vld [tilespmem:s3+$0x1800]  }
.LBB2_17:
0x147: {  	p1 =	sne.s32 s17, $0x1F00;
	_ =	sdelay $0x3  }
0x148: {  	vm0 =	vge.s32 v6, v0;
	vm1 =	vlt.s32 v6, v1  }
0x149: {  	vm0 =	vmand vm0, vm1  }
0x14a: {  	v9 =	vsel vm0, $0x1, v5;
	v10 =	vmpcnt.ones.xlane vm0  }
0x14b: {  	(xrf0) =	vadd.scan.msk.s32 $0xffff, v9  }
0x14c: {  	v8 =	vadd.s32 v8, v10;
	_ =	sdelay $0x4  }
0x14d: {  	v9, _, _ =	vpop (xrf0)  }
0x14e: {  	v9 =	vadd.s32 v9, v7;
	v7 =	vmov v8  }
0x14f: {  	v9 =	vadd.s32 $0xFFFFFFFF, v9  }
0x150: {  	v10 =	vld [tilespmem:s3+$0x1000];
	_ =	sdelay $0x1  }
.Ltmp13:
0x151: {  	(pc) =	sbr.rel @p1 .LBB2_17-.Ltmp13, $4  }
0x152: {  	v6 =	vsub.s32 v6, v0  }
0x153: {  	[tilespmem:v9+s7+$0x0] =	vst.idx.msk vm0, v6  }
0x154: {  	s3 =	sshra.s32 s17, $0x2;
	[tilespmem:v9+s8+$0x0] =	vst.idx.msk vm0, v10  }
0x155: {  	s17 =	sadd.s32 $0x40, s17;
	v6 =	vld [tilespmem:s3+$0x1800]  }
0x156: {  	_ =	sdelay $0x3  }
0x157: {  	vm0 =	vge.s32 v6, v0;
	vm1 =	vlt.s32 v6, v1  }
0x158: {  	vm0 =	vmand vm0, vm1  }
0x159: {  	v9 =	vmpcnt.ones.xlane vm0;
	_ =	sdelay $0x1  }
0x15a: {  	v8 =	vadd.s32 v8, v9  }
0x15b: {  	(v2sf) =	vpush v8, $0x0;
	_ =	sdelay $0x8  }
0x15c: {  	v62 =	vsel vm0, $0x1, v5  }
0x15d: {  	(xrf0) =	vadd.scan.msk.s32 $0xffff, v62;
	_ =	sdelay $0x4  }
0x15e: {  	s17 =	spop (v2sf)  }
0x15f: {  	v8, _, _ =	vpop (xrf0);
	s25 =	sadd.s32 $0x3F, s17  }
0x160: {  	v7 =	vadd.s32 v8, v7;
	s18 =	sand.u32 $0x3F, s25  }
0x161: {  	v7 =	vadd.s32 $0xFFFFFFFF, v7;
	s26 =	sshra.s32 s25, $0x1F;
	p2 =	slt.s32 s25, $0x1;
	p1 =	sne.s32 s18, $0x0  }
0x162: {  	v63 =	vld [tilespmem:s3+$0x1000];
	s18 =	sshrl.u32 s26, $0x1A;
	p1 =	por !p2, !p1  }
0x163: {  	s3 =	sadd.s32 s18, s25;
	s18 =	simm.s32 $0x1;
	p1 =	por !p1, !p1  }
0x164: {  	s3 =	sshra.s32 s3, $0x6;
	s18 =	simm.s32 @!p1 $0x0  }
0x165: {  	v6 =	vsub.s32 v6, v0;
	s18 =	ssub.s32 s3, s18  }
0x166: {  	[tilespmem:v7+s7+$0x0] =	vst.idx.msk vm0, v6;
	p1 =	slt.s32 s18, $0x1  }
.Ltmp14:
0x167: {  	[tilespmem:v7+s8+$0x0] =	vst.idx.msk vm0, v63;
	(pc) =	sbr.rel @p1 .LBB2_28-.Ltmp14, $4  }
0x168: {  	[tilespmem:s17+$0x2000] =	vst v5  }
0x169: {  	[tilespmem:s17+$0x2010] =	vst v5  }
0x16a: {  	[tilespmem:s17+$0x2020] =	vst v5  }
0x16b: {  	[tilespmem:s17+$0x2030] =	vst v5  }
.Ltmp15:
0x16c: {  	(pc) =	sbr.rel .LBB2_20-.Ltmp15, $2  }
0x16d: {  	_ =	sdelay $0x2  }
0x16e: {  	s3 =	simm.s32 $0x0;
	s19 =	simm.s32 $0x2881;
	s20 =	smov.u32 s17  }
.LBB2_22:
0x16f: {  	s23 =	smov.u32 s19;
	s24 =	simm.s32 $0x30C0  }
.LBB2_26:
0x170: {  	s25 =	sshra.s32 s26, $0x2;
	v6 =	vmax.f32 @p1 v6, v7;
	s24 =	sadd.s32 @p1 $0x80, s24  }
0x171: {  	v7 =	vld [tilespmem:s25+$0x5080];
	[tilespmem:s22+$0x50F0] =	vst @p1 v6;
	s21 =	smov.u32 @p1 s24  }
0x172: {  	v6 =	vld [tilespmem:s21+$0xFFFFFFC0];
	_ =	sdelay $0x2  }
0x173: {  	s22 =	sadd.s32 @p1 $0x1, s23;
	s23 =	smov.u32 s19  }
0x174: {  	s23 =	smov.u32 @p1 s22  }
0x175: {  	v8 =	vld [tilespmem:s23+$0x0];
	v6 =	vmax.f32 v7, v6  }
0x176: {  	[tilespmem:s25+$0x5080] =	vst v6;
	v6 =	vld [tilespmem:s25+$0x5090]  }
0x177: {  	v7 =	vld [tilespmem:s21+$0xFFFFFFD0];
	_ =	sdelay $0x4  }
0x178: {  	v6 =	vmax.f32 v6, v7  }
0x179: {  	[tilespmem:s25+$0x5090] =	vst v6;
	v6 =	vld [tilespmem:s25+$0x50A0]  }
0x17a: {  	v7 =	vld [tilespmem:s21+$0xFFFFFFE0];
	_ =	sdelay $0x4  }
0x17b: {  	v6 =	vmax.f32 v6, v7  }
0x17c: {  	[tilespmem:s25+$0x50A0] =	vst v6;
	v6 =	vld [tilespmem:s25+$0x50B0]  }
0x17d: {  	v7 =	vld [tilespmem:s21+$0xFFFFFFF0];
	_ =	sdelay $0x4  }
0x17e: {  	v6 =	vmax.f32 v6, v7  }
0x17f: {  	[tilespmem:s25+$0x50B0] =	vst v6;
	v6 =	vld [tilespmem:s25+$0x50C0]  }
0x180: {  	v7 =	vld [tilespmem:s21+$0x0];
	_ =	sdelay $0x4  }
0x181: {  	v6 =	vmax.f32 v6, v7  }
0x182: {  	[tilespmem:s25+$0x50C0] =	vst v6;
	v6 =	vld [tilespmem:s25+$0x50D0]  }
0x183: {  	v7 =	vld [tilespmem:s21+$0x10];
	_ =	sdelay $0x4  }
0x184: {  	(v2sf) =	vpush v8, $0x0;
	v6 =	vmax.f32 v6, v7  }
0x185: {  	[tilespmem:s25+$0x50D0] =	vst v6;
	v6 =	vld [tilespmem:s25+$0x50E0]  }
0x186: {  	v7 =	vld [tilespmem:s21+$0x20];
	_ =	sdelay $0x4  }
0x187: {  	v6 =	vmax.f32 v6, v7  }
0x188: {  	[tilespmem:s25+$0x50E0] =	vst v6;
	v6 =	vld [tilespmem:s25+$0x50F0]  }
0x189: {  	v7 =	vld [tilespmem:s21+$0x30];
	_ =	sdelay $0x4  }
0x18a: {  	v6 =	vmax.f32 v6, v7  }
0x18b: {  	s26 =	spop (v2sf);
	[tilespmem:s25+$0x50F0] =	vst v6  }
.LBB2_27:
0x18c: {  	s3 =	sadd.s32 $0x1, s3  }
0x18d: {  	p1 =	sne.s32 s3, s18  }
.Ltmp16:
0x18e: {  	_ = 	snop;
	(pc) =	sbr.rel @!p1 .LBB2_28-.Ltmp16, $2  }
0x18f: {  	_ =	sdelay $0x2  }
0x190: {  	s20 =	sadd.s32 $0xFFFFFFC0, s20;
	s19 =	sadd.s32 $0x40, s19  }
.LBB2_20:
0x191: {  	s21 =	sshll.u32 s3, $0x6  }
0x192: {  	s26 =	ssub.s32 s17, s21  }
0x193: {  	p1 =	slt.s32 s26, $0x1  }
.Ltmp17:
0x194: {  	s22 =	sadd.s32 $0x2000, s21;
	(pc) =	sbr.rel @p1 .LBB2_27-.Ltmp17, $4  }
0x195: {  	[tilespmem:s13], [sflag:$0x3] =	stream.indirect.gather [spmem:s15], $0x80, s22, s10, $0xb8;
	[tilespmem:$0x1E080] =	vst v63  }
0x196: {  	_ =	swait.ge [sflag:s11], $0x2000  }
0x197: {  	[sflag:s11] =	ssyncset.done $0x0  }
0x198: {  	[sflag:s11] =	ssyncadd.s32 $0xFFFFE000  }
0x199: {  	v6 =	vld [tilespmem:s21+$0x2880];
	_ =	sdelay $0x4  }
0x19a: {  	(v2sf) =	vpush v6, $0x0;
	_ =	sdelay $0x7  }
0x19b: {  	p1 =	sgt.s32 s20, $0x1;
	s21 =	smov.u32 s20  }
0x19c: {  	s21 =	simm.s32 @!p1 $0x1  }
0x19d: {  	s22 =	smin.u32 s21, $0x40  }
0x19e: {  	p2 =	sne.s32 s22, $0x1  }
.Ltmp18:
0x19f: {  	_ = 	snop;
	(pc) =	sbr.rel @!p2 .LBB2_22-.Ltmp18, $3  }
0x1a0: {  	_ =	sdelay $0x1  }
0x1a1: {  	p1 =	por $0x0, $0x0;
	s24 =	spop (v2sf)  }
0x1a2: {  	s21 =	simm.s32 $0x30C0;
	s23 =	sadd.s32 $0xFFFFFFFF, s22;
	s26 =	sshll.u32 s24, $0x9  }
0x1a3: {  	s22 =	sshra.s32 s26, $0x2;
	v7 =	vld [tilespmem:s21+$0xFFFFFFC0]  }
0x1a4: {  	v6 =	vld [tilespmem:s22+$0x5080];
	_ =	sdelay $0x4  }
0x1a5: {  	v8 =	vld [tilespmem:s19+$0x0];
	v6 =	vmax.f32 v6, v7  }
0x1a6: {  	[tilespmem:s22+$0x5080] =	vst v6;
	v6 =	vld [tilespmem:s22+$0x5090]  }
0x1a7: {  	v7 =	vld [tilespmem:s21+$0xFFFFFFD0];
	_ =	sdelay $0x4  }
0x1a8: {  	v6 =	vmax.f32 v6, v7  }
0x1a9: {  	[tilespmem:s22+$0x5090] =	vst v6;
	v6 =	vld [tilespmem:s22+$0x50A0]  }
0x1aa: {  	v7 =	vld [tilespmem:s21+$0xFFFFFFE0];
	_ =	sdelay $0x4  }
0x1ab: {  	v6 =	vmax.f32 v6, v7  }
0x1ac: {  	[tilespmem:s22+$0x50A0] =	vst v6;
	v6 =	vld [tilespmem:s22+$0x50B0]  }
0x1ad: {  	v7 =	vld [tilespmem:s21+$0xFFFFFFF0];
	_ =	sdelay $0x4  }
0x1ae: {  	v6 =	vmax.f32 v6, v7  }
0x1af: {  	[tilespmem:s22+$0x50B0] =	vst v6;
	v6 =	vld [tilespmem:s22+$0x50C0]  }
0x1b0: {  	v7 =	vld [tilespmem:s21+$0x0];
	_ =	sdelay $0x4  }
0x1b1: {  	v6 =	vmax.f32 v6, v7  }
0x1b2: {  	[tilespmem:s22+$0x50C0] =	vst v6;
	v6 =	vld [tilespmem:s22+$0x50D0]  }
0x1b3: {  	v7 =	vld [tilespmem:s21+$0x10];
	_ =	sdelay $0x1  }
0x1b4: {  	(v2sf) =	vpush v8, $0x0;
	_ =	sdelay $0x2  }
0x1b5: {  	v6 =	vmax.f32 v6, v7  }
0x1b6: {  	[tilespmem:s22+$0x50D0] =	vst v6;
	v6 =	vld [tilespmem:s22+$0x50E0]  }
0x1b7: {  	v7 =	vld [tilespmem:s21+$0x20];
	_ =	sdelay $0x4  }
0x1b8: {  	v6 =	vmax.f32 v6, v7  }
0x1b9: {  	p2 =	sne.s32 s23, $0x1;
	[tilespmem:s22+$0x50E0] =	vst v6;
	v6 =	vld [tilespmem:s22+$0x50F0]  }
.Ltmp19:
0x1ba: {  	v7 =	vld [tilespmem:s21+$0x30];
	(pc) =	sbr.rel @!p2 .LBB2_24-.Ltmp19, $3  }
0x1bb: {  	_ =	sdelay $0x1  }
0x1bc: {  	s25 =	sadd.s32 $0xFFFFFFFF, s23;
	p1 =	por $0x1, $0x1;
	s26 =	spop (v2sf)  }
0x1bd: {  	s23 =	smov.u32 s19;
	s24 =	simm.s32 $0x30C0;
	s26 =	sshll.u32 s26, $0x9  }
.LBB2_25:
0x1be: {  	s26 =	sshra.s32 s26, $0x2;
	v6 =	vmax.f32 v6, v7;
	s23 =	sadd.s32 $0x1, s23;
	s24 =	sadd.s32 $0x80, s24  }
0x1bf: {  	p2 =	sne.s32 s25, $0x1;
	s25 =	sadd.s32 $0xFFFFFFFF, s25;
	v7 =	vld [tilespmem:s26+$0x5080];
	[tilespmem:s22+$0x50F0] =	vst v6;
	s22 =	smov.u32 s26  }
0x1c0: {  	v6 =	vld [tilespmem:s24+$0xFFFFFFC0];
	_ =	sdelay $0x3  }
0x1c1: {  	v8 =	vld [tilespmem:s23+$0x0]  }
0x1c2: {  	v6 =	vmax.f32 v7, v6  }
0x1c3: {  	[tilespmem:s22+$0x5080] =	vst v6;
	v6 =	vld [tilespmem:s22+$0x5090]  }
0x1c4: {  	v7 =	vld [tilespmem:s24+$0xFFFFFFD0];
	_ =	sdelay $0x1  }
0x1c5: {  	(v2sf) =	vpush v8, $0x0;
	_ =	sdelay $0x2  }
0x1c6: {  	v6 =	vmax.f32 v6, v7  }
0x1c7: {  	[tilespmem:s22+$0x5090] =	vst v6;
	v6 =	vld [tilespmem:s22+$0x50A0]  }
0x1c8: {  	v7 =	vld [tilespmem:s24+$0xFFFFFFE0];
	_ =	sdelay $0x4  }
0x1c9: {  	v6 =	vmax.f32 v6, v7  }
0x1ca: {  	[tilespmem:s22+$0x50A0] =	vst v6;
	v6 =	vld [tilespmem:s22+$0x50B0]  }
0x1cb: {  	v7 =	vld [tilespmem:s24+$0xFFFFFFF0];
	_ =	sdelay $0x2  }
0x1cc: {  	s26 =	spop (v2sf);
	_ =	sdelay $0x1  }
0x1cd: {  	v6 =	vmax.f32 v6, v7  }
0x1ce: {  	[tilespmem:s22+$0x50B0] =	vst v6;
	v6 =	vld [tilespmem:s22+$0x50C0]  }
0x1cf: {  	v7 =	vld [tilespmem:s24+$0x0];
	_ =	sdelay $0x4  }
0x1d0: {  	v6 =	vmax.f32 v6, v7  }
0x1d1: {  	[tilespmem:s22+$0x50C0] =	vst v6;
	v6 =	vld [tilespmem:s22+$0x50D0]  }
0x1d2: {  	v7 =	vld [tilespmem:s24+$0x10];
	_ =	sdelay $0x4  }
0x1d3: {  	v6 =	vmax.f32 v6, v7  }
0x1d4: {  	[tilespmem:s22+$0x50D0] =	vst v6;
	v6 =	vld [tilespmem:s22+$0x50E0]  }
0x1d5: {  	v7 =	vld [tilespmem:s24+$0x20];
	_ =	sdelay $0x4  }
0x1d6: {  	v6 =	vmax.f32 v6, v7  }
0x1d7: {  	[tilespmem:s22+$0x50E0] =	vst v6;
	v6 =	vld [tilespmem:s22+$0x50F0]  }
.Ltmp20:
0x1d8: {  	v7 =	vld [tilespmem:s24+$0x30];
	(pc) =	sbr.rel @p2 .LBB2_25-.Ltmp20, $2  }
0x1d9: {  	_ =	sdelay $0x2  }
0x1da: {  	s26 =	sshll.u32 s26, $0x9  }
.Ltmp21:
0x1db: {  	_ = 	snop;
	(pc) =	sbr.rel .LBB2_26-.Ltmp21, $1  }
0x1dc: {  	_ =	sdelay $0x3  }
.LBB2_24:
.Ltmp22:
0x1dd: {  	(pc) =	sbr.rel .LBB2_26-.Ltmp22, $2  }
0x1de: {  	_ =	sdelay $0x2  }
0x1df: {  	s23 =	smov.u32 s19;
	s24 =	simm.s32 $0x30C0  }
.LBB2_28:
.Ltmp23:
0x1e0: {  	(pc) =	sbr.rel @p0 .LBB2_30-.Ltmp23, $1  }
0x1e1: {  	_ =	sdelay $0x3  }
0x1e2: {  	s3 =	smul.u32 $0xFA0, s16;
	_ =	sdelay $0x1  }
0x1e3: {  	s3 =	sshrl.u32 s3, $0x3  }
.Ltmp24:
0x1e4: {  	s3 =	sadd.s32 $0x2EE, s3;
	(pc) =	sbr.rel .LBB2_4-.Ltmp24, $4  }
0x1e5: {  	s17 =	sadd.s32 s28, s3  }
0x1e6: {  	[tilespmem:s4], [sflag:$0x1] =	stream.linear.gather [hbm4b:s17+s2], $0x7D0, $0x38;
	[tilespmem:$0x1E080] =	vst v63  }
0x1e7: {  	s16 =	sadd.s32 $0x1, s16;
	s3 =	sadd.s32 s1, s3  }
0x1e8: {  	[tilespmem:s5], [sflag:$0x1] =	stream.linear.gather [hbm4b:s3+s2], $0x7D0, $0x38;
	[tilespmem:$0x1E080] =	vst v63  }
.LBB2_30:
0x1e9: {  	s3 =	simm.s32 $0x0;
	s16 =	rddreg [dreg:$0xe]  }
0x1ea: {  	[hbm4b:s16+s3] =	stream.linear.scatter [tilespmem:s12], [sflag:$0x4], $0x5000, $0x38;
	[tilespmem:$0x1E080] =	vst v63  }
0x1eb: {  	_ =	swait.ge [sflag:s0], $0x5000  }
0x1ec: {  	[sflag:s0] =	ssyncset.done $0x0  }
0x1ed: {  	s3 =	simm.s32 $0x0;
	s16 =	simm.s32 $0x200;
	[sflag:s0] =	ssyncadd.s32 $0xFFFFB000  }
.LBB2_31:
0x1ee: {  	p0 =	sne.s32 s16, $0x13E00;
	[tilespmem:s3+$0x50F0] =	vst v4  }
0x1ef: {  	[tilespmem:s3+$0x5080] =	vst v4  }
0x1f0: {  	[tilespmem:s3+$0x5090] =	vst v4  }
.Ltmp25:
0x1f1: {  	[tilespmem:s3+$0x50A0] =	vst v4;
	(pc) =	sbr.rel @p0 .LBB2_31-.Ltmp25, $4  }
0x1f2: {  	[tilespmem:s3+$0x50B0] =	vst v4  }
0x1f3: {  	[tilespmem:s3+$0x50C0] =	vst v4  }
0x1f4: {  	[tilespmem:s3+$0x50D0] =	vst v4  }
0x1f5: {  	[tilespmem:s3+$0x50E0] =	vst v4;
	s3 =	sshra.s32 s16, $0x2;
	s16 =	sadd.s32 $0x200, s16  }
0x1f6: {  	[tilespmem:s3+$0x50F0] =	vst v4  }
0x1f7: {  	[tilespmem:s3+$0x5080] =	vst v4  }
0x1f8: {  	[tilespmem:s3+$0x5090] =	vst v4  }
0x1f9: {  	[tilespmem:s3+$0x50A0] =	vst v4  }
0x1fa: {  	[tilespmem:s3+$0x50B0] =	vst v4  }
0x1fb: {  	[tilespmem:s3+$0x50C0] =	vst v4  }
0x1fc: {  	[tilespmem:s3+$0x50D0] =	vst v4  }
0x1fd: {  	[tilespmem:s3+$0x50E0] =	vst v4;
	s16 =	simm.s32 $0x0  }
0x1fe: {  	[tilespmem:s16], [sflag:$0x2] =	stream.linear.gather [hbm4b:s28+s16], $0x7D0, $0x38;
	[tilespmem:$0x1E080] =	vst v63  }
0x1ff: {  	s26 =	simm.s32 $0x800  }
0x200: {  	[tilespmem:s26], [sflag:$0x2] =	stream.linear.gather [hbm4b:s1+s16], $0x7D0, $0x38;
	[tilespmem:$0x1E080] =	vst v63  }
0x201: {  	_ = 	snop  }
0x202: {  	[tilespmem:s4], [sflag:$0x1] =	stream.linear.gather [hbm4b:s29+s16], $0x7D0, $0x38;
	[tilespmem:$0x1E080] =	vst v63  }
0x203: {  	_ = 	snop  }
0x204: {  	[tilespmem:s5], [sflag:$0x1] =	stream.linear.gather [hbm4b:s31+s16], $0x7D0, $0x38;
	[tilespmem:$0x1E080] =	vst v63  }
.LBB2_33:
0x205: {  	_ =	swait.ge [sflag:s6], $0x7D0  }
0x206: {  	[sflag:s6] =	ssyncset.done $0x0  }
0x207: {  	[sflag:s6] =	ssyncadd.s32 $0xFFFFF830  }
0x208: {  	_ =	swait.ge [sflag:s6], $0x7D0  }
0x209: {  	[sflag:s6] =	ssyncset.done $0x0  }
0x20a: {  	s3 =	simm.s32 $0x0;
	[sflag:s6] =	ssyncadd.s32 $0xFFFFF830  }
0x20b: {  	v8 =	vimm.s32 $0x0;
	s17 =	simm.s32 $0x40;
	v7 =	vimm.s32 $0x0;
	v6 =	vld [tilespmem:s3+$0x800]  }
.LBB2_34:
0x20c: {  	p0 =	sne.s32 s17, $0x1F00;
	_ =	sdelay $0x3  }
0x20d: {  	vm0 =	vge.s32 v6, v2;
	vm1 =	vlt.s32 v6, v3  }
0x20e: {  	vm0 =	vmand vm0, vm1  }
0x20f: {  	v9 =	vsel vm0, $0x1, v5;
	v10 =	vmpcnt.ones.xlane vm0  }
0x210: {  	(xrf0) =	vadd.scan.msk.s32 $0xffff, v9  }
0x211: {  	v8 =	vadd.s32 v8, v10;
	_ =	sdelay $0x4  }
0x212: {  	v9, _, _ =	vpop (xrf0)  }
0x213: {  	v9 =	vadd.s32 v9, v7;
	v7 =	vmov v8  }
0x214: {  	v9 =	vadd.s32 $0xFFFFFFFF, v9  }
0x215: {  	v10 =	vld [tilespmem:s3+$0x0];
	_ =	sdelay $0x1  }
.Ltmp26:
0x216: {  	(pc) =	sbr.rel @p0 .LBB2_34-.Ltmp26, $4  }
0x217: {  	v6 =	vsub.s32 v6, v2  }
0x218: {  	[tilespmem:v9+s7+$0x0] =	vst.idx.msk vm0, v6  }
0x219: {  	s3 =	sshra.s32 s17, $0x2;
	[tilespmem:v9+s8+$0x0] =	vst.idx.msk vm0, v10  }
0x21a: {  	s17 =	sadd.s32 $0x40, s17;
	v6 =	vld [tilespmem:s3+$0x800]  }
0x21b: {  	_ =	sdelay $0x3  }
0x21c: {  	vm0 =	vge.s32 v6, v2;
	vm1 =	vlt.s32 v6, v3  }
0x21d: {  	vm0 =	vmand vm0, vm1  }
0x21e: {  	v9 =	vmpcnt.ones.xlane vm0;
	_ =	sdelay $0x1  }
0x21f: {  	v8 =	vadd.s32 v8, v9  }
0x220: {  	(v2sf) =	vpush v8, $0x0;
	_ =	sdelay $0x8  }
0x221: {  	v62 =	vsel vm0, $0x1, v5  }
0x222: {  	(xrf0) =	vadd.scan.msk.s32 $0xffff, v62;
	_ =	sdelay $0x4  }
0x223: {  	s17 =	spop (v2sf)  }
0x224: {  	v8, _, _ =	vpop (xrf0);
	s25 =	sadd.s32 $0x3F, s17  }
0x225: {  	v7 =	vadd.s32 v8, v7;
	s18 =	sand.u32 $0x3F, s25  }
0x226: {  	v7 =	vadd.s32 $0xFFFFFFFF, v7;
	s26 =	sshra.s32 s25, $0x1F;
	p1 =	slt.s32 s25, $0x1;
	p0 =	sne.s32 s18, $0x0  }
0x227: {  	v63 =	vld [tilespmem:s3+$0x0];
	s18 =	sshrl.u32 s26, $0x1A;
	p0 =	por !p1, !p0  }
0x228: {  	s3 =	sadd.s32 s18, s25;
	s18 =	simm.s32 $0x1;
	p0 =	por !p0, !p0  }
0x229: {  	s3 =	sshra.s32 s3, $0x6;
	s18 =	simm.s32 @!p0 $0x0  }
0x22a: {  	v6 =	vsub.s32 v6, v2;
	s18 =	ssub.s32 s3, s18  }
0x22b: {  	[tilespmem:v7+s7+$0x0] =	vst.idx.msk vm0, v6;
	p0 =	slt.s32 s18, $0x1  }
.Ltmp27:
0x22c: {  	[tilespmem:v7+s8+$0x0] =	vst.idx.msk vm0, v63;
	(pc) =	sbr.rel @p0 .LBB2_45-.Ltmp27, $4  }
0x22d: {  	[tilespmem:s17+$0x2000] =	vst v5  }
0x22e: {  	[tilespmem:s17+$0x2010] =	vst v5  }
0x22f: {  	[tilespmem:s17+$0x2020] =	vst v5  }
0x230: {  	[tilespmem:s17+$0x2030] =	vst v5  }
.Ltmp28:
0x231: {  	(pc) =	sbr.rel .LBB2_37-.Ltmp28, $2  }
0x232: {  	_ =	sdelay $0x2  }
0x233: {  	s3 =	simm.s32 $0x0;
	s19 =	simm.s32 $0x2881;
	s20 =	smov.u32 s17  }
.LBB2_39:
0x234: {  	s23 =	smov.u32 s19;
	s24 =	simm.s32 $0x30C0  }
.LBB2_43:
0x235: {  	s25 =	sshra.s32 s26, $0x2;
	v6 =	vmax.f32 @p0 v6, v7;
	s24 =	sadd.s32 @p0 $0x80, s24  }
0x236: {  	v7 =	vld [tilespmem:s25+$0x5080];
	[tilespmem:s22+$0x50F0] =	vst @p0 v6;
	s21 =	smov.u32 @p0 s24  }
0x237: {  	v6 =	vld [tilespmem:s21+$0xFFFFFFC0];
	_ =	sdelay $0x2  }
0x238: {  	s22 =	sadd.s32 @p0 $0x1, s23;
	s23 =	smov.u32 s19  }
0x239: {  	s23 =	smov.u32 @p0 s22  }
0x23a: {  	v8 =	vld [tilespmem:s23+$0x0];
	v6 =	vmax.f32 v7, v6  }
0x23b: {  	[tilespmem:s25+$0x5080] =	vst v6;
	v6 =	vld [tilespmem:s25+$0x5090]  }
0x23c: {  	v7 =	vld [tilespmem:s21+$0xFFFFFFD0];
	_ =	sdelay $0x4  }
0x23d: {  	v6 =	vmax.f32 v6, v7  }
0x23e: {  	[tilespmem:s25+$0x5090] =	vst v6;
	v6 =	vld [tilespmem:s25+$0x50A0]  }
0x23f: {  	v7 =	vld [tilespmem:s21+$0xFFFFFFE0];
	_ =	sdelay $0x4  }
0x240: {  	v6 =	vmax.f32 v6, v7  }
0x241: {  	[tilespmem:s25+$0x50A0] =	vst v6;
	v6 =	vld [tilespmem:s25+$0x50B0]  }
0x242: {  	v7 =	vld [tilespmem:s21+$0xFFFFFFF0];
	_ =	sdelay $0x4  }
0x243: {  	v6 =	vmax.f32 v6, v7  }
0x244: {  	[tilespmem:s25+$0x50B0] =	vst v6;
	v6 =	vld [tilespmem:s25+$0x50C0]  }
0x245: {  	v7 =	vld [tilespmem:s21+$0x0];
	_ =	sdelay $0x4  }
0x246: {  	v6 =	vmax.f32 v6, v7  }
0x247: {  	[tilespmem:s25+$0x50C0] =	vst v6;
	v6 =	vld [tilespmem:s25+$0x50D0]  }
0x248: {  	v7 =	vld [tilespmem:s21+$0x10];
	_ =	sdelay $0x4  }
0x249: {  	(v2sf) =	vpush v8, $0x0;
	v6 =	vmax.f32 v6, v7  }
0x24a: {  	[tilespmem:s25+$0x50D0] =	vst v6;
	v6 =	vld [tilespmem:s25+$0x50E0]  }
0x24b: {  	v7 =	vld [tilespmem:s21+$0x20];
	_ =	sdelay $0x4  }
0x24c: {  	v6 =	vmax.f32 v6, v7  }
0x24d: {  	[tilespmem:s25+$0x50E0] =	vst v6;
	v6 =	vld [tilespmem:s25+$0x50F0]  }
0x24e: {  	v7 =	vld [tilespmem:s21+$0x30];
	_ =	sdelay $0x4  }
0x24f: {  	v6 =	vmax.f32 v6, v7  }
0x250: {  	s26 =	spop (v2sf);
	[tilespmem:s25+$0x50F0] =	vst v6  }
.LBB2_44:
0x251: {  	s3 =	sadd.s32 $0x1, s3  }
0x252: {  	p0 =	sne.s32 s3, s18  }
.Ltmp29:
0x253: {  	_ = 	snop;
	(pc) =	sbr.rel @!p0 .LBB2_45-.Ltmp29, $2  }
0x254: {  	_ =	sdelay $0x2  }
0x255: {  	s20 =	sadd.s32 $0xFFFFFFC0, s20;
	s19 =	sadd.s32 $0x40, s19  }
.LBB2_37:
0x256: {  	s21 =	sshll.u32 s3, $0x6  }
0x257: {  	s26 =	ssub.s32 s17, s21  }
0x258: {  	p0 =	slt.s32 s26, $0x1  }
.Ltmp30:
0x259: {  	s22 =	sadd.s32 $0x2000, s21;
	(pc) =	sbr.rel @p0 .LBB2_44-.Ltmp30, $4  }
0x25a: {  	[tilespmem:s13], [sflag:$0x3] =	stream.indirect.gather [spmem:s15], $0x80, s22, s10, $0xb8;
	[tilespmem:$0x1E080] =	vst v63  }
0x25b: {  	_ =	swait.ge [sflag:s11], $0x2000  }
0x25c: {  	[sflag:s11] =	ssyncset.done $0x0  }
0x25d: {  	[sflag:s11] =	ssyncadd.s32 $0xFFFFE000  }
0x25e: {  	v6 =	vld [tilespmem:s21+$0x2880];
	_ =	sdelay $0x4  }
0x25f: {  	(v2sf) =	vpush v6, $0x0;
	_ =	sdelay $0x7  }
0x260: {  	p0 =	sgt.s32 s20, $0x1;
	s21 =	smov.u32 s20  }
0x261: {  	s21 =	simm.s32 @!p0 $0x1  }
0x262: {  	s22 =	smin.u32 s21, $0x40  }
0x263: {  	p1 =	sne.s32 s22, $0x1  }
.Ltmp31:
0x264: {  	_ = 	snop;
	(pc) =	sbr.rel @!p1 .LBB2_39-.Ltmp31, $3  }
0x265: {  	_ =	sdelay $0x1  }
0x266: {  	p0 =	por $0x0, $0x0;
	s24 =	spop (v2sf)  }
0x267: {  	s21 =	simm.s32 $0x30C0;
	s23 =	sadd.s32 $0xFFFFFFFF, s22;
	s26 =	sshll.u32 s24, $0x9  }
0x268: {  	s22 =	sshra.s32 s26, $0x2;
	v7 =	vld [tilespmem:s21+$0xFFFFFFC0]  }
0x269: {  	v6 =	vld [tilespmem:s22+$0x5080];
	_ =	sdelay $0x4  }
0x26a: {  	v8 =	vld [tilespmem:s19+$0x0];
	v6 =	vmax.f32 v6, v7  }
0x26b: {  	[tilespmem:s22+$0x5080] =	vst v6;
	v6 =	vld [tilespmem:s22+$0x5090]  }
0x26c: {  	v7 =	vld [tilespmem:s21+$0xFFFFFFD0];
	_ =	sdelay $0x4  }
0x26d: {  	v6 =	vmax.f32 v6, v7  }
0x26e: {  	[tilespmem:s22+$0x5090] =	vst v6;
	v6 =	vld [tilespmem:s22+$0x50A0]  }
0x26f: {  	v7 =	vld [tilespmem:s21+$0xFFFFFFE0];
	_ =	sdelay $0x4  }
0x270: {  	v6 =	vmax.f32 v6, v7  }
0x271: {  	[tilespmem:s22+$0x50A0] =	vst v6;
	v6 =	vld [tilespmem:s22+$0x50B0]  }
0x272: {  	v7 =	vld [tilespmem:s21+$0xFFFFFFF0];
	_ =	sdelay $0x4  }
0x273: {  	v6 =	vmax.f32 v6, v7  }
0x274: {  	[tilespmem:s22+$0x50B0] =	vst v6;
	v6 =	vld [tilespmem:s22+$0x50C0]  }
0x275: {  	v7 =	vld [tilespmem:s21+$0x0];
	_ =	sdelay $0x4  }
0x276: {  	v6 =	vmax.f32 v6, v7  }
0x277: {  	[tilespmem:s22+$0x50C0] =	vst v6;
	v6 =	vld [tilespmem:s22+$0x50D0]  }
0x278: {  	v7 =	vld [tilespmem:s21+$0x10];
	_ =	sdelay $0x1  }
0x279: {  	(v2sf) =	vpush v8, $0x0;
	_ =	sdelay $0x2  }
0x27a: {  	v6 =	vmax.f32 v6, v7  }
0x27b: {  	[tilespmem:s22+$0x50D0] =	vst v6;
	v6 =	vld [tilespmem:s22+$0x50E0]  }
0x27c: {  	v7 =	vld [tilespmem:s21+$0x20];
	_ =	sdelay $0x4  }
0x27d: {  	v6 =	vmax.f32 v6, v7  }
0x27e: {  	p1 =	sne.s32 s23, $0x1;
	[tilespmem:s22+$0x50E0] =	vst v6;
	v6 =	vld [tilespmem:s22+$0x50F0]  }
.Ltmp32:
0x27f: {  	v7 =	vld [tilespmem:s21+$0x30];
	(pc) =	sbr.rel @!p1 .LBB2_41-.Ltmp32, $3  }
0x280: {  	_ =	sdelay $0x1  }
0x281: {  	s25 =	sadd.s32 $0xFFFFFFFF, s23;
	p0 =	por $0x1, $0x1;
	s26 =	spop (v2sf)  }
0x282: {  	s23 =	smov.u32 s19;
	s24 =	simm.s32 $0x30C0;
	s26 =	sshll.u32 s26, $0x9  }
.LBB2_42:
0x283: {  	s26 =	sshra.s32 s26, $0x2;
	v6 =	vmax.f32 v6, v7;
	s23 =	sadd.s32 $0x1, s23;
	s24 =	sadd.s32 $0x80, s24  }
0x284: {  	p1 =	sne.s32 s25, $0x1;
	s25 =	sadd.s32 $0xFFFFFFFF, s25;
	v7 =	vld [tilespmem:s26+$0x5080];
	[tilespmem:s22+$0x50F0] =	vst v6;
	s22 =	smov.u32 s26  }
0x285: {  	v6 =	vld [tilespmem:s24+$0xFFFFFFC0];
	_ =	sdelay $0x3  }
0x286: {  	v8 =	vld [tilespmem:s23+$0x0]  }
0x287: {  	v6 =	vmax.f32 v7, v6  }
0x288: {  	[tilespmem:s22+$0x5080] =	vst v6;
	v6 =	vld [tilespmem:s22+$0x5090]  }
0x289: {  	v7 =	vld [tilespmem:s24+$0xFFFFFFD0];
	_ =	sdelay $0x1  }
0x28a: {  	(v2sf) =	vpush v8, $0x0;
	_ =	sdelay $0x2  }
0x28b: {  	v6 =	vmax.f32 v6, v7  }
0x28c: {  	[tilespmem:s22+$0x5090] =	vst v6;
	v6 =	vld [tilespmem:s22+$0x50A0]  }
0x28d: {  	v7 =	vld [tilespmem:s24+$0xFFFFFFE0];
	_ =	sdelay $0x4  }
0x28e: {  	v6 =	vmax.f32 v6, v7  }
0x28f: {  	[tilespmem:s22+$0x50A0] =	vst v6;
	v6 =	vld [tilespmem:s22+$0x50B0]  }
0x290: {  	v7 =	vld [tilespmem:s24+$0xFFFFFFF0];
	_ =	sdelay $0x2  }
0x291: {  	s26 =	spop (v2sf);
	_ =	sdelay $0x1  }
0x292: {  	v6 =	vmax.f32 v6, v7  }
0x293: {  	[tilespmem:s22+$0x50B0] =	vst v6;
	v6 =	vld [tilespmem:s22+$0x50C0]  }
0x294: {  	v7 =	vld [tilespmem:s24+$0x0];
	_ =	sdelay $0x4  }
0x295: {  	v6 =	vmax.f32 v6, v7  }
0x296: {  	[tilespmem:s22+$0x50C0] =	vst v6;
	v6 =	vld [tilespmem:s22+$0x50D0]  }
0x297: {  	v7 =	vld [tilespmem:s24+$0x10];
	_ =	sdelay $0x4  }
0x298: {  	v6 =	vmax.f32 v6, v7  }
0x299: {  	[tilespmem:s22+$0x50D0] =	vst v6;
	v6 =	vld [tilespmem:s22+$0x50E0]  }
0x29a: {  	v7 =	vld [tilespmem:s24+$0x20];
	_ =	sdelay $0x4  }
0x29b: {  	v6 =	vmax.f32 v6, v7  }
0x29c: {  	[tilespmem:s22+$0x50E0] =	vst v6;
	v6 =	vld [tilespmem:s22+$0x50F0]  }
.Ltmp33:
0x29d: {  	v7 =	vld [tilespmem:s24+$0x30];
	(pc) =	sbr.rel @p1 .LBB2_42-.Ltmp33, $2  }
0x29e: {  	_ =	sdelay $0x2  }
0x29f: {  	s26 =	sshll.u32 s26, $0x9  }
.Ltmp34:
0x2a0: {  	_ = 	snop;
	(pc) =	sbr.rel .LBB2_43-.Ltmp34, $1  }
0x2a1: {  	_ =	sdelay $0x3  }
.LBB2_41:
.Ltmp35:
0x2a2: {  	(pc) =	sbr.rel .LBB2_43-.Ltmp35, $2  }
0x2a3: {  	_ =	sdelay $0x2  }
0x2a4: {  	s23 =	smov.u32 s19;
	s24 =	simm.s32 $0x30C0  }
.LBB2_45:
0x2a5: {  	p0 =	seq.s32 s16, $0x4F  }
0x2a6: {  	s3 =	smul.u32 @!p0 $0xFA0, s16;
	_ =	sdelay $0x1  }
0x2a7: {  	s3 =	sshrl.u32 @!p0 s3, $0x3  }
0x2a8: {  	s3 =	sadd.s32 @!p0 $0x1F4, s3  }
0x2a9: {  	s18 =	simm.s32 @!p0 $0x0;
	s17 =	sadd.s32 @!p0 s28, s3  }
0x2aa: {  	[tilespmem:s18], [sflag:$0x2] =	stream.linear.gather @!p0 [hbm4b:s17+s18], $0x7D0, $0x38;
	[tilespmem:$0x1E080] =	vst v63  }
0x2ab: {  	s3 =	sadd.s32 @!p0 s1, s3;
	s17 =	simm.s32 @!p0 $0x800  }
0x2ac: {  	[tilespmem:s17], [sflag:$0x2] =	stream.linear.gather @!p0 [hbm4b:s3+s18], $0x7D0, $0x38;
	[tilespmem:$0x1E080] =	vst v63  }
0x2ad: {  	_ =	swait.ge [sflag:s9], $0x7D0  }
0x2ae: {  	[sflag:s9] =	ssyncset.done $0x0  }
0x2af: {  	[sflag:s9] =	ssyncadd.s32 $0xFFFFF830  }
0x2b0: {  	_ =	swait.ge [sflag:s9], $0x7D0  }
0x2b1: {  	[sflag:s9] =	ssyncset.done $0x0  }
0x2b2: {  	s3 =	simm.s32 $0x0;
	[sflag:s9] =	ssyncadd.s32 $0xFFFFF830  }
0x2b3: {  	v8 =	vimm.s32 $0x0;
	v7 =	vimm.s32 $0x0;
	s17 =	simm.s32 $0x40;
	v6 =	vld [tilespmem:s3+$0x1800]  }
.LBB2_46:
0x2b4: {  	p1 =	sne.s32 s17, $0x1F00;
	_ =	sdelay $0x3  }
0x2b5: {  	vm0 =	vge.s32 v6, v2;
	vm1 =	vlt.s32 v6, v3  }
0x2b6: {  	vm0 =	vmand vm0, vm1  }
0x2b7: {  	v9 =	vsel vm0, $0x1, v5;
	v10 =	vmpcnt.ones.xlane vm0  }
0x2b8: {  	(xrf0) =	vadd.scan.msk.s32 $0xffff, v9  }
0x2b9: {  	v8 =	vadd.s32 v8, v10;
	_ =	sdelay $0x4  }
0x2ba: {  	v9, _, _ =	vpop (xrf0)  }
0x2bb: {  	v9 =	vadd.s32 v9, v7;
	v7 =	vmov v8  }
0x2bc: {  	v9 =	vadd.s32 $0xFFFFFFFF, v9  }
0x2bd: {  	v10 =	vld [tilespmem:s3+$0x1000];
	_ =	sdelay $0x1  }
.Ltmp36:
0x2be: {  	(pc) =	sbr.rel @p1 .LBB2_46-.Ltmp36, $4  }
0x2bf: {  	v6 =	vsub.s32 v6, v2  }
0x2c0: {  	[tilespmem:v9+s7+$0x0] =	vst.idx.msk vm0, v6  }
0x2c1: {  	s3 =	sshra.s32 s17, $0x2;
	[tilespmem:v9+s8+$0x0] =	vst.idx.msk vm0, v10  }
0x2c2: {  	s17 =	sadd.s32 $0x40, s17;
	v6 =	vld [tilespmem:s3+$0x1800]  }
0x2c3: {  	_ =	sdelay $0x3  }
0x2c4: {  	vm0 =	vge.s32 v6, v2;
	vm1 =	vlt.s32 v6, v3  }
0x2c5: {  	vm0 =	vmand vm0, vm1  }
0x2c6: {  	v9 =	vmpcnt.ones.xlane vm0;
	_ =	sdelay $0x1  }
0x2c7: {  	v8 =	vadd.s32 v8, v9  }
0x2c8: {  	(v2sf) =	vpush v8, $0x0;
	_ =	sdelay $0x8  }
0x2c9: {  	v62 =	vsel vm0, $0x1, v5  }
0x2ca: {  	(xrf0) =	vadd.scan.msk.s32 $0xffff, v62;
	_ =	sdelay $0x4  }
0x2cb: {  	s17 =	spop (v2sf)  }
0x2cc: {  	v8, _, _ =	vpop (xrf0);
	s25 =	sadd.s32 $0x3F, s17  }
0x2cd: {  	v7 =	vadd.s32 v8, v7;
	s18 =	sand.u32 $0x3F, s25  }
0x2ce: {  	v7 =	vadd.s32 $0xFFFFFFFF, v7;
	s26 =	sshra.s32 s25, $0x1F;
	p2 =	slt.s32 s25, $0x1;
	p1 =	sne.s32 s18, $0x0  }
0x2cf: {  	v63 =	vld [tilespmem:s3+$0x1000];
	s18 =	sshrl.u32 s26, $0x1A;
	p1 =	por !p2, !p1  }
0x2d0: {  	s3 =	sadd.s32 s18, s25;
	s18 =	simm.s32 $0x1;
	p1 =	por !p1, !p1  }
0x2d1: {  	s3 =	sshra.s32 s3, $0x6;
	s18 =	simm.s32 @!p1 $0x0  }
0x2d2: {  	v6 =	vsub.s32 v6, v2;
	s18 =	ssub.s32 s3, s18  }
0x2d3: {  	[tilespmem:v7+s7+$0x0] =	vst.idx.msk vm0, v6;
	p1 =	slt.s32 s18, $0x1  }
.Ltmp37:
0x2d4: {  	[tilespmem:v7+s8+$0x0] =	vst.idx.msk vm0, v63;
	(pc) =	sbr.rel @p1 .LBB2_57-.Ltmp37, $4  }
0x2d5: {  	[tilespmem:s17+$0x2000] =	vst v5  }
0x2d6: {  	[tilespmem:s17+$0x2010] =	vst v5  }
0x2d7: {  	[tilespmem:s17+$0x2020] =	vst v5  }
0x2d8: {  	[tilespmem:s17+$0x2030] =	vst v5  }
.Ltmp38:
0x2d9: {  	(pc) =	sbr.rel .LBB2_49-.Ltmp38, $2  }
0x2da: {  	_ =	sdelay $0x2  }
0x2db: {  	s3 =	simm.s32 $0x0;
	s19 =	simm.s32 $0x2881;
	s20 =	smov.u32 s17  }
.LBB2_51:
0x2dc: {  	s23 =	smov.u32 s19;
	s24 =	simm.s32 $0x30C0  }
.LBB2_55:
0x2dd: {  	s25 =	sshra.s32 s26, $0x2;
	v6 =	vmax.f32 @p1 v6, v7;
	s24 =	sadd.s32 @p1 $0x80, s24  }
0x2de: {  	v7 =	vld [tilespmem:s25+$0x5080];
	[tilespmem:s22+$0x50F0] =	vst @p1 v6;
	s21 =	smov.u32 @p1 s24  }
0x2df: {  	v6 =	vld [tilespmem:s21+$0xFFFFFFC0];
	_ =	sdelay $0x2  }
0x2e0: {  	s22 =	sadd.s32 @p1 $0x1, s23;
	s23 =	smov.u32 s19  }
0x2e1: {  	s23 =	smov.u32 @p1 s22  }
0x2e2: {  	v8 =	vld [tilespmem:s23+$0x0];
	v6 =	vmax.f32 v7, v6  }
0x2e3: {  	[tilespmem:s25+$0x5080] =	vst v6;
	v6 =	vld [tilespmem:s25+$0x5090]  }
0x2e4: {  	v7 =	vld [tilespmem:s21+$0xFFFFFFD0];
	_ =	sdelay $0x4  }
0x2e5: {  	v6 =	vmax.f32 v6, v7  }
0x2e6: {  	[tilespmem:s25+$0x5090] =	vst v6;
	v6 =	vld [tilespmem:s25+$0x50A0]  }
0x2e7: {  	v7 =	vld [tilespmem:s21+$0xFFFFFFE0];
	_ =	sdelay $0x4  }
0x2e8: {  	v6 =	vmax.f32 v6, v7  }
0x2e9: {  	[tilespmem:s25+$0x50A0] =	vst v6;
	v6 =	vld [tilespmem:s25+$0x50B0]  }
0x2ea: {  	v7 =	vld [tilespmem:s21+$0xFFFFFFF0];
	_ =	sdelay $0x4  }
0x2eb: {  	v6 =	vmax.f32 v6, v7  }
0x2ec: {  	[tilespmem:s25+$0x50B0] =	vst v6;
	v6 =	vld [tilespmem:s25+$0x50C0]  }
0x2ed: {  	v7 =	vld [tilespmem:s21+$0x0];
	_ =	sdelay $0x4  }
0x2ee: {  	v6 =	vmax.f32 v6, v7  }
0x2ef: {  	[tilespmem:s25+$0x50C0] =	vst v6;
	v6 =	vld [tilespmem:s25+$0x50D0]  }
0x2f0: {  	v7 =	vld [tilespmem:s21+$0x10];
	_ =	sdelay $0x4  }
0x2f1: {  	(v2sf) =	vpush v8, $0x0;
	v6 =	vmax.f32 v6, v7  }
0x2f2: {  	[tilespmem:s25+$0x50D0] =	vst v6;
	v6 =	vld [tilespmem:s25+$0x50E0]  }
0x2f3: {  	v7 =	vld [tilespmem:s21+$0x20];
	_ =	sdelay $0x4  }
0x2f4: {  	v6 =	vmax.f32 v6, v7  }
0x2f5: {  	[tilespmem:s25+$0x50E0] =	vst v6;
	v6 =	vld [tilespmem:s25+$0x50F0]  }
0x2f6: {  	v7 =	vld [tilespmem:s21+$0x30];
	_ =	sdelay $0x4  }
0x2f7: {  	v6 =	vmax.f32 v6, v7  }
0x2f8: {  	s26 =	spop (v2sf);
	[tilespmem:s25+$0x50F0] =	vst v6  }
.LBB2_56:
0x2f9: {  	s3 =	sadd.s32 $0x1, s3  }
0x2fa: {  	p1 =	sne.s32 s3, s18  }
.Ltmp39:
0x2fb: {  	_ = 	snop;
	(pc) =	sbr.rel @!p1 .LBB2_57-.Ltmp39, $2  }
0x2fc: {  	_ =	sdelay $0x2  }
0x2fd: {  	s20 =	sadd.s32 $0xFFFFFFC0, s20;
	s19 =	sadd.s32 $0x40, s19  }
.LBB2_49:
0x2fe: {  	s21 =	sshll.u32 s3, $0x6  }
0x2ff: {  	s26 =	ssub.s32 s17, s21  }
0x300: {  	p1 =	slt.s32 s26, $0x1  }
.Ltmp40:
0x301: {  	s22 =	sadd.s32 $0x2000, s21;
	(pc) =	sbr.rel @p1 .LBB2_56-.Ltmp40, $4  }
0x302: {  	[tilespmem:s13], [sflag:$0x3] =	stream.indirect.gather [spmem:s15], $0x80, s22, s10, $0xb8;
	[tilespmem:$0x1E080] =	vst v63  }
0x303: {  	_ =	swait.ge [sflag:s11], $0x2000  }
0x304: {  	[sflag:s11] =	ssyncset.done $0x0  }
0x305: {  	[sflag:s11] =	ssyncadd.s32 $0xFFFFE000  }
0x306: {  	v6 =	vld [tilespmem:s21+$0x2880];
	_ =	sdelay $0x4  }
0x307: {  	(v2sf) =	vpush v6, $0x0;
	_ =	sdelay $0x7  }
0x308: {  	p1 =	sgt.s32 s20, $0x1;
	s21 =	smov.u32 s20  }
0x309: {  	s21 =	simm.s32 @!p1 $0x1  }
0x30a: {  	s22 =	smin.u32 s21, $0x40  }
0x30b: {  	p2 =	sne.s32 s22, $0x1  }
.Ltmp41:
0x30c: {  	_ = 	snop;
	(pc) =	sbr.rel @!p2 .LBB2_51-.Ltmp41, $3  }
0x30d: {  	_ =	sdelay $0x1  }
0x30e: {  	p1 =	por $0x0, $0x0;
	s24 =	spop (v2sf)  }
0x30f: {  	s21 =	simm.s32 $0x30C0;
	s23 =	sadd.s32 $0xFFFFFFFF, s22;
	s26 =	sshll.u32 s24, $0x9  }
0x310: {  	s22 =	sshra.s32 s26, $0x2;
	v7 =	vld [tilespmem:s21+$0xFFFFFFC0]  }
0x311: {  	v6 =	vld [tilespmem:s22+$0x5080];
	_ =	sdelay $0x4  }
0x312: {  	v8 =	vld [tilespmem:s19+$0x0];
	v6 =	vmax.f32 v6, v7  }
0x313: {  	[tilespmem:s22+$0x5080] =	vst v6;
	v6 =	vld [tilespmem:s22+$0x5090]  }
0x314: {  	v7 =	vld [tilespmem:s21+$0xFFFFFFD0];
	_ =	sdelay $0x4  }
0x315: {  	v6 =	vmax.f32 v6, v7  }
0x316: {  	[tilespmem:s22+$0x5090] =	vst v6;
	v6 =	vld [tilespmem:s22+$0x50A0]  }
0x317: {  	v7 =	vld [tilespmem:s21+$0xFFFFFFE0];
	_ =	sdelay $0x4  }
0x318: {  	v6 =	vmax.f32 v6, v7  }
0x319: {  	[tilespmem:s22+$0x50A0] =	vst v6;
	v6 =	vld [tilespmem:s22+$0x50B0]  }
0x31a: {  	v7 =	vld [tilespmem:s21+$0xFFFFFFF0];
	_ =	sdelay $0x4  }
0x31b: {  	v6 =	vmax.f32 v6, v7  }
0x31c: {  	[tilespmem:s22+$0x50B0] =	vst v6;
	v6 =	vld [tilespmem:s22+$0x50C0]  }
0x31d: {  	v7 =	vld [tilespmem:s21+$0x0];
	_ =	sdelay $0x4  }
0x31e: {  	v6 =	vmax.f32 v6, v7  }
0x31f: {  	[tilespmem:s22+$0x50C0] =	vst v6;
	v6 =	vld [tilespmem:s22+$0x50D0]  }
0x320: {  	v7 =	vld [tilespmem:s21+$0x10];
	_ =	sdelay $0x1  }
0x321: {  	(v2sf) =	vpush v8, $0x0;
	_ =	sdelay $0x2  }
0x322: {  	v6 =	vmax.f32 v6, v7  }
0x323: {  	[tilespmem:s22+$0x50D0] =	vst v6;
	v6 =	vld [tilespmem:s22+$0x50E0]  }
0x324: {  	v7 =	vld [tilespmem:s21+$0x20];
	_ =	sdelay $0x4  }
0x325: {  	v6 =	vmax.f32 v6, v7  }
0x326: {  	p2 =	sne.s32 s23, $0x1;
	[tilespmem:s22+$0x50E0] =	vst v6;
	v6 =	vld [tilespmem:s22+$0x50F0]  }
.Ltmp42:
0x327: {  	v7 =	vld [tilespmem:s21+$0x30];
	(pc) =	sbr.rel @!p2 .LBB2_53-.Ltmp42, $3  }
0x328: {  	_ =	sdelay $0x1  }
0x329: {  	s25 =	sadd.s32 $0xFFFFFFFF, s23;
	p1 =	por $0x1, $0x1;
	s26 =	spop (v2sf)  }
0x32a: {  	s23 =	smov.u32 s19;
	s24 =	simm.s32 $0x30C0;
	s26 =	sshll.u32 s26, $0x9  }
.LBB2_54:
0x32b: {  	s26 =	sshra.s32 s26, $0x2;
	v6 =	vmax.f32 v6, v7;
	s23 =	sadd.s32 $0x1, s23;
	s24 =	sadd.s32 $0x80, s24  }
0x32c: {  	p2 =	sne.s32 s25, $0x1;
	s25 =	sadd.s32 $0xFFFFFFFF, s25;
	v7 =	vld [tilespmem:s26+$0x5080];
	[tilespmem:s22+$0x50F0] =	vst v6;
	s22 =	smov.u32 s26  }
0x32d: {  	v6 =	vld [tilespmem:s24+$0xFFFFFFC0];
	_ =	sdelay $0x3  }
0x32e: {  	v8 =	vld [tilespmem:s23+$0x0]  }
0x32f: {  	v6 =	vmax.f32 v7, v6  }
0x330: {  	[tilespmem:s22+$0x5080] =	vst v6;
	v6 =	vld [tilespmem:s22+$0x5090]  }
0x331: {  	v7 =	vld [tilespmem:s24+$0xFFFFFFD0];
	_ =	sdelay $0x1  }
0x332: {  	(v2sf) =	vpush v8, $0x0;
	_ =	sdelay $0x2  }
0x333: {  	v6 =	vmax.f32 v6, v7  }
0x334: {  	[tilespmem:s22+$0x5090] =	vst v6;
	v6 =	vld [tilespmem:s22+$0x50A0]  }
0x335: {  	v7 =	vld [tilespmem:s24+$0xFFFFFFE0];
	_ =	sdelay $0x4  }
0x336: {  	v6 =	vmax.f32 v6, v7  }
0x337: {  	[tilespmem:s22+$0x50A0] =	vst v6;
	v6 =	vld [tilespmem:s22+$0x50B0]  }
0x338: {  	v7 =	vld [tilespmem:s24+$0xFFFFFFF0];
	_ =	sdelay $0x2  }
0x339: {  	s26 =	spop (v2sf);
	_ =	sdelay $0x1  }
0x33a: {  	v6 =	vmax.f32 v6, v7  }
0x33b: {  	[tilespmem:s22+$0x50B0] =	vst v6;
	v6 =	vld [tilespmem:s22+$0x50C0]  }
0x33c: {  	v7 =	vld [tilespmem:s24+$0x0];
	_ =	sdelay $0x4  }
0x33d: {  	v6 =	vmax.f32 v6, v7  }
0x33e: {  	[tilespmem:s22+$0x50C0] =	vst v6;
	v6 =	vld [tilespmem:s22+$0x50D0]  }
0x33f: {  	v7 =	vld [tilespmem:s24+$0x10];
	_ =	sdelay $0x4  }
0x340: {  	v6 =	vmax.f32 v6, v7  }
0x341: {  	[tilespmem:s22+$0x50D0] =	vst v6;
	v6 =	vld [tilespmem:s22+$0x50E0]  }
0x342: {  	v7 =	vld [tilespmem:s24+$0x20];
	_ =	sdelay $0x4  }
0x343: {  	v6 =	vmax.f32 v6, v7  }
0x344: {  	[tilespmem:s22+$0x50E0] =	vst v6;
	v6 =	vld [tilespmem:s22+$0x50F0]  }
.Ltmp43:
0x345: {  	v7 =	vld [tilespmem:s24+$0x30];
	(pc) =	sbr.rel @p2 .LBB2_54-.Ltmp43, $2  }
0x346: {  	_ =	sdelay $0x2  }
0x347: {  	s26 =	sshll.u32 s26, $0x9  }
.Ltmp44:
0x348: {  	_ = 	snop;
	(pc) =	sbr.rel .LBB2_55-.Ltmp44, $1  }
0x349: {  	_ =	sdelay $0x3  }
.LBB2_53:
.Ltmp45:
0x34a: {  	(pc) =	sbr.rel .LBB2_55-.Ltmp45, $2  }
0x34b: {  	_ =	sdelay $0x2  }
0x34c: {  	s23 =	smov.u32 s19;
	s24 =	simm.s32 $0x30C0  }
.LBB2_57:
.Ltmp46:
0x34d: {  	(pc) =	sbr.rel @p0 .LBB2_59-.Ltmp46, $1  }
0x34e: {  	_ =	sdelay $0x3  }
0x34f: {  	s3 =	smul.u32 $0xFA0, s16;
	_ =	sdelay $0x1  }
0x350: {  	s3 =	sshrl.u32 s3, $0x3  }
.Ltmp47:
0x351: {  	s3 =	sadd.s32 $0x2EE, s3;
	(pc) =	sbr.rel .LBB2_33-.Ltmp47, $4  }
0x352: {  	s17 =	sadd.s32 s28, s3  }
0x353: {  	[tilespmem:s4], [sflag:$0x1] =	stream.linear.gather [hbm4b:s17+s2], $0x7D0, $0x38;
	[tilespmem:$0x1E080] =	vst v63  }
0x354: {  	s16 =	sadd.s32 $0x1, s16;
	s3 =	sadd.s32 s1, s3  }
0x355: {  	[tilespmem:s5], [sflag:$0x1] =	stream.linear.gather [hbm4b:s3+s2], $0x7D0, $0x38;
	[tilespmem:$0x1E080] =	vst v63  }
.LBB2_60:
0x356: {  	_ =	sfence.sel $0x180000  }
0x357: {  	[bflag:$0x0] =	sbarrier.arrive $0xFFFF  }
0x358: {  	_ =	strace $0x90000047  }
0x359: {  	s0 =	stileid.u32;
	[bflag:$0x2] =	sbarrier.arrive $0xFFFF  }
0x35a: {  	p0 =	sne.s32 s0, $0x0;
	s0 =	rddreg [dreg:$0x3]  }
0x35b: {  	s0 =	sadd.s32 @!p0 $0x100000, s0  }
0x35c: {  	[sflag:s0] =	ssyncadd.tile.s32 @!p0 $0x1;
	_ =	shalt  }
.Lfunc_end2:
_tile_overlayer_lowered:
.L_overlay_start_2:
0x35d: {  	(tag) =	ssettag $0x2  }
0x35e: {  	s0 =	rddreg [dreg:$0x0];
	s2 =	stileid.u32  }
0x35f: {  	s1 =	rddreg [dreg:$0x1];
	p0 =	sne.s32 s2, $0x0  }
0x360: {  	s3 =	rddreg [dreg:$0x2];
	[bflag:$0x3] =	sbarrier.arrive $0xFFFF;
	s2 =	simm.s32 @!p0 $0x1C04  }
0x361: {  	[timem:s3], [sflag:s2] =	dma.local @!p0 [hbm:s0], s1  }
0x362: {  	s0 =	simm.s32 @!p0 $0x4  }
0x363: {  	_ =	swait.ge @!p0 [sflag:s0], s1  }
0x364: {  	s1 =	ssub.s32 @!p0 $0x0, s1;
	[sflag:s0] =	ssyncset.done @!p0 $0x0  }
0x365: {  	[sflag:s0] =	ssyncadd.s32 @!p0 s1  }
0x366: {  	[bflag:$0x3] =	sbarrier.arrive $0xFFFF  }
0x367: {  	_ =	shalt  }

</sc_bundles>
